<compile_context>
chip_gen: v7x
topology: tpu7x:2x2x1
jax: 0.10.2.dev20260603
libtpu: 0.0.44.dev20260713+nightly
codegen_flags: <defaults>
</compile_context>

<pallas_src>
import jax
import jax.numpy as jnp
from jax import lax
from jax.experimental import pallas as pl
from jax.experimental.pallas import tpu as pltpu
from jax.experimental.pallas import tpu_sc as plsc

NC = 2
NS = 16
NW = NC * NS

BATCH = 1024
SEQ = 200
DIM = 64
TOTAL = BATCH * SEQ
ROWS_W = BATCH // NW
LANE = 16
NBUF = 3
NQ = SEQ // LANE
NTAIL = SEQ - NQ * LANE


def _row_fetches(w_hbm, idx, sbuf, sem):
    def fire(q, c):
        iv = idx[pl.ds(q * LANE, LANE)]
        for k in range(LANE):
            pltpu.async_copy(w_hbm.at[iv[k]], sbuf.at[q * LANE + k], sem)
        return c

    lax.fori_loop(0, NQ, fire, 0)
    iv = idx[pl.ds(NQ * LANE, LANE)]
    for k in range(NTAIL):
        pltpu.async_copy(w_hbm.at[iv[k]], sbuf.at[NQ * LANE + k], sem)


def _body(xf_hbm, w_hbm, pef_hbm, out_hbm, pe_v, idxs, sbufs, gsems, ssems):
    wid = lax.axis_index("s") * NC + lax.axis_index("c")
    row0 = wid * ROWS_W

    pltpu.sync_copy(pef_hbm, pe_v)

    def load_idx(item, g):
        pltpu.sync_copy(xf_hbm.at[pl.ds((row0 + item) * SEQ, SEQ)],
                        idxs[g].at[pl.ds(0, SEQ)])

    load_idx(0, 0)
    _row_fetches(w_hbm, idxs[0], sbufs[0], gsems[0])

    def outer(it, carry):
        for b in range(NBUF):
            item = it * NBUF + b
            gn = (b + 1) % NBUF
            fire_next = item + 1 <= ROWS_W - 1

            @pl.when(fire_next)
            def _():
                load_idx(item + 1, gn)
                @pl.when(item + 1 >= NBUF)
                def _():
                    pltpu.make_async_copy(sbufs[gn], out_hbm.at[0],
                                          ssems[gn]).wait()

            @pl.when(item <= ROWS_W - 1)
            def _():
                sbuf = sbufs[b]
                sn = sbufs[gn]
                idn = idxs[gn]

                pltpu.make_async_copy(w_hbm.at[pl.ds(0, SEQ)], sbuf,
                                      gsems[b]).wait()

                def addq(q, c):
                    @pl.when(fire_next)
                    def _():
                        iv = idn[pl.ds(q * 8, LANE)]
                        for k in range(8):
                            pltpu.async_copy(w_hbm.at[iv[k]],
                                             sn.at[q * 8 + k], gsems[gn])
                    for k in range(8):
                        n = q * 8 + k
                        for m in range(DIM // LANE):
                            sl = pl.ds(m * LANE, LANE)
                            sbuf[n, sl] = (sbuf[n, sl]
                                           + pe_v[pl.ds(n * DIM + m * LANE,
                                                        LANE)])
                    return c

                lax.fori_loop(0, SEQ // 8, addq, 0)
                pltpu.async_copy(sbuf, out_hbm.at[row0 + item], ssems[b])

        return carry

    lax.fori_loop(0, (ROWS_W + NBUF - 1) // NBUF, outer, 0)

    for b in range(NBUF):
        pltpu.make_async_copy(sbufs[b], out_hbm.at[0], ssems[b]).wait()


@jax.jit
def _embed(xf, w, pef):
    mesh = plsc.VectorSubcoreMesh(core_axis_name="c", subcore_axis_name="s")
    f = pl.kernel(
        _body,
        out_type=jax.ShapeDtypeStruct((BATCH, SEQ, DIM), jnp.float32),
        mesh=mesh,
        scratch_types=dict(
            pe_v=pltpu.VMEM((SEQ * DIM,), jnp.float32),
            idxs=[pltpu.VMEM((208,), jnp.int32)] * NBUF,
            sbufs=[pltpu.VMEM((SEQ, DIM), jnp.float32)] * NBUF,
            gsems=[pltpu.SemaphoreType.DMA] * NBUF,
            ssems=[pltpu.SemaphoreType.DMA] * NBUF,
        ),
        compiler_params=pltpu.CompilerParams(
            use_tc_tiling_on_sc=True,
            disable_bounds_checks=True,
        ),
    )
    return f(xf, w, pef)


def kernel(x, W, pe):
    xf = x.astype(jnp.int32).reshape(TOTAL)
    pef = pe.reshape(SEQ * DIM)
    return _embed(xf, W, pef)

# --- scband reference (transcript-rebuilt; emitter-appended) ---
"""Pipeline reference for scband-position-embedding-65481071410968 (READ-ONLY COPY).

The authoritative reference and input builder live on the scoring server;
editing this copy changes nothing except your own understanding.
"""

import jax, jax.numpy as jnp
import numpy as np

MAX_LEN = 200
MODEL_DIM = 64
N_VOCAB = 1000000
BATCH = 1024

def _make_pe():
    pos = np.arange(MAX_LEN)[:, None]
    pe = pos / np.power(10000, 2.0 * np.arange(MODEL_DIM)[None, :] / MODEL_DIM)
    pe[:, 0::2] = np.sin(pe[:, 0::2])
    pe[:, 1::2] = np.cos(pe[:, 1::2])
    pe = pe[None, :, :]
    return jnp.asarray(pe, dtype=jnp.float32)

def setup_inputs(seed: int = 0) -> dict:
    key = jax.random.key(seed)
    k_idx, k_w = jax.random.split(key)
    x = jax.random.randint(k_idx, (BATCH, MAX_LEN), 0, N_VOCAB, dtype=jnp.int64 if jax.config.jax_enable_x64 else jnp.int32)
    W = jax.random.normal(k_w, (N_VOCAB, MODEL_DIM), dtype=jnp.float32) * 0.01
    pe = _make_pe()
    return {"x": x, "W": W, "pe": pe}

def reference(x, W, pe):
    # embedding lookup (gather) + fixed sinusoidal position encoding
    x_embedding = jnp.take(W, x, axis=0) + pe
    return x_embedding

if __name__ == "__main__":
    import jax
    _d = setup_inputs()
    print(jax.jit(kernel)(*tuple(_d.values())))

</pallas_src>

<mosaic_0001>
#map = affine_map<(d0, d1) -> (0)>
#map1 = affine_map<(d0, d1) -> (0, 0)>
#map2 = affine_map<(d0, d1) -> (0, 0, 0)>
module attributes {stable_mosaic.version = 14 : i64} {
  func.func @_body(%arg0: i32, %arg1: i32, %arg2: memref<204800xi32, #tpu.memory_space<hbm>>, %arg3: memref<1000000x64xf32, #tpu.memory_space<hbm>>, %arg4: memref<12800xf32, #tpu.memory_space<hbm>>, %arg5: memref<1024x200x64xf32, #tpu.memory_space<hbm>>, %arg6: memref<!tpu.dma_semaphore, #tpu.memory_space<semaphore_mem>>, %arg7: memref<!tpu.dma_semaphore, #tpu.memory_space<semaphore_mem>>, %arg8: memref<!tpu.dma_semaphore, #tpu.memory_space<semaphore_mem>>, %arg9: memref<208xi32, #tpu.memory_space<vmem>>, %arg10: memref<208xi32, #tpu.memory_space<vmem>>, %arg11: memref<208xi32, #tpu.memory_space<vmem>>, %arg12: memref<12800xf32, #tpu.memory_space<vmem>>, %arg13: memref<200x64xf32, #tpu.memory_space<vmem>>, %arg14: memref<200x64xf32, #tpu.memory_space<vmem>>, %arg15: memref<200x64xf32, #tpu.memory_space<vmem>>, %arg16: memref<!tpu.dma_semaphore, #tpu.memory_space<semaphore_mem>>, %arg17: memref<!tpu.dma_semaphore, #tpu.memory_space<semaphore_mem>>, %arg18: memref<!tpu.dma_semaphore, #tpu.memory_space<semaphore_mem>>) attributes {dimension_semantics = [#tpu.dimension_semantics<core_parallel>, #tpu.dimension_semantics<subcore_parallel>], iteration_bounds = array<i64: 2, 16>, scalar_prefetch = 0 : i64, scratch_operands = 13 : i64, tpu.core_type = #tpu.core_type<sc_vector_subcore>, window_params = [{transform_indices = #map}, {transform_indices = #map1}, {transform_indices = #map}, {transform_indices = #map2}]} {
    %mul3A = arith.constant 2 : i32
    %mul3A_0 = arith.muli %arg1, %mul3A : i32
    %add3A = arith.addi %mul3A_0, %arg0 : i32
    %mul3A_1 = arith.constant 32 : i32
    %mul3A_2 = arith.muli %add3A, %mul3A_1 : i32
    "tpu.region"() ({
      %run_scoped3A = tpu.sem_alloc : memref<!tpu.dma_semaphore, #tpu.memory_space<semaphore_mem>>
      tpu.enqueue_dma source(%arg4 : memref<12800xf32, #tpu.memory_space<hbm>>) target(%arg12 : memref<12800xf32, #tpu.memory_space<vmem>>) target_semaphore(%run_scoped3A : memref<!tpu.dma_semaphore, #tpu.memory_space<semaphore_mem>>)
      tpu.wait_dma2 semaphore(%run_scoped3A : memref<!tpu.dma_semaphore, #tpu.memory_space<semaphore_mem>>) src(%arg4 : memref<12800xf32, #tpu.memory_space<hbm>>) dst(%arg12 : memref<12800xf32, #tpu.memory_space<vmem>>)
      tpu.yield
    }) : () -> ()
    %add3A_3 = arith.constant 0 : i32
    %add3A_4 = arith.addi %mul3A_2, %add3A_3 : i32
    %mul3A_5 = arith.constant 200 : i32
    %mul3A_6 = arith.muli %add3A_4, %mul3A_5 : i32
    "tpu.region"() ({
      %run_scoped3A = tpu.sem_alloc : memref<!tpu.dma_semaphore, #tpu.memory_space<semaphore_mem>>
      %dma_start3A_163 = arith.constant 0 : i32
      %dma_start3A_164 = tpu.memref_slice %arg9[%dma_start3A_163] : memref<208xi32, #tpu.memory_space<vmem>> -> memref<200xi32, #tpu.memory_space<vmem>>
      %dma_start3A_165 = tpu.memref_slice %arg2[%mul3A_6] : memref<204800xi32, #tpu.memory_space<hbm>> -> memref<200xi32, #tpu.memory_space<hbm>>
      %dma_start3A_166 = arith.constant 0 : i32
      %dma_start3A_167 = tpu.memref_slice %arg9[%dma_start3A_166] : memref<208xi32, #tpu.memory_space<vmem>> -> memref<200xi32, #tpu.memory_space<vmem>>
      %dma_start3A_168 = tpu.memref_slice %arg2[%mul3A_6] : memref<204800xi32, #tpu.memory_space<hbm>> -> memref<200xi32, #tpu.memory_space<hbm>>
      tpu.enqueue_dma source(%dma_start3A_168 : memref<200xi32, #tpu.memory_space<hbm>>) target(%dma_start3A_167 : memref<200xi32, #tpu.memory_space<vmem>>) target_semaphore(%run_scoped3A : memref<!tpu.dma_semaphore, #tpu.memory_space<semaphore_mem>>)
      %dma_wait3A_169 = arith.constant 0 : i32
      %dma_wait3A_170 = tpu.memref_slice %arg9[%dma_wait3A_169] : memref<208xi32, #tpu.memory_space<vmem>> -> memref<200xi32, #tpu.memory_space<vmem>>
      %dma_wait3A_171 = tpu.memref_slice %arg2[%mul3A_6] : memref<204800xi32, #tpu.memory_space<hbm>> -> memref<200xi32, #tpu.memory_space<hbm>>
      %dma_wait3A_172 = arith.constant 0 : i32
      %dma_wait3A_173 = tpu.memref_slice %arg9[%dma_wait3A_172] : memref<208xi32, #tpu.memory_space<vmem>> -> memref<200xi32, #tpu.memory_space<vmem>>
      %dma_wait3A_174 = tpu.memref_slice %arg2[%mul3A_6] : memref<204800xi32, #tpu.memory_space<hbm>> -> memref<200xi32, #tpu.memory_space<hbm>>
      tpu.wait_dma2 semaphore(%run_scoped3A : memref<!tpu.dma_semaphore, #tpu.memory_space<semaphore_mem>>) src(%dma_wait3A_174 : memref<200xi32, #tpu.memory_space<hbm>>) dst(%dma_wait3A_173 : memref<200xi32, #tpu.memory_space<vmem>>)
      tpu.yield
    }) : () -> ()
    %scan3A = arith.constant 0 : i32
    %scan3A_7 = arith.constant 0 : i32
    %scan3A_8 = arith.constant 12 : i32
    %scan3A_9 = arith.addi %scan3A_7, %scan3A_8 : i32
    %scan3A_10 = arith.constant 1 : i32
    scf.for %scan3A_163 = %scan3A_7 to %scan3A_9 step %scan3A_10  : i32 {
      %mul3A_164 = arith.constant 16 : i32
      %mul3A_165 = arith.muli %scan3A_163, %mul3A_164 : i32
      %get3A_166 = arith.index_cast %mul3A_165 : i32 to index
      %get3A_167 = tpu.vector_load %arg9[%get3A_166] {strides = array<i32>} : memref<208xi32, #tpu.memory_space<vmem>>, vector<16xi32>,
      %get3A_168 = vector.shape_cast %get3A_167 : vector<16xi32> to vector<16xi32>
      %slice3A_169 = vector.extract_strided_slice %get3A_168 {offsets = [0], sizes = [1], strides = [1]} : vector<16xi32> to vector<1xi32>
      %squeeze3A_170 = vector.extract %slice3A_169[0] : i32 from vector<1xi32>
      %mul3A_171 = arith.constant 16 : i32
      %mul3A_172 = arith.muli %scan3A_163, %mul3A_171 : i32
      %add3A_173 = arith.constant 0 : i32
      %add3A_174 = arith.addi %mul3A_172, %add3A_173 : i32
      %dma_start3A_175 = arith.constant 0 : i32
      %dma_start3A_176 = tpu.memref_slice %arg13[%add3A_174, %dma_start3A_175] : memref<200x64xf32, #tpu.memory_space<vmem>> -> memref<1x64xf32, #tpu.memory_space<vmem>>
      %dma_start3A_177 = tpu.memref_squeeze %dma_start3A_176 : memref<1x64xf32, #tpu.memory_space<vmem>> -> memref<64xf32, #tpu.memory_space<vmem>>
      %dma_start3A_178 = arith.constant 0 : i32
      %dma_start3A_179 = tpu.memref_slice %arg3[%squeeze3A_170, %dma_start3A_178] : memref<1000000x64xf32, #tpu.memory_space<hbm>> -> memref<1x64xf32, #tpu.memory_space<hbm>>
      %dma_start3A_180 = tpu.memref_squeeze %dma_start3A_179 : memref<1x64xf32, #tpu.memory_space<hbm>> -> memref<64xf32, #tpu.memory_space<hbm>>
      %dma_start3A_181 = arith.constant 0 : i32
      %dma_start3A_182 = tpu.memref_slice %arg13[%add3A_174, %dma_start3A_181] : memref<200x64xf32, #tpu.memory_space<vmem>> -> memref<1x64xf32, #tpu.memory_space<vmem>>
      %dma_start3A_183 = tpu.memref_squeeze %dma_start3A_182 : memref<1x64xf32, #tpu.memory_space<vmem>> -> memref<64xf32, #tpu.memory_space<vmem>>
      %dma_start3A_184 = arith.constant 0 : i32
      %dma_start3A_185 = tpu.memref_slice %arg3[%squeeze3A_170, %dma_start3A_184] : memref<1000000x64xf32, #tpu.memory_space<hbm>> -> memref<1x64xf32, #tpu.memory_space<hbm>>
      %dma_start3A_186 = tpu.memref_squeeze %dma_start3A_185 : memref<1x64xf32, #tpu.memory_space<hbm>> -> memref<64xf32, #tpu.memory_space<hbm>>
      tpu.enqueue_dma source(%dma_start3A_186 : memref<64xf32, #tpu.memory_space<hbm>>) target(%dma_start3A_183 : memref<64xf32, #tpu.memory_space<vmem>>) target_semaphore(%arg6 : memref<!tpu.dma_semaphore, #tpu.memory_space<semaphore_mem>>)
      %slice3A_187 = vector.extract_strided_slice %get3A_168 {offsets = [1], sizes = [1], strides = [1]} : vector<16xi32> to vector<1xi32>
      %squeeze3A_188 = vector.extract %slice3A_187[0] : i32 from vector<1xi32>
      %mul3A_189 = arith.constant 16 : i32
      %mul3A_190 = arith.muli %scan3A_163, %mul3A_189 : i32
      %add3A_191 = arith.constant 1 : i32
      %add3A_192 = arith.addi %mul3A_190, %add3A_191 : i32
      %dma_start3A_193 = arith.constant 0 : i32
      %dma_start3A_194 = tpu.memref_slice %arg13[%add3A_192, %dma_start3A_193] : memref<200x64xf32, #tpu.memory_space<vmem>> -> memref<1x64xf32, #tpu.memory_space<vmem>>
      %dma_start3A_195 = tpu.memref_squeeze %dma_start3A_194 : memref<1x64xf32, #tpu.memory_space<vmem>> -> memref<64xf32, #tpu.memory_space<vmem>>
      %dma_start3A_196 = arith.constant 0 : i32
      %dma_start3A_197 = tpu.memref_slice %arg3[%squeeze3A_188, %dma_start3A_196] : memref<1000000x64xf32, #tpu.memory_space<hbm>> -> memref<1x64xf32, #tpu.memory_space<hbm>>
      %dma_start3A_198 = tpu.memref_squeeze %dma_start3A_197 : memref<1x64xf32, #tpu.memory_space<hbm>> -> memref<64xf32, #tpu.memory_space<hbm>>
      %dma_start3A_199 = arith.constant 0 : i32
      %dma_start3A_200 = tpu.memref_slice %arg13[%add3A_192, %dma_start3A_199] : memref<200x64xf32, #tpu.memory_space<vmem>> -> memref<1x64xf32, #tpu.memory_space<vmem>>
      %dma_start3A_201 = tpu.memref_squeeze %dma_start3A_200 : memref<1x64xf32, #tpu.memory_space<vmem>> -> memref<64xf32, #tpu.memory_space<vmem>>
      %dma_start3A_202 = arith.constant 0 : i32
      %dma_start3A_203 = tpu.memref_slice %arg3[%squeeze3A_188, %dma_start3A_202] : memref<1000000x64xf32, #tpu.memory_space<hbm>> -> memref<1x64xf32, #tpu.memory_space<hbm>>
      %dma_start3A_204 = tpu.memref_squeeze %dma_start3A_203 : memref<1x64xf32, #tpu.memory_space<hbm>> -> memref<64xf32, #tpu.memory_space<hbm>>
      tpu.enqueue_dma source(%dma_start3A_204 : memref<64xf32, #tpu.memory_space<hbm>>) target(%dma_start3A_201 : memref<64xf32, #tpu.memory_space<vmem>>) target_semaphore(%arg6 : memref<!tpu.dma_semaphore, #tpu.memory_space<semaphore_mem>>)
      %slice3A_205 = vector.extract_strided_slice %get3A_168 {offsets = [2], sizes = [1], strides = [1]} : vector<16xi32> to vector<1xi32>
      %squeeze3A_206 = vector.extract %slice3A_205[0] : i32 from vector<1xi32>
      %mul3A_207 = arith.constant 16 : i32
      %mul3A_208 = arith.muli %scan3A_163, %mul3A_207 : i32
      %add3A_209 = arith.constant 2 : i32
      %add3A_210 = arith.addi %mul3A_208, %add3A_209 : i32
      %dma_start3A_211 = arith.constant 0 : i32
      %dma_start3A_212 = tpu.memref_slice %arg13[%add3A_210, %dma_start3A_211] : memref<200x64xf32, #tpu.memory_space<vmem>> -> memref<1x64xf32, #tpu.memory_space<vmem>>
      %dma_start3A_213 = tpu.memref_squeeze %dma_start3A_212 : memref<1x64xf32, #tpu.memory_space<vmem>> -> memref<64xf32, #tpu.memory_space<vmem>>
      %dma_start3A_214 = arith.constant 0 : i32
      %dma_start3A_215 = tpu.memref_slice %arg3[%squeeze3A_206, %dma_start3A_214] : memref<1000000x64xf32, #tpu.memory_space<hbm>> -> memref<1x64xf32, #tpu.memory_space<hbm>>
      %dma_start3A_216 = tpu.memref_squeeze %dma_start3A_215 : memref<1x64xf32, #tpu.memory_space<hbm>> -> memref<64xf32, #tpu.memory_space<hbm>>
      %dma_start3A_217 = arith.constant 0 : i32
      %dma_start3A_218 = tpu.memref_slice %arg13[%add3A_210, %dma_start3A_217] : memref<200x64xf32, #tpu.memory_space<vmem>> -> memref<1x64xf32, #tpu.memory_space<vmem>>
      %dma_start3A_219 = tpu.memref_squeeze %dma_start3A_218 : memref<1x64xf32, #tpu.memory_space<vmem>> -> memref<64xf32, #tpu.memory_space<vmem>>
      %dma_start3A_220 = arith.constant 0 : i32
      %dma_start3A_221 = tpu.memref_slice %arg3[%squeeze3A_206, %dma_start3A_220] : memref<1000000x64xf32, #tpu.memory_space<hbm>> -> memref<1x64xf32, #tpu.memory_space<hbm>>
      %dma_start3A_222 = tpu.memref_squeeze %dma_start3A_221 : memref<1x64xf32, #tpu.memory_space<hbm>> -> memref<64xf32, #tpu.memory_space<hbm>>
      tpu.enqueue_dma source(%dma_start3A_222 : memref<64xf32, #tpu.memory_space<hbm>>) target(%dma_start3A_219 : memref<64xf32, #tpu.memory_space<vmem>>) target_semaphore(%arg6 : memref<!tpu.dma_semaphore, #tpu.memory_space<semaphore_mem>>)
      %slice3A_223 = vector.extract_strided_slice %get3A_168 {offsets = [3], sizes = [1], strides = [1]} : vector<16xi32> to vector<1xi32>
      %squeeze3A_224 = vector.extract %slice3A_223[0] : i32 from vector<1xi32>
      %mul3A_225 = arith.constant 16 : i32
      %mul3A_226 = arith.muli %scan3A_163, %mul3A_225 : i32
      %add3A_227 = arith.constant 3 : i32
      %add3A_228 = arith.addi %mul3A_226, %add3A_227 : i32
      %dma_start3A_229 = arith.constant 0 : i32
      %dma_start3A_230 = tpu.memref_slice %arg13[%add3A_228, %dma_start3A_229] : memref<200x64xf32, #tpu.memory_space<vmem>> -> memref<1x64xf32, #tpu.memory_space<vmem>>
      %dma_start3A_231 = tpu.memref_squeeze %dma_start3A_230 : memref<1x64xf32, #tpu.memory_space<vmem>> -> memref<64xf32, #tpu.memory_space<vmem>>
      %dma_start3A_232 = arith.constant 0 : i32
      %dma_start3A_233 = tpu.memref_slice %arg3[%squeeze3A_224, %dma_start3A_232] : memref<1000000x64xf32, #tpu.memory_space<hbm>> -> memref<1x64xf32, #tpu.memory_space<hbm>>
      %dma_start3A_234 = tpu.memref_squeeze %dma_start3A_233 : memref<1x64xf32, #tpu.memory_space<hbm>> -> memref<64xf32, #tpu.memory_space<hbm>>
      %dma_start3A_235 = arith.constant 0 : i32
      %dma_start3A_236 = tpu.memref_slice %arg13[%add3A_228, %dma_start3A_235] : memref<200x64xf32, #tpu.memory_space<vmem>> -> memref<1x64xf32, #tpu.memory_space<vmem>>
      %dma_start3A_237 = tpu.memref_squeeze %dma_start3A_236 : memref<1x64xf32, #tpu.memory_space<vmem>> -> memref<64xf32, #tpu.memory_space<vmem>>
      %dma_start3A_238 = arith.constant 0 : i32
      %dma_start3A_239 = tpu.memref_slice %arg3[%squeeze3A_224, %dma_start3A_238] : memref<1000000x64xf32, #tpu.memory_space<hbm>> -> memref<1x64xf32, #tpu.memory_space<hbm>>
      %dma_start3A_240 = tpu.memref_squeeze %dma_start3A_239 : memref<1x64xf32, #tpu.memory_space<hbm>> -> memref<64xf32, #tpu.memory_space<hbm>>
      tpu.enqueue_dma source(%dma_start3A_240 : memref<64xf32, #tpu.memory_space<hbm>>) target(%dma_start3A_237 : memref<64xf32, #tpu.memory_space<vmem>>) target_semaphore(%arg6 : memref<!tpu.dma_semaphore, #tpu.memory_space<semaphore_mem>>)
      %slice3A_241 = vector.extract_strided_slice %get3A_168 {offsets = [4], sizes = [1], strides = [1]} : vector<16xi32> to vector<1xi32>
      %squeeze3A_242 = vector.extract %slice3A_241[0] : i32 from vector<1xi32>
      %mul3A_243 = arith.constant 16 : i32
      %mul3A_244 = arith.muli %scan3A_163, %mul3A_243 : i32
      %add3A_245 = arith.constant 4 : i32
      %add3A_246 = arith.addi %mul3A_244, %add3A_245 : i32
      %dma_start3A_247 = arith.constant 0 : i32
      %dma_start3A_248 = tpu.memref_slice %arg13[%add3A_246, %dma_start3A_247] : memref<200x64xf32, #tpu.memory_space<vmem>> -> memref<1x64xf32, #tpu.memory_space<vmem>>
      %dma_start3A_249 = tpu.memref_squeeze %dma_start3A_248 : memref<1x64xf32, #tpu.memory_space<vmem>> -> memref<64xf32, #tpu.memory_space<vmem>>
      %dma_start3A_250 = arith.constant 0 : i32
      %dma_start3A_251 = tpu.memref_slice %arg3[%squeeze3A_242, %dma_start3A_250] : memref<1000000x64xf32, #tpu.memory_space<hbm>> -> memref<1x64xf32, #tpu.memory_space<hbm>>
      %dma_start3A_252 = tpu.memref_squeeze %dma_start3A_251 : memref<1x64xf32, #tpu.memory_space<hbm>> -> memref<64xf32, #tpu.memory_space<hbm>>
      %dma_start3A_253 = arith.constant 0 : i32
      %dma_start3A_254 = tpu.memref_slice %arg13[%add3A_246, %dma_start3A_253] : memref<200x64xf32, #tpu.memory_space<vmem>> -> memref<1x64xf32, #tpu.memory_space<vmem>>
      %dma_start3A_255 = tpu.memref_squeeze %dma_start3A_254 : memref<1x64xf32, #tpu.memory_space<vmem>> -> memref<64xf32, #tpu.memory_space<vmem>>
      %dma_start3A_256 = arith.constant 0 : i32
      %dma_start3A_257 = tpu.memref_slice %arg3[%squeeze3A_242, %dma_start3A_256] : memref<1000000x64xf32, #tpu.memory_space<hbm>> -> memref<1x64xf32, #tpu.memory_space<hbm>>
      %dma_start3A_258 = tpu.memref_squeeze %dma_start3A_257 : memref<1x64xf32, #tpu.memory_space<hbm>> -> memref<64xf32, #tpu.memory_space<hbm>>
      tpu.enqueue_dma source(%dma_start3A_258 : memref<64xf32, #tpu.memory_space<hbm>>) target(%dma_start3A_255 : memref<64xf32, #tpu.memory_space<vmem>>) target_semaphore(%arg6 : memref<!tpu.dma_semaphore, #tpu.memory_space<semaphore_mem>>)
      %slice3A_259 = vector.extract_strided_slice %get3A_168 {offsets = [5], sizes = [1], strides = [1]} : vector<16xi32> to vector<1xi32>
      %squeeze3A_260 = vector.extract %slice3A_259[0] : i32 from vector<1xi32>
      %mul3A_261 = arith.constant 16 : i32
      %mul3A_262 = arith.muli %scan3A_163, %mul3A_261 : i32
      %add3A_263 = arith.constant 5 : i32
      %add3A_264 = arith.addi %mul3A_262, %add3A_263 : i32
      %dma_start3A_265 = arith.constant 0 : i32
      %dma_start3A_266 = tpu.memref_slice %arg13[%add3A_264, %dma_start3A_265] : memref<200x64xf32, #tpu.memory_space<vmem>> -> memref<1x64xf32, #tpu.memory_space<vmem>>
      %dma_start3A_267 = tpu.memref_squeeze %dma_start3A_266 : memref<1x64xf32, #tpu.memory_space<vmem>> -> memref<64xf32, #tpu.memory_space<vmem>>
      %dma_start3A_268 = arith.constant 0 : i32
      %dma_start3A_269 = tpu.memref_slice %arg3[%squeeze3A_260, %dma_start3A_268] : memref<1000000x64xf32, #tpu.memory_space<hbm>> -> memref<1x64xf32, #tpu.memory_space<hbm>>
      %dma_start3A_270 = tpu.memref_squeeze %dma_start3A_269 : memref<1x64xf32, #tpu.memory_space<hbm>> -> memref<64xf32, #tpu.memory_space<hbm>>
      %dma_start3A_271 = arith.constant 0 : i32
      %dma_start3A_272 = tpu.memref_slice %arg13[%add3A_264, %dma_start3A_271] : memref<200x64xf32, #tpu.memory_space<vmem>> -> memref<1x64xf32, #tpu.memory_space<vmem>>
      %dma_start3A_273 = tpu.memref_squeeze %dma_start3A_272 : memref<1x64xf32, #tpu.memory_space<vmem>> -> memref<64xf32, #tpu.memory_space<vmem>>
      %dma_start3A_274 = arith.constant 0 : i32
      %dma_start3A_275 = tpu.memref_slice %arg3[%squeeze3A_260, %dma_start3A_274] : memref<1000000x64xf32, #tpu.memory_space<hbm>> -> memref<1x64xf32, #tpu.memory_space<hbm>>
      %dma_start3A_276 = tpu.memref_squeeze %dma_start3A_275 : memref<1x64xf32, #tpu.memory_space<hbm>> -> memref<64xf32, #tpu.memory_space<hbm>>
      tpu.enqueue_dma source(%dma_start3A_276 : memref<64xf32, #tpu.memory_space<hbm>>) target(%dma_start3A_273 : memref<64xf32, #tpu.memory_space<vmem>>) target_semaphore(%arg6 : memref<!tpu.dma_semaphore, #tpu.memory_space<semaphore_mem>>)
      %slice3A_277 = vector.extract_strided_slice %get3A_168 {offsets = [6], sizes = [1], strides = [1]} : vector<16xi32> to vector<1xi32>
      %squeeze3A_278 = vector.extract %slice3A_277[0] : i32 from vector<1xi32>
      %mul3A_279 = arith.constant 16 : i32
      %mul3A_280 = arith.muli %scan3A_163, %mul3A_279 : i32
      %add3A_281 = arith.constant 6 : i32
      %add3A_282 = arith.addi %mul3A_280, %add3A_281 : i32
      %dma_start3A_283 = arith.constant 0 : i32
      %dma_start3A_284 = tpu.memref_slice %arg13[%add3A_282, %dma_start3A_283] : memref<200x64xf32, #tpu.memory_space<vmem>> -> memref<1x64xf32, #tpu.memory_space<vmem>>
      %dma_start3A_285 = tpu.memref_squeeze %dma_start3A_284 : memref<1x64xf32, #tpu.memory_space<vmem>> -> memref<64xf32, #tpu.memory_space<vmem>>
      %dma_start3A_286 = arith.constant 0 : i32
      %dma_start3A_287 = tpu.memref_slice %arg3[%squeeze3A_278, %dma_start3A_286] : memref<1000000x64xf32, #tpu.memory_space<hbm>> -> memref<1x64xf32, #tpu.memory_space<hbm>>
      %dma_start3A_288 = tpu.memref_squeeze %dma_start3A_287 : memref<1x64xf32, #tpu.memory_space<hbm>> -> memref<64xf32, #tpu.memory_space<hbm>>
      %dma_start3A_289 = arith.constant 0 : i32
      %dma_start3A_290 = tpu.memref_slice %arg13[%add3A_282, %dma_start3A_289] : memref<200x64xf32, #tpu.memory_space<vmem>> -> memref<1x64xf32, #tpu.memory_space<vmem>>
      %dma_start3A_291 = tpu.memref_squeeze %dma_start3A_290 : memref<1x64xf32, #tpu.memory_space<vmem>> -> memref<64xf32, #tpu.memory_space<vmem>>
      %dma_start3A_292 = arith.constant 0 : i32
      %dma_start3A_293 = tpu.memref_slice %arg3[%squeeze3A_278, %dma_start3A_292] : memref<1000000x64xf32, #tpu.memory_space<hbm>> -> memref<1x64xf32, #tpu.memory_space<hbm>>
      %dma_start3A_294 = tpu.memref_squeeze %dma_start3A_293 : memref<1x64xf32, #tpu.memory_space<hbm>> -> memref<64xf32, #tpu.memory_space<hbm>>
      tpu.enqueue_dma source(%dma_start3A_294 : memref<64xf32, #tpu.memory_space<hbm>>) target(%dma_start3A_291 : memref<64xf32, #tpu.memory_space<vmem>>) target_semaphore(%arg6 : memref<!tpu.dma_semaphore, #tpu.memory_space<semaphore_mem>>)
      %slice3A_295 = vector.extract_strided_slice %get3A_168 {offsets = [7], sizes = [1], strides = [1]} : vector<16xi32> to vector<1xi32>
      %squeeze3A_296 = vector.extract %slice3A_295[0] : i32 from vector<1xi32>
      %mul3A_297 = arith.constant 16 : i32
      %mul3A_298 = arith.muli %scan3A_163, %mul3A_297 : i32
      %add3A_299 = arith.constant 7 : i32
      %add3A_300 = arith.addi %mul3A_298, %add3A_299 : i32
      %dma_start3A_301 = arith.constant 0 : i32
      %dma_start3A_302 = tpu.memref_slice %arg13[%add3A_300, %dma_start3A_301] : memref<200x64xf32, #tpu.memory_space<vmem>> -> memref<1x64xf32, #tpu.memory_space<vmem>>
      %dma_start3A_303 = tpu.memref_squeeze %dma_start3A_302 : memref<1x64xf32, #tpu.memory_space<vmem>> -> memref<64xf32, #tpu.memory_space<vmem>>
      %dma_start3A_304 = arith.constant 0 : i32
      %dma_start3A_305 = tpu.memref_slice %arg3[%squeeze3A_296, %dma_start3A_304] : memref<1000000x64xf32, #tpu.memory_space<hbm>> -> memref<1x64xf32, #tpu.memory_space<hbm>>
      %dma_start3A_306 = tpu.memref_squeeze %dma_start3A_305 : memref<1x64xf32, #tpu.memory_space<hbm>> -> memref<64xf32, #tpu.memory_space<hbm>>
      %dma_start3A_307 = arith.constant 0 : i32
      %dma_start3A_308 = tpu.memref_slice %arg13[%add3A_300, %dma_start3A_307] : memref<200x64xf32, #tpu.memory_space<vmem>> -> memref<1x64xf32, #tpu.memory_space<vmem>>
      %dma_start3A_309 = tpu.memref_squeeze %dma_start3A_308 : memref<1x64xf32, #tpu.memory_space<vmem>> -> memref<64xf32, #tpu.memory_space<vmem>>
      %dma_start3A_310 = arith.constant 0 : i32
      %dma_start3A_311 = tpu.memref_slice %arg3[%squeeze3A_296, %dma_start3A_310] : memref<1000000x64xf32, #tpu.memory_space<hbm>> -> memref<1x64xf32, #tpu.memory_space<hbm>>
      %dma_start3A_312 = tpu.memref_squeeze %dma_start3A_311 : memref<1x64xf32, #tpu.memory_space<hbm>> -> memref<64xf32, #tpu.memory_space<hbm>>
      tpu.enqueue_dma source(%dma_start3A_312 : memref<64xf32, #tpu.memory_space<hbm>>) target(%dma_start3A_309 : memref<64xf32, #tpu.memory_space<vmem>>) target_semaphore(%arg6 : memref<!tpu.dma_semaphore, #tpu.memory_space<semaphore_mem>>)
      %slice3A_313 = vector.extract_strided_slice %get3A_168 {offsets = [8], sizes = [1], strides = [1]} : vector<16xi32> to vector<1xi32>
      %squeeze3A_314 = vector.extract %slice3A_313[0] : i32 from vector<1xi32>
      %mul3A_315 = arith.constant 16 : i32
      %mul3A_316 = arith.muli %scan3A_163, %mul3A_315 : i32
      %add3A_317 = arith.constant 8 : i32
      %add3A_318 = arith.addi %mul3A_316, %add3A_317 : i32
      %dma_start3A_319 = arith.constant 0 : i32
      %dma_start3A_320 = tpu.memref_slice %arg13[%add3A_318, %dma_start3A_319] : memref<200x64xf32, #tpu.memory_space<vmem>> -> memref<1x64xf32, #tpu.memory_space<vmem>>
      %dma_start3A_321 = tpu.memref_squeeze %dma_start3A_320 : memref<1x64xf32, #tpu.memory_space<vmem>> -> memref<64xf32, #tpu.memory_space<vmem>>
      %dma_start3A_322 = arith.constant 0 : i32
      %dma_start3A_323 = tpu.memref_slice %arg3[%squeeze3A_314, %dma_start3A_322] : memref<1000000x64xf32, #tpu.memory_space<hbm>> -> memref<1x64xf32, #tpu.memory_space<hbm>>
      %dma_start3A_324 = tpu.memref_squeeze %dma_start3A_323 : memref<1x64xf32, #tpu.memory_space<hbm>> -> memref<64xf32, #tpu.memory_space<hbm>>
      %dma_start3A_325 = arith.constant 0 : i32
      %dma_start3A_326 = tpu.memref_slice %arg13[%add3A_318, %dma_start3A_325] : memref<200x64xf32, #tpu.memory_space<vmem>> -> memref<1x64xf32, #tpu.memory_space<vmem>>
      %dma_start3A_327 = tpu.memref_squeeze %dma_start3A_326 : memref<1x64xf32, #tpu.memory_space<vmem>> -> memref<64xf32, #tpu.memory_space<vmem>>
      %dma_start3A_328 = arith.constant 0 : i32
      %dma_start3A_329 = tpu.memref_slice %arg3[%squeeze3A_314, %dma_start3A_328] : memref<1000000x64xf32, #tpu.memory_space<hbm>> -> memref<1x64xf32, #tpu.memory_space<hbm>>
      %dma_start3A_330 = tpu.memref_squeeze %dma_start3A_329 : memref<1x64xf32, #tpu.memory_space<hbm>> -> memref<64xf32, #tpu.memory_space<hbm>>
      tpu.enqueue_dma source(%dma_start3A_330 : memref<64xf32, #tpu.memory_space<hbm>>) target(%dma_start3A_327 : memref<64xf32, #tpu.memory_space<vmem>>) target_semaphore(%arg6 : memref<!tpu.dma_semaphore, #tpu.memory_space<semaphore_mem>>)
      %slice3A_331 = vector.extract_strided_slice %get3A_168 {offsets = [9], sizes = [1], strides = [1]} : vector<16xi32> to vector<1xi32>
      %squeeze3A_332 = vector.extract %slice3A_331[0] : i32 from vector<1xi32>
      %mul3A_333 = arith.constant 16 : i32
      %mul3A_334 = arith.muli %scan3A_163, %mul3A_333 : i32
      %add3A_335 = arith.constant 9 : i32
      %add3A_336 = arith.addi %mul3A_334, %add3A_335 : i32
      %dma_start3A_337 = arith.constant 0 : i32
      %dma_start3A_338 = tpu.memref_slice %arg13[%add3A_336, %dma_start3A_337] : memref<200x64xf32, #tpu.memory_space<vmem>> -> memref<1x64xf32, #tpu.memory_space<vmem>>
      %dma_start3A_339 = tpu.memref_squeeze %dma_start3A_338 : memref<1x64xf32, #tpu.memory_space<vmem>> -> memref<64xf32, #tpu.memory_space<vmem>>
      %dma_start3A_340 = arith.constant 0 : i32
      %dma_start3A_341 = tpu.memref_slice %arg3[%squeeze3A_332, %dma_start3A_340] : memref<1000000x64xf32, #tpu.memory_space<hbm>> -> memref<1x64xf32, #tpu.memory_space<hbm>>
      %dma_start3A_342 = tpu.memref_squeeze %dma_start3A_341 : memref<1x64xf32, #tpu.memory_space<hbm>> -> memref<64xf32, #tpu.memory_space<hbm>>
      %dma_start3A_343 = arith.constant 0 : i32
      %dma_start3A_344 = tpu.memref_slice %arg13[%add3A_336, %dma_start3A_343] : memref<200x64xf32, #tpu.memory_space<vmem>> -> memref<1x64xf32, #tpu.memory_space<vmem>>
      %dma_start3A_345 = tpu.memref_squeeze %dma_start3A_344 : memref<1x64xf32, #tpu.memory_space<vmem>> -> memref<64xf32, #tpu.memory_space<vmem>>
      %dma_start3A_346 = arith.constant 0 : i32
      %dma_start3A_347 = tpu.memref_slice %arg3[%squeeze3A_332, %dma_start3A_346] : memref<1000000x64xf32, #tpu.memory_space<hbm>> -> memref<1x64xf32, #tpu.memory_space<hbm>>
      %dma_start3A_348 = tpu.memref_squeeze %dma_start3A_347 : memref<1x64xf32, #tpu.memory_space<hbm>> -> memref<64xf32, #tpu.memory_space<hbm>>
      tpu.enqueue_dma source(%dma_start3A_348 : memref<64xf32, #tpu.memory_space<hbm>>) target(%dma_start3A_345 : memref<64xf32, #tpu.memory_space<vmem>>) target_semaphore(%arg6 : memref<!tpu.dma_semaphore, #tpu.memory_space<semaphore_mem>>)
      %slice3A_349 = vector.extract_strided_slice %get3A_168 {offsets = [10], sizes = [1], strides = [1]} : vector<16xi32> to vector<1xi32>
      %squeeze3A_350 = vector.extract %slice3A_349[0] : i32 from vector<1xi32>
      %mul3A_351 = arith.constant 16 : i32
      %mul3A_352 = arith.muli %scan3A_163, %mul3A_351 : i32
      %add3A_353 = arith.constant 10 : i32
      %add3A_354 = arith.addi %mul3A_352, %add3A_353 : i32
      %dma_start3A_355 = arith.constant 0 : i32
      %dma_start3A_356 = tpu.memref_slice %arg13[%add3A_354, %dma_start3A_355] : memref<200x64xf32, #tpu.memory_space<vmem>> -> memref<1x64xf32, #tpu.memory_space<vmem>>
      %dma_start3A_357 = tpu.memref_squeeze %dma_start3A_356 : memref<1x64xf32, #tpu.memory_space<vmem>> -> memref<64xf32, #tpu.memory_space<vmem>>
      %dma_start3A_358 = arith.constant 0 : i32
      %dma_start3A_359 = tpu.memref_slice %arg3[%squeeze3A_350, %dma_start3A_358] : memref<1000000x64xf32, #tpu.memory_space<hbm>> -> memref<1x64xf32, #tpu.memory_space<hbm>>
      %dma_start3A_360 = tpu.memref_squeeze %dma_start3A_359 : memref<1x64xf32, #tpu.memory_space<hbm>> -> memref<64xf32, #tpu.memory_space<hbm>>
      %dma_start3A_361 = arith.constant 0 : i32
      %dma_start3A_362 = tpu.memref_slice %arg13[%add3A_354, %dma_start3A_361] : memref<200x64xf32, #tpu.memory_space<vmem>> -> memref<1x64xf32, #tpu.memory_space<vmem>>
      %dma_start3A_363 = tpu.memref_squeeze %dma_start3A_362 : memref<1x64xf32, #tpu.memory_space<vmem>> -> memref<64xf32, #tpu.memory_space<vmem>>
      %dma_start3A_364 = arith.constant 0 : i32
      %dma_start3A_365 = tpu.memref_slice %arg3[%squeeze3A_350, %dma_start3A_364] : memref<1000000x64xf32, #tpu.memory_space<hbm>> -> memref<1x64xf32, #tpu.memory_space<hbm>>
      %dma_start3A_366 = tpu.memref_squeeze %dma_start3A_365 : memref<1x64xf32, #tpu.memory_space<hbm>> -> memref<64xf32, #tpu.memory_space<hbm>>
      tpu.enqueue_dma source(%dma_start3A_366 : memref<64xf32, #tpu.memory_space<hbm>>) target(%dma_start3A_363 : memref<64xf32, #tpu.memory_space<vmem>>) target_semaphore(%arg6 : memref<!tpu.dma_semaphore, #tpu.memory_space<semaphore_mem>>)
      %slice3A_367 = vector.extract_strided_slice %get3A_168 {offsets = [11], sizes = [1], strides = [1]} : vector<16xi32> to vector<1xi32>
      %squeeze3A_368 = vector.extract %slice3A_367[0] : i32 from vector<1xi32>
      %mul3A_369 = arith.constant 16 : i32
      %mul3A_370 = arith.muli %scan3A_163, %mul3A_369 : i32
      %add3A_371 = arith.constant 11 : i32
      %add3A_372 = arith.addi %mul3A_370, %add3A_371 : i32
      %dma_start3A_373 = arith.constant 0 : i32
      %dma_start3A_374 = tpu.memref_slice %arg13[%add3A_372, %dma_start3A_373] : memref<200x64xf32, #tpu.memory_space<vmem>> -> memref<1x64xf32, #tpu.memory_space<vmem>>
      %dma_start3A_375 = tpu.memref_squeeze %dma_start3A_374 : memref<1x64xf32, #tpu.memory_space<vmem>> -> memref<64xf32, #tpu.memory_space<vmem>>
      %dma_start3A_376 = arith.constant 0 : i32
      %dma_start3A_377 = tpu.memref_slice %arg3[%squeeze3A_368, %dma_start3A_376] : memref<1000000x64xf32, #tpu.memory_space<hbm>> -> memref<1x64xf32, #tpu.memory_space<hbm>>
      %dma_start3A_378 = tpu.memref_squeeze %dma_start3A_377 : memref<1x64xf32, #tpu.memory_space<hbm>> -> memref<64xf32, #tpu.memory_space<hbm>>
      %dma_start3A_379 = arith.constant 0 : i32
      %dma_start3A_380 = tpu.memref_slice %arg13[%add3A_372, %dma_start3A_379] : memref<200x64xf32, #tpu.memory_space<vmem>> -> memref<1x64xf32, #tpu.memory_space<vmem>>
      %dma_start3A_381 = tpu.memref_squeeze %dma_start3A_380 : memref<1x64xf32, #tpu.memory_space<vmem>> -> memref<64xf32, #tpu.memory_space<vmem>>
      %dma_start3A_382 = arith.constant 0 : i32
      %dma_start3A_383 = tpu.memref_slice %arg3[%squeeze3A_368, %dma_start3A_382] : memref<1000000x64xf32, #tpu.memory_space<hbm>> -> memref<1x64xf32, #tpu.memory_space<hbm>>
      %dma_start3A_384 = tpu.memref_squeeze %dma_start3A_383 : memref<1x64xf32, #tpu.memory_space<hbm>> -> memref<64xf32, #tpu.memory_space<hbm>>
      tpu.enqueue_dma source(%dma_start3A_384 : memref<64xf32, #tpu.memory_space<hbm>>) target(%dma_start3A_381 : memref<64xf32, #tpu.memory_space<vmem>>) target_semaphore(%arg6 : memref<!tpu.dma_semaphore, #tpu.memory_space<semaphore_mem>>)
      %slice3A_385 = vector.extract_strided_slice %get3A_168 {offsets = [12], sizes = [1], strides = [1]} : vector<16xi32> to vector<1xi32>
      %squeeze3A_386 = vector.extract %slice3A_385[0] : i32 from vector<1xi32>
      %mul3A_387 = arith.constant 16 : i32
      %mul3A_388 = arith.muli %scan3A_163, %mul3A_387 : i32
      %add3A_389 = arith.constant 12 : i32
      %add3A_390 = arith.addi %mul3A_388, %add3A_389 : i32
      %dma_start3A_391 = arith.constant 0 : i32
      %dma_start3A_392 = tpu.memref_slice %arg13[%add3A_390, %dma_start3A_391] : memref<200x64xf32, #tpu.memory_space<vmem>> -> memref<1x64xf32, #tpu.memory_space<vmem>>
      %dma_start3A_393 = tpu.memref_squeeze %dma_start3A_392 : memref<1x64xf32, #tpu.memory_space<vmem>> -> memref<64xf32, #tpu.memory_space<vmem>>
      %dma_start3A_394 = arith.constant 0 : i32
      %dma_start3A_395 = tpu.memref_slice %arg3[%squeeze3A_386, %dma_start3A_394] : memref<1000000x64xf32, #tpu.memory_space<hbm>> -> memref<1x64xf32, #tpu.memory_space<hbm>>
      %dma_start3A_396 = tpu.memref_squeeze %dma_start3A_395 : memref<1x64xf32, #tpu.memory_space<hbm>> -> memref<64xf32, #tpu.memory_space<hbm>>
      %dma_start3A_397 = arith.constant 0 : i32
      %dma_start3A_398 = tpu.memref_slice %arg13[%add3A_390, %dma_start3A_397] : memref<200x64xf32, #tpu.memory_space<vmem>> -> memref<1x64xf32, #tpu.memory_space<vmem>>
      %dma_start3A_399 = tpu.memref_squeeze %dma_start3A_398 : memref<1x64xf32, #tpu.memory_space<vmem>> -> memref<64xf32, #tpu.memory_space<vmem>>
      %dma_start3A_400 = arith.constant 0 : i32
      %dma_start3A_401 = tpu.memref_slice %arg3[%squeeze3A_386, %dma_start3A_400] : memref<1000000x64xf32, #tpu.memory_space<hbm>> -> memref<1x64xf32, #tpu.memory_space<hbm>>
      %dma_start3A_402 = tpu.memref_squeeze %dma_start3A_401 : memref<1x64xf32, #tpu.memory_space<hbm>> -> memref<64xf32, #tpu.memory_space<hbm>>
      tpu.enqueue_dma source(%dma_start3A_402 : memref<64xf32, #tpu.memory_space<hbm>>) target(%dma_start3A_399 : memref<64xf32, #tpu.memory_space<vmem>>) target_semaphore(%arg6 : memref<!tpu.dma_semaphore, #tpu.memory_space<semaphore_mem>>)
      %slice3A_403 = vector.extract_strided_slice %get3A_168 {offsets = [13], sizes = [1], strides = [1]} : vector<16xi32> to vector<1xi32>
      %squeeze3A_404 = vector.extract %slice3A_403[0] : i32 from vector<1xi32>
      %mul3A_405 = arith.constant 16 : i32
      %mul3A_406 = arith.muli %scan3A_163, %mul3A_405 : i32
      %add3A_407 = arith.constant 13 : i32
      %add3A_408 = arith.addi %mul3A_406, %add3A_407 : i32
      %dma_start3A_409 = arith.constant 0 : i32
      %dma_start3A_410 = tpu.memref_slice %arg13[%add3A_408, %dma_start3A_409] : memref<200x64xf32, #tpu.memory_space<vmem>> -> memref<1x64xf32, #tpu.memory_space<vmem>>
      %dma_start3A_411 = tpu.memref_squeeze %dma_start3A_410 : memref<1x64xf32, #tpu.memory_space<vmem>> -> memref<64xf32, #tpu.memory_space<vmem>>
      %dma_start3A_412 = arith.constant 0 : i32
      %dma_start3A_413 = tpu.memref_slice %arg3[%squeeze3A_404, %dma_start3A_412] : memref<1000000x64xf32, #tpu.memory_space<hbm>> -> memref<1x64xf32, #tpu.memory_space<hbm>>
      %dma_start3A_414 = tpu.memref_squeeze %dma_start3A_413 : memref<1x64xf32, #tpu.memory_space<hbm>> -> memref<64xf32, #tpu.memory_space<hbm>>
      %dma_start3A_415 = arith.constant 0 : i32
      %dma_start3A_416 = tpu.memref_slice %arg13[%add3A_408, %dma_start3A_415] : memref<200x64xf32, #tpu.memory_space<vmem>> -> memref<1x64xf32, #tpu.memory_space<vmem>>
      %dma_start3A_417 = tpu.memref_squeeze %dma_start3A_416 : memref<1x64xf32, #tpu.memory_space<vmem>> -> memref<64xf32, #tpu.memory_space<vmem>>
      %dma_start3A_418 = arith.constant 0 : i32
      %dma_start3A_419 = tpu.memref_slice %arg3[%squeeze3A_404, %dma_start3A_418] : memref<1000000x64xf32, #tpu.memory_space<hbm>> -> memref<1x64xf32, #tpu.memory_space<hbm>>
      %dma_start3A_420 = tpu.memref_squeeze %dma_start3A_419 : memref<1x64xf32, #tpu.memory_space<hbm>> -> memref<64xf32, #tpu.memory_space<hbm>>
      tpu.enqueue_dma source(%dma_start3A_420 : memref<64xf32, #tpu.memory_space<hbm>>) target(%dma_start3A_417 : memref<64xf32, #tpu.memory_space<vmem>>) target_semaphore(%arg6 : memref<!tpu.dma_semaphore, #tpu.memory_space<semaphore_mem>>)
      %slice3A_421 = vector.extract_strided_slice %get3A_168 {offsets = [14], sizes = [1], strides = [1]} : vector<16xi32> to vector<1xi32>
      %squeeze3A_422 = vector.extract %slice3A_421[0] : i32 from vector<1xi32>
      %mul3A_423 = arith.constant 16 : i32
      %mul3A_424 = arith.muli %scan3A_163, %mul3A_423 : i32
      %add3A_425 = arith.constant 14 : i32
      %add3A_426 = arith.addi %mul3A_424, %add3A_425 : i32
      %dma_start3A_427 = arith.constant 0 : i32
      %dma_start3A_428 = tpu.memref_slice %arg13[%add3A_426, %dma_start3A_427] : memref<200x64xf32, #tpu.memory_space<vmem>> -> memref<1x64xf32, #tpu.memory_space<vmem>>
      %dma_start3A_429 = tpu.memref_squeeze %dma_start3A_428 : memref<1x64xf32, #tpu.memory_space<vmem>> -> memref<64xf32, #tpu.memory_space<vmem>>
      %dma_start3A_430 = arith.constant 0 : i32
      %dma_start3A_431 = tpu.memref_slice %arg3[%squeeze3A_422, %dma_start3A_430] : memref<1000000x64xf32, #tpu.memory_space<hbm>> -> memref<1x64xf32, #tpu.memory_space<hbm>>
      %dma_start3A_432 = tpu.memref_squeeze %dma_start3A_431 : memref<1x64xf32, #tpu.memory_space<hbm>> -> memref<64xf32, #tpu.memory_space<hbm>>
      %dma_start3A_433 = arith.constant 0 : i32
      %dma_start3A_434 = tpu.memref_slice %arg13[%add3A_426, %dma_start3A_433] : memref<200x64xf32, #tpu.memory_space<vmem>> -> memref<1x64xf32, #tpu.memory_space<vmem>>
      %dma_start3A_435 = tpu.memref_squeeze %dma_start3A_434 : memref<1x64xf32, #tpu.memory_space<vmem>> -> memref<64xf32, #tpu.memory_space<vmem>>
      %dma_start3A_436 = arith.constant 0 : i32
      %dma_start3A_437 = tpu.memref_slice %arg3[%squeeze3A_422, %dma_start3A_436] : memref<1000000x64xf32, #tpu.memory_space<hbm>> -> memref<1x64xf32, #tpu.memory_space<hbm>>
      %dma_start3A_438 = tpu.memref_squeeze %dma_start3A_437 : memref<1x64xf32, #tpu.memory_space<hbm>> -> memref<64xf32, #tpu.memory_space<hbm>>
      tpu.enqueue_dma source(%dma_start3A_438 : memref<64xf32, #tpu.memory_space<hbm>>) target(%dma_start3A_435 : memref<64xf32, #tpu.memory_space<vmem>>) target_semaphore(%arg6 : memref<!tpu.dma_semaphore, #tpu.memory_space<semaphore_mem>>)
      %slice3A_439 = vector.extract_strided_slice %get3A_168 {offsets = [15], sizes = [1], strides = [1]} : vector<16xi32> to vector<1xi32>
      %squeeze3A_440 = vector.extract %slice3A_439[0] : i32 from vector<1xi32>
      %mul3A_441 = arith.constant 16 : i32
      %mul3A_442 = arith.muli %scan3A_163, %mul3A_441 : i32
      %add3A_443 = arith.constant 15 : i32
      %add3A_444 = arith.addi %mul3A_442, %add3A_443 : i32
      %dma_start3A_445 = arith.constant 0 : i32
      %dma_start3A_446 = tpu.memref_slice %arg13[%add3A_444, %dma_start3A_445] : memref<200x64xf32, #tpu.memory_space<vmem>> -> memref<1x64xf32, #tpu.memory_space<vmem>>
      %dma_start3A_447 = tpu.memref_squeeze %dma_start3A_446 : memref<1x64xf32, #tpu.memory_space<vmem>> -> memref<64xf32, #tpu.memory_space<vmem>>
      %dma_start3A_448 = arith.constant 0 : i32
      %dma_start3A_449 = tpu.memref_slice %arg3[%squeeze3A_440, %dma_start3A_448] : memref<1000000x64xf32, #tpu.memory_space<hbm>> -> memref<1x64xf32, #tpu.memory_space<hbm>>
      %dma_start3A_450 = tpu.memref_squeeze %dma_start3A_449 : memref<1x64xf32, #tpu.memory_space<hbm>> -> memref<64xf32, #tpu.memory_space<hbm>>
      %dma_start3A_451 = arith.constant 0 : i32
      %dma_start3A_452 = tpu.memref_slice %arg13[%add3A_444, %dma_start3A_451] : memref<200x64xf32, #tpu.memory_space<vmem>> -> memref<1x64xf32, #tpu.memory_space<vmem>>
      %dma_start3A_453 = tpu.memref_squeeze %dma_start3A_452 : memref<1x64xf32, #tpu.memory_space<vmem>> -> memref<64xf32, #tpu.memory_space<vmem>>
      %dma_start3A_454 = arith.constant 0 : i32
      %dma_start3A_455 = tpu.memref_slice %arg3[%squeeze3A_440, %dma_start3A_454] : memref<1000000x64xf32, #tpu.memory_space<hbm>> -> memref<1x64xf32, #tpu.memory_space<hbm>>
      %dma_start3A_456 = tpu.memref_squeeze %dma_start3A_455 : memref<1x64xf32, #tpu.memory_space<hbm>> -> memref<64xf32, #tpu.memory_space<hbm>>
      tpu.enqueue_dma source(%dma_start3A_456 : memref<64xf32, #tpu.memory_space<hbm>>) target(%dma_start3A_453 : memref<64xf32, #tpu.memory_space<vmem>>) target_semaphore(%arg6 : memref<!tpu.dma_semaphore, #tpu.memory_space<semaphore_mem>>)
    }
    %scan3A_11 = arith.constant 12 : i32
    %get3A = arith.constant 192 : index
    %get3A_12 = tpu.vector_load %arg9[%get3A] {strides = array<i32>} : memref<208xi32, #tpu.memory_space<vmem>>, vector<16xi32>,
    %get3A_13 = vector.shape_cast %get3A_12 : vector<16xi32> to vector<16xi32>
    %slice3A = vector.extract_strided_slice %get3A_13 {offsets = [0], sizes = [1], strides = [1]} : vector<16xi32> to vector<1xi32>
    %squeeze3A = vector.extract %slice3A[0] : i32 from vector<1xi32>
    %dma_start3A = arith.constant 192 : i32
    %dma_start3A_14 = arith.constant 0 : i32
    %dma_start3A_15 = tpu.memref_slice %arg13[%dma_start3A, %dma_start3A_14] : memref<200x64xf32, #tpu.memory_space<vmem>> -> memref<1x64xf32, #tpu.memory_space<vmem>>
    %dma_start3A_16 = tpu.memref_squeeze %dma_start3A_15 : memref<1x64xf32, #tpu.memory_space<vmem>> -> memref<64xf32, #tpu.memory_space<vmem>>
    %dma_start3A_17 = arith.constant 0 : i32
    %dma_start3A_18 = tpu.memref_slice %arg3[%squeeze3A, %dma_start3A_17] : memref<1000000x64xf32, #tpu.memory_space<hbm>> -> memref<1x64xf32, #tpu.memory_space<hbm>>
    %dma_start3A_19 = tpu.memref_squeeze %dma_start3A_18 : memref<1x64xf32, #tpu.memory_space<hbm>> -> memref<64xf32, #tpu.memory_space<hbm>>
    %dma_start3A_20 = arith.constant 0 : i32
    %dma_start3A_21 = tpu.memref_slice %arg13[%dma_start3A, %dma_start3A_20] : memref<200x64xf32, #tpu.memory_space<vmem>> -> memref<1x64xf32, #tpu.memory_space<vmem>>
    %dma_start3A_22 = tpu.memref_squeeze %dma_start3A_21 : memref<1x64xf32, #tpu.memory_space<vmem>> -> memref<64xf32, #tpu.memory_space<vmem>>
    %dma_start3A_23 = arith.constant 0 : i32
    %dma_start3A_24 = tpu.memref_slice %arg3[%squeeze3A, %dma_start3A_23] : memref<1000000x64xf32, #tpu.memory_space<hbm>> -> memref<1x64xf32, #tpu.memory_space<hbm>>
    %dma_start3A_25 = tpu.memref_squeeze %dma_start3A_24 : memref<1x64xf32, #tpu.memory_space<hbm>> -> memref<64xf32, #tpu.memory_space<hbm>>
    tpu.enqueue_dma source(%dma_start3A_25 : memref<64xf32, #tpu.memory_space<hbm>>) target(%dma_start3A_22 : memref<64xf32, #tpu.memory_space<vmem>>) target_semaphore(%arg6 : memref<!tpu.dma_semaphore, #tpu.memory_space<semaphore_mem>>)
    %slice3A_26 = vector.extract_strided_slice %get3A_13 {offsets = [1], sizes = [1], strides = [1]} : vector<16xi32> to vector<1xi32>
    %squeeze3A_27 = vector.extract %slice3A_26[0] : i32 from vector<1xi32>
    %dma_start3A_28 = arith.constant 193 : i32
    %dma_start3A_29 = arith.constant 0 : i32
    %dma_start3A_30 = tpu.memref_slice %arg13[%dma_start3A_28, %dma_start3A_29] : memref<200x64xf32, #tpu.memory_space<vmem>> -> memref<1x64xf32, #tpu.memory_space<vmem>>
    %dma_start3A_31 = tpu.memref_squeeze %dma_start3A_30 : memref<1x64xf32, #tpu.memory_space<vmem>> -> memref<64xf32, #tpu.memory_space<vmem>>
    %dma_start3A_32 = arith.constant 0 : i32
    %dma_start3A_33 = tpu.memref_slice %arg3[%squeeze3A_27, %dma_start3A_32] : memref<1000000x64xf32, #tpu.memory_space<hbm>> -> memref<1x64xf32, #tpu.memory_space<hbm>>
    %dma_start3A_34 = tpu.memref_squeeze %dma_start3A_33 : memref<1x64xf32, #tpu.memory_space<hbm>> -> memref<64xf32, #tpu.memory_space<hbm>>
    %dma_start3A_35 = arith.constant 0 : i32
    %dma_start3A_36 = tpu.memref_slice %arg13[%dma_start3A_28, %dma_start3A_35] : memref<200x64xf32, #tpu.memory_space<vmem>> -> memref<1x64xf32, #tpu.memory_space<vmem>>
    %dma_start3A_37 = tpu.memref_squeeze %dma_start3A_36 : memref<1x64xf32, #tpu.memory_space<vmem>> -> memref<64xf32, #tpu.memory_space<vmem>>
    %dma_start3A_38 = arith.constant 0 : i32
    %dma_start3A_39 = tpu.memref_slice %arg3[%squeeze3A_27, %dma_start3A_38] : memref<1000000x64xf32, #tpu.memory_space<hbm>> -> memref<1x64xf32, #tpu.memory_space<hbm>>
    %dma_start3A_40 = tpu.memref_squeeze %dma_start3A_39 : memref<1x64xf32, #tpu.memory_space<hbm>> -> memref<64xf32, #tpu.memory_space<hbm>>
    tpu.enqueue_dma source(%dma_start3A_40 : memref<64xf32, #tpu.memory_space<hbm>>) target(%dma_start3A_37 : memref<64xf32, #tpu.memory_space<vmem>>) target_semaphore(%arg6 : memref<!tpu.dma_semaphore, #tpu.memory_space<semaphore_mem>>)
    %slice3A_41 = vector.extract_strided_slice %get3A_13 {offsets = [2], sizes = [1], strides = [1]} : vector<16xi32> to vector<1xi32>
    %squeeze3A_42 = vector.extract %slice3A_41[0] : i32 from vector<1xi32>
    %dma_start3A_43 = arith.constant 194 : i32
    %dma_start3A_44 = arith.constant 0 : i32
    %dma_start3A_45 = tpu.memref_slice %arg13[%dma_start3A_43, %dma_start3A_44] : memref<200x64xf32, #tpu.memory_space<vmem>> -> memref<1x64xf32, #tpu.memory_space<vmem>>
    %dma_start3A_46 = tpu.memref_squeeze %dma_start3A_45 : memref<1x64xf32, #tpu.memory_space<vmem>> -> memref<64xf32, #tpu.memory_space<vmem>>
    %dma_start3A_47 = arith.constant 0 : i32
    %dma_start3A_48 = tpu.memref_slice %arg3[%squeeze3A_42, %dma_start3A_47] : memref<1000000x64xf32, #tpu.memory_space<hbm>> -> memref<1x64xf32, #tpu.memory_space<hbm>>
    %dma_start3A_49 = tpu.memref_squeeze %dma_start3A_48 : memref<1x64xf32, #tpu.memory_space<hbm>> -> memref<64xf32, #tpu.memory_space<hbm>>
    %dma_start3A_50 = arith.constant 0 : i32
    %dma_start3A_51 = tpu.memref_slice %arg13[%dma_start3A_43, %dma_start3A_50] : memref<200x64xf32, #tpu.memory_space<vmem>> -> memref<1x64xf32, #tpu.memory_space<vmem>>
    %dma_start3A_52 = tpu.memref_squeeze %dma_start3A_51 : memref<1x64xf32, #tpu.memory_space<vmem>> -> memref<64xf32, #tpu.memory_space<vmem>>
    %dma_start3A_53 = arith.constant 0 : i32
    %dma_start3A_54 = tpu.memref_slice %arg3[%squeeze3A_42, %dma_start3A_53] : memref<1000000x64xf32, #tpu.memory_space<hbm>> -> memref<1x64xf32, #tpu.memory_space<hbm>>
    %dma_start3A_55 = tpu.memref_squeeze %dma_start3A_54 : memref<1x64xf32, #tpu.memory_space<hbm>> -> memref<64xf32, #tpu.memory_space<hbm>>
    tpu.enqueue_dma source(%dma_start3A_55 : memref<64xf32, #tpu.memory_space<hbm>>) target(%dma_start3A_52 : memref<64xf32, #tpu.memory_space<vmem>>) target_semaphore(%arg6 : memref<!tpu.dma_semaphore, #tpu.memory_space<semaphore_mem>>)
    %slice3A_56 = vector.extract_strided_slice %get3A_13 {offsets = [3], sizes = [1], strides = [1]} : vector<16xi32> to vector<1xi32>
    %squeeze3A_57 = vector.extract %slice3A_56[0] : i32 from vector<1xi32>
    %dma_start3A_58 = arith.constant 195 : i32
    %dma_start3A_59 = arith.constant 0 : i32
    %dma_start3A_60 = tpu.memref_slice %arg13[%dma_start3A_58, %dma_start3A_59] : memref<200x64xf32, #tpu.memory_space<vmem>> -> memref<1x64xf32, #tpu.memory_space<vmem>>
    %dma_start3A_61 = tpu.memref_squeeze %dma_start3A_60 : memref<1x64xf32, #tpu.memory_space<vmem>> -> memref<64xf32, #tpu.memory_space<vmem>>
    %dma_start3A_62 = arith.constant 0 : i32
    %dma_start3A_63 = tpu.memref_slice %arg3[%squeeze3A_57, %dma_start3A_62] : memref<1000000x64xf32, #tpu.memory_space<hbm>> -> memref<1x64xf32, #tpu.memory_space<hbm>>
    %dma_start3A_64 = tpu.memref_squeeze %dma_start3A_63 : memref<1x64xf32, #tpu.memory_space<hbm>> -> memref<64xf32, #tpu.memory_space<hbm>>
    %dma_start3A_65 = arith.constant 0 : i32
    %dma_start3A_66 = tpu.memref_slice %arg13[%dma_start3A_58, %dma_start3A_65] : memref<200x64xf32, #tpu.memory_space<vmem>> -> memref<1x64xf32, #tpu.memory_space<vmem>>
    %dma_start3A_67 = tpu.memref_squeeze %dma_start3A_66 : memref<1x64xf32, #tpu.memory_space<vmem>> -> memref<64xf32, #tpu.memory_space<vmem>>
    %dma_start3A_68 = arith.constant 0 : i32
    %dma_start3A_69 = tpu.memref_slice %arg3[%squeeze3A_57, %dma_start3A_68] : memref<1000000x64xf32, #tpu.memory_space<hbm>> -> memref<1x64xf32, #tpu.memory_space<hbm>>
    %dma_start3A_70 = tpu.memref_squeeze %dma_start3A_69 : memref<1x64xf32, #tpu.memory_space<hbm>> -> memref<64xf32, #tpu.memory_space<hbm>>
    tpu.enqueue_dma source(%dma_start3A_70 : memref<64xf32, #tpu.memory_space<hbm>>) target(%dma_start3A_67 : memref<64xf32, #tpu.memory_space<vmem>>) target_semaphore(%arg6 : memref<!tpu.dma_semaphore, #tpu.memory_space<semaphore_mem>>)
    %slice3A_71 = vector.extract_strided_slice %get3A_13 {offsets = [4], sizes = [1], strides = [1]} : vector<16xi32> to vector<1xi32>
    %squeeze3A_72 = vector.extract %slice3A_71[0] : i32 from vector<1xi32>
    %dma_start3A_73 = arith.constant 196 : i32
    %dma_start3A_74 = arith.constant 0 : i32
    %dma_start3A_75 = tpu.memref_slice %arg13[%dma_start3A_73, %dma_start3A_74] : memref<200x64xf32, #tpu.memory_space<vmem>> -> memref<1x64xf32, #tpu.memory_space<vmem>>
    %dma_start3A_76 = tpu.memref_squeeze %dma_start3A_75 : memref<1x64xf32, #tpu.memory_space<vmem>> -> memref<64xf32, #tpu.memory_space<vmem>>
    %dma_start3A_77 = arith.constant 0 : i32
    %dma_start3A_78 = tpu.memref_slice %arg3[%squeeze3A_72, %dma_start3A_77] : memref<1000000x64xf32, #tpu.memory_space<hbm>> -> memref<1x64xf32, #tpu.memory_space<hbm>>
    %dma_start3A_79 = tpu.memref_squeeze %dma_start3A_78 : memref<1x64xf32, #tpu.memory_space<hbm>> -> memref<64xf32, #tpu.memory_space<hbm>>
    %dma_start3A_80 = arith.constant 0 : i32
    %dma_start3A_81 = tpu.memref_slice %arg13[%dma_start3A_73, %dma_start3A_80] : memref<200x64xf32, #tpu.memory_space<vmem>> -> memref<1x64xf32, #tpu.memory_space<vmem>>
    %dma_start3A_82 = tpu.memref_squeeze %dma_start3A_81 : memref<1x64xf32, #tpu.memory_space<vmem>> -> memref<64xf32, #tpu.memory_space<vmem>>
    %dma_start3A_83 = arith.constant 0 : i32
    %dma_start3A_84 = tpu.memref_slice %arg3[%squeeze3A_72, %dma_start3A_83] : memref<1000000x64xf32, #tpu.memory_space<hbm>> -> memref<1x64xf32, #tpu.memory_space<hbm>>
    %dma_start3A_85 = tpu.memref_squeeze %dma_start3A_84 : memref<1x64xf32, #tpu.memory_space<hbm>> -> memref<64xf32, #tpu.memory_space<hbm>>
    tpu.enqueue_dma source(%dma_start3A_85 : memref<64xf32, #tpu.memory_space<hbm>>) target(%dma_start3A_82 : memref<64xf32, #tpu.memory_space<vmem>>) target_semaphore(%arg6 : memref<!tpu.dma_semaphore, #tpu.memory_space<semaphore_mem>>)
    %slice3A_86 = vector.extract_strided_slice %get3A_13 {offsets = [5], sizes = [1], strides = [1]} : vector<16xi32> to vector<1xi32>
    %squeeze3A_87 = vector.extract %slice3A_86[0] : i32 from vector<1xi32>
    %dma_start3A_88 = arith.constant 197 : i32
    %dma_start3A_89 = arith.constant 0 : i32
    %dma_start3A_90 = tpu.memref_slice %arg13[%dma_start3A_88, %dma_start3A_89] : memref<200x64xf32, #tpu.memory_space<vmem>> -> memref<1x64xf32, #tpu.memory_space<vmem>>
    %dma_start3A_91 = tpu.memref_squeeze %dma_start3A_90 : memref<1x64xf32, #tpu.memory_space<vmem>> -> memref<64xf32, #tpu.memory_space<vmem>>
    %dma_start3A_92 = arith.constant 0 : i32
    %dma_start3A_93 = tpu.memref_slice %arg3[%squeeze3A_87, %dma_start3A_92] : memref<1000000x64xf32, #tpu.memory_space<hbm>> -> memref<1x64xf32, #tpu.memory_space<hbm>>
    %dma_start3A_94 = tpu.memref_squeeze %dma_start3A_93 : memref<1x64xf32, #tpu.memory_space<hbm>> -> memref<64xf32, #tpu.memory_space<hbm>>
    %dma_start3A_95 = arith.constant 0 : i32
    %dma_start3A_96 = tpu.memref_slice %arg13[%dma_start3A_88, %dma_start3A_95] : memref<200x64xf32, #tpu.memory_space<vmem>> -> memref<1x64xf32, #tpu.memory_space<vmem>>
    %dma_start3A_97 = tpu.memref_squeeze %dma_start3A_96 : memref<1x64xf32, #tpu.memory_space<vmem>> -> memref<64xf32, #tpu.memory_space<vmem>>
    %dma_start3A_98 = arith.constant 0 : i32
    %dma_start3A_99 = tpu.memref_slice %arg3[%squeeze3A_87, %dma_start3A_98] : memref<1000000x64xf32, #tpu.memory_space<hbm>> -> memref<1x64xf32, #tpu.memory_space<hbm>>
    %dma_start3A_100 = tpu.memref_squeeze %dma_start3A_99 : memref<1x64xf32, #tpu.memory_space<hbm>> -> memref<64xf32, #tpu.memory_space<hbm>>
    tpu.enqueue_dma source(%dma_start3A_100 : memref<64xf32, #tpu.memory_space<hbm>>) target(%dma_start3A_97 : memref<64xf32, #tpu.memory_space<vmem>>) target_semaphore(%arg6 : memref<!tpu.dma_semaphore, #tpu.memory_space<semaphore_mem>>)
    %slice3A_101 = vector.extract_strided_slice %get3A_13 {offsets = [6], sizes = [1], strides = [1]} : vector<16xi32> to vector<1xi32>
    %squeeze3A_102 = vector.extract %slice3A_101[0] : i32 from vector<1xi32>
    %dma_start3A_103 = arith.constant 198 : i32
    %dma_start3A_104 = arith.constant 0 : i32
    %dma_start3A_105 = tpu.memref_slice %arg13[%dma_start3A_103, %dma_start3A_104] : memref<200x64xf32, #tpu.memory_space<vmem>> -> memref<1x64xf32, #tpu.memory_space<vmem>>
    %dma_start3A_106 = tpu.memref_squeeze %dma_start3A_105 : memref<1x64xf32, #tpu.memory_space<vmem>> -> memref<64xf32, #tpu.memory_space<vmem>>
    %dma_start3A_107 = arith.constant 0 : i32
    %dma_start3A_108 = tpu.memref_slice %arg3[%squeeze3A_102, %dma_start3A_107] : memref<1000000x64xf32, #tpu.memory_space<hbm>> -> memref<1x64xf32, #tpu.memory_space<hbm>>
    %dma_start3A_109 = tpu.memref_squeeze %dma_start3A_108 : memref<1x64xf32, #tpu.memory_space<hbm>> -> memref<64xf32, #tpu.memory_space<hbm>>
    %dma_start3A_110 = arith.constant 0 : i32
    %dma_start3A_111 = tpu.memref_slice %arg13[%dma_start3A_103, %dma_start3A_110] : memref<200x64xf32, #tpu.memory_space<vmem>> -> memref<1x64xf32, #tpu.memory_space<vmem>>
    %dma_start3A_112 = tpu.memref_squeeze %dma_start3A_111 : memref<1x64xf32, #tpu.memory_space<vmem>> -> memref<64xf32, #tpu.memory_space<vmem>>
    %dma_start3A_113 = arith.constant 0 : i32
    %dma_start3A_114 = tpu.memref_slice %arg3[%squeeze3A_102, %dma_start3A_113] : memref<1000000x64xf32, #tpu.memory_space<hbm>> -> memref<1x64xf32, #tpu.memory_space<hbm>>
    %dma_start3A_115 = tpu.memref_squeeze %dma_start3A_114 : memref<1x64xf32, #tpu.memory_space<hbm>> -> memref<64xf32, #tpu.memory_space<hbm>>
    tpu.enqueue_dma source(%dma_start3A_115 : memref<64xf32, #tpu.memory_space<hbm>>) target(%dma_start3A_112 : memref<64xf32, #tpu.memory_space<vmem>>) target_semaphore(%arg6 : memref<!tpu.dma_semaphore, #tpu.memory_space<semaphore_mem>>)
    %slice3A_116 = vector.extract_strided_slice %get3A_13 {offsets = [7], sizes = [1], strides = [1]} : vector<16xi32> to vector<1xi32>
    %squeeze3A_117 = vector.extract %slice3A_116[0] : i32 from vector<1xi32>
    %dma_start3A_118 = arith.constant 199 : i32
    %dma_start3A_119 = arith.constant 0 : i32
    %dma_start3A_120 = tpu.memref_slice %arg13[%dma_start3A_118, %dma_start3A_119] : memref<200x64xf32, #tpu.memory_space<vmem>> -> memref<1x64xf32, #tpu.memory_space<vmem>>
    %dma_start3A_121 = tpu.memref_squeeze %dma_start3A_120 : memref<1x64xf32, #tpu.memory_space<vmem>> -> memref<64xf32, #tpu.memory_space<vmem>>
    %dma_start3A_122 = arith.constant 0 : i32
    %dma_start3A_123 = tpu.memref_slice %arg3[%squeeze3A_117, %dma_start3A_122] : memref<1000000x64xf32, #tpu.memory_space<hbm>> -> memref<1x64xf32, #tpu.memory_space<hbm>>
    %dma_start3A_124 = tpu.memref_squeeze %dma_start3A_123 : memref<1x64xf32, #tpu.memory_space<hbm>> -> memref<64xf32, #tpu.memory_space<hbm>>
    %dma_start3A_125 = arith.constant 0 : i32
    %dma_start3A_126 = tpu.memref_slice %arg13[%dma_start3A_118, %dma_start3A_125] : memref<200x64xf32, #tpu.memory_space<vmem>> -> memref<1x64xf32, #tpu.memory_space<vmem>>
    %dma_start3A_127 = tpu.memref_squeeze %dma_start3A_126 : memref<1x64xf32, #tpu.memory_space<vmem>> -> memref<64xf32, #tpu.memory_space<vmem>>
    %dma_start3A_128 = arith.constant 0 : i32
    %dma_start3A_129 = tpu.memref_slice %arg3[%squeeze3A_117, %dma_start3A_128] : memref<1000000x64xf32, #tpu.memory_space<hbm>> -> memref<1x64xf32, #tpu.memory_space<hbm>>
    %dma_start3A_130 = tpu.memref_squeeze %dma_start3A_129 : memref<1x64xf32, #tpu.memory_space<hbm>> -> memref<64xf32, #tpu.memory_space<hbm>>
    tpu.enqueue_dma source(%dma_start3A_130 : memref<64xf32, #tpu.memory_space<hbm>>) target(%dma_start3A_127 : memref<64xf32, #tpu.memory_space<vmem>>) target_semaphore(%arg6 : memref<!tpu.dma_semaphore, #tpu.memory_space<semaphore_mem>>)
    %scan3A_131 = arith.constant 0 : i32
    %scan3A_132 = arith.constant 0 : i32
    %scan3A_133 = arith.constant 11 : i32
    %scan3A_134 = arith.addi %scan3A_132, %scan3A_133 : i32
    %scan3A_135 = arith.constant 1 : i32
    scf.for %scan3A_163 = %scan3A_132 to %scan3A_134 step %scan3A_135  : i32 {
      %mul3A_164 = arith.constant 3 : i32
      %mul3A_165 = arith.muli %scan3A_163, %mul3A_164 : i32
      %add3A_166 = arith.constant 0 : i32
      %add3A_167 = arith.addi %mul3A_165, %add3A_166 : i32
      %add3A_168 = arith.constant 1 : i32
      %add3A_169 = arith.addi %add3A_167, %add3A_168 : i32
      %le3A = arith.constant 31 : i32
      %le3A_170 = arith.cmpi sle, %add3A_169, %le3A : i32
      %convert_element_type3A = arith.extui %le3A_170 : i1 to i32
      %cond3A = arith.constant 0 : i32
      %cond3A_171 = arith.cmpi ne, %convert_element_type3A, %cond3A : i32
      scf.if %cond3A_171 {
        %add3A_209 = arith.constant 1 : i32
        %add3A_210 = arith.addi %add3A_167, %add3A_209 : i32
        %add3A_211 = arith.addi %mul3A_2, %add3A_210 : i32
        %mul3A_212 = arith.constant 200 : i32
        %mul3A_213 = arith.muli %add3A_211, %mul3A_212 : i32
        "tpu.region"() ({
          %run_scoped3A = tpu.sem_alloc : memref<!tpu.dma_semaphore, #tpu.memory_space<semaphore_mem>>
          %dma_start3A_220 = arith.constant 0 : i32
          %dma_start3A_221 = tpu.memref_slice %arg10[%dma_start3A_220] : memref<208xi32, #tpu.memory_space<vmem>> -> memref<200xi32, #tpu.memory_space<vmem>>
          %dma_start3A_222 = tpu.memref_slice %arg2[%mul3A_213] : memref<204800xi32, #tpu.memory_space<hbm>> -> memref<200xi32, #tpu.memory_space<hbm>>
          %dma_start3A_223 = arith.constant 0 : i32
          %dma_start3A_224 = tpu.memref_slice %arg10[%dma_start3A_223] : memref<208xi32, #tpu.memory_space<vmem>> -> memref<200xi32, #tpu.memory_space<vmem>>
          %dma_start3A_225 = tpu.memref_slice %arg2[%mul3A_213] : memref<204800xi32, #tpu.memory_space<hbm>> -> memref<200xi32, #tpu.memory_space<hbm>>
          tpu.enqueue_dma source(%dma_start3A_225 : memref<200xi32, #tpu.memory_space<hbm>>) target(%dma_start3A_224 : memref<200xi32, #tpu.memory_space<vmem>>) target_semaphore(%run_scoped3A : memref<!tpu.dma_semaphore, #tpu.memory_space<semaphore_mem>>)
          %dma_wait3A_226 = arith.constant 0 : i32
          %dma_wait3A_227 = tpu.memref_slice %arg10[%dma_wait3A_226] : memref<208xi32, #tpu.memory_space<vmem>> -> memref<200xi32, #tpu.memory_space<vmem>>
          %dma_wait3A_228 = tpu.memref_slice %arg2[%mul3A_213] : memref<204800xi32, #tpu.memory_space<hbm>> -> memref<200xi32, #tpu.memory_space<hbm>>
          %dma_wait3A_229 = arith.constant 0 : i32
          %dma_wait3A_230 = tpu.memref_slice %arg10[%dma_wait3A_229] : memref<208xi32, #tpu.memory_space<vmem>> -> memref<200xi32, #tpu.memory_space<vmem>>
          %dma_wait3A_231 = tpu.memref_slice %arg2[%mul3A_213] : memref<204800xi32, #tpu.memory_space<hbm>> -> memref<200xi32, #tpu.memory_space<hbm>>
          tpu.wait_dma2 semaphore(%run_scoped3A : memref<!tpu.dma_semaphore, #tpu.memory_space<semaphore_mem>>) src(%dma_wait3A_231 : memref<200xi32, #tpu.memory_space<hbm>>) dst(%dma_wait3A_230 : memref<200xi32, #tpu.memory_space<vmem>>)
          tpu.yield
        }) : () -> ()
        %add3A_214 = arith.constant 1 : i32
        %add3A_215 = arith.addi %add3A_167, %add3A_214 : i32
        %ge3A = arith.constant 3 : i32
        %ge3A_216 = arith.cmpi sge, %add3A_215, %ge3A : i32
        %convert_element_type3A_217 = arith.extui %ge3A_216 : i1 to i32
        %cond3A_218 = arith.constant 0 : i32
        %cond3A_219 = arith.cmpi ne, %convert_element_type3A_217, %cond3A_218 : i32
        scf.if %cond3A_219 {
          %dma_wait3A_220 = arith.constant 0 : i32
          %dma_wait3A_221 = arith.constant 0 : i32
          %dma_wait3A_222 = arith.constant 0 : i32
          %dma_wait3A_223 = tpu.memref_slice %arg5[%dma_wait3A_220, %dma_wait3A_221, %dma_wait3A_222] : memref<1024x200x64xf32, #tpu.memory_space<hbm>> -> memref<1x200x64xf32, #tpu.memory_space<hbm>>
          %dma_wait3A_224 = tpu.memref_squeeze %dma_wait3A_223 : memref<1x200x64xf32, #tpu.memory_space<hbm>> -> memref<200x64xf32, #tpu.memory_space<hbm>>
          %dma_wait3A_225 = arith.constant 0 : i32
          %dma_wait3A_226 = arith.constant 0 : i32
          %dma_wait3A_227 = tpu.memref_slice %arg5[%dma_wait3A_220, %dma_wait3A_225, %dma_wait3A_226] : memref<1024x200x64xf32, #tpu.memory_space<hbm>> -> memref<1x200x64xf32, #tpu.memory_space<hbm>>
          %dma_wait3A_228 = tpu.memref_squeeze %dma_wait3A_227 : memref<1x200x64xf32, #tpu.memory_space<hbm>> -> memref<200x64xf32, #tpu.memory_space<hbm>>
          tpu.wait_dma2 semaphore(%arg17 : memref<!tpu.dma_semaphore, #tpu.memory_space<semaphore_mem>>) src(%arg14 : memref<200x64xf32, #tpu.memory_space<vmem>>) dst(%dma_wait3A_228 : memref<200x64xf32, #tpu.memory_space<hbm>>)
        } else {
        }
      } else {
      }
      %le3A_172 = arith.constant 31 : i32
      %le3A_173 = arith.cmpi sle, %add3A_167, %le3A_172 : i32
      %convert_element_type3A_174 = arith.extui %le3A_173 : i1 to i32
      %cond3A_175 = arith.constant 0 : i32
      %cond3A_176 = arith.cmpi ne, %convert_element_type3A_174, %cond3A_175 : i32
      scf.if %cond3A_176 {
        %dma_wait3A_209 = arith.constant 0 : i32
        %dma_wait3A_210 = arith.constant 0 : i32
        %dma_wait3A_211 = tpu.memref_slice %arg3[%dma_wait3A_209, %dma_wait3A_210] : memref<1000000x64xf32, #tpu.memory_space<hbm>> -> memref<200x64xf32, #tpu.memory_space<hbm>>
        %dma_wait3A_212 = arith.constant 0 : i32
        %dma_wait3A_213 = arith.constant 0 : i32
        %dma_wait3A_214 = tpu.memref_slice %arg3[%dma_wait3A_212, %dma_wait3A_213] : memref<1000000x64xf32, #tpu.memory_space<hbm>> -> memref<200x64xf32, #tpu.memory_space<hbm>>
        tpu.wait_dma2 semaphore(%arg6 : memref<!tpu.dma_semaphore, #tpu.memory_space<semaphore_mem>>) src(%dma_wait3A_214 : memref<200x64xf32, #tpu.memory_space<hbm>>) dst(%arg13 : memref<200x64xf32, #tpu.memory_space<vmem>>)
        %scan3A_215 = arith.constant 0 : i32
        %scan3A_216 = arith.constant 0 : i32
        %scan3A_217 = arith.constant 25 : i32
        %scan3A_218 = arith.addi %scan3A_216, %scan3A_217 : i32
        %scan3A_219 = arith.constant 1 : i32
        scf.for %scan3A_230 = %scan3A_216 to %scan3A_218 step %scan3A_219  : i32 {
          %convert_element_type3A_231 = arith.extui %le3A_170 : i1 to i32
          %cond3A_232 = arith.constant 0 : i32
          %cond3A_233 = arith.cmpi ne, %convert_element_type3A_231, %cond3A_232 : i32
          scf.if %cond3A_233 {
            %mul3A_809 = arith.constant 8 : i32
            %mul3A_810 = arith.muli %scan3A_230, %mul3A_809 : i32
            %get3A_811 = arith.index_cast %mul3A_810 : i32 to index
            %get3A_812 = tpu.vector_load %arg10[%get3A_811] {strides = array<i32>} : memref<208xi32, #tpu.memory_space<vmem>>, vector<16xi32>,
            %get3A_813 = vector.shape_cast %get3A_812 : vector<16xi32> to vector<16xi32>
            %slice3A_814 = vector.extract_strided_slice %get3A_813 {offsets = [0], sizes = [1], strides = [1]} : vector<16xi32> to vector<1xi32>
            %squeeze3A_815 = vector.extract %slice3A_814[0] : i32 from vector<1xi32>
            %mul3A_816 = arith.constant 8 : i32
            %mul3A_817 = arith.muli %scan3A_230, %mul3A_816 : i32
            %add3A_818 = arith.constant 0 : i32
            %add3A_819 = arith.addi %mul3A_817, %add3A_818 : i32
            %dma_start3A_820 = arith.constant 0 : i32
            %dma_start3A_821 = tpu.memref_slice %arg14[%add3A_819, %dma_start3A_820] : memref<200x64xf32, #tpu.memory_space<vmem>> -> memref<1x64xf32, #tpu.memory_space<vmem>>
            %dma_start3A_822 = tpu.memref_squeeze %dma_start3A_821 : memref<1x64xf32, #tpu.memory_space<vmem>> -> memref<64xf32, #tpu.memory_space<vmem>>
            %dma_start3A_823 = arith.constant 0 : i32
            %dma_start3A_824 = tpu.memref_slice %arg3[%squeeze3A_815, %dma_start3A_823] : memref<1000000x64xf32, #tpu.memory_space<hbm>> -> memref<1x64xf32, #tpu.memory_space<hbm>>
            %dma_start3A_825 = tpu.memref_squeeze %dma_start3A_824 : memref<1x64xf32, #tpu.memory_space<hbm>> -> memref<64xf32, #tpu.memory_space<hbm>>
            %dma_start3A_826 = arith.constant 0 : i32
            %dma_start3A_827 = tpu.memref_slice %arg14[%add3A_819, %dma_start3A_826] : memref<200x64xf32, #tpu.memory_space<vmem>> -> memref<1x64xf32, #tpu.memory_space<vmem>>
            %dma_start3A_828 = tpu.memref_squeeze %dma_start3A_827 : memref<1x64xf32, #tpu.memory_space<vmem>> -> memref<64xf32, #tpu.memory_space<vmem>>
            %dma_start3A_829 = arith.constant 0 : i32
            %dma_start3A_830 = tpu.memref_slice %arg3[%squeeze3A_815, %dma_start3A_829] : memref<1000000x64xf32, #tpu.memory_space<hbm>> -> memref<1x64xf32, #tpu.memory_space<hbm>>
            %dma_start3A_831 = tpu.memref_squeeze %dma_start3A_830 : memref<1x64xf32, #tpu.memory_space<hbm>> -> memref<64xf32, #tpu.memory_space<hbm>>
            tpu.enqueue_dma source(%dma_start3A_831 : memref<64xf32, #tpu.memory_space<hbm>>) target(%dma_start3A_828 : memref<64xf32, #tpu.memory_space<vmem>>) target_semaphore(%arg7 : memref<!tpu.dma_semaphore, #tpu.memory_space<semaphore_mem>>)
            %slice3A_832 = vector.extract_strided_slice %get3A_813 {offsets = [1], sizes = [1], strides = [1]} : vector<16xi32> to vector<1xi32>
            %squeeze3A_833 = vector.extract %slice3A_832[0] : i32 from vector<1xi32>
            %mul3A_834 = arith.constant 8 : i32
            %mul3A_835 = arith.muli %scan3A_230, %mul3A_834 : i32
            %add3A_836 = arith.constant 1 : i32
            %add3A_837 = arith.addi %mul3A_835, %add3A_836 : i32
            %dma_start3A_838 = arith.constant 0 : i32
            %dma_start3A_839 = tpu.memref_slice %arg14[%add3A_837, %dma_start3A_838] : memref<200x64xf32, #tpu.memory_space<vmem>> -> memref<1x64xf32, #tpu.memory_space<vmem>>
            %dma_start3A_840 = tpu.memref_squeeze %dma_start3A_839 : memref<1x64xf32, #tpu.memory_space<vmem>> -> memref<64xf32, #tpu.memory_space<vmem>>
            %dma_start3A_841 = arith.constant 0 : i32
            %dma_start3A_842 = tpu.memref_slice %arg3[%squeeze3A_833, %dma_start3A_841] : memref<1000000x64xf32, #tpu.memory_space<hbm>> -> memref<1x64xf32, #tpu.memory_space<hbm>>
            %dma_start3A_843 = tpu.memref_squeeze %dma_start3A_842 : memref<1x64xf32, #tpu.memory_space<hbm>> -> memref<64xf32, #tpu.memory_space<hbm>>
            %dma_start3A_844 = arith.constant 0 : i32
            %dma_start3A_845 = tpu.memref_slice %arg14[%add3A_837, %dma_start3A_844] : memref<200x64xf32, #tpu.memory_space<vmem>> -> memref<1x64xf32, #tpu.memory_space<vmem>>
            %dma_start3A_846 = tpu.memref_squeeze %dma_start3A_845 : memref<1x64xf32, #tpu.memory_space<vmem>> -> memref<64xf32, #tpu.memory_space<vmem>>
            %dma_start3A_847 = arith.constant 0 : i32
            %dma_start3A_848 = tpu.memref_slice %arg3[%squeeze3A_833, %dma_start3A_847] : memref<1000000x64xf32, #tpu.memory_space<hbm>> -> memref<1x64xf32, #tpu.memory_space<hbm>>
            %dma_start3A_849 = tpu.memref_squeeze %dma_start3A_848 : memref<1x64xf32, #tpu.memory_space<hbm>> -> memref<64xf32, #tpu.memory_space<hbm>>
            tpu.enqueue_dma source(%dma_start3A_849 : memref<64xf32, #tpu.memory_space<hbm>>) target(%dma_start3A_846 : memref<64xf32, #tpu.memory_space<vmem>>) target_semaphore(%arg7 : memref<!tpu.dma_semaphore, #tpu.memory_space<semaphore_mem>>)
            %slice3A_850 = vector.extract_strided_slice %get3A_813 {offsets = [2], sizes = [1], strides = [1]} : vector<16xi32> to vector<1xi32>
            %squeeze3A_851 = vector.extract %slice3A_850[0] : i32 from vector<1xi32>
            %mul3A_852 = arith.constant 8 : i32
            %mul3A_853 = arith.muli %scan3A_230, %mul3A_852 : i32
            %add3A_854 = arith.constant 2 : i32
            %add3A_855 = arith.addi %mul3A_853, %add3A_854 : i32
            %dma_start3A_856 = arith.constant 0 : i32
            %dma_start3A_857 = tpu.memref_slice %arg14[%add3A_855, %dma_start3A_856] : memref<200x64xf32, #tpu.memory_space<vmem>> -> memref<1x64xf32, #tpu.memory_space<vmem>>
            %dma_start3A_858 = tpu.memref_squeeze %dma_start3A_857 : memref<1x64xf32, #tpu.memory_space<vmem>> -> memref<64xf32, #tpu.memory_space<vmem>>
            %dma_start3A_859 = arith.constant 0 : i32
            %dma_start3A_860 = tpu.memref_slice %arg3[%squeeze3A_851, %dma_start3A_859] : memref<1000000x64xf32, #tpu.memory_space<hbm>> -> memref<1x64xf32, #tpu.memory_space<hbm>>
            %dma_start3A_861 = tpu.memref_squeeze %dma_start3A_860 : memref<1x64xf32, #tpu.memory_space<hbm>> -> memref<64xf32, #tpu.memory_space<hbm>>
            %dma_start3A_862 = arith.constant 0 : i32
            %dma_start3A_863 = tpu.memref_slice %arg14[%add3A_855, %dma_start3A_862] : memref<200x64xf32, #tpu.memory_space<vmem>> -> memref<1x64xf32, #tpu.memory_space<vmem>>
            %dma_start3A_864 = tpu.memref_squeeze %dma_start3A_863 : memref<1x64xf32, #tpu.memory_space<vmem>> -> memref<64xf32, #tpu.memory_space<vmem>>
            %dma_start3A_865 = arith.constant 0 : i32
            %dma_start3A_866 = tpu.memref_slice %arg3[%squeeze3A_851, %dma_start3A_865] : memref<1000000x64xf32, #tpu.memory_space<hbm>> -> memref<1x64xf32, #tpu.memory_space<hbm>>
            %dma_start3A_867 = tpu.memref_squeeze %dma_start3A_866 : memref<1x64xf32, #tpu.memory_space<hbm>> -> memref<64xf32, #tpu.memory_space<hbm>>
            tpu.enqueue_dma source(%dma_start3A_867 : memref<64xf32, #tpu.memory_space<hbm>>) target(%dma_start3A_864 : memref<64xf32, #tpu.memory_space<vmem>>) target_semaphore(%arg7 : memref<!tpu.dma_semaphore, #tpu.memory_space<semaphore_mem>>)
            %slice3A_868 = vector.extract_strided_slice %get3A_813 {offsets = [3], sizes = [1], strides = [1]} : vector<16xi32> to vector<1xi32>
            %squeeze3A_869 = vector.extract %slice3A_868[0] : i32 from vector<1xi32>
            %mul3A_870 = arith.constant 8 : i32
            %mul3A_871 = arith.muli %scan3A_230, %mul3A_870 : i32
            %add3A_872 = arith.constant 3 : i32
            %add3A_873 = arith.addi %mul3A_871, %add3A_872 : i32
            %dma_start3A_874 = arith.constant 0 : i32
            %dma_start3A_875 = tpu.memref_slice %arg14[%add3A_873, %dma_start3A_874] : memref<200x64xf32, #tpu.memory_space<vmem>> -> memref<1x64xf32, #tpu.memory_space<vmem>>
            %dma_start3A_876 = tpu.memref_squeeze %dma_start3A_875 : memref<1x64xf32, #tpu.memory_space<vmem>> -> memref<64xf32, #tpu.memory_space<vmem>>
            %dma_start3A_877 = arith.constant 0 : i32
            %dma_start3A_878 = tpu.memref_slice %arg3[%squeeze3A_869, %dma_start3A_877] : memref<1000000x64xf32, #tpu.memory_space<hbm>> -> memref<1x64xf32, #tpu.memory_space<hbm>>
            %dma_start3A_879 = tpu.memref_squeeze %dma_start3A_878 : memref<1x64xf32, #tpu.memory_space<hbm>> -> memref<64xf32, #tpu.memory_space<hbm>>
            %dma_start3A_880 = arith.constant 0 : i32
            %dma_start3A_881 = tpu.memref_slice %arg14[%add3A_873, %dma_start3A_880] : memref<200x64xf32, #tpu.memory_space<vmem>> -> memref<1x64xf32, #tpu.memory_space<vmem>>
            %dma_start3A_882 = tpu.memref_squeeze %dma_start3A_881 : memref<1x64xf32, #tpu.memory_space<vmem>> -> memref<64xf32, #tpu.memory_space<vmem>>
            %dma_start3A_883 = arith.constant 0 : i32
            %dma_start3A_884 = tpu.memref_slice %arg3[%squeeze3A_869, %dma_start3A_883] : memref<1000000x64xf32, #tpu.memory_space<hbm>> -> memref<1x64xf32, #tpu.memory_space<hbm>>
            %dma_start3A_885 = tpu.memref_squeeze %dma_start3A_884 : memref<1x64xf32, #tpu.memory_space<hbm>> -> memref<64xf32, #tpu.memory_space<hbm>>
            tpu.enqueue_dma source(%dma_start3A_885 : memref<64xf32, #tpu.memory_space<hbm>>) target(%dma_start3A_882 : memref<64xf32, #tpu.memory_space<vmem>>) target_semaphore(%arg7 : memref<!tpu.dma_semaphore, #tpu.memory_space<semaphore_mem>>)
            %slice3A_886 = vector.extract_strided_slice %get3A_813 {offsets = [4], sizes = [1], strides = [1]} : vector<16xi32> to vector<1xi32>
            %squeeze3A_887 = vector.extract %slice3A_886[0] : i32 from vector<1xi32>
            %mul3A_888 = arith.constant 8 : i32
            %mul3A_889 = arith.muli %scan3A_230, %mul3A_888 : i32
            %add3A_890 = arith.constant 4 : i32
            %add3A_891 = arith.addi %mul3A_889, %add3A_890 : i32
            %dma_start3A_892 = arith.constant 0 : i32
            %dma_start3A_893 = tpu.memref_slice %arg14[%add3A_891, %dma_start3A_892] : memref<200x64xf32, #tpu.memory_space<vmem>> -> memref<1x64xf32, #tpu.memory_space<vmem>>
            %dma_start3A_894 = tpu.memref_squeeze %dma_start3A_893 : memref<1x64xf32, #tpu.memory_space<vmem>> -> memref<64xf32, #tpu.memory_space<vmem>>
            %dma_start3A_895 = arith.constant 0 : i32
            %dma_start3A_896 = tpu.memref_slice %arg3[%squeeze3A_887, %dma_start3A_895] : memref<1000000x64xf32, #tpu.memory_space<hbm>> -> memref<1x64xf32, #tpu.memory_space<hbm>>
            %dma_start3A_897 = tpu.memref_squeeze %dma_start3A_896 : memref<1x64xf32, #tpu.memory_space<hbm>> -> memref<64xf32, #tpu.memory_space<hbm>>
            %dma_start3A_898 = arith.constant 0 : i32
            %dma_start3A_899 = tpu.memref_slice %arg14[%add3A_891, %dma_start3A_898] : memref<200x64xf32, #tpu.memory_space<vmem>> -> memref<1x64xf32, #tpu.memory_space<vmem>>
            %dma_start3A_900 = tpu.memref_squeeze %dma_start3A_899 : memref<1x64xf32, #tpu.memory_space<vmem>> -> memref<64xf32, #tpu.memory_space<vmem>>
            %dma_start3A_901 = arith.constant 0 : i32
            %dma_start3A_902 = tpu.memref_slice %arg3[%squeeze3A_887, %dma_start3A_901] : memref<1000000x64xf32, #tpu.memory_space<hbm>> -> memref<1x64xf32, #tpu.memory_space<hbm>>
            %dma_start3A_903 = tpu.memref_squeeze %dma_start3A_902 : memref<1x64xf32, #tpu.memory_space<hbm>> -> memref<64xf32, #tpu.memory_space<hbm>>
            tpu.enqueue_dma source(%dma_start3A_903 : memref<64xf32, #tpu.memory_space<hbm>>) target(%dma_start3A_900 : memref<64xf32, #tpu.memory_space<vmem>>) target_semaphore(%arg7 : memref<!tpu.dma_semaphore, #tpu.memory_space<semaphore_mem>>)
            %slice3A_904 = vector.extract_strided_slice %get3A_813 {offsets = [5], sizes = [1], strides = [1]} : vector<16xi32> to vector<1xi32>
            %squeeze3A_905 = vector.extract %slice3A_904[0] : i32 from vector<1xi32>
            %mul3A_906 = arith.constant 8 : i32
            %mul3A_907 = arith.muli %scan3A_230, %mul3A_906 : i32
            %add3A_908 = arith.constant 5 : i32
            %add3A_909 = arith.addi %mul3A_907, %add3A_908 : i32
            %dma_start3A_910 = arith.constant 0 : i32
            %dma_start3A_911 = tpu.memref_slice %arg14[%add3A_909, %dma_start3A_910] : memref<200x64xf32, #tpu.memory_space<vmem>> -> memref<1x64xf32, #tpu.memory_space<vmem>>
            %dma_start3A_912 = tpu.memref_squeeze %dma_start3A_911 : memref<1x64xf32, #tpu.memory_space<vmem>> -> memref<64xf32, #tpu.memory_space<vmem>>
            %dma_start3A_913 = arith.constant 0 : i32
            %dma_start3A_914 = tpu.memref_slice %arg3[%squeeze3A_905, %dma_start3A_913] : memref<1000000x64xf32, #tpu.memory_space<hbm>> -> memref<1x64xf32, #tpu.memory_space<hbm>>
            %dma_start3A_915 = tpu.memref_squeeze %dma_start3A_914 : memref<1x64xf32, #tpu.memory_space<hbm>> -> memref<64xf32, #tpu.memory_space<hbm>>
            %dma_start3A_916 = arith.constant 0 : i32
            %dma_start3A_917 = tpu.memref_slice %arg14[%add3A_909, %dma_start3A_916] : memref<200x64xf32, #tpu.memory_space<vmem>> -> memref<1x64xf32, #tpu.memory_space<vmem>>
            %dma_start3A_918 = tpu.memref_squeeze %dma_start3A_917 : memref<1x64xf32, #tpu.memory_space<vmem>> -> memref<64xf32, #tpu.memory_space<vmem>>
            %dma_start3A_919 = arith.constant 0 : i32
            %dma_start3A_920 = tpu.memref_slice %arg3[%squeeze3A_905, %dma_start3A_919] : memref<1000000x64xf32, #tpu.memory_space<hbm>> -> memref<1x64xf32, #tpu.memory_space<hbm>>
            %dma_start3A_921 = tpu.memref_squeeze %dma_start3A_920 : memref<1x64xf32, #tpu.memory_space<hbm>> -> memref<64xf32, #tpu.memory_space<hbm>>
            tpu.enqueue_dma source(%dma_start3A_921 : memref<64xf32, #tpu.memory_space<hbm>>) target(%dma_start3A_918 : memref<64xf32, #tpu.memory_space<vmem>>) target_semaphore(%arg7 : memref<!tpu.dma_semaphore, #tpu.memory_space<semaphore_mem>>)
            %slice3A_922 = vector.extract_strided_slice %get3A_813 {offsets = [6], sizes = [1], strides = [1]} : vector<16xi32> to vector<1xi32>
            %squeeze3A_923 = vector.extract %slice3A_922[0] : i32 from vector<1xi32>
            %mul3A_924 = arith.constant 8 : i32
            %mul3A_925 = arith.muli %scan3A_230, %mul3A_924 : i32
            %add3A_926 = arith.constant 6 : i32
            %add3A_927 = arith.addi %mul3A_925, %add3A_926 : i32
            %dma_start3A_928 = arith.constant 0 : i32
            %dma_start3A_929 = tpu.memref_slice %arg14[%add3A_927, %dma_start3A_928] : memref<200x64xf32, #tpu.memory_space<vmem>> -> memref<1x64xf32, #tpu.memory_space<vmem>>
            %dma_start3A_930 = tpu.memref_squeeze %dma_start3A_929 : memref<1x64xf32, #tpu.memory_space<vmem>> -> memref<64xf32, #tpu.memory_space<vmem>>
            %dma_start3A_931 = arith.constant 0 : i32
            %dma_start3A_932 = tpu.memref_slice %arg3[%squeeze3A_923, %dma_start3A_931] : memref<1000000x64xf32, #tpu.memory_space<hbm>> -> memref<1x64xf32, #tpu.memory_space<hbm>>
            %dma_start3A_933 = tpu.memref_squeeze %dma_start3A_932 : memref<1x64xf32, #tpu.memory_space<hbm>> -> memref<64xf32, #tpu.memory_space<hbm>>
            %dma_start3A_934 = arith.constant 0 : i32
            %dma_start3A_935 = tpu.memref_slice %arg14[%add3A_927, %dma_start3A_934] : memref<200x64xf32, #tpu.memory_space<vmem>> -> memref<1x64xf32, #tpu.memory_space<vmem>>
            %dma_start3A_936 = tpu.memref_squeeze %dma_start3A_935 : memref<1x64xf32, #tpu.memory_space<vmem>> -> memref<64xf32, #tpu.memory_space<vmem>>
            %dma_start3A_937 = arith.constant 0 : i32
            %dma_start3A_938 = tpu.memref_slice %arg3[%squeeze3A_923, %dma_start3A_937] : memref<1000000x64xf32, #tpu.memory_space<hbm>> -> memref<1x64xf32, #tpu.memory_space<hbm>>
            %dma_start3A_939 = tpu.memref_squeeze %dma_start3A_938 : memref<1x64xf32, #tpu.memory_space<hbm>> -> memref<64xf32, #tpu.memory_space<hbm>>
            tpu.enqueue_dma source(%dma_start3A_939 : memref<64xf32, #tpu.memory_space<hbm>>) target(%dma_start3A_936 : memref<64xf32, #tpu.memory_space<vmem>>) target_semaphore(%arg7 : memref<!tpu.dma_semaphore, #tpu.memory_space<semaphore_mem>>)
            %slice3A_940 = vector.extract_strided_slice %get3A_813 {offsets = [7], sizes = [1], strides = [1]} : vector<16xi32> to vector<1xi32>
            %squeeze3A_941 = vector.extract %slice3A_940[0] : i32 from vector<1xi32>
            %mul3A_942 = arith.constant 8 : i32
            %mul3A_943 = arith.muli %scan3A_230, %mul3A_942 : i32
            %add3A_944 = arith.constant 7 : i32
            %add3A_945 = arith.addi %mul3A_943, %add3A_944 : i32
            %dma_start3A_946 = arith.constant 0 : i32
            %dma_start3A_947 = tpu.memref_slice %arg14[%add3A_945, %dma_start3A_946] : memref<200x64xf32, #tpu.memory_space<vmem>> -> memref<1x64xf32, #tpu.memory_space<vmem>>
            %dma_start3A_948 = tpu.memref_squeeze %dma_start3A_947 : memref<1x64xf32, #tpu.memory_space<vmem>> -> memref<64xf32, #tpu.memory_space<vmem>>
            %dma_start3A_949 = arith.constant 0 : i32
            %dma_start3A_950 = tpu.memref_slice %arg3[%squeeze3A_941, %dma_start3A_949] : memref<1000000x64xf32, #tpu.memory_space<hbm>> -> memref<1x64xf32, #tpu.memory_space<hbm>>
            %dma_start3A_951 = tpu.memref_squeeze %dma_start3A_950 : memref<1x64xf32, #tpu.memory_space<hbm>> -> memref<64xf32, #tpu.memory_space<hbm>>
            %dma_start3A_952 = arith.constant 0 : i32
            %dma_start3A_953 = tpu.memref_slice %arg14[%add3A_945, %dma_start3A_952] : memref<200x64xf32, #tpu.memory_space<vmem>> -> memref<1x64xf32, #tpu.memory_space<vmem>>
            %dma_start3A_954 = tpu.memref_squeeze %dma_start3A_953 : memref<1x64xf32, #tpu.memory_space<vmem>> -> memref<64xf32, #tpu.memory_space<vmem>>
            %dma_start3A_955 = arith.constant 0 : i32
            %dma_start3A_956 = tpu.memref_slice %arg3[%squeeze3A_941, %dma_start3A_955] : memref<1000000x64xf32, #tpu.memory_space<hbm>> -> memref<1x64xf32, #tpu.memory_space<hbm>>
            %dma_start3A_957 = tpu.memref_squeeze %dma_start3A_956 : memref<1x64xf32, #tpu.memory_space<hbm>> -> memref<64xf32, #tpu.memory_space<hbm>>
            tpu.enqueue_dma source(%dma_start3A_957 : memref<64xf32, #tpu.memory_space<hbm>>) target(%dma_start3A_954 : memref<64xf32, #tpu.memory_space<vmem>>) target_semaphore(%arg7 : memref<!tpu.dma_semaphore, #tpu.memory_space<semaphore_mem>>)
          } else {
          }
          %mul3A_234 = arith.constant 8 : i32
          %mul3A_235 = arith.muli %scan3A_230, %mul3A_234 : i32
          %add3A_236 = arith.constant 0 : i32
          %add3A_237 = arith.addi %mul3A_235, %add3A_236 : i32
          %get3A_238 = arith.index_cast %add3A_237 : i32 to index
          %get3A_239 = arith.constant 0 : index
          %get3A_240 = tpu.vector_load %arg13[%get3A_238, %get3A_239] {strides = array<i32>} : memref<200x64xf32, #tpu.memory_space<vmem>>, vector<1x16xf32>,
          %get3A_241 = vector.shape_cast %get3A_240 : vector<1x16xf32> to vector<16xf32>
          %mul3A_242 = arith.constant 64 : i32
          %mul3A_243 = arith.muli %add3A_237, %mul3A_242 : i32
          %add3A_244 = arith.constant 0 : i32
          %add3A_245 = arith.addi %mul3A_243, %add3A_244 : i32
          %get3A_246 = arith.index_cast %add3A_245 : i32 to index
          %get3A_247 = tpu.vector_load %arg12[%get3A_246] {strides = array<i32>} : memref<12800xf32, #tpu.memory_space<vmem>>, vector<16xf32>,
          %get3A_248 = vector.shape_cast %get3A_247 : vector<16xf32> to vector<16xf32>
          %add3A_249 = arith.addf %get3A_241, %get3A_248 : vector<16xf32>
          %swap3A = arith.index_cast %add3A_237 : i32 to index
          %swap3A_250 = arith.constant 0 : index
          %swap3A_251 = tpu.vector_load %arg13[%swap3A, %swap3A_250] {strides = array<i32>} : memref<200x64xf32, #tpu.memory_space<vmem>>, vector<1x16xf32>,
          %swap3A_252 = vector.shape_cast %swap3A_251 : vector<1x16xf32> to vector<16xf32>
          %swap3A_253 = vector.shape_cast %add3A_249 : vector<16xf32> to vector<1x16xf32>
          tpu.vector_store %arg13[%swap3A, %swap3A_250], %swap3A_253 {strides = array<i32>} : memref<200x64xf32, #tpu.memory_space<vmem>>, vector<1x16xf32>,
          %get3A_254 = arith.index_cast %add3A_237 : i32 to index
          %get3A_255 = arith.constant 16 : index
          %get3A_256 = tpu.vector_load %arg13[%get3A_254, %get3A_255] {strides = array<i32>} : memref<200x64xf32, #tpu.memory_space<vmem>>, vector<1x16xf32>,
          %get3A_257 = vector.shape_cast %get3A_256 : vector<1x16xf32> to vector<16xf32>
          %mul3A_258 = arith.constant 64 : i32
          %mul3A_259 = arith.muli %add3A_237, %mul3A_258 : i32
          %add3A_260 = arith.constant 16 : i32
          %add3A_261 = arith.addi %mul3A_259, %add3A_260 : i32
          %get3A_262 = arith.index_cast %add3A_261 : i32 to index
          %get3A_263 = tpu.vector_load %arg12[%get3A_262] {strides = array<i32>} : memref<12800xf32, #tpu.memory_space<vmem>>, vector<16xf32>,
          %get3A_264 = vector.shape_cast %get3A_263 : vector<16xf32> to vector<16xf32>
          %add3A_265 = arith.addf %get3A_257, %get3A_264 : vector<16xf32>
          %swap3A_266 = arith.index_cast %add3A_237 : i32 to index
          %swap3A_267 = arith.constant 16 : index
          %swap3A_268 = tpu.vector_load %arg13[%swap3A_266, %swap3A_267] {strides = array<i32>} : memref<200x64xf32, #tpu.memory_space<vmem>>, vector<1x16xf32>,
          %swap3A_269 = vector.shape_cast %swap3A_268 : vector<1x16xf32> to vector<16xf32>
          %swap3A_270 = vector.shape_cast %add3A_265 : vector<16xf32> to vector<1x16xf32>
          tpu.vector_store %arg13[%swap3A_266, %swap3A_267], %swap3A_270 {strides = array<i32>} : memref<200x64xf32, #tpu.memory_space<vmem>>, vector<1x16xf32>,
          %get3A_271 = arith.index_cast %add3A_237 : i32 to index
          %get3A_272 = arith.constant 32 : index
          %get3A_273 = tpu.vector_load %arg13[%get3A_271, %get3A_272] {strides = array<i32>} : memref<200x64xf32, #tpu.memory_space<vmem>>, vector<1x16xf32>,
          %get3A_274 = vector.shape_cast %get3A_273 : vector<1x16xf32> to vector<16xf32>
          %mul3A_275 = arith.constant 64 : i32
          %mul3A_276 = arith.muli %add3A_237, %mul3A_275 : i32
          %add3A_277 = arith.constant 32 : i32
          %add3A_278 = arith.addi %mul3A_276, %add3A_277 : i32
          %get3A_279 = arith.index_cast %add3A_278 : i32 to index
          %get3A_280 = tpu.vector_load %arg12[%get3A_279] {strides = array<i32>} : memref<12800xf32, #tpu.memory_space<vmem>>, vector<16xf32>,
          %get3A_281 = vector.shape_cast %get3A_280 : vector<16xf32> to vector<16xf32>
          %add3A_282 = arith.addf %get3A_274, %get3A_281 : vector<16xf32>
          %swap3A_283 = arith.index_cast %add3A_237 : i32 to index
          %swap3A_284 = arith.constant 32 : index
          %swap3A_285 = tpu.vector_load %arg13[%swap3A_283, %swap3A_284] {strides = array<i32>} : memref<200x64xf32, #tpu.memory_space<vmem>>, vector<1x16xf32>,
          %swap3A_286 = vector.shape_cast %swap3A_285 : vector<1x16xf32> to vector<16xf32>
          %swap3A_287 = vector.shape_cast %add3A_282 : vector<16xf32> to vector<1x16xf32>
          tpu.vector_store %arg13[%swap3A_283, %swap3A_284], %swap3A_287 {strides = array<i32>} : memref<200x64xf32, #tpu.memory_space<vmem>>, vector<1x16xf32>,
          %get3A_288 = arith.index_cast %add3A_237 : i32 to index
          %get3A_289 = arith.constant 48 : index
          %get3A_290 = tpu.vector_load %arg13[%get3A_288, %get3A_289] {strides = array<i32>} : memref<200x64xf32, #tpu.memory_space<vmem>>, vector<1x16xf32>,
          %get3A_291 = vector.shape_cast %get3A_290 : vector<1x16xf32> to vector<16xf32>
          %mul3A_292 = arith.constant 64 : i32
          %mul3A_293 = arith.muli %add3A_237, %mul3A_292 : i32
          %add3A_294 = arith.constant 48 : i32
          %add3A_295 = arith.addi %mul3A_293, %add3A_294 : i32
          %get3A_296 = arith.index_cast %add3A_295 : i32 to index
          %get3A_297 = tpu.vector_load %arg12[%get3A_296] {strides = array<i32>} : memref<12800xf32, #tpu.memory_space<vmem>>, vector<16xf32>,
          %get3A_298 = vector.shape_cast %get3A_297 : vector<16xf32> to vector<16xf32>
          %add3A_299 = arith.addf %get3A_291, %get3A_298 : vector<16xf32>
          %swap3A_300 = arith.index_cast %add3A_237 : i32 to index
          %swap3A_301 = arith.constant 48 : index
          %swap3A_302 = tpu.vector_load %arg13[%swap3A_300, %swap3A_301] {strides = array<i32>} : memref<200x64xf32, #tpu.memory_space<vmem>>, vector<1x16xf32>,
          %swap3A_303 = vector.shape_cast %swap3A_302 : vector<1x16xf32> to vector<16xf32>
          %swap3A_304 = vector.shape_cast %add3A_299 : vector<16xf32> to vector<1x16xf32>
          tpu.vector_store %arg13[%swap3A_300, %swap3A_301], %swap3A_304 {strides = array<i32>} : memref<200x64xf32, #tpu.memory_space<vmem>>, vector<1x16xf32>,
          %mul3A_305 = arith.constant 8 : i32
          %mul3A_306 = arith.muli %scan3A_230, %mul3A_305 : i32
          %add3A_307 = arith.constant 1 : i32
          %add3A_308 = arith.addi %mul3A_306, %add3A_307 : i32
          %get3A_309 = arith.index_cast %add3A_308 : i32 to index
          %get3A_310 = arith.constant 0 : index
          %get3A_311 = tpu.vector_load %arg13[%get3A_309, %get3A_310] {strides = array<i32>} : memref<200x64xf32, #tpu.memory_space<vmem>>, vector<1x16xf32>,
          %get3A_312 = vector.shape_cast %get3A_311 : vector<1x16xf32> to vector<16xf32>
          %mul3A_313 = arith.constant 64 : i32
          %mul3A_314 = arith.muli %add3A_308, %mul3A_313 : i32
          %add3A_315 = arith.constant 0 : i32
          %add3A_316 = arith.addi %mul3A_314, %add3A_315 : i32
          %get3A_317 = arith.index_cast %add3A_316 : i32 to index
          %get3A_318 = tpu.vector_load %arg12[%get3A_317] {strides = array<i32>} : memref<12800xf32, #tpu.memory_space<vmem>>, vector<16xf32>,
          %get3A_319 = vector.shape_cast %get3A_318 : vector<16xf32> to vector<16xf32>
          %add3A_320 = arith.addf %get3A_312, %get3A_319 : vector<16xf32>
          %swap3A_321 = arith.index_cast %add3A_308 : i32 to index
          %swap3A_322 = arith.constant 0 : index
          %swap3A_323 = tpu.vector_load %arg13[%swap3A_321, %swap3A_322] {strides = array<i32>} : memref<200x64xf32, #tpu.memory_space<vmem>>, vector<1x16xf32>,
          %swap3A_324 = vector.shape_cast %swap3A_323 : vector<1x16xf32> to vector<16xf32>
          %swap3A_325 = vector.shape_cast %add3A_320 : vector<16xf32> to vector<1x16xf32>
          tpu.vector_store %arg13[%swap3A_321, %swap3A_322], %swap3A_325 {strides = array<i32>} : memref<200x64xf32, #tpu.memory_space<vmem>>, vector<1x16xf32>,
          %get3A_326 = arith.index_cast %add3A_308 : i32 to index
          %get3A_327 = arith.constant 16 : index
          %get3A_328 = tpu.vector_load %arg13[%get3A_326, %get3A_327] {strides = array<i32>} : memref<200x64xf32, #tpu.memory_space<vmem>>, vector<1x16xf32>,
          %get3A_329 = vector.shape_cast %get3A_328 : vector<1x16xf32> to vector<16xf32>
          %mul3A_330 = arith.constant 64 : i32
          %mul3A_331 = arith.muli %add3A_308, %mul3A_330 : i32
          %add3A_332 = arith.constant 16 : i32
          %add3A_333 = arith.addi %mul3A_331, %add3A_332 : i32
          %get3A_334 = arith.index_cast %add3A_333 : i32 to index
          %get3A_335 = tpu.vector_load %arg12[%get3A_334] {strides = array<i32>} : memref<12800xf32, #tpu.memory_space<vmem>>, vector<16xf32>,
          %get3A_336 = vector.shape_cast %get3A_335 : vector<16xf32> to vector<16xf32>
          %add3A_337 = arith.addf %get3A_329, %get3A_336 : vector<16xf32>
          %swap3A_338 = arith.index_cast %add3A_308 : i32 to index
          %swap3A_339 = arith.constant 16 : index
          %swap3A_340 = tpu.vector_load %arg13[%swap3A_338, %swap3A_339] {strides = array<i32>} : memref<200x64xf32, #tpu.memory_space<vmem>>, vector<1x16xf32>,
          %swap3A_341 = vector.shape_cast %swap3A_340 : vector<1x16xf32> to vector<16xf32>
          %swap3A_342 = vector.shape_cast %add3A_337 : vector<16xf32> to vector<1x16xf32>
          tpu.vector_store %arg13[%swap3A_338, %swap3A_339], %swap3A_342 {strides = array<i32>} : memref<200x64xf32, #tpu.memory_space<vmem>>, vector<1x16xf32>,
          %get3A_343 = arith.index_cast %add3A_308 : i32 to index
          %get3A_344 = arith.constant 32 : index
          %get3A_345 = tpu.vector_load %arg13[%get3A_343, %get3A_344] {strides = array<i32>} : memref<200x64xf32, #tpu.memory_space<vmem>>, vector<1x16xf32>,
          %get3A_346 = vector.shape_cast %get3A_345 : vector<1x16xf32> to vector<16xf32>
          %mul3A_347 = arith.constant 64 : i32
          %mul3A_348 = arith.muli %add3A_308, %mul3A_347 : i32
          %add3A_349 = arith.constant 32 : i32
          %add3A_350 = arith.addi %mul3A_348, %add3A_349 : i32
          %get3A_351 = arith.index_cast %add3A_350 : i32 to index
          %get3A_352 = tpu.vector_load %arg12[%get3A_351] {strides = array<i32>} : memref<12800xf32, #tpu.memory_space<vmem>>, vector<16xf32>,
          %get3A_353 = vector.shape_cast %get3A_352 : vector<16xf32> to vector<16xf32>
          %add3A_354 = arith.addf %get3A_346, %get3A_353 : vector<16xf32>
          %swap3A_355 = arith.index_cast %add3A_308 : i32 to index
          %swap3A_356 = arith.constant 32 : index
          %swap3A_357 = tpu.vector_load %arg13[%swap3A_355, %swap3A_356] {strides = array<i32>} : memref<200x64xf32, #tpu.memory_space<vmem>>, vector<1x16xf32>,
          %swap3A_358 = vector.shape_cast %swap3A_357 : vector<1x16xf32> to vector<16xf32>
          %swap3A_359 = vector.shape_cast %add3A_354 : vector<16xf32> to vector<1x16xf32>
          tpu.vector_store %arg13[%swap3A_355, %swap3A_356], %swap3A_359 {strides = array<i32>} : memref<200x64xf32, #tpu.memory_space<vmem>>, vector<1x16xf32>,
          %get3A_360 = arith.index_cast %add3A_308 : i32 to index
          %get3A_361 = arith.constant 48 : index
          %get3A_362 = tpu.vector_load %arg13[%get3A_360, %get3A_361] {strides = array<i32>} : memref<200x64xf32, #tpu.memory_space<vmem>>, vector<1x16xf32>,
          %get3A_363 = vector.shape_cast %get3A_362 : vector<1x16xf32> to vector<16xf32>
          %mul3A_364 = arith.constant 64 : i32
          %mul3A_365 = arith.muli %add3A_308, %mul3A_364 : i32
          %add3A_366 = arith.constant 48 : i32
          %add3A_367 = arith.addi %mul3A_365, %add3A_366 : i32
          %get3A_368 = arith.index_cast %add3A_367 : i32 to index
          %get3A_369 = tpu.vector_load %arg12[%get3A_368] {strides = array<i32>} : memref<12800xf32, #tpu.memory_space<vmem>>, vector<16xf32>,
          %get3A_370 = vector.shape_cast %get3A_369 : vector<16xf32> to vector<16xf32>
          %add3A_371 = arith.addf %get3A_363, %get3A_370 : vector<16xf32>
          %swap3A_372 = arith.index_cast %add3A_308 : i32 to index
          %swap3A_373 = arith.constant 48 : index
          %swap3A_374 = tpu.vector_load %arg13[%swap3A_372, %swap3A_373] {strides = array<i32>} : memref<200x64xf32, #tpu.memory_space<vmem>>, vector<1x16xf32>,
          %swap3A_375 = vector.shape_cast %swap3A_374 : vector<1x16xf32> to vector<16xf32>
          %swap3A_376 = vector.shape_cast %add3A_371 : vector<16xf32> to vector<1x16xf32>
          tpu.vector_store %arg13[%swap3A_372, %swap3A_373], %swap3A_376 {strides = array<i32>} : memref<200x64xf32, #tpu.memory_space<vmem>>, vector<1x16xf32>,
          %mul3A_377 = arith.constant 8 : i32
          %mul3A_378 = arith.muli %scan3A_230, %mul3A_377 : i32
          %add3A_379 = arith.constant 2 : i32
          %add3A_380 = arith.addi %mul3A_378, %add3A_379 : i32
          %get3A_381 = arith.index_cast %add3A_380 : i32 to index
          %get3A_382 = arith.constant 0 : index
          %get3A_383 = tpu.vector_load %arg13[%get3A_381, %get3A_382] {strides = array<i32>} : memref<200x64xf32, #tpu.memory_space<vmem>>, vector<1x16xf32>,
          %get3A_384 = vector.shape_cast %get3A_383 : vector<1x16xf32> to vector<16xf32>
          %mul3A_385 = arith.constant 64 : i32
          %mul3A_386 = arith.muli %add3A_380, %mul3A_385 : i32
          %add3A_387 = arith.constant 0 : i32
          %add3A_388 = arith.addi %mul3A_386, %add3A_387 : i32
          %get3A_389 = arith.index_cast %add3A_388 : i32 to index
          %get3A_390 = tpu.vector_load %arg12[%get3A_389] {strides = array<i32>} : memref<12800xf32, #tpu.memory_space<vmem>>, vector<16xf32>,
          %get3A_391 = vector.shape_cast %get3A_390 : vector<16xf32> to vector<16xf32>
          %add3A_392 = arith.addf %get3A_384, %get3A_391 : vector<16xf32>
          %swap3A_393 = arith.index_cast %add3A_380 : i32 to index
          %swap3A_394 = arith.constant 0 : index
          %swap3A_395 = tpu.vector_load %arg13[%swap3A_393, %swap3A_394] {strides = array<i32>} : memref<200x64xf32, #tpu.memory_space<vmem>>, vector<1x16xf32>,
          %swap3A_396 = vector.shape_cast %swap3A_395 : vector<1x16xf32> to vector<16xf32>
          %swap3A_397 = vector.shape_cast %add3A_392 : vector<16xf32> to vector<1x16xf32>
          tpu.vector_store %arg13[%swap3A_393, %swap3A_394], %swap3A_397 {strides = array<i32>} : memref<200x64xf32, #tpu.memory_space<vmem>>, vector<1x16xf32>,
          %get3A_398 = arith.index_cast %add3A_380 : i32 to index
          %get3A_399 = arith.constant 16 : index
          %get3A_400 = tpu.vector_load %arg13[%get3A_398, %get3A_399] {strides = array<i32>} : memref<200x64xf32, #tpu.memory_space<vmem>>, vector<1x16xf32>,
          %get3A_401 = vector.shape_cast %get3A_400 : vector<1x16xf32> to vector<16xf32>
          %mul3A_402 = arith.constant 64 : i32
          %mul3A_403 = arith.muli %add3A_380, %mul3A_402 : i32
          %add3A_404 = arith.constant 16 : i32
          %add3A_405 = arith.addi %mul3A_403, %add3A_404 : i32
          %get3A_406 = arith.index_cast %add3A_405 : i32 to index
          %get3A_407 = tpu.vector_load %arg12[%get3A_406] {strides = array<i32>} : memref<12800xf32, #tpu.memory_space<vmem>>, vector<16xf32>,
          %get3A_408 = vector.shape_cast %get3A_407 : vector<16xf32> to vector<16xf32>
          %add3A_409 = arith.addf %get3A_401, %get3A_408 : vector<16xf32>
          %swap3A_410 = arith.index_cast %add3A_380 : i32 to index
          %swap3A_411 = arith.constant 16 : index
          %swap3A_412 = tpu.vector_load %arg13[%swap3A_410, %swap3A_411] {strides = array<i32>} : memref<200x64xf32, #tpu.memory_space<vmem>>, vector<1x16xf32>,
          %swap3A_413 = vector.shape_cast %swap3A_412 : vector<1x16xf32> to vector<16xf32>
          %swap3A_414 = vector.shape_cast %add3A_409 : vector<16xf32> to vector<1x16xf32>
          tpu.vector_store %arg13[%swap3A_410, %swap3A_411], %swap3A_414 {strides = array<i32>} : memref<200x64xf32, #tpu.memory_space<vmem>>, vector<1x16xf32>,
          %get3A_415 = arith.index_cast %add3A_380 : i32 to index
          %get3A_416 = arith.constant 32 : index
          %get3A_417 = tpu.vector_load %arg13[%get3A_415, %get3A_416] {strides = array<i32>} : memref<200x64xf32, #tpu.memory_space<vmem>>, vector<1x16xf32>,
          %get3A_418 = vector.shape_cast %get3A_417 : vector<1x16xf32> to vector<16xf32>
          %mul3A_419 = arith.constant 64 : i32
          %mul3A_420 = arith.muli %add3A_380, %mul3A_419 : i32
          %add3A_421 = arith.constant 32 : i32
          %add3A_422 = arith.addi %mul3A_420, %add3A_421 : i32
          %get3A_423 = arith.index_cast %add3A_422 : i32 to index
          %get3A_424 = tpu.vector_load %arg12[%get3A_423] {strides = array<i32>} : memref<12800xf32, #tpu.memory_space<vmem>>, vector<16xf32>,
          %get3A_425 = vector.shape_cast %get3A_424 : vector<16xf32> to vector<16xf32>
          %add3A_426 = arith.addf %get3A_418, %get3A_425 : vector<16xf32>
          %swap3A_427 = arith.index_cast %add3A_380 : i32 to index
          %swap3A_428 = arith.constant 32 : index
          %swap3A_429 = tpu.vector_load %arg13[%swap3A_427, %swap3A_428] {strides = array<i32>} : memref<200x64xf32, #tpu.memory_space<vmem>>, vector<1x16xf32>,
          %swap3A_430 = vector.shape_cast %swap3A_429 : vector<1x16xf32> to vector<16xf32>
          %swap3A_431 = vector.shape_cast %add3A_426 : vector<16xf32> to vector<1x16xf32>
          tpu.vector_store %arg13[%swap3A_427, %swap3A_428], %swap3A_431 {strides = array<i32>} : memref<200x64xf32, #tpu.memory_space<vmem>>, vector<1x16xf32>,
          %get3A_432 = arith.index_cast %add3A_380 : i32 to index
          %get3A_433 = arith.constant 48 : index
          %get3A_434 = tpu.vector_load %arg13[%get3A_432, %get3A_433] {strides = array<i32>} : memref<200x64xf32, #tpu.memory_space<vmem>>, vector<1x16xf32>,
          %get3A_435 = vector.shape_cast %get3A_434 : vector<1x16xf32> to vector<16xf32>
          %mul3A_436 = arith.constant 64 : i32
          %mul3A_437 = arith.muli %add3A_380, %mul3A_436 : i32
          %add3A_438 = arith.constant 48 : i32
          %add3A_439 = arith.addi %mul3A_437, %add3A_438 : i32
          %get3A_440 = arith.index_cast %add3A_439 : i32 to index
          %get3A_441 = tpu.vector_load %arg12[%get3A_440] {strides = array<i32>} : memref<12800xf32, #tpu.memory_space<vmem>>, vector<16xf32>,
          %get3A_442 = vector.shape_cast %get3A_441 : vector<16xf32> to vector<16xf32>
          %add3A_443 = arith.addf %get3A_435, %get3A_442 : vector<16xf32>
          %swap3A_444 = arith.index_cast %add3A_380 : i32 to index
          %swap3A_445 = arith.constant 48 : index
          %swap3A_446 = tpu.vector_load %arg13[%swap3A_444, %swap3A_445] {strides = array<i32>} : memref<200x64xf32, #tpu.memory_space<vmem>>, vector<1x16xf32>,
          %swap3A_447 = vector.shape_cast %swap3A_446 : vector<1x16xf32> to vector<16xf32>
          %swap3A_448 = vector.shape_cast %add3A_443 : vector<16xf32> to vector<1x16xf32>
          tpu.vector_store %arg13[%swap3A_444, %swap3A_445], %swap3A_448 {strides = array<i32>} : memref<200x64xf32, #tpu.memory_space<vmem>>, vector<1x16xf32>,
          %mul3A_449 = arith.constant 8 : i32
          %mul3A_450 = arith.muli %scan3A_230, %mul3A_449 : i32
          %add3A_451 = arith.constant 3 : i32
          %add3A_452 = arith.addi %mul3A_450, %add3A_451 : i32
          %get3A_453 = arith.index_cast %add3A_452 : i32 to index
          %get3A_454 = arith.constant 0 : index
          %get3A_455 = tpu.vector_load %arg13[%get3A_453, %get3A_454] {strides = array<i32>} : memref<200x64xf32, #tpu.memory_space<vmem>>, vector<1x16xf32>,
          %get3A_456 = vector.shape_cast %get3A_455 : vector<1x16xf32> to vector<16xf32>
          %mul3A_457 = arith.constant 64 : i32
          %mul3A_458 = arith.muli %add3A_452, %mul3A_457 : i32
          %add3A_459 = arith.constant 0 : i32
          %add3A_460 = arith.addi %mul3A_458, %add3A_459 : i32
          %get3A_461 = arith.index_cast %add3A_460 : i32 to index
          %get3A_462 = tpu.vector_load %arg12[%get3A_461] {strides = array<i32>} : memref<12800xf32, #tpu.memory_space<vmem>>, vector<16xf32>,
          %get3A_463 = vector.shape_cast %get3A_462 : vector<16xf32> to vector<16xf32>
          %add3A_464 = arith.addf %get3A_456, %get3A_463 : vector<16xf32>
          %swap3A_465 = arith.index_cast %add3A_452 : i32 to index
          %swap3A_466 = arith.constant 0 : index
          %swap3A_467 = tpu.vector_load %arg13[%swap3A_465, %swap3A_466] {strides = array<i32>} : memref<200x64xf32, #tpu.memory_space<vmem>>, vector<1x16xf32>,
          %swap3A_468 = vector.shape_cast %swap3A_467 : vector<1x16xf32> to vector<16xf32>
          %swap3A_469 = vector.shape_cast %add3A_464 : vector<16xf32> to vector<1x16xf32>
          tpu.vector_store %arg13[%swap3A_465, %swap3A_466], %swap3A_469 {strides = array<i32>} : memref<200x64xf32, #tpu.memory_space<vmem>>, vector<1x16xf32>,
          %get3A_470 = arith.index_cast %add3A_452 : i32 to index
          %get3A_471 = arith.constant 16 : index
          %get3A_472 = tpu.vector_load %arg13[%get3A_470, %get3A_471] {strides = array<i32>} : memref<200x64xf32, #tpu.memory_space<vmem>>, vector<1x16xf32>,
          %get3A_473 = vector.shape_cast %get3A_472 : vector<1x16xf32> to vector<16xf32>
          %mul3A_474 = arith.constant 64 : i32
          %mul3A_475 = arith.muli %add3A_452, %mul3A_474 : i32
          %add3A_476 = arith.constant 16 : i32
          %add3A_477 = arith.addi %mul3A_475, %add3A_476 : i32
          %get3A_478 = arith.index_cast %add3A_477 : i32 to index
          %get3A_479 = tpu.vector_load %arg12[%get3A_478] {strides = array<i32>} : memref<12800xf32, #tpu.memory_space<vmem>>, vector<16xf32>,
          %get3A_480 = vector.shape_cast %get3A_479 : vector<16xf32> to vector<16xf32>
          %add3A_481 = arith.addf %get3A_473, %get3A_480 : vector<16xf32>
          %swap3A_482 = arith.index_cast %add3A_452 : i32 to index
          %swap3A_483 = arith.constant 16 : index
          %swap3A_484 = tpu.vector_load %arg13[%swap3A_482, %swap3A_483] {strides = array<i32>} : memref<200x64xf32, #tpu.memory_space<vmem>>, vector<1x16xf32>,
          %swap3A_485 = vector.shape_cast %swap3A_484 : vector<1x16xf32> to vector<16xf32>
          %swap3A_486 = vector.shape_cast %add3A_481 : vector<16xf32> to vector<1x16xf32>
          tpu.vector_store %arg13[%swap3A_482, %swap3A_483], %swap3A_486 {strides = array<i32>} : memref<200x64xf32, #tpu.memory_space<vmem>>, vector<1x16xf32>,
          %get3A_487 = arith.index_cast %add3A_452 : i32 to index
          %get3A_488 = arith.constant 32 : index
          %get3A_489 = tpu.vector_load %arg13[%get3A_487, %get3A_488] {strides = array<i32>} : memref<200x64xf32, #tpu.memory_space<vmem>>, vector<1x16xf32>,
          %get3A_490 = vector.shape_cast %get3A_489 : vector<1x16xf32> to vector<16xf32>
          %mul3A_491 = arith.constant 64 : i32
          %mul3A_492 = arith.muli %add3A_452, %mul3A_491 : i32
          %add3A_493 = arith.constant 32 : i32
          %add3A_494 = arith.addi %mul3A_492, %add3A_493 : i32
          %get3A_495 = arith.index_cast %add3A_494 : i32 to index
          %get3A_496 = tpu.vector_load %arg12[%get3A_495] {strides = array<i32>} : memref<12800xf32, #tpu.memory_space<vmem>>, vector<16xf32>,
          %get3A_497 = vector.shape_cast %get3A_496 : vector<16xf32> to vector<16xf32>
          %add3A_498 = arith.addf %get3A_490, %get3A_497 : vector<16xf32>
          %swap3A_499 = arith.index_cast %add3A_452 : i32 to index
          %swap3A_500 = arith.constant 32 : index
          %swap3A_501 = tpu.vector_load %arg13[%swap3A_499, %swap3A_500] {strides = array<i32>} : memref<200x64xf32, #tpu.memory_space<vmem>>, vector<1x16xf32>,
          %swap3A_502 = vector.shape_cast %swap3A_501 : vector<1x16xf32> to vector<16xf32>
          %swap3A_503 = vector.shape_cast %add3A_498 : vector<16xf32> to vector<1x16xf32>
          tpu.vector_store %arg13[%swap3A_499, %swap3A_500], %swap3A_503 {strides = array<i32>} : memref<200x64xf32, #tpu.memory_space<vmem>>, vector<1x16xf32>,
          %get3A_504 = arith.index_cast %add3A_452 : i32 to index
          %get3A_505 = arith.constant 48 : index
          %get3A_506 = tpu.vector_load %arg13[%get3A_504, %get3A_505] {strides = array<i32>} : memref<200x64xf32, #tpu.memory_space<vmem>>, vector<1x16xf32>,
          %get3A_507 = vector.shape_cast %get3A_506 : vector<1x16xf32> to vector<16xf32>
          %mul3A_508 = arith.constant 64 : i32
          %mul3A_509 = arith.muli %add3A_452, %mul3A_508 : i32
          %add3A_510 = arith.constant 48 : i32
          %add3A_511 = arith.addi %mul3A_509, %add3A_510 : i32
          %get3A_512 = arith.index_cast %add3A_511 : i32 to index
          %get3A_513 = tpu.vector_load %arg12[%get3A_512] {strides = array<i32>} : memref<12800xf32, #tpu.memory_space<vmem>>, vector<16xf32>,
          %get3A_514 = vector.shape_cast %get3A_513 : vector<16xf32> to vector<16xf32>
          %add3A_515 = arith.addf %get3A_507, %get3A_514 : vector<16xf32>
          %swap3A_516 = arith.index_cast %add3A_452 : i32 to index
          %swap3A_517 = arith.constant 48 : index
          %swap3A_518 = tpu.vector_load %arg13[%swap3A_516, %swap3A_517] {strides = array<i32>} : memref<200x64xf32, #tpu.memory_space<vmem>>, vector<1x16xf32>,
          %swap3A_519 = vector.shape_cast %swap3A_518 : vector<1x16xf32> to vector<16xf32>
          %swap3A_520 = vector.shape_cast %add3A_515 : vector<16xf32> to vector<1x16xf32>
          tpu.vector_store %arg13[%swap3A_516, %swap3A_517], %swap3A_520 {strides = array<i32>} : memref<200x64xf32, #tpu.memory_space<vmem>>, vector<1x16xf32>,
          %mul3A_521 = arith.constant 8 : i32
          %mul3A_522 = arith.muli %scan3A_230, %mul3A_521 : i32
          %add3A_523 = arith.constant 4 : i32
          %add3A_524 = arith.addi %mul3A_522, %add3A_523 : i32
          %get3A_525 = arith.index_cast %add3A_524 : i32 to index
          %get3A_526 = arith.constant 0 : index
          %get3A_527 = tpu.vector_load %arg13[%get3A_525, %get3A_526] {strides = array<i32>} : memref<200x64xf32, #tpu.memory_space<vmem>>, vector<1x16xf32>,
          %get3A_528 = vector.shape_cast %get3A_527 : vector<1x16xf32> to vector<16xf32>
          %mul3A_529 = arith.constant 64 : i32
          %mul3A_530 = arith.muli %add3A_524, %mul3A_529 : i32
          %add3A_531 = arith.constant 0 : i32
          %add3A_532 = arith.addi %mul3A_530, %add3A_531 : i32
          %get3A_533 = arith.index_cast %add3A_532 : i32 to index
          %get3A_534 = tpu.vector_load %arg12[%get3A_533] {strides = array<i32>} : memref<12800xf32, #tpu.memory_space<vmem>>, vector<16xf32>,
          %get3A_535 = vector.shape_cast %get3A_534 : vector<16xf32> to vector<16xf32>
          %add3A_536 = arith.addf %get3A_528, %get3A_535 : vector<16xf32>
          %swap3A_537 = arith.index_cast %add3A_524 : i32 to index
          %swap3A_538 = arith.constant 0 : index
          %swap3A_539 = tpu.vector_load %arg13[%swap3A_537, %swap3A_538] {strides = array<i32>} : memref<200x64xf32, #tpu.memory_space<vmem>>, vector<1x16xf32>,
          %swap3A_540 = vector.shape_cast %swap3A_539 : vector<1x16xf32> to vector<16xf32>
          %swap3A_541 = vector.shape_cast %add3A_536 : vector<16xf32> to vector<1x16xf32>
          tpu.vector_store %arg13[%swap3A_537, %swap3A_538], %swap3A_541 {strides = array<i32>} : memref<200x64xf32, #tpu.memory_space<vmem>>, vector<1x16xf32>,
          %get3A_542 = arith.index_cast %add3A_524 : i32 to index
          %get3A_543 = arith.constant 16 : index
          %get3A_544 = tpu.vector_load %arg13[%get3A_542, %get3A_543] {strides = array<i32>} : memref<200x64xf32, #tpu.memory_space<vmem>>, vector<1x16xf32>,
          %get3A_545 = vector.shape_cast %get3A_544 : vector<1x16xf32> to vector<16xf32>
          %mul3A_546 = arith.constant 64 : i32
          %mul3A_547 = arith.muli %add3A_524, %mul3A_546 : i32
          %add3A_548 = arith.constant 16 : i32
          %add3A_549 = arith.addi %mul3A_547, %add3A_548 : i32
          %get3A_550 = arith.index_cast %add3A_549 : i32 to index
          %get3A_551 = tpu.vector_load %arg12[%get3A_550] {strides = array<i32>} : memref<12800xf32, #tpu.memory_space<vmem>>, vector<16xf32>,
          %get3A_552 = vector.shape_cast %get3A_551 : vector<16xf32> to vector<16xf32>
          %add3A_553 = arith.addf %get3A_545, %get3A_552 : vector<16xf32>
          %swap3A_554 = arith.index_cast %add3A_524 : i32 to index
          %swap3A_555 = arith.constant 16 : index
          %swap3A_556 = tpu.vector_load %arg13[%swap3A_554, %swap3A_555] {strides = array<i32>} : memref<200x64xf32, #tpu.memory_space<vmem>>, vector<1x16xf32>,
          %swap3A_557 = vector.shape_cast %swap3A_556 : vector<1x16xf32> to vector<16xf32>
          %swap3A_558 = vector.shape_cast %add3A_553 : vector<16xf32> to vector<1x16xf32>
          tpu.vector_store %arg13[%swap3A_554, %swap3A_555], %swap3A_558 {strides = array<i32>} : memref<200x64xf32, #tpu.memory_space<vmem>>, vector<1x16xf32>,
          %get3A_559 = arith.index_cast %add3A_524 : i32 to index
          %get3A_560 = arith.constant 32 : index
          %get3A_561 = tpu.vector_load %arg13[%get3A_559, %get3A_560] {strides = array<i32>} : memref<200x64xf32, #tpu.memory_space<vmem>>, vector<1x16xf32>,
          %get3A_562 = vector.shape_cast %get3A_561 : vector<1x16xf32> to vector<16xf32>
          %mul3A_563 = arith.constant 64 : i32
          %mul3A_564 = arith.muli %add3A_524, %mul3A_563 : i32
          %add3A_565 = arith.constant 32 : i32
          %add3A_566 = arith.addi %mul3A_564, %add3A_565 : i32
          %get3A_567 = arith.index_cast %add3A_566 : i32 to index
          %get3A_568 = tpu.vector_load %arg12[%get3A_567] {strides = array<i32>} : memref<12800xf32, #tpu.memory_space<vmem>>, vector<16xf32>,
          %get3A_569 = vector.shape_cast %get3A_568 : vector<16xf32> to vector<16xf32>
          %add3A_570 = arith.addf %get3A_562, %get3A_569 : vector<16xf32>
          %swap3A_571 = arith.index_cast %add3A_524 : i32 to index
          %swap3A_572 = arith.constant 32 : index
          %swap3A_573 = tpu.vector_load %arg13[%swap3A_571, %swap3A_572] {strides = array<i32>} : memref<200x64xf32, #tpu.memory_space<vmem>>, vector<1x16xf32>,
          %swap3A_574 = vector.shape_cast %swap3A_573 : vector<1x16xf32> to vector<16xf32>
          %swap3A_575 = vector.shape_cast %add3A_570 : vector<16xf32> to vector<1x16xf32>
          tpu.vector_store %arg13[%swap3A_571, %swap3A_572], %swap3A_575 {strides = array<i32>} : memref<200x64xf32, #tpu.memory_space<vmem>>, vector<1x16xf32>,
          %get3A_576 = arith.index_cast %add3A_524 : i32 to index
          %get3A_577 = arith.constant 48 : index
          %get3A_578 = tpu.vector_load %arg13[%get3A_576, %get3A_577] {strides = array<i32>} : memref<200x64xf32, #tpu.memory_space<vmem>>, vector<1x16xf32>,
          %get3A_579 = vector.shape_cast %get3A_578 : vector<1x16xf32> to vector<16xf32>
          %mul3A_580 = arith.constant 64 : i32
          %mul3A_581 = arith.muli %add3A_524, %mul3A_580 : i32
          %add3A_582 = arith.constant 48 : i32
          %add3A_583 = arith.addi %mul3A_581, %add3A_582 : i32
          %get3A_584 = arith.index_cast %add3A_583 : i32 to index
          %get3A_585 = tpu.vector_load %arg12[%get3A_584] {strides = array<i32>} : memref<12800xf32, #tpu.memory_space<vmem>>, vector<16xf32>,
          %get3A_586 = vector.shape_cast %get3A_585 : vector<16xf32> to vector<16xf32>
          %add3A_587 = arith.addf %get3A_579, %get3A_586 : vector<16xf32>
          %swap3A_588 = arith.index_cast %add3A_524 : i32 to index
          %swap3A_589 = arith.constant 48 : index
          %swap3A_590 = tpu.vector_load %arg13[%swap3A_588, %swap3A_589] {strides = array<i32>} : memref<200x64xf32, #tpu.memory_space<vmem>>, vector<1x16xf32>,
          %swap3A_591 = vector.shape_cast %swap3A_590 : vector<1x16xf32> to vector<16xf32>
          %swap3A_592 = vector.shape_cast %add3A_587 : vector<16xf32> to vector<1x16xf32>
          tpu.vector_store %arg13[%swap3A_588, %swap3A_589], %swap3A_592 {strides = array<i32>} : memref<200x64xf32, #tpu.memory_space<vmem>>, vector<1x16xf32>,
          %mul3A_593 = arith.constant 8 : i32
          %mul3A_594 = arith.muli %scan3A_230, %mul3A_593 : i32
          %add3A_595 = arith.constant 5 : i32
          %add3A_596 = arith.addi %mul3A_594, %add3A_595 : i32
          %get3A_597 = arith.index_cast %add3A_596 : i32 to index
          %get3A_598 = arith.constant 0 : index
          %get3A_599 = tpu.vector_load %arg13[%get3A_597, %get3A_598] {strides = array<i32>} : memref<200x64xf32, #tpu.memory_space<vmem>>, vector<1x16xf32>,
          %get3A_600 = vector.shape_cast %get3A_599 : vector<1x16xf32> to vector<16xf32>
          %mul3A_601 = arith.constant 64 : i32
          %mul3A_602 = arith.muli %add3A_596, %mul3A_601 : i32
          %add3A_603 = arith.constant 0 : i32
          %add3A_604 = arith.addi %mul3A_602, %add3A_603 : i32
          %get3A_605 = arith.index_cast %add3A_604 : i32 to index
          %get3A_606 = tpu.vector_load %arg12[%get3A_605] {strides = array<i32>} : memref<12800xf32, #tpu.memory_space<vmem>>, vector<16xf32>,
          %get3A_607 = vector.shape_cast %get3A_606 : vector<16xf32> to vector<16xf32>
          %add3A_608 = arith.addf %get3A_600, %get3A_607 : vector<16xf32>
          %swap3A_609 = arith.index_cast %add3A_596 : i32 to index
          %swap3A_610 = arith.constant 0 : index
          %swap3A_611 = tpu.vector_load %arg13[%swap3A_609, %swap3A_610] {strides = array<i32>} : memref<200x64xf32, #tpu.memory_space<vmem>>, vector<1x16xf32>,
          %swap3A_612 = vector.shape_cast %swap3A_611 : vector<1x16xf32> to vector<16xf32>
          %swap3A_613 = vector.shape_cast %add3A_608 : vector<16xf32> to vector<1x16xf32>
          tpu.vector_store %arg13[%swap3A_609, %swap3A_610], %swap3A_613 {strides = array<i32>} : memref<200x64xf32, #tpu.memory_space<vmem>>, vector<1x16xf32>,
          %get3A_614 = arith.index_cast %add3A_596 : i32 to index
          %get3A_615 = arith.constant 16 : index
          %get3A_616 = tpu.vector_load %arg13[%get3A_614, %get3A_615] {strides = array<i32>} : memref<200x64xf32, #tpu.memory_space<vmem>>, vector<1x16xf32>,
          %get3A_617 = vector.shape_cast %get3A_616 : vector<1x16xf32> to vector<16xf32>
          %mul3A_618 = arith.constant 64 : i32
          %mul3A_619 = arith.muli %add3A_596, %mul3A_618 : i32
          %add3A_620 = arith.constant 16 : i32
          %add3A_621 = arith.addi %mul3A_619, %add3A_620 : i32
          %get3A_622 = arith.index_cast %add3A_621 : i32 to index
          %get3A_623 = tpu.vector_load %arg12[%get3A_622] {strides = array<i32>} : memref<12800xf32, #tpu.memory_space<vmem>>, vector<16xf32>,
          %get3A_624 = vector.shape_cast %get3A_623 : vector<16xf32> to vector<16xf32>
          %add3A_625 = arith.addf %get3A_617, %get3A_624 : vector<16xf32>
          %swap3A_626 = arith.index_cast %add3A_596 : i32 to index
          %swap3A_627 = arith.constant 16 : index
          %swap3A_628 = tpu.vector_load %arg13[%swap3A_626, %swap3A_627] {strides = array<i32>} : memref<200x64xf32, #tpu.memory_space<vmem>>, vector<1x16xf32>,
          %swap3A_629 = vector.shape_cast %swap3A_628 : vector<1x16xf32> to vector<16xf32>
          %swap3A_630 = vector.shape_cast %add3A_625 : vector<16xf32> to vector<1x16xf32>
          tpu.vector_store %arg13[%swap3A_626, %swap3A_627], %swap3A_630 {strides = array<i32>} : memref<200x64xf32, #tpu.memory_space<vmem>>, vector<1x16xf32>,
          %get3A_631 = arith.index_cast %add3A_596 : i32 to index
          %get3A_632 = arith.constant 32 : index
          %get3A_633 = tpu.vector_load %arg13[%get3A_631, %get3A_632] {strides = array<i32>} : memref<200x64xf32, #tpu.memory_space<vmem>>, vector<1x16xf32>,
          %get3A_634 = vector.shape_cast %get3A_633 : vector<1x16xf32> to vector<16xf32>
          %mul3A_635 = arith.constant 64 : i32
          %mul3A_636 = arith.muli %add3A_596, %mul3A_635 : i32
          %add3A_637 = arith.constant 32 : i32
          %add3A_638 = arith.addi %mul3A_636, %add3A_637 : i32
          %get3A_639 = arith.index_cast %add3A_638 : i32 to index
          %get3A_640 = tpu.vector_load %arg12[%get3A_639] {strides = array<i32>} : memref<12800xf32, #tpu.memory_space<vmem>>, vector<16xf32>,
          %get3A_641 = vector.shape_cast %get3A_640 : vector<16xf32> to vector<16xf32>
          %add3A_642 = arith.addf %get3A_634, %get3A_641 : vector<16xf32>
          %swap3A_643 = arith.index_cast %add3A_596 : i32 to index
          %swap3A_644 = arith.constant 32 : index
          %swap3A_645 = tpu.vector_load %arg13[%swap3A_643, %swap3A_644] {strides = array<i32>} : memref<200x64xf32, #tpu.memory_space<vmem>>, vector<1x16xf32>,
          %swap3A_646 = vector.shape_cast %swap3A_645 : vector<1x16xf32> to vector<16xf32>
          %swap3A_647 = vector.shape_cast %add3A_642 : vector<16xf32> to vector<1x16xf32>
          tpu.vector_store %arg13[%swap3A_643, %swap3A_644], %swap3A_647 {strides = array<i32>} : memref<200x64xf32, #tpu.memory_space<vmem>>, vector<1x16xf32>,
          %get3A_648 = arith.index_cast %add3A_596 : i32 to index
          %get3A_649 = arith.constant 48 : index
          %get3A_650 = tpu.vector_load %arg13[%get3A_648, %get3A_649] {strides = array<i32>} : memref<200x64xf32, #tpu.memory_space<vmem>>, vector<1x16xf32>,
          %get3A_651 = vector.shape_cast %get3A_650 : vector<1x16xf32> to vector<16xf32>
          %mul3A_652 = arith.constant 64 : i32
          %mul3A_653 = arith.muli %add3A_596, %mul3A_652 : i32
          %add3A_654 = arith.constant 48 : i32
          %add3A_655 = arith.addi %mul3A_653, %add3A_654 : i32
          %get3A_656 = arith.index_cast %add3A_655 : i32 to index
          %get3A_657 = tpu.vector_load %arg12[%get3A_656] {strides = array<i32>} : memref<12800xf32, #tpu.memory_space<vmem>>, vector<16xf32>,
          %get3A_658 = vector.shape_cast %get3A_657 : vector<16xf32> to vector<16xf32>
          %add3A_659 = arith.addf %get3A_651, %get3A_658 : vector<16xf32>
          %swap3A_660 = arith.index_cast %add3A_596 : i32 to index
          %swap3A_661 = arith.constant 48 : index
          %swap3A_662 = tpu.vector_load %arg13[%swap3A_660, %swap3A_661] {strides = array<i32>} : memref<200x64xf32, #tpu.memory_space<vmem>>, vector<1x16xf32>,
          %swap3A_663 = vector.shape_cast %swap3A_662 : vector<1x16xf32> to vector<16xf32>
          %swap3A_664 = vector.shape_cast %add3A_659 : vector<16xf32> to vector<1x16xf32>
          tpu.vector_store %arg13[%swap3A_660, %swap3A_661], %swap3A_664 {strides = array<i32>} : memref<200x64xf32, #tpu.memory_space<vmem>>, vector<1x16xf32>,
          %mul3A_665 = arith.constant 8 : i32
          %mul3A_666 = arith.muli %scan3A_230, %mul3A_665 : i32
          %add3A_667 = arith.constant 6 : i32
          %add3A_668 = arith.addi %mul3A_666, %add3A_667 : i32
          %get3A_669 = arith.index_cast %add3A_668 : i32 to index
          %get3A_670 = arith.constant 0 : index
          %get3A_671 = tpu.vector_load %arg13[%get3A_669, %get3A_670] {strides = array<i32>} : memref<200x64xf32, #tpu.memory_space<vmem>>, vector<1x16xf32>,
          %get3A_672 = vector.shape_cast %get3A_671 : vector<1x16xf32> to vector<16xf32>
          %mul3A_673 = arith.constant 64 : i32
          %mul3A_674 = arith.muli %add3A_668, %mul3A_673 : i32
          %add3A_675 = arith.constant 0 : i32
          %add3A_676 = arith.addi %mul3A_674, %add3A_675 : i32
          %get3A_677 = arith.index_cast %add3A_676 : i32 to index
          %get3A_678 = tpu.vector_load %arg12[%get3A_677] {strides = array<i32>} : memref<12800xf32, #tpu.memory_space<vmem>>, vector<16xf32>,
          %get3A_679 = vector.shape_cast %get3A_678 : vector<16xf32> to vector<16xf32>
          %add3A_680 = arith.addf %get3A_672, %get3A_679 : vector<16xf32>
          %swap3A_681 = arith.index_cast %add3A_668 : i32 to index
          %swap3A_682 = arith.constant 0 : index
          %swap3A_683 = tpu.vector_load %arg13[%swap3A_681, %swap3A_682] {strides = array<i32>} : memref<200x64xf32, #tpu.memory_space<vmem>>, vector<1x16xf32>,
          %swap3A_684 = vector.shape_cast %swap3A_683 : vector<1x16xf32> to vector<16xf32>
          %swap3A_685 = vector.shape_cast %add3A_680 : vector<16xf32> to vector<1x16xf32>
          tpu.vector_store %arg13[%swap3A_681, %swap3A_682], %swap3A_685 {strides = array<i32>} : memref<200x64xf32, #tpu.memory_space<vmem>>, vector<1x16xf32>,
          %get3A_686 = arith.index_cast %add3A_668 : i32 to index
          %get3A_687 = arith.constant 16 : index
          %get3A_688 = tpu.vector_load %arg13[%get3A_686, %get3A_687] {strides = array<i32>} : memref<200x64xf32, #tpu.memory_space<vmem>>, vector<1x16xf32>,
          %get3A_689 = vector.shape_cast %get3A_688 : vector<1x16xf32> to vector<16xf32>
          %mul3A_690 = arith.constant 64 : i32
          %mul3A_691 = arith.muli %add3A_668, %mul3A_690 : i32
          %add3A_692 = arith.constant 16 : i32
          %add3A_693 = arith.addi %mul3A_691, %add3A_692 : i32
          %get3A_694 = arith.index_cast %add3A_693 : i32 to index
          %get3A_695 = tpu.vector_load %arg12[%get3A_694] {strides = array<i32>} : memref<12800xf32, #tpu.memory_space<vmem>>, vector<16xf32>,
          %get3A_696 = vector.shape_cast %get3A_695 : vector<16xf32> to vector<16xf32>
          %add3A_697 = arith.addf %get3A_689, %get3A_696 : vector<16xf32>
          %swap3A_698 = arith.index_cast %add3A_668 : i32 to index
          %swap3A_699 = arith.constant 16 : index
          %swap3A_700 = tpu.vector_load %arg13[%swap3A_698, %swap3A_699] {strides = array<i32>} : memref<200x64xf32, #tpu.memory_space<vmem>>, vector<1x16xf32>,
          %swap3A_701 = vector.shape_cast %swap3A_700 : vector<1x16xf32> to vector<16xf32>
          %swap3A_702 = vector.shape_cast %add3A_697 : vector<16xf32> to vector<1x16xf32>
          tpu.vector_store %arg13[%swap3A_698, %swap3A_699], %swap3A_702 {strides = array<i32>} : memref<200x64xf32, #tpu.memory_space<vmem>>, vector<1x16xf32>,
          %get3A_703 = arith.index_cast %add3A_668 : i32 to index
          %get3A_704 = arith.constant 32 : index
          %get3A_705 = tpu.vector_load %arg13[%get3A_703, %get3A_704] {strides = array<i32>} : memref<200x64xf32, #tpu.memory_space<vmem>>, vector<1x16xf32>,
          %get3A_706 = vector.shape_cast %get3A_705 : vector<1x16xf32> to vector<16xf32>
          %mul3A_707 = arith.constant 64 : i32
          %mul3A_708 = arith.muli %add3A_668, %mul3A_707 : i32
          %add3A_709 = arith.constant 32 : i32
          %add3A_710 = arith.addi %mul3A_708, %add3A_709 : i32
          %get3A_711 = arith.index_cast %add3A_710 : i32 to index
          %get3A_712 = tpu.vector_load %arg12[%get3A_711] {strides = array<i32>} : memref<12800xf32, #tpu.memory_space<vmem>>, vector<16xf32>,
          %get3A_713 = vector.shape_cast %get3A_712 : vector<16xf32> to vector<16xf32>
          %add3A_714 = arith.addf %get3A_706, %get3A_713 : vector<16xf32>
          %swap3A_715 = arith.index_cast %add3A_668 : i32 to index
          %swap3A_716 = arith.constant 32 : index
          %swap3A_717 = tpu.vector_load %arg13[%swap3A_715, %swap3A_716] {strides = array<i32>} : memref<200x64xf32, #tpu.memory_space<vmem>>, vector<1x16xf32>,
          %swap3A_718 = vector.shape_cast %swap3A_717 : vector<1x16xf32> to vector<16xf32>
          %swap3A_719 = vector.shape_cast %add3A_714 : vector<16xf32> to vector<1x16xf32>
          tpu.vector_store %arg13[%swap3A_715, %swap3A_716], %swap3A_719 {strides = array<i32>} : memref<200x64xf32, #tpu.memory_space<vmem>>, vector<1x16xf32>,
          %get3A_720 = arith.index_cast %add3A_668 : i32 to index
          %get3A_721 = arith.constant 48 : index
          %get3A_722 = tpu.vector_load %arg13[%get3A_720, %get3A_721] {strides = array<i32>} : memref<200x64xf32, #tpu.memory_space<vmem>>, vector<1x16xf32>,
          %get3A_723 = vector.shape_cast %get3A_722 : vector<1x16xf32> to vector<16xf32>
          %mul3A_724 = arith.constant 64 : i32
          %mul3A_725 = arith.muli %add3A_668, %mul3A_724 : i32
          %add3A_726 = arith.constant 48 : i32
          %add3A_727 = arith.addi %mul3A_725, %add3A_726 : i32
          %get3A_728 = arith.index_cast %add3A_727 : i32 to index
          %get3A_729 = tpu.vector_load %arg12[%get3A_728] {strides = array<i32>} : memref<12800xf32, #tpu.memory_space<vmem>>, vector<16xf32>,
          %get3A_730 = vector.shape_cast %get3A_729 : vector<16xf32> to vector<16xf32>
          %add3A_731 = arith.addf %get3A_723, %get3A_730 : vector<16xf32>
          %swap3A_732 = arith.index_cast %add3A_668 : i32 to index
          %swap3A_733 = arith.constant 48 : index
          %swap3A_734 = tpu.vector_load %arg13[%swap3A_732, %swap3A_733] {strides = array<i32>} : memref<200x64xf32, #tpu.memory_space<vmem>>, vector<1x16xf32>,
          %swap3A_735 = vector.shape_cast %swap3A_734 : vector<1x16xf32> to vector<16xf32>
          %swap3A_736 = vector.shape_cast %add3A_731 : vector<16xf32> to vector<1x16xf32>
          tpu.vector_store %arg13[%swap3A_732, %swap3A_733], %swap3A_736 {strides = array<i32>} : memref<200x64xf32, #tpu.memory_space<vmem>>, vector<1x16xf32>,
          %mul3A_737 = arith.constant 8 : i32
          %mul3A_738 = arith.muli %scan3A_230, %mul3A_737 : i32
          %add3A_739 = arith.constant 7 : i32
          %add3A_740 = arith.addi %mul3A_738, %add3A_739 : i32
          %get3A_741 = arith.index_cast %add3A_740 : i32 to index
          %get3A_742 = arith.constant 0 : index
          %get3A_743 = tpu.vector_load %arg13[%get3A_741, %get3A_742] {strides = array<i32>} : memref<200x64xf32, #tpu.memory_space<vmem>>, vector<1x16xf32>,
          %get3A_744 = vector.shape_cast %get3A_743 : vector<1x16xf32> to vector<16xf32>
          %mul3A_745 = arith.constant 64 : i32
          %mul3A_746 = arith.muli %add3A_740, %mul3A_745 : i32
          %add3A_747 = arith.constant 0 : i32
          %add3A_748 = arith.addi %mul3A_746, %add3A_747 : i32
          %get3A_749 = arith.index_cast %add3A_748 : i32 to index
          %get3A_750 = tpu.vector_load %arg12[%get3A_749] {strides = array<i32>} : memref<12800xf32, #tpu.memory_space<vmem>>, vector<16xf32>,
          %get3A_751 = vector.shape_cast %get3A_750 : vector<16xf32> to vector<16xf32>
          %add3A_752 = arith.addf %get3A_744, %get3A_751 : vector<16xf32>
          %swap3A_753 = arith.index_cast %add3A_740 : i32 to index
          %swap3A_754 = arith.constant 0 : index
          %swap3A_755 = tpu.vector_load %arg13[%swap3A_753, %swap3A_754] {strides = array<i32>} : memref<200x64xf32, #tpu.memory_space<vmem>>, vector<1x16xf32>,
          %swap3A_756 = vector.shape_cast %swap3A_755 : vector<1x16xf32> to vector<16xf32>
          %swap3A_757 = vector.shape_cast %add3A_752 : vector<16xf32> to vector<1x16xf32>
          tpu.vector_store %arg13[%swap3A_753, %swap3A_754], %swap3A_757 {strides = array<i32>} : memref<200x64xf32, #tpu.memory_space<vmem>>, vector<1x16xf32>,
          %get3A_758 = arith.index_cast %add3A_740 : i32 to index
          %get3A_759 = arith.constant 16 : index
          %get3A_760 = tpu.vector_load %arg13[%get3A_758, %get3A_759] {strides = array<i32>} : memref<200x64xf32, #tpu.memory_space<vmem>>, vector<1x16xf32>,
          %get3A_761 = vector.shape_cast %get3A_760 : vector<1x16xf32> to vector<16xf32>
          %mul3A_762 = arith.constant 64 : i32
          %mul3A_763 = arith.muli %add3A_740, %mul3A_762 : i32
          %add3A_764 = arith.constant 16 : i32
          %add3A_765 = arith.addi %mul3A_763, %add3A_764 : i32
          %get3A_766 = arith.index_cast %add3A_765 : i32 to index
          %get3A_767 = tpu.vector_load %arg12[%get3A_766] {strides = array<i32>} : memref<12800xf32, #tpu.memory_space<vmem>>, vector<16xf32>,
          %get3A_768 = vector.shape_cast %get3A_767 : vector<16xf32> to vector<16xf32>
          %add3A_769 = arith.addf %get3A_761, %get3A_768 : vector<16xf32>
          %swap3A_770 = arith.index_cast %add3A_740 : i32 to index
          %swap3A_771 = arith.constant 16 : index
          %swap3A_772 = tpu.vector_load %arg13[%swap3A_770, %swap3A_771] {strides = array<i32>} : memref<200x64xf32, #tpu.memory_space<vmem>>, vector<1x16xf32>,
          %swap3A_773 = vector.shape_cast %swap3A_772 : vector<1x16xf32> to vector<16xf32>
          %swap3A_774 = vector.shape_cast %add3A_769 : vector<16xf32> to vector<1x16xf32>
          tpu.vector_store %arg13[%swap3A_770, %swap3A_771], %swap3A_774 {strides = array<i32>} : memref<200x64xf32, #tpu.memory_space<vmem>>, vector<1x16xf32>,
          %get3A_775 = arith.index_cast %add3A_740 : i32 to index
          %get3A_776 = arith.constant 32 : index
          %get3A_777 = tpu.vector_load %arg13[%get3A_775, %get3A_776] {strides = array<i32>} : memref<200x64xf32, #tpu.memory_space<vmem>>, vector<1x16xf32>,
          %get3A_778 = vector.shape_cast %get3A_777 : vector<1x16xf32> to vector<16xf32>
          %mul3A_779 = arith.constant 64 : i32
          %mul3A_780 = arith.muli %add3A_740, %mul3A_779 : i32
          %add3A_781 = arith.constant 32 : i32
          %add3A_782 = arith.addi %mul3A_780, %add3A_781 : i32
          %get3A_783 = arith.index_cast %add3A_782 : i32 to index
          %get3A_784 = tpu.vector_load %arg12[%get3A_783] {strides = array<i32>} : memref<12800xf32, #tpu.memory_space<vmem>>, vector<16xf32>,
          %get3A_785 = vector.shape_cast %get3A_784 : vector<16xf32> to vector<16xf32>
          %add3A_786 = arith.addf %get3A_778, %get3A_785 : vector<16xf32>
          %swap3A_787 = arith.index_cast %add3A_740 : i32 to index
          %swap3A_788 = arith.constant 32 : index
          %swap3A_789 = tpu.vector_load %arg13[%swap3A_787, %swap3A_788] {strides = array<i32>} : memref<200x64xf32, #tpu.memory_space<vmem>>, vector<1x16xf32>,
          %swap3A_790 = vector.shape_cast %swap3A_789 : vector<1x16xf32> to vector<16xf32>
          %swap3A_791 = vector.shape_cast %add3A_786 : vector<16xf32> to vector<1x16xf32>
          tpu.vector_store %arg13[%swap3A_787, %swap3A_788], %swap3A_791 {strides = array<i32>} : memref<200x64xf32, #tpu.memory_space<vmem>>, vector<1x16xf32>,
          %get3A_792 = arith.index_cast %add3A_740 : i32 to index
          %get3A_793 = arith.constant 48 : index
          %get3A_794 = tpu.vector_load %arg13[%get3A_792, %get3A_793] {strides = array<i32>} : memref<200x64xf32, #tpu.memory_space<vmem>>, vector<1x16xf32>,
          %get3A_795 = vector.shape_cast %get3A_794 : vector<1x16xf32> to vector<16xf32>
          %mul3A_796 = arith.constant 64 : i32
          %mul3A_797 = arith.muli %add3A_740, %mul3A_796 : i32
          %add3A_798 = arith.constant 48 : i32
          %add3A_799 = arith.addi %mul3A_797, %add3A_798 : i32
          %get3A_800 = arith.index_cast %add3A_799 : i32 to index
          %get3A_801 = tpu.vector_load %arg12[%get3A_800] {strides = array<i32>} : memref<12800xf32, #tpu.memory_space<vmem>>, vector<16xf32>,
          %get3A_802 = vector.shape_cast %get3A_801 : vector<16xf32> to vector<16xf32>
          %add3A_803 = arith.addf %get3A_795, %get3A_802 : vector<16xf32>
          %swap3A_804 = arith.index_cast %add3A_740 : i32 to index
          %swap3A_805 = arith.constant 48 : index
          %swap3A_806 = tpu.vector_load %arg13[%swap3A_804, %swap3A_805] {strides = array<i32>} : memref<200x64xf32, #tpu.memory_space<vmem>>, vector<1x16xf32>,
          %swap3A_807 = vector.shape_cast %swap3A_806 : vector<1x16xf32> to vector<16xf32>
          %swap3A_808 = vector.shape_cast %add3A_803 : vector<16xf32> to vector<1x16xf32>
          tpu.vector_store %arg13[%swap3A_804, %swap3A_805], %swap3A_808 {strides = array<i32>} : memref<200x64xf32, #tpu.memory_space<vmem>>, vector<1x16xf32>,
        }
        %scan3A_220 = arith.constant 25 : i32
        %add3A_221 = arith.addi %mul3A_2, %add3A_167 : i32
        %dma_start3A_222 = arith.constant 0 : i32
        %dma_start3A_223 = arith.constant 0 : i32
        %dma_start3A_224 = tpu.memref_slice %arg5[%add3A_221, %dma_start3A_222, %dma_start3A_223] : memref<1024x200x64xf32, #tpu.memory_space<hbm>> -> memref<1x200x64xf32, #tpu.memory_space<hbm>>
        %dma_start3A_225 = tpu.memref_squeeze %dma_start3A_224 : memref<1x200x64xf32, #tpu.memory_space<hbm>> -> memref<200x64xf32, #tpu.memory_space<hbm>>
        %dma_start3A_226 = arith.constant 0 : i32
        %dma_start3A_227 = arith.constant 0 : i32
        %dma_start3A_228 = tpu.memref_slice %arg5[%add3A_221, %dma_start3A_226, %dma_start3A_227] : memref<1024x200x64xf32, #tpu.memory_space<hbm>> -> memref<1x200x64xf32, #tpu.memory_space<hbm>>
        %dma_start3A_229 = tpu.memref_squeeze %dma_start3A_228 : memref<1x200x64xf32, #tpu.memory_space<hbm>> -> memref<200x64xf32, #tpu.memory_space<hbm>>
        tpu.enqueue_dma source(%arg13 : memref<200x64xf32, #tpu.memory_space<vmem>>) target(%dma_start3A_229 : memref<200x64xf32, #tpu.memory_space<hbm>>) target_semaphore(%arg16 : memref<!tpu.dma_semaphore, #tpu.memory_space<semaphore_mem>>)
      } else {
      }
      %mul3A_177 = arith.constant 3 : i32
      %mul3A_178 = arith.muli %scan3A_163, %mul3A_177 : i32
      %add3A_179 = arith.constant 1 : i32
      %add3A_180 = arith.addi %mul3A_178, %add3A_179 : i32
      %add3A_181 = arith.constant 1 : i32
      %add3A_182 = arith.addi %add3A_180, %add3A_181 : i32
      %le3A_183 = arith.constant 31 : i32
      %le3A_184 = arith.cmpi sle, %add3A_182, %le3A_183 : i32
      %convert_element_type3A_185 = arith.extui %le3A_184 : i1 to i32
      %cond3A_186 = arith.constant 0 : i32
      %cond3A_187 = arith.cmpi ne, %convert_element_type3A_185, %cond3A_186 : i32
      scf.if %cond3A_187 {
        %add3A_209 = arith.constant 1 : i32
        %add3A_210 = arith.addi %add3A_180, %add3A_209 : i32
        %add3A_211 = arith.addi %mul3A_2, %add3A_210 : i32
        %mul3A_212 = arith.constant 200 : i32
        %mul3A_213 = arith.muli %add3A_211, %mul3A_212 : i32
        "tpu.region"() ({
          %run_scoped3A = tpu.sem_alloc : memref<!tpu.dma_semaphore, #tpu.memory_space<semaphore_mem>>
          %dma_start3A_220 = arith.constant 0 : i32
          %dma_start3A_221 = tpu.memref_slice %arg11[%dma_start3A_220] : memref<208xi32, #tpu.memory_space<vmem>> -> memref<200xi32, #tpu.memory_space<vmem>>
          %dma_start3A_222 = tpu.memref_slice %arg2[%mul3A_213] : memref<204800xi32, #tpu.memory_space<hbm>> -> memref<200xi32, #tpu.memory_space<hbm>>
          %dma_start3A_223 = arith.constant 0 : i32
          %dma_start3A_224 = tpu.memref_slice %arg11[%dma_start3A_223] : memref<208xi32, #tpu.memory_space<vmem>> -> memref<200xi32, #tpu.memory_space<vmem>>
          %dma_start3A_225 = tpu.memref_slice %arg2[%mul3A_213] : memref<204800xi32, #tpu.memory_space<hbm>> -> memref<200xi32, #tpu.memory_space<hbm>>
          tpu.enqueue_dma source(%dma_start3A_225 : memref<200xi32, #tpu.memory_space<hbm>>) target(%dma_start3A_224 : memref<200xi32, #tpu.memory_space<vmem>>) target_semaphore(%run_scoped3A : memref<!tpu.dma_semaphore, #tpu.memory_space<semaphore_mem>>)
          %dma_wait3A_226 = arith.constant 0 : i32
          %dma_wait3A_227 = tpu.memref_slice %arg11[%dma_wait3A_226] : memref<208xi32, #tpu.memory_space<vmem>> -> memref<200xi32, #tpu.memory_space<vmem>>
          %dma_wait3A_228 = tpu.memref_slice %arg2[%mul3A_213] : memref<204800xi32, #tpu.memory_space<hbm>> -> memref<200xi32, #tpu.memory_space<hbm>>
          %dma_wait3A_229 = arith.constant 0 : i32
          %dma_wait3A_230 = tpu.memref_slice %arg11[%dma_wait3A_229] : memref<208xi32, #tpu.memory_space<vmem>> -> memref<200xi32, #tpu.memory_space<vmem>>
          %dma_wait3A_231 = tpu.memref_slice %arg2[%mul3A_213] : memref<204800xi32, #tpu.memory_space<hbm>> -> memref<200xi32, #tpu.memory_space<hbm>>
          tpu.wait_dma2 semaphore(%run_scoped3A : memref<!tpu.dma_semaphore, #tpu.memory_space<semaphore_mem>>) src(%dma_wait3A_231 : memref<200xi32, #tpu.memory_space<hbm>>) dst(%dma_wait3A_230 : memref<200xi32, #tpu.memory_space<vmem>>)
          tpu.yield
        }) : () -> ()
        %add3A_214 = arith.constant 1 : i32
        %add3A_215 = arith.addi %add3A_180, %add3A_214 : i32
        %ge3A = arith.constant 3 : i32
        %ge3A_216 = arith.cmpi sge, %add3A_215, %ge3A : i32
        %convert_element_type3A_217 = arith.extui %ge3A_216 : i1 to i32
        %cond3A_218 = arith.constant 0 : i32
        %cond3A_219 = arith.cmpi ne, %convert_element_type3A_217, %cond3A_218 : i32
        scf.if %cond3A_219 {
          %dma_wait3A_220 = arith.constant 0 : i32
          %dma_wait3A_221 = arith.constant 0 : i32
          %dma_wait3A_222 = arith.constant 0 : i32
          %dma_wait3A_223 = tpu.memref_slice %arg5[%dma_wait3A_220, %dma_wait3A_221, %dma_wait3A_222] : memref<1024x200x64xf32, #tpu.memory_space<hbm>> -> memref<1x200x64xf32, #tpu.memory_space<hbm>>
          %dma_wait3A_224 = tpu.memref_squeeze %dma_wait3A_223 : memref<1x200x64xf32, #tpu.memory_space<hbm>> -> memref<200x64xf32, #tpu.memory_space<hbm>>
          %dma_wait3A_225 = arith.constant 0 : i32
          %dma_wait3A_226 = arith.constant 0 : i32
          %dma_wait3A_227 = tpu.memref_slice %arg5[%dma_wait3A_220, %dma_wait3A_225, %dma_wait3A_226] : memref<1024x200x64xf32, #tpu.memory_space<hbm>> -> memref<1x200x64xf32, #tpu.memory_space<hbm>>
          %dma_wait3A_228 = tpu.memref_squeeze %dma_wait3A_227 : memref<1x200x64xf32, #tpu.memory_space<hbm>> -> memref<200x64xf32, #tpu.memory_space<hbm>>
          tpu.wait_dma2 semaphore(%arg18 : memref<!tpu.dma_semaphore, #tpu.memory_space<semaphore_mem>>) src(%arg15 : memref<200x64xf32, #tpu.memory_space<vmem>>) dst(%dma_wait3A_228 : memref<200x64xf32, #tpu.memory_space<hbm>>)
        } else {
        }
      } else {
      }
      %le3A_188 = arith.constant 31 : i32
      %le3A_189 = arith.cmpi sle, %add3A_180, %le3A_188 : i32
      %convert_element_type3A_190 = arith.extui %le3A_189 : i1 to i32
      %cond3A_191 = arith.constant 0 : i32
      %cond3A_192 = arith.cmpi ne, %convert_element_type3A_190, %cond3A_191 : i32
      scf.if %cond3A_192 {
        %dma_wait3A_209 = arith.constant 0 : i32
        %dma_wait3A_210 = arith.constant 0 : i32
        %dma_wait3A_211 = tpu.memref_slice %arg3[%dma_wait3A_209, %dma_wait3A_210] : memref<1000000x64xf32, #tpu.memory_space<hbm>> -> memref<200x64xf32, #tpu.memory_space<hbm>>
        %dma_wait3A_212 = arith.constant 0 : i32
        %dma_wait3A_213 = arith.constant 0 : i32
        %dma_wait3A_214 = tpu.memref_slice %arg3[%dma_wait3A_212, %dma_wait3A_213] : memref<1000000x64xf32, #tpu.memory_space<hbm>> -> memref<200x64xf32, #tpu.memory_space<hbm>>
        tpu.wait_dma2 semaphore(%arg7 : memref<!tpu.dma_semaphore, #tpu.memory_space<semaphore_mem>>) src(%dma_wait3A_214 : memref<200x64xf32, #tpu.memory_space<hbm>>) dst(%arg14 : memref<200x64xf32, #tpu.memory_space<vmem>>)
        %scan3A_215 = arith.constant 0 : i32
        %scan3A_216 = arith.constant 0 : i32
        %scan3A_217 = arith.constant 25 : i32
        %scan3A_218 = arith.addi %scan3A_216, %scan3A_217 : i32
        %scan3A_219 = arith.constant 1 : i32
        scf.for %scan3A_230 = %scan3A_216 to %scan3A_218 step %scan3A_219  : i32 {
          %convert_element_type3A_231 = arith.extui %le3A_184 : i1 to i32
          %cond3A_232 = arith.constant 0 : i32
          %cond3A_233 = arith.cmpi ne, %convert_element_type3A_231, %cond3A_232 : i32
          scf.if %cond3A_233 {
            %mul3A_809 = arith.constant 8 : i32
            %mul3A_810 = arith.muli %scan3A_230, %mul3A_809 : i32
            %get3A_811 = arith.index_cast %mul3A_810 : i32 to index
            %get3A_812 = tpu.vector_load %arg11[%get3A_811] {strides = array<i32>} : memref<208xi32, #tpu.memory_space<vmem>>, vector<16xi32>,
            %get3A_813 = vector.shape_cast %get3A_812 : vector<16xi32> to vector<16xi32>
            %slice3A_814 = vector.extract_strided_slice %get3A_813 {offsets = [0], sizes = [1], strides = [1]} : vector<16xi32> to vector<1xi32>
            %squeeze3A_815 = vector.extract %slice3A_814[0] : i32 from vector<1xi32>
            %mul3A_816 = arith.constant 8 : i32
            %mul3A_817 = arith.muli %scan3A_230, %mul3A_816 : i32
            %add3A_818 = arith.constant 0 : i32
            %add3A_819 = arith.addi %mul3A_817, %add3A_818 : i32
            %dma_start3A_820 = arith.constant 0 : i32
            %dma_start3A_821 = tpu.memref_slice %arg15[%add3A_819, %dma_start3A_820] : memref<200x64xf32, #tpu.memory_space<vmem>> -> memref<1x64xf32, #tpu.memory_space<vmem>>
            %dma_start3A_822 = tpu.memref_squeeze %dma_start3A_821 : memref<1x64xf32, #tpu.memory_space<vmem>> -> memref<64xf32, #tpu.memory_space<vmem>>
            %dma_start3A_823 = arith.constant 0 : i32
            %dma_start3A_824 = tpu.memref_slice %arg3[%squeeze3A_815, %dma_start3A_823] : memref<1000000x64xf32, #tpu.memory_space<hbm>> -> memref<1x64xf32, #tpu.memory_space<hbm>>
            %dma_start3A_825 = tpu.memref_squeeze %dma_start3A_824 : memref<1x64xf32, #tpu.memory_space<hbm>> -> memref<64xf32, #tpu.memory_space<hbm>>
            %dma_start3A_826 = arith.constant 0 : i32
            %dma_start3A_827 = tpu.memref_slice %arg15[%add3A_819, %dma_start3A_826] : memref<200x64xf32, #tpu.memory_space<vmem>> -> memref<1x64xf32, #tpu.memory_space<vmem>>
            %dma_start3A_828 = tpu.memref_squeeze %dma_start3A_827 : memref<1x64xf32, #tpu.memory_space<vmem>> -> memref<64xf32, #tpu.memory_space<vmem>>
            %dma_start3A_829 = arith.constant 0 : i32
            %dma_start3A_830 = tpu.memref_slice %arg3[%squeeze3A_815, %dma_start3A_829] : memref<1000000x64xf32, #tpu.memory_space<hbm>> -> memref<1x64xf32, #tpu.memory_space<hbm>>
            %dma_start3A_831 = tpu.memref_squeeze %dma_start3A_830 : memref<1x64xf32, #tpu.memory_space<hbm>> -> memref<64xf32, #tpu.memory_space<hbm>>
            tpu.enqueue_dma source(%dma_start3A_831 : memref<64xf32, #tpu.memory_space<hbm>>) target(%dma_start3A_828 : memref<64xf32, #tpu.memory_space<vmem>>) target_semaphore(%arg8 : memref<!tpu.dma_semaphore, #tpu.memory_space<semaphore_mem>>)
            %slice3A_832 = vector.extract_strided_slice %get3A_813 {offsets = [1], sizes = [1], strides = [1]} : vector<16xi32> to vector<1xi32>
            %squeeze3A_833 = vector.extract %slice3A_832[0] : i32 from vector<1xi32>
            %mul3A_834 = arith.constant 8 : i32
            %mul3A_835 = arith.muli %scan3A_230, %mul3A_834 : i32
            %add3A_836 = arith.constant 1 : i32
            %add3A_837 = arith.addi %mul3A_835, %add3A_836 : i32
            %dma_start3A_838 = arith.constant 0 : i32
            %dma_start3A_839 = tpu.memref_slice %arg15[%add3A_837, %dma_start3A_838] : memref<200x64xf32, #tpu.memory_space<vmem>> -> memref<1x64xf32, #tpu.memory_space<vmem>>
            %dma_start3A_840 = tpu.memref_squeeze %dma_start3A_839 : memref<1x64xf32, #tpu.memory_space<vmem>> -> memref<64xf32, #tpu.memory_space<vmem>>
            %dma_start3A_841 = arith.constant 0 : i32
            %dma_start3A_842 = tpu.memref_slice %arg3[%squeeze3A_833, %dma_start3A_841] : memref<1000000x64xf32, #tpu.memory_space<hbm>> -> memref<1x64xf32, #tpu.memory_space<hbm>>
            %dma_start3A_843 = tpu.memref_squeeze %dma_start3A_842 : memref<1x64xf32, #tpu.memory_space<hbm>> -> memref<64xf32, #tpu.memory_space<hbm>>
            %dma_start3A_844 = arith.constant 0 : i32
            %dma_start3A_845 = tpu.memref_slice %arg15[%add3A_837, %dma_start3A_844] : memref<200x64xf32, #tpu.memory_space<vmem>> -> memref<1x64xf32, #tpu.memory_space<vmem>>
            %dma_start3A_846 = tpu.memref_squeeze %dma_start3A_845 : memref<1x64xf32, #tpu.memory_space<vmem>> -> memref<64xf32, #tpu.memory_space<vmem>>
            %dma_start3A_847 = arith.constant 0 : i32
            %dma_start3A_848 = tpu.memref_slice %arg3[%squeeze3A_833, %dma_start3A_847] : memref<1000000x64xf32, #tpu.memory_space<hbm>> -> memref<1x64xf32, #tpu.memory_space<hbm>>
            %dma_start3A_849 = tpu.memref_squeeze %dma_start3A_848 : memref<1x64xf32, #tpu.memory_space<hbm>> -> memref<64xf32, #tpu.memory_space<hbm>>
            tpu.enqueue_dma source(%dma_start3A_849 : memref<64xf32, #tpu.memory_space<hbm>>) target(%dma_start3A_846 : memref<64xf32, #tpu.memory_space<vmem>>) target_semaphore(%arg8 : memref<!tpu.dma_semaphore, #tpu.memory_space<semaphore_mem>>)
            %slice3A_850 = vector.extract_strided_slice %get3A_813 {offsets = [2], sizes = [1], strides = [1]} : vector<16xi32> to vector<1xi32>
            %squeeze3A_851 = vector.extract %slice3A_850[0] : i32 from vector<1xi32>
            %mul3A_852 = arith.constant 8 : i32
            %mul3A_853 = arith.muli %scan3A_230, %mul3A_852 : i32
            %add3A_854 = arith.constant 2 : i32
            %add3A_855 = arith.addi %mul3A_853, %add3A_854 : i32
            %dma_start3A_856 = arith.constant 0 : i32
            %dma_start3A_857 = tpu.memref_slice %arg15[%add3A_855, %dma_start3A_856] : memref<200x64xf32, #tpu.memory_space<vmem>> -> memref<1x64xf32, #tpu.memory_space<vmem>>
            %dma_start3A_858 = tpu.memref_squeeze %dma_start3A_857 : memref<1x64xf32, #tpu.memory_space<vmem>> -> memref<64xf32, #tpu.memory_space<vmem>>
            %dma_start3A_859 = arith.constant 0 : i32
            %dma_start3A_860 = tpu.memref_slice %arg3[%squeeze3A_851, %dma_start3A_859] : memref<1000000x64xf32, #tpu.memory_space<hbm>> -> memref<1x64xf32, #tpu.memory_space<hbm>>
            %dma_start3A_861 = tpu.memref_squeeze %dma_start3A_860 : memref<1x64xf32, #tpu.memory_space<hbm>> -> memref<64xf32, #tpu.memory_space<hbm>>
            %dma_start3A_862 = arith.constant 0 : i32
            %dma_start3A_863 = tpu.memref_slice %arg15[%add3A_855, %dma_start3A_862] : memref<200x64xf32, #tpu.memory_space<vmem>> -> memref<1x64xf32, #tpu.memory_space<vmem>>
            %dma_start3A_864 = tpu.memref_squeeze %dma_start3A_863 : memref<1x64xf32, #tpu.memory_space<vmem>> -> memref<64xf32, #tpu.memory_space<vmem>>
            %dma_start3A_865 = arith.constant 0 : i32
            %dma_start3A_866 = tpu.memref_slice %arg3[%squeeze3A_851, %dma_start3A_865] : memref<1000000x64xf32, #tpu.memory_space<hbm>> -> memref<1x64xf32, #tpu.memory_space<hbm>>
            %dma_start3A_867 = tpu.memref_squeeze %dma_start3A_866 : memref<1x64xf32, #tpu.memory_space<hbm>> -> memref<64xf32, #tpu.memory_space<hbm>>
            tpu.enqueue_dma source(%dma_start3A_867 : memref<64xf32, #tpu.memory_space<hbm>>) target(%dma_start3A_864 : memref<64xf32, #tpu.memory_space<vmem>>) target_semaphore(%arg8 : memref<!tpu.dma_semaphore, #tpu.memory_space<semaphore_mem>>)
            %slice3A_868 = vector.extract_strided_slice %get3A_813 {offsets = [3], sizes = [1], strides = [1]} : vector<16xi32> to vector<1xi32>
            %squeeze3A_869 = vector.extract %slice3A_868[0] : i32 from vector<1xi32>
            %mul3A_870 = arith.constant 8 : i32
            %mul3A_871 = arith.muli %scan3A_230, %mul3A_870 : i32
            %add3A_872 = arith.constant 3 : i32
            %add3A_873 = arith.addi %mul3A_871, %add3A_872 : i32
            %dma_start3A_874 = arith.constant 0 : i32
            %dma_start3A_875 = tpu.memref_slice %arg15[%add3A_873, %dma_start3A_874] : memref<200x64xf32, #tpu.memory_space<vmem>> -> memref<1x64xf32, #tpu.memory_space<vmem>>
            %dma_start3A_876 = tpu.memref_squeeze %dma_start3A_875 : memref<1x64xf32, #tpu.memory_space<vmem>> -> memref<64xf32, #tpu.memory_space<vmem>>
            %dma_start3A_877 = arith.constant 0 : i32
            %dma_start3A_878 = tpu.memref_slice %arg3[%squeeze3A_869, %dma_start3A_877] : memref<1000000x64xf32, #tpu.memory_space<hbm>> -> memref<1x64xf32, #tpu.memory_space<hbm>>
            %dma_start3A_879 = tpu.memref_squeeze %dma_start3A_878 : memref<1x64xf32, #tpu.memory_space<hbm>> -> memref<64xf32, #tpu.memory_space<hbm>>
            %dma_start3A_880 = arith.constant 0 : i32
            %dma_start3A_881 = tpu.memref_slice %arg15[%add3A_873, %dma_start3A_880] : memref<200x64xf32, #tpu.memory_space<vmem>> -> memref<1x64xf32, #tpu.memory_space<vmem>>
            %dma_start3A_882 = tpu.memref_squeeze %dma_start3A_881 : memref<1x64xf32, #tpu.memory_space<vmem>> -> memref<64xf32, #tpu.memory_space<vmem>>
            %dma_start3A_883 = arith.constant 0 : i32
            %dma_start3A_884 = tpu.memref_slice %arg3[%squeeze3A_869, %dma_start3A_883] : memref<1000000x64xf32, #tpu.memory_space<hbm>> -> memref<1x64xf32, #tpu.memory_space<hbm>>
            %dma_start3A_885 = tpu.memref_squeeze %dma_start3A_884 : memref<1x64xf32, #tpu.memory_space<hbm>> -> memref<64xf32, #tpu.memory_space<hbm>>
            tpu.enqueue_dma source(%dma_start3A_885 : memref<64xf32, #tpu.memory_space<hbm>>) target(%dma_start3A_882 : memref<64xf32, #tpu.memory_space<vmem>>) target_semaphore(%arg8 : memref<!tpu.dma_semaphore, #tpu.memory_space<semaphore_mem>>)
            %slice3A_886 = vector.extract_strided_slice %get3A_813 {offsets = [4], sizes = [1], strides = [1]} : vector<16xi32> to vector<1xi32>
            %squeeze3A_887 = vector.extract %slice3A_886[0] : i32 from vector<1xi32>
            %mul3A_888 = arith.constant 8 : i32
            %mul3A_889 = arith.muli %scan3A_230, %mul3A_888 : i32
            %add3A_890 = arith.constant 4 : i32
            %add3A_891 = arith.addi %mul3A_889, %add3A_890 : i32
            %dma_start3A_892 = arith.constant 0 : i32
            %dma_start3A_893 = tpu.memref_slice %arg15[%add3A_891, %dma_start3A_892] : memref<200x64xf32, #tpu.memory_space<vmem>> -> memref<1x64xf32, #tpu.memory_space<vmem>>
            %dma_start3A_894 = tpu.memref_squeeze %dma_start3A_893 : memref<1x64xf32, #tpu.memory_space<vmem>> -> memref<64xf32, #tpu.memory_space<vmem>>
            %dma_start3A_895 = arith.constant 0 : i32
            %dma_start3A_896 = tpu.memref_slice %arg3[%squeeze3A_887, %dma_start3A_895] : memref<1000000x64xf32, #tpu.memory_space<hbm>> -> memref<1x64xf32, #tpu.memory_space<hbm>>
            %dma_start3A_897 = tpu.memref_squeeze %dma_start3A_896 : memref<1x64xf32, #tpu.memory_space<hbm>> -> memref<64xf32, #tpu.memory_space<hbm>>
            %dma_start3A_898 = arith.constant 0 : i32
            %dma_start3A_899 = tpu.memref_slice %arg15[%add3A_891, %dma_start3A_898] : memref<200x64xf32, #tpu.memory_space<vmem>> -> memref<1x64xf32, #tpu.memory_space<vmem>>
            %dma_start3A_900 = tpu.memref_squeeze %dma_start3A_899 : memref<1x64xf32, #tpu.memory_space<vmem>> -> memref<64xf32, #tpu.memory_space<vmem>>
            %dma_start3A_901 = arith.constant 0 : i32
            %dma_start3A_902 = tpu.memref_slice %arg3[%squeeze3A_887, %dma_start3A_901] : memref<1000000x64xf32, #tpu.memory_space<hbm>> -> memref<1x64xf32, #tpu.memory_space<hbm>>
            %dma_start3A_903 = tpu.memref_squeeze %dma_start3A_902 : memref<1x64xf32, #tpu.memory_space<hbm>> -> memref<64xf32, #tpu.memory_space<hbm>>
            tpu.enqueue_dma source(%dma_start3A_903 : memref<64xf32, #tpu.memory_space<hbm>>) target(%dma_start3A_900 : memref<64xf32, #tpu.memory_space<vmem>>) target_semaphore(%arg8 : memref<!tpu.dma_semaphore, #tpu.memory_space<semaphore_mem>>)
            %slice3A_904 = vector.extract_strided_slice %get3A_813 {offsets = [5], sizes = [1], strides = [1]} : vector<16xi32> to vector<1xi32>
            %squeeze3A_905 = vector.extract %slice3A_904[0] : i32 from vector<1xi32>
            %mul3A_906 = arith.constant 8 : i32
            %mul3A_907 = arith.muli %scan3A_230, %mul3A_906 : i32
            %add3A_908 = arith.constant 5 : i32
            %add3A_909 = arith.addi %mul3A_907, %add3A_908 : i32
            %dma_start3A_910 = arith.constant 0 : i32
            %dma_start3A_911 = tpu.memref_slice %arg15[%add3A_909, %dma_start3A_910] : memref<200x64xf32, #tpu.memory_space<vmem>> -> memref<1x64xf32, #tpu.memory_space<vmem>>
            %dma_start3A_912 = tpu.memref_squeeze %dma_start3A_911 : memref<1x64xf32, #tpu.memory_space<vmem>> -> memref<64xf32, #tpu.memory_space<vmem>>
            %dma_start3A_913 = arith.constant 0 : i32
            %dma_start3A_914 = tpu.memref_slice %arg3[%squeeze3A_905, %dma_start3A_913] : memref<1000000x64xf32, #tpu.memory_space<hbm>> -> memref<1x64xf32, #tpu.memory_space<hbm>>
            %dma_start3A_915 = tpu.memref_squeeze %dma_start3A_914 : memref<1x64xf32, #tpu.memory_space<hbm>> -> memref<64xf32, #tpu.memory_space<hbm>>
            %dma_start3A_916 = arith.constant 0 : i32
            %dma_start3A_917 = tpu.memref_slice %arg15[%add3A_909, %dma_start3A_916] : memref<200x64xf32, #tpu.memory_space<vmem>> -> memref<1x64xf32, #tpu.memory_space<vmem>>
            %dma_start3A_918 = tpu.memref_squeeze %dma_start3A_917 : memref<1x64xf32, #tpu.memory_space<vmem>> -> memref<64xf32, #tpu.memory_space<vmem>>
            %dma_start3A_919 = arith.constant 0 : i32
            %dma_start3A_920 = tpu.memref_slice %arg3[%squeeze3A_905, %dma_start3A_919] : memref<1000000x64xf32, #tpu.memory_space<hbm>> -> memref<1x64xf32, #tpu.memory_space<hbm>>
            %dma_start3A_921 = tpu.memref_squeeze %dma_start3A_920 : memref<1x64xf32, #tpu.memory_space<hbm>> -> memref<64xf32, #tpu.memory_space<hbm>>
            tpu.enqueue_dma source(%dma_start3A_921 : memref<64xf32, #tpu.memory_space<hbm>>) target(%dma_start3A_918 : memref<64xf32, #tpu.memory_space<vmem>>) target_semaphore(%arg8 : memref<!tpu.dma_semaphore, #tpu.memory_space<semaphore_mem>>)
            %slice3A_922 = vector.extract_strided_slice %get3A_813 {offsets = [6], sizes = [1], strides = [1]} : vector<16xi32> to vector<1xi32>
            %squeeze3A_923 = vector.extract %slice3A_922[0] : i32 from vector<1xi32>
            %mul3A_924 = arith.constant 8 : i32
            %mul3A_925 = arith.muli %scan3A_230, %mul3A_924 : i32
            %add3A_926 = arith.constant 6 : i32
            %add3A_927 = arith.addi %mul3A_925, %add3A_926 : i32
            %dma_start3A_928 = arith.constant 0 : i32
            %dma_start3A_929 = tpu.memref_slice %arg15[%add3A_927, %dma_start3A_928] : memref<200x64xf32, #tpu.memory_space<vmem>> -> memref<1x64xf32, #tpu.memory_space<vmem>>
            %dma_start3A_930 = tpu.memref_squeeze %dma_start3A_929 : memref<1x64xf32, #tpu.memory_space<vmem>> -> memref<64xf32, #tpu.memory_space<vmem>>
            %dma_start3A_931 = arith.constant 0 : i32
            %dma_start3A_932 = tpu.memref_slice %arg3[%squeeze3A_923, %dma_start3A_931] : memref<1000000x64xf32, #tpu.memory_space<hbm>> -> memref<1x64xf32, #tpu.memory_space<hbm>>
            %dma_start3A_933 = tpu.memref_squeeze %dma_start3A_932 : memref<1x64xf32, #tpu.memory_space<hbm>> -> memref<64xf32, #tpu.memory_space<hbm>>
            %dma_start3A_934 = arith.constant 0 : i32
            %dma_start3A_935 = tpu.memref_slice %arg15[%add3A_927, %dma_start3A_934] : memref<200x64xf32, #tpu.memory_space<vmem>> -> memref<1x64xf32, #tpu.memory_space<vmem>>
            %dma_start3A_936 = tpu.memref_squeeze %dma_start3A_935 : memref<1x64xf32, #tpu.memory_space<vmem>> -> memref<64xf32, #tpu.memory_space<vmem>>
            %dma_start3A_937 = arith.constant 0 : i32
            %dma_start3A_938 = tpu.memref_slice %arg3[%squeeze3A_923, %dma_start3A_937] : memref<1000000x64xf32, #tpu.memory_space<hbm>> -> memref<1x64xf32, #tpu.memory_space<hbm>>
            %dma_start3A_939 = tpu.memref_squeeze %dma_start3A_938 : memref<1x64xf32, #tpu.memory_space<hbm>> -> memref<64xf32, #tpu.memory_space<hbm>>
            tpu.enqueue_dma source(%dma_start3A_939 : memref<64xf32, #tpu.memory_space<hbm>>) target(%dma_start3A_936 : memref<64xf32, #tpu.memory_space<vmem>>) target_semaphore(%arg8 : memref<!tpu.dma_semaphore, #tpu.memory_space<semaphore_mem>>)
            %slice3A_940 = vector.extract_strided_slice %get3A_813 {offsets = [7], sizes = [1], strides = [1]} : vector<16xi32> to vector<1xi32>
            %squeeze3A_941 = vector.extract %slice3A_940[0] : i32 from vector<1xi32>
            %mul3A_942 = arith.constant 8 : i32
            %mul3A_943 = arith.muli %scan3A_230, %mul3A_942 : i32
            %add3A_944 = arith.constant 7 : i32
            %add3A_945 = arith.addi %mul3A_943, %add3A_944 : i32
            %dma_start3A_946 = arith.constant 0 : i32
            %dma_start3A_947 = tpu.memref_slice %arg15[%add3A_945, %dma_start3A_946] : memref<200x64xf32, #tpu.memory_space<vmem>> -> memref<1x64xf32, #tpu.memory_space<vmem>>
            %dma_start3A_948 = tpu.memref_squeeze %dma_start3A_947 : memref<1x64xf32, #tpu.memory_space<vmem>> -> memref<64xf32, #tpu.memory_space<vmem>>
            %dma_start3A_949 = arith.constant 0 : i32
            %dma_start3A_950 = tpu.memref_slice %arg3[%squeeze3A_941, %dma_start3A_949] : memref<1000000x64xf32, #tpu.memory_space<hbm>> -> memref<1x64xf32, #tpu.memory_space<hbm>>
            %dma_start3A_951 = tpu.memref_squeeze %dma_start3A_950 : memref<1x64xf32, #tpu.memory_space<hbm>> -> memref<64xf32, #tpu.memory_space<hbm>>
            %dma_start3A_952 = arith.constant 0 : i32
            %dma_start3A_953 = tpu.memref_slice %arg15[%add3A_945, %dma_start3A_952] : memref<200x64xf32, #tpu.memory_space<vmem>> -> memref<1x64xf32, #tpu.memory_space<vmem>>
            %dma_start3A_954 = tpu.memref_squeeze %dma_start3A_953 : memref<1x64xf32, #tpu.memory_space<vmem>> -> memref<64xf32, #tpu.memory_space<vmem>>
            %dma_start3A_955 = arith.constant 0 : i32
            %dma_start3A_956 = tpu.memref_slice %arg3[%squeeze3A_941, %dma_start3A_955] : memref<1000000x64xf32, #tpu.memory_space<hbm>> -> memref<1x64xf32, #tpu.memory_space<hbm>>
            %dma_start3A_957 = tpu.memref_squeeze %dma_start3A_956 : memref<1x64xf32, #tpu.memory_space<hbm>> -> memref<64xf32, #tpu.memory_space<hbm>>
            tpu.enqueue_dma source(%dma_start3A_957 : memref<64xf32, #tpu.memory_space<hbm>>) target(%dma_start3A_954 : memref<64xf32, #tpu.memory_space<vmem>>) target_semaphore(%arg8 : memref<!tpu.dma_semaphore, #tpu.memory_space<semaphore_mem>>)
          } else {
          }
          %mul3A_234 = arith.constant 8 : i32
          %mul3A_235 = arith.muli %scan3A_230, %mul3A_234 : i32
          %add3A_236 = arith.constant 0 : i32
          %add3A_237 = arith.addi %mul3A_235, %add3A_236 : i32
          %get3A_238 = arith.index_cast %add3A_237 : i32 to index
          %get3A_239 = arith.constant 0 : index
          %get3A_240 = tpu.vector_load %arg14[%get3A_238, %get3A_239] {strides = array<i32>} : memref<200x64xf32, #tpu.memory_space<vmem>>, vector<1x16xf32>,
          %get3A_241 = vector.shape_cast %get3A_240 : vector<1x16xf32> to vector<16xf32>
          %mul3A_242 = arith.constant 64 : i32
          %mul3A_243 = arith.muli %add3A_237, %mul3A_242 : i32
          %add3A_244 = arith.constant 0 : i32
          %add3A_245 = arith.addi %mul3A_243, %add3A_244 : i32
          %get3A_246 = arith.index_cast %add3A_245 : i32 to index
          %get3A_247 = tpu.vector_load %arg12[%get3A_246] {strides = array<i32>} : memref<12800xf32, #tpu.memory_space<vmem>>, vector<16xf32>,
          %get3A_248 = vector.shape_cast %get3A_247 : vector<16xf32> to vector<16xf32>
          %add3A_249 = arith.addf %get3A_241, %get3A_248 : vector<16xf32>
          %swap3A = arith.index_cast %add3A_237 : i32 to index
          %swap3A_250 = arith.constant 0 : index
          %swap3A_251 = tpu.vector_load %arg14[%swap3A, %swap3A_250] {strides = array<i32>} : memref<200x64xf32, #tpu.memory_space<vmem>>, vector<1x16xf32>,
          %swap3A_252 = vector.shape_cast %swap3A_251 : vector<1x16xf32> to vector<16xf32>
          %swap3A_253 = vector.shape_cast %add3A_249 : vector<16xf32> to vector<1x16xf32>
          tpu.vector_store %arg14[%swap3A, %swap3A_250], %swap3A_253 {strides = array<i32>} : memref<200x64xf32, #tpu.memory_space<vmem>>, vector<1x16xf32>,
          %get3A_254 = arith.index_cast %add3A_237 : i32 to index
          %get3A_255 = arith.constant 16 : index
          %get3A_256 = tpu.vector_load %arg14[%get3A_254, %get3A_255] {strides = array<i32>} : memref<200x64xf32, #tpu.memory_space<vmem>>, vector<1x16xf32>,
          %get3A_257 = vector.shape_cast %get3A_256 : vector<1x16xf32> to vector<16xf32>
          %mul3A_258 = arith.constant 64 : i32
          %mul3A_259 = arith.muli %add3A_237, %mul3A_258 : i32
          %add3A_260 = arith.constant 16 : i32
          %add3A_261 = arith.addi %mul3A_259, %add3A_260 : i32
          %get3A_262 = arith.index_cast %add3A_261 : i32 to index
          %get3A_263 = tpu.vector_load %arg12[%get3A_262] {strides = array<i32>} : memref<12800xf32, #tpu.memory_space<vmem>>, vector<16xf32>,
          %get3A_264 = vector.shape_cast %get3A_263 : vector<16xf32> to vector<16xf32>
          %add3A_265 = arith.addf %get3A_257, %get3A_264 : vector<16xf32>
          %swap3A_266 = arith.index_cast %add3A_237 : i32 to index
          %swap3A_267 = arith.constant 16 : index
          %swap3A_268 = tpu.vector_load %arg14[%swap3A_266, %swap3A_267] {strides = array<i32>} : memref<200x64xf32, #tpu.memory_space<vmem>>, vector<1x16xf32>,
          %swap3A_269 = vector.shape_cast %swap3A_268 : vector<1x16xf32> to vector<16xf32>
          %swap3A_270 = vector.shape_cast %add3A_265 : vector<16xf32> to vector<1x16xf32>
          tpu.vector_store %arg14[%swap3A_266, %swap3A_267], %swap3A_270 {strides = array<i32>} : memref<200x64xf32, #tpu.memory_space<vmem>>, vector<1x16xf32>,
          %get3A_271 = arith.index_cast %add3A_237 : i32 to index
          %get3A_272 = arith.constant 32 : index
          %get3A_273 = tpu.vector_load %arg14[%get3A_271, %get3A_272] {strides = array<i32>} : memref<200x64xf32, #tpu.memory_space<vmem>>, vector<1x16xf32>,
          %get3A_274 = vector.shape_cast %get3A_273 : vector<1x16xf32> to vector<16xf32>
          %mul3A_275 = arith.constant 64 : i32
          %mul3A_276 = arith.muli %add3A_237, %mul3A_275 : i32
          %add3A_277 = arith.constant 32 : i32
          %add3A_278 = arith.addi %mul3A_276, %add3A_277 : i32
          %get3A_279 = arith.index_cast %add3A_278 : i32 to index
          %get3A_280 = tpu.vector_load %arg12[%get3A_279] {strides = array<i32>} : memref<12800xf32, #tpu.memory_space<vmem>>, vector<16xf32>,
          %get3A_281 = vector.shape_cast %get3A_280 : vector<16xf32> to vector<16xf32>
          %add3A_282 = arith.addf %get3A_274, %get3A_281 : vector<16xf32>
          %swap3A_283 = arith.index_cast %add3A_237 : i32 to index
          %swap3A_284 = arith.constant 32 : index
          %swap3A_285 = tpu.vector_load %arg14[%swap3A_283, %swap3A_284] {strides = array<i32>} : memref<200x64xf32, #tpu.memory_space<vmem>>, vector<1x16xf32>,
          %swap3A_286 = vector.shape_cast %swap3A_285 : vector<1x16xf32> to vector<16xf32>
          %swap3A_287 = vector.shape_cast %add3A_282 : vector<16xf32> to vector<1x16xf32>
          tpu.vector_store %arg14[%swap3A_283, %swap3A_284], %swap3A_287 {strides = array<i32>} : memref<200x64xf32, #tpu.memory_space<vmem>>, vector<1x16xf32>,
          %get3A_288 = arith.index_cast %add3A_237 : i32 to index
          %get3A_289 = arith.constant 48 : index
          %get3A_290 = tpu.vector_load %arg14[%get3A_288, %get3A_289] {strides = array<i32>} : memref<200x64xf32, #tpu.memory_space<vmem>>, vector<1x16xf32>,
          %get3A_291 = vector.shape_cast %get3A_290 : vector<1x16xf32> to vector<16xf32>
          %mul3A_292 = arith.constant 64 : i32
          %mul3A_293 = arith.muli %add3A_237, %mul3A_292 : i32
          %add3A_294 = arith.constant 48 : i32
          %add3A_295 = arith.addi %mul3A_293, %add3A_294 : i32
          %get3A_296 = arith.index_cast %add3A_295 : i32 to index
          %get3A_297 = tpu.vector_load %arg12[%get3A_296] {strides = array<i32>} : memref<12800xf32, #tpu.memory_space<vmem>>, vector<16xf32>,
          %get3A_298 = vector.shape_cast %get3A_297 : vector<16xf32> to vector<16xf32>
          %add3A_299 = arith.addf %get3A_291, %get3A_298 : vector<16xf32>
          %swap3A_300 = arith.index_cast %add3A_237 : i32 to index
          %swap3A_301 = arith.constant 48 : index
          %swap3A_302 = tpu.vector_load %arg14[%swap3A_300, %swap3A_301] {strides = array<i32>} : memref<200x64xf32, #tpu.memory_space<vmem>>, vector<1x16xf32>,
          %swap3A_303 = vector.shape_cast %swap3A_302 : vector<1x16xf32> to vector<16xf32>
          %swap3A_304 = vector.shape_cast %add3A_299 : vector<16xf32> to vector<1x16xf32>
          tpu.vector_store %arg14[%swap3A_300, %swap3A_301], %swap3A_304 {strides = array<i32>} : memref<200x64xf32, #tpu.memory_space<vmem>>, vector<1x16xf32>,
          %mul3A_305 = arith.constant 8 : i32
          %mul3A_306 = arith.muli %scan3A_230, %mul3A_305 : i32
          %add3A_307 = arith.constant 1 : i32
          %add3A_308 = arith.addi %mul3A_306, %add3A_307 : i32
          %get3A_309 = arith.index_cast %add3A_308 : i32 to index
          %get3A_310 = arith.constant 0 : index
          %get3A_311 = tpu.vector_load %arg14[%get3A_309, %get3A_310] {strides = array<i32>} : memref<200x64xf32, #tpu.memory_space<vmem>>, vector<1x16xf32>,
          %get3A_312 = vector.shape_cast %get3A_311 : vector<1x16xf32> to vector<16xf32>
          %mul3A_313 = arith.constant 64 : i32
          %mul3A_314 = arith.muli %add3A_308, %mul3A_313 : i32
          %add3A_315 = arith.constant 0 : i32
          %add3A_316 = arith.addi %mul3A_314, %add3A_315 : i32
          %get3A_317 = arith.index_cast %add3A_316 : i32 to index
          %get3A_318 = tpu.vector_load %arg12[%get3A_317] {strides = array<i32>} : memref<12800xf32, #tpu.memory_space<vmem>>, vector<16xf32>,
          %get3A_319 = vector.shape_cast %get3A_318 : vector<16xf32> to vector<16xf32>
          %add3A_320 = arith.addf %get3A_312, %get3A_319 : vector<16xf32>
          %swap3A_321 = arith.index_cast %add3A_308 : i32 to index
          %swap3A_322 = arith.constant 0 : index
          %swap3A_323 = tpu.vector_load %arg14[%swap3A_321, %swap3A_322] {strides = array<i32>} : memref<200x64xf32, #tpu.memory_space<vmem>>, vector<1x16xf32>,
          %swap3A_324 = vector.shape_cast %swap3A_323 : vector<1x16xf32> to vector<16xf32>
          %swap3A_325 = vector.shape_cast %add3A_320 : vector<16xf32> to vector<1x16xf32>
          tpu.vector_store %arg14[%swap3A_321, %swap3A_322], %swap3A_325 {strides = array<i32>} : memref<200x64xf32, #tpu.memory_space<vmem>>, vector<1x16xf32>,
          %get3A_326 = arith.index_cast %add3A_308 : i32 to index
          %get3A_327 = arith.constant 16 : index
          %get3A_328 = tpu.vector_load %arg14[%get3A_326, %get3A_327] {strides = array<i32>} : memref<200x64xf32, #tpu.memory_space<vmem>>, vector<1x16xf32>,
          %get3A_329 = vector.shape_cast %get3A_328 : vector<1x16xf32> to vector<16xf32>
          %mul3A_330 = arith.constant 64 : i32
          %mul3A_331 = arith.muli %add3A_308, %mul3A_330 : i32
          %add3A_332 = arith.constant 16 : i32
          %add3A_333 = arith.addi %mul3A_331, %add3A_332 : i32
          %get3A_334 = arith.index_cast %add3A_333 : i32 to index
          %get3A_335 = tpu.vector_load %arg12[%get3A_334] {strides = array<i32>} : memref<12800xf32, #tpu.memory_space<vmem>>, vector<16xf32>,
          %get3A_336 = vector.shape_cast %get3A_335 : vector<16xf32> to vector<16xf32>
          %add3A_337 = arith.addf %get3A_329, %get3A_336 : vector<16xf32>
          %swap3A_338 = arith.index_cast %add3A_308 : i32 to index
          %swap3A_339 = arith.constant 16 : index
          %swap3A_340 = tpu.vector_load %arg14[%swap3A_338, %swap3A_339] {strides = array<i32>} : memref<200x64xf32, #tpu.memory_space<vmem>>, vector<1x16xf32>,
          %swap3A_341 = vector.shape_cast %swap3A_340 : vector<1x16xf32> to vector<16xf32>
          %swap3A_342 = vector.shape_cast %add3A_337 : vector<16xf32> to vector<1x16xf32>
          tpu.vector_store %arg14[%swap3A_338, %swap3A_339], %swap3A_342 {strides = array<i32>} : memref<200x64xf32, #tpu.memory_space<vmem>>, vector<1x16xf32>,
          %get3A_343 = arith.index_cast %add3A_308 : i32 to index
          %get3A_344 = arith.constant 32 : index
          %get3A_345 = tpu.vector_load %arg14[%get3A_343, %get3A_344] {strides = array<i32>} : memref<200x64xf32, #tpu.memory_space<vmem>>, vector<1x16xf32>,
          %get3A_346 = vector.shape_cast %get3A_345 : vector<1x16xf32> to vector<16xf32>
          %mul3A_347 = arith.constant 64 : i32
          %mul3A_348 = arith.muli %add3A_308, %mul3A_347 : i32
          %add3A_349 = arith.constant 32 : i32
          %add3A_350 = arith.addi %mul3A_348, %add3A_349 : i32
          %get3A_351 = arith.index_cast %add3A_350 : i32 to index
          %get3A_352 = tpu.vector_load %arg12[%get3A_351] {strides = array<i32>} : memref<12800xf32, #tpu.memory_space<vmem>>, vector<16xf32>,
          %get3A_353 = vector.shape_cast %get3A_352 : vector<16xf32> to vector<16xf32>
          %add3A_354 = arith.addf %get3A_346, %get3A_353 : vector<16xf32>
          %swap3A_355 = arith.index_cast %add3A_308 : i32 to index
          %swap3A_356 = arith.constant 32 : index
          %swap3A_357 = tpu.vector_load %arg14[%swap3A_355, %swap3A_356] {strides = array<i32>} : memref<200x64xf32, #tpu.memory_space<vmem>>, vector<1x16xf32>,
          %swap3A_358 = vector.shape_cast %swap3A_357 : vector<1x16xf32> to vector<16xf32>
          %swap3A_359 = vector.shape_cast %add3A_354 : vector<16xf32> to vector<1x16xf32>
          tpu.vector_store %arg14[%swap3A_355, %swap3A_356], %swap3A_359 {strides = array<i32>} : memref<200x64xf32, #tpu.memory_space<vmem>>, vector<1x16xf32>,
          %get3A_360 = arith.index_cast %add3A_308 : i32 to index
          %get3A_361 = arith.constant 48 : index
          %get3A_362 = tpu.vector_load %arg14[%get3A_360, %get3A_361] {strides = array<i32>} : memref<200x64xf32, #tpu.memory_space<vmem>>, vector<1x16xf32>,
          %get3A_363 = vector.shape_cast %get3A_362 : vector<1x16xf32> to vector<16xf32>
          %mul3A_364 = arith.constant 64 : i32
          %mul3A_365 = arith.muli %add3A_308, %mul3A_364 : i32
          %add3A_366 = arith.constant 48 : i32
          %add3A_367 = arith.addi %mul3A_365, %add3A_366 : i32
          %get3A_368 = arith.index_cast %add3A_367 : i32 to index
          %get3A_369 = tpu.vector_load %arg12[%get3A_368] {strides = array<i32>} : memref<12800xf32, #tpu.memory_space<vmem>>, vector<16xf32>,
          %get3A_370 = vector.shape_cast %get3A_369 : vector<16xf32> to vector<16xf32>
          %add3A_371 = arith.addf %get3A_363, %get3A_370 : vector<16xf32>
          %swap3A_372 = arith.index_cast %add3A_308 : i32 to index
          %swap3A_373 = arith.constant 48 : index
          %swap3A_374 = tpu.vector_load %arg14[%swap3A_372, %swap3A_373] {strides = array<i32>} : memref<200x64xf32, #tpu.memory_space<vmem>>, vector<1x16xf32>,
          %swap3A_375 = vector.shape_cast %swap3A_374 : vector<1x16xf32> to vector<16xf32>
          %swap3A_376 = vector.shape_cast %add3A_371 : vector<16xf32> to vector<1x16xf32>
          tpu.vector_store %arg14[%swap3A_372, %swap3A_373], %swap3A_376 {strides = array<i32>} : memref<200x64xf32, #tpu.memory_space<vmem>>, vector<1x16xf32>,
          %mul3A_377 = arith.constant 8 : i32
          %mul3A_378 = arith.muli %scan3A_230, %mul3A_377 : i32
          %add3A_379 = arith.constant 2 : i32
          %add3A_380 = arith.addi %mul3A_378, %add3A_379 : i32
          %get3A_381 = arith.index_cast %add3A_380 : i32 to index
          %get3A_382 = arith.constant 0 : index
          %get3A_383 = tpu.vector_load %arg14[%get3A_381, %get3A_382] {strides = array<i32>} : memref<200x64xf32, #tpu.memory_space<vmem>>, vector<1x16xf32>,
          %get3A_384 = vector.shape_cast %get3A_383 : vector<1x16xf32> to vector<16xf32>
          %mul3A_385 = arith.constant 64 : i32
          %mul3A_386 = arith.muli %add3A_380, %mul3A_385 : i32
          %add3A_387 = arith.constant 0 : i32
          %add3A_388 = arith.addi %mul3A_386, %add3A_387 : i32
          %get3A_389 = arith.index_cast %add3A_388 : i32 to index
          %get3A_390 = tpu.vector_load %arg12[%get3A_389] {strides = array<i32>} : memref<12800xf32, #tpu.memory_space<vmem>>, vector<16xf32>,
          %get3A_391 = vector.shape_cast %get3A_390 : vector<16xf32> to vector<16xf32>
          %add3A_392 = arith.addf %get3A_384, %get3A_391 : vector<16xf32>
          %swap3A_393 = arith.index_cast %add3A_380 : i32 to index
          %swap3A_394 = arith.constant 0 : index
          %swap3A_395 = tpu.vector_load %arg14[%swap3A_393, %swap3A_394] {strides = array<i32>} : memref<200x64xf32, #tpu.memory_space<vmem>>, vector<1x16xf32>,
          %swap3A_396 = vector.shape_cast %swap3A_395 : vector<1x16xf32> to vector<16xf32>
          %swap3A_397 = vector.shape_cast %add3A_392 : vector<16xf32> to vector<1x16xf32>
          tpu.vector_store %arg14[%swap3A_393, %swap3A_394], %swap3A_397 {strides = array<i32>} : memref<200x64xf32, #tpu.memory_space<vmem>>, vector<1x16xf32>,
          %get3A_398 = arith.index_cast %add3A_380 : i32 to index
          %get3A_399 = arith.constant 16 : index
          %get3A_400 = tpu.vector_load %arg14[%get3A_398, %get3A_399] {strides = array<i32>} : memref<200x64xf32, #tpu.memory_space<vmem>>, vector<1x16xf32>,
          %get3A_401 = vector.shape_cast %get3A_400 : vector<1x16xf32> to vector<16xf32>
          %mul3A_402 = arith.constant 64 : i32
          %mul3A_403 = arith.muli %add3A_380, %mul3A_402 : i32
          %add3A_404 = arith.constant 16 : i32
          %add3A_405 = arith.addi %mul3A_403, %add3A_404 : i32
          %get3A_406 = arith.index_cast %add3A_405 : i32 to index
          %get3A_407 = tpu.vector_load %arg12[%get3A_406] {strides = array<i32>} : memref<12800xf32, #tpu.memory_space<vmem>>, vector<16xf32>,
          %get3A_408 = vector.shape_cast %get3A_407 : vector<16xf32> to vector<16xf32>
          %add3A_409 = arith.addf %get3A_401, %get3A_408 : vector<16xf32>
          %swap3A_410 = arith.index_cast %add3A_380 : i32 to index
          %swap3A_411 = arith.constant 16 : index
          %swap3A_412 = tpu.vector_load %arg14[%swap3A_410, %swap3A_411] {strides = array<i32>} : memref<200x64xf32, #tpu.memory_space<vmem>>, vector<1x16xf32>,
          %swap3A_413 = vector.shape_cast %swap3A_412 : vector<1x16xf32> to vector<16xf32>
          %swap3A_414 = vector.shape_cast %add3A_409 : vector<16xf32> to vector<1x16xf32>
          tpu.vector_store %arg14[%swap3A_410, %swap3A_411], %swap3A_414 {strides = array<i32>} : memref<200x64xf32, #tpu.memory_space<vmem>>, vector<1x16xf32>,
          %get3A_415 = arith.index_cast %add3A_380 : i32 to index
          %get3A_416 = arith.constant 32 : index
          %get3A_417 = tpu.vector_load %arg14[%get3A_415, %get3A_416] {strides = array<i32>} : memref<200x64xf32, #tpu.memory_space<vmem>>, vector<1x16xf32>,
          %get3A_418 = vector.shape_cast %get3A_417 : vector<1x16xf32> to vector<16xf32>
          %mul3A_419 = arith.constant 64 : i32
          %mul3A_420 = arith.muli %add3A_380, %mul3A_419 : i32
          %add3A_421 = arith.constant 32 : i32
          %add3A_422 = arith.addi %mul3A_420, %add3A_421 : i32
          %get3A_423 = arith.index_cast %add3A_422 : i32 to index
          %get3A_424 = tpu.vector_load %arg12[%get3A_423] {strides = array<i32>} : memref<12800xf32, #tpu.memory_space<vmem>>, vector<16xf32>,
          %get3A_425 = vector.shape_cast %get3A_424 : vector<16xf32> to vector<16xf32>
          %add3A_426 = arith.addf %get3A_418, %get3A_425 : vector<16xf32>
          %swap3A_427 = arith.index_cast %add3A_380 : i32 to index
          %swap3A_428 = arith.constant 32 : index
          %swap3A_429 = tpu.vector_load %arg14[%swap3A_427, %swap3A_428] {strides = array<i32>} : memref<200x64xf32, #tpu.memory_space<vmem>>, vector<1x16xf32>,
          %swap3A_430 = vector.shape_cast %swap3A_429 : vector<1x16xf32> to vector<16xf32>
          %swap3A_431 = vector.shape_cast %add3A_426 : vector<16xf32> to vector<1x16xf32>
          tpu.vector_store %arg14[%swap3A_427, %swap3A_428], %swap3A_431 {strides = array<i32>} : memref<200x64xf32, #tpu.memory_space<vmem>>, vector<1x16xf32>,
          %get3A_432 = arith.index_cast %add3A_380 : i32 to index
          %get3A_433 = arith.constant 48 : index
          %get3A_434 = tpu.vector_load %arg14[%get3A_432, %get3A_433] {strides = array<i32>} : memref<200x64xf32, #tpu.memory_space<vmem>>, vector<1x16xf32>,
          %get3A_435 = vector.shape_cast %get3A_434 : vector<1x16xf32> to vector<16xf32>
          %mul3A_436 = arith.constant 64 : i32
          %mul3A_437 = arith.muli %add3A_380, %mul3A_436 : i32
          %add3A_438 = arith.constant 48 : i32
          %add3A_439 = arith.addi %mul3A_437, %add3A_438 : i32
          %get3A_440 = arith.index_cast %add3A_439 : i32 to index
          %get3A_441 = tpu.vector_load %arg12[%get3A_440] {strides = array<i32>} : memref<12800xf32, #tpu.memory_space<vmem>>, vector<16xf32>,
          %get3A_442 = vector.shape_cast %get3A_441 : vector<16xf32> to vector<16xf32>
          %add3A_443 = arith.addf %get3A_435, %get3A_442 : vector<16xf32>
          %swap3A_444 = arith.index_cast %add3A_380 : i32 to index
          %swap3A_445 = arith.constant 48 : index
          %swap3A_446 = tpu.vector_load %arg14[%swap3A_444, %swap3A_445] {strides = array<i32>} : memref<200x64xf32, #tpu.memory_space<vmem>>, vector<1x16xf32>,
          %swap3A_447 = vector.shape_cast %swap3A_446 : vector<1x16xf32> to vector<16xf32>
          %swap3A_448 = vector.shape_cast %add3A_443 : vector<16xf32> to vector<1x16xf32>
          tpu.vector_store %arg14[%swap3A_444, %swap3A_445], %swap3A_448 {strides = array<i32>} : memref<200x64xf32, #tpu.memory_space<vmem>>, vector<1x16xf32>,
          %mul3A_449 = arith.constant 8 : i32
          %mul3A_450 = arith.muli %scan3A_230, %mul3A_449 : i32
          %add3A_451 = arith.constant 3 : i32
          %add3A_452 = arith.addi %mul3A_450, %add3A_451 : i32
          %get3A_453 = arith.index_cast %add3A_452 : i32 to index
          %get3A_454 = arith.constant 0 : index
          %get3A_455 = tpu.vector_load %arg14[%get3A_453, %get3A_454] {strides = array<i32>} : memref<200x64xf32, #tpu.memory_space<vmem>>, vector<1x16xf32>,
          %get3A_456 = vector.shape_cast %get3A_455 : vector<1x16xf32> to vector<16xf32>
          %mul3A_457 = arith.constant 64 : i32
          %mul3A_458 = arith.muli %add3A_452, %mul3A_457 : i32
          %add3A_459 = arith.constant 0 : i32
          %add3A_460 = arith.addi %mul3A_458, %add3A_459 : i32
          %get3A_461 = arith.index_cast %add3A_460 : i32 to index
          %get3A_462 = tpu.vector_load %arg12[%get3A_461] {strides = array<i32>} : memref<12800xf32, #tpu.memory_space<vmem>>, vector<16xf32>,
          %get3A_463 = vector.shape_cast %get3A_462 : vector<16xf32> to vector<16xf32>
          %add3A_464 = arith.addf %get3A_456, %get3A_463 : vector<16xf32>
          %swap3A_465 = arith.index_cast %add3A_452 : i32 to index
          %swap3A_466 = arith.constant 0 : index
          %swap3A_467 = tpu.vector_load %arg14[%swap3A_465, %swap3A_466] {strides = array<i32>} : memref<200x64xf32, #tpu.memory_space<vmem>>, vector<1x16xf32>,
          %swap3A_468 = vector.shape_cast %swap3A_467 : vector<1x16xf32> to vector<16xf32>
          %swap3A_469 = vector.shape_cast %add3A_464 : vector<16xf32> to vector<1x16xf32>
          tpu.vector_store %arg14[%swap3A_465, %swap3A_466], %swap3A_469 {strides = array<i32>} : memref<200x64xf32, #tpu.memory_space<vmem>>, vector<1x16xf32>,
          %get3A_470 = arith.index_cast %add3A_452 : i32 to index
          %get3A_471 = arith.constant 16 : index
          %get3A_472 = tpu.vector_load %arg14[%get3A_470, %get3A_471] {strides = array<i32>} : memref<200x64xf32, #tpu.memory_space<vmem>>, vector<1x16xf32>,
          %get3A_473 = vector.shape_cast %get3A_472 : vector<1x16xf32> to vector<16xf32>
          %mul3A_474 = arith.constant 64 : i32
          %mul3A_475 = arith.muli %add3A_452, %mul3A_474 : i32
          %add3A_476 = arith.constant 16 : i32
          %add3A_477 = arith.addi %mul3A_475, %add3A_476 : i32
          %get3A_478 = arith.index_cast %add3A_477 : i32 to index
          %get3A_479 = tpu.vector_load %arg12[%get3A_478] {strides = array<i32>} : memref<12800xf32, #tpu.memory_space<vmem>>, vector<16xf32>,
          %get3A_480 = vector.shape_cast %get3A_479 : vector<16xf32> to vector<16xf32>
          %add3A_481 = arith.addf %get3A_473, %get3A_480 : vector<16xf32>
          %swap3A_482 = arith.index_cast %add3A_452 : i32 to index
          %swap3A_483 = arith.constant 16 : index
          %swap3A_484 = tpu.vector_load %arg14[%swap3A_482, %swap3A_483] {strides = array<i32>} : memref<200x64xf32, #tpu.memory_space<vmem>>, vector<1x16xf32>,
          %swap3A_485 = vector.shape_cast %swap3A_484 : vector<1x16xf32> to vector<16xf32>
          %swap3A_486 = vector.shape_cast %add3A_481 : vector<16xf32> to vector<1x16xf32>
          tpu.vector_store %arg14[%swap3A_482, %swap3A_483], %swap3A_486 {strides = array<i32>} : memref<200x64xf32, #tpu.memory_space<vmem>>, vector<1x16xf32>,
          %get3A_487 = arith.index_cast %add3A_452 : i32 to index
          %get3A_488 = arith.constant 32 : index
          %get3A_489 = tpu.vector_load %arg14[%get3A_487, %get3A_488] {strides = array<i32>} : memref<200x64xf32, #tpu.memory_space<vmem>>, vector<1x16xf32>,
          %get3A_490 = vector.shape_cast %get3A_489 : vector<1x16xf32> to vector<16xf32>
          %mul3A_491 = arith.constant 64 : i32
          %mul3A_492 = arith.muli %add3A_452, %mul3A_491 : i32
          %add3A_493 = arith.constant 32 : i32
          %add3A_494 = arith.addi %mul3A_492, %add3A_493 : i32
          %get3A_495 = arith.index_cast %add3A_494 : i32 to index
          %get3A_496 = tpu.vector_load %arg12[%get3A_495] {strides = array<i32>} : memref<12800xf32, #tpu.memory_space<vmem>>, vector<16xf32>,
          %get3A_497 = vector.shape_cast %get3A_496 : vector<16xf32> to vector<16xf32>
          %add3A_498 = arith.addf %get3A_490, %get3A_497 : vector<16xf32>
          %swap3A_499 = arith.index_cast %add3A_452 : i32 to index
          %swap3A_500 = arith.constant 32 : index
          %swap3A_501 = tpu.vector_load %arg14[%swap3A_499, %swap3A_500] {strides = array<i32>} : memref<200x64xf32, #tpu.memory_space<vmem>>, vector<1x16xf32>,
          %swap3A_502 = vector.shape_cast %swap3A_501 : vector<1x16xf32> to vector<16xf32>
          %swap3A_503 = vector.shape_cast %add3A_498 : vector<16xf32> to vector<1x16xf32>
          tpu.vector_store %arg14[%swap3A_499, %swap3A_500], %swap3A_503 {strides = array<i32>} : memref<200x64xf32, #tpu.memory_space<vmem>>, vector<1x16xf32>,
          %get3A_504 = arith.index_cast %add3A_452 : i32 to index
          %get3A_505 = arith.constant 48 : index
          %get3A_506 = tpu.vector_load %arg14[%get3A_504, %get3A_505] {strides = array<i32>} : memref<200x64xf32, #tpu.memory_space<vmem>>, vector<1x16xf32>,
          %get3A_507 = vector.shape_cast %get3A_506 : vector<1x16xf32> to vector<16xf32>
          %mul3A_508 = arith.constant 64 : i32
          %mul3A_509 = arith.muli %add3A_452, %mul3A_508 : i32
          %add3A_510 = arith.constant 48 : i32
          %add3A_511 = arith.addi %mul3A_509, %add3A_510 : i32
          %get3A_512 = arith.index_cast %add3A_511 : i32 to index
          %get3A_513 = tpu.vector_load %arg12[%get3A_512] {strides = array<i32>} : memref<12800xf32, #tpu.memory_space<vmem>>, vector<16xf32>,
          %get3A_514 = vector.shape_cast %get3A_513 : vector<16xf32> to vector<16xf32>
          %add3A_515 = arith.addf %get3A_507, %get3A_514 : vector<16xf32>
          %swap3A_516 = arith.index_cast %add3A_452 : i32 to index
          %swap3A_517 = arith.constant 48 : index
          %swap3A_518 = tpu.vector_load %arg14[%swap3A_516, %swap3A_517] {strides = array<i32>} : memref<200x64xf32, #tpu.memory_space<vmem>>, vector<1x16xf32>,
          %swap3A_519 = vector.shape_cast %swap3A_518 : vector<1x16xf32> to vector<16xf32>
          %swap3A_520 = vector.shape_cast %add3A_515 : vector<16xf32> to vector<1x16xf32>
          tpu.vector_store %arg14[%swap3A_516, %swap3A_517], %swap3A_520 {strides = array<i32>} : memref<200x64xf32, #tpu.memory_space<vmem>>, vector<1x16xf32>,
          %mul3A_521 = arith.constant 8 : i32
          %mul3A_522 = arith.muli %scan3A_230, %mul3A_521 : i32
          %add3A_523 = arith.constant 4 : i32
          %add3A_524 = arith.addi %mul3A_522, %add3A_523 : i32
          %get3A_525 = arith.index_cast %add3A_524 : i32 to index
          %get3A_526 = arith.constant 0 : index
          %get3A_527 = tpu.vector_load %arg14[%get3A_525, %get3A_526] {strides = array<i32>} : memref<200x64xf32, #tpu.memory_space<vmem>>, vector<1x16xf32>,
          %get3A_528 = vector.shape_cast %get3A_527 : vector<1x16xf32> to vector<16xf32>
          %mul3A_529 = arith.constant 64 : i32
          %mul3A_530 = arith.muli %add3A_524, %mul3A_529 : i32
          %add3A_531 = arith.constant 0 : i32
          %add3A_532 = arith.addi %mul3A_530, %add3A_531 : i32
          %get3A_533 = arith.index_cast %add3A_532 : i32 to index
          %get3A_534 = tpu.vector_load %arg12[%get3A_533] {strides = array<i32>} : memref<12800xf32, #tpu.memory_space<vmem>>, vector<16xf32>,
          %get3A_535 = vector.shape_cast %get3A_534 : vector<16xf32> to vector<16xf32>
          %add3A_536 = arith.addf %get3A_528, %get3A_535 : vector<16xf32>
          %swap3A_537 = arith.index_cast %add3A_524 : i32 to index
          %swap3A_538 = arith.constant 0 : index
          %swap3A_539 = tpu.vector_load %arg14[%swap3A_537, %swap3A_538] {strides = array<i32>} : memref<200x64xf32, #tpu.memory_space<vmem>>, vector<1x16xf32>,
          %swap3A_540 = vector.shape_cast %swap3A_539 : vector<1x16xf32> to vector<16xf32>
          %swap3A_541 = vector.shape_cast %add3A_536 : vector<16xf32> to vector<1x16xf32>
          tpu.vector_store %arg14[%swap3A_537, %swap3A_538], %swap3A_541 {strides = array<i32>} : memref<200x64xf32, #tpu.memory_space<vmem>>, vector<1x16xf32>,
          %get3A_542 = arith.index_cast %add3A_524 : i32 to index
          %get3A_543 = arith.constant 16 : index
          %get3A_544 = tpu.vector_load %arg14[%get3A_542, %get3A_543] {strides = array<i32>} : memref<200x64xf32, #tpu.memory_space<vmem>>, vector<1x16xf32>,
          %get3A_545 = vector.shape_cast %get3A_544 : vector<1x16xf32> to vector<16xf32>
          %mul3A_546 = arith.constant 64 : i32
          %mul3A_547 = arith.muli %add3A_524, %mul3A_546 : i32
          %add3A_548 = arith.constant 16 : i32
          %add3A_549 = arith.addi %mul3A_547, %add3A_548 : i32
          %get3A_550 = arith.index_cast %add3A_549 : i32 to index
          %get3A_551 = tpu.vector_load %arg12[%get3A_550] {strides = array<i32>} : memref<12800xf32, #tpu.memory_space<vmem>>, vector<16xf32>,
          %get3A_552 = vector.shape_cast %get3A_551 : vector<16xf32> to vector<16xf32>
          %add3A_553 = arith.addf %get3A_545, %get3A_552 : vector<16xf32>
          %swap3A_554 = arith.index_cast %add3A_524 : i32 to index
          %swap3A_555 = arith.constant 16 : index
          %swap3A_556 = tpu.vector_load %arg14[%swap3A_554, %swap3A_555] {strides = array<i32>} : memref<200x64xf32, #tpu.memory_space<vmem>>, vector<1x16xf32>,
          %swap3A_557 = vector.shape_cast %swap3A_556 : vector<1x16xf32> to vector<16xf32>
          %swap3A_558 = vector.shape_cast %add3A_553 : vector<16xf32> to vector<1x16xf32>
          tpu.vector_store %arg14[%swap3A_554, %swap3A_555], %swap3A_558 {strides = array<i32>} : memref<200x64xf32, #tpu.memory_space<vmem>>, vector<1x16xf32>,
          %get3A_559 = arith.index_cast %add3A_524 : i32 to index
          %get3A_560 = arith.constant 32 : index
          %get3A_561 = tpu.vector_load %arg14[%get3A_559, %get3A_560] {strides = array<i32>} : memref<200x64xf32, #tpu.memory_space<vmem>>, vector<1x16xf32>,
          %get3A_562 = vector.shape_cast %get3A_561 : vector<1x16xf32> to vector<16xf32>
          %mul3A_563 = arith.constant 64 : i32
          %mul3A_564 = arith.muli %add3A_524, %mul3A_563 : i32
          %add3A_565 = arith.constant 32 : i32
          %add3A_566 = arith.addi %mul3A_564, %add3A_565 : i32
          %get3A_567 = arith.index_cast %add3A_566 : i32 to index
          %get3A_568 = tpu.vector_load %arg12[%get3A_567] {strides = array<i32>} : memref<12800xf32, #tpu.memory_space<vmem>>, vector<16xf32>,
          %get3A_569 = vector.shape_cast %get3A_568 : vector<16xf32> to vector<16xf32>
          %add3A_570 = arith.addf %get3A_562, %get3A_569 : vector<16xf32>
          %swap3A_571 = arith.index_cast %add3A_524 : i32 to index
          %swap3A_572 = arith.constant 32 : index
          %swap3A_573 = tpu.vector_load %arg14[%swap3A_571, %swap3A_572] {strides = array<i32>} : memref<200x64xf32, #tpu.memory_space<vmem>>, vector<1x16xf32>,
          %swap3A_574 = vector.shape_cast %swap3A_573 : vector<1x16xf32> to vector<16xf32>
          %swap3A_575 = vector.shape_cast %add3A_570 : vector<16xf32> to vector<1x16xf32>
          tpu.vector_store %arg14[%swap3A_571, %swap3A_572], %swap3A_575 {strides = array<i32>} : memref<200x64xf32, #tpu.memory_space<vmem>>, vector<1x16xf32>,
          %get3A_576 = arith.index_cast %add3A_524 : i32 to index
          %get3A_577 = arith.constant 48 : index
          %get3A_578 = tpu.vector_load %arg14[%get3A_576, %get3A_577] {strides = array<i32>} : memref<200x64xf32, #tpu.memory_space<vmem>>, vector<1x16xf32>,
          %get3A_579 = vector.shape_cast %get3A_578 : vector<1x16xf32> to vector<16xf32>
          %mul3A_580 = arith.constant 64 : i32
          %mul3A_581 = arith.muli %add3A_524, %mul3A_580 : i32
          %add3A_582 = arith.constant 48 : i32
          %add3A_583 = arith.addi %mul3A_581, %add3A_582 : i32
          %get3A_584 = arith.index_cast %add3A_583 : i32 to index
          %get3A_585 = tpu.vector_load %arg12[%get3A_584] {strides = array<i32>} : memref<12800xf32, #tpu.memory_space<vmem>>, vector<16xf32>,
          %get3A_586 = vector.shape_cast %get3A_585 : vector<16xf32> to vector<16xf32>
          %add3A_587 = arith.addf %get3A_579, %get3A_586 : vector<16xf32>
          %swap3A_588 = arith.index_cast %add3A_524 : i32 to index
          %swap3A_589 = arith.constant 48 : index
          %swap3A_590 = tpu.vector_load %arg14[%swap3A_588, %swap3A_589] {strides = array<i32>} : memref<200x64xf32, #tpu.memory_space<vmem>>, vector<1x16xf32>,
          %swap3A_591 = vector.shape_cast %swap3A_590 : vector<1x16xf32> to vector<16xf32>
          %swap3A_592 = vector.shape_cast %add3A_587 : vector<16xf32> to vector<1x16xf32>
          tpu.vector_store %arg14[%swap3A_588, %swap3A_589], %swap3A_592 {strides = array<i32>} : memref<200x64xf32, #tpu.memory_space<vmem>>, vector<1x16xf32>,
          %mul3A_593 = arith.constant 8 : i32
          %mul3A_594 = arith.muli %scan3A_230, %mul3A_593 : i32
          %add3A_595 = arith.constant 5 : i32
          %add3A_596 = arith.addi %mul3A_594, %add3A_595 : i32
          %get3A_597 = arith.index_cast %add3A_596 : i32 to index
          %get3A_598 = arith.constant 0 : index
          %get3A_599 = tpu.vector_load %arg14[%get3A_597, %get3A_598] {strides = array<i32>} : memref<200x64xf32, #tpu.memory_space<vmem>>, vector<1x16xf32>,
          %get3A_600 = vector.shape_cast %get3A_599 : vector<1x16xf32> to vector<16xf32>
          %mul3A_601 = arith.constant 64 : i32
          %mul3A_602 = arith.muli %add3A_596, %mul3A_601 : i32
          %add3A_603 = arith.constant 0 : i32
          %add3A_604 = arith.addi %mul3A_602, %add3A_603 : i32
          %get3A_605 = arith.index_cast %add3A_604 : i32 to index
          %get3A_606 = tpu.vector_load %arg12[%get3A_605] {strides = array<i32>} : memref<12800xf32, #tpu.memory_space<vmem>>, vector<16xf32>,
          %get3A_607 = vector.shape_cast %get3A_606 : vector<16xf32> to vector<16xf32>
          %add3A_608 = arith.addf %get3A_600, %get3A_607 : vector<16xf32>
          %swap3A_609 = arith.index_cast %add3A_596 : i32 to index
          %swap3A_610 = arith.constant 0 : index
          %swap3A_611 = tpu.vector_load %arg14[%swap3A_609, %swap3A_610] {strides = array<i32>} : memref<200x64xf32, #tpu.memory_space<vmem>>, vector<1x16xf32>,
          %swap3A_612 = vector.shape_cast %swap3A_611 : vector<1x16xf32> to vector<16xf32>
          %swap3A_613 = vector.shape_cast %add3A_608 : vector<16xf32> to vector<1x16xf32>
          tpu.vector_store %arg14[%swap3A_609, %swap3A_610], %swap3A_613 {strides = array<i32>} : memref<200x64xf32, #tpu.memory_space<vmem>>, vector<1x16xf32>,
          %get3A_614 = arith.index_cast %add3A_596 : i32 to index
          %get3A_615 = arith.constant 16 : index
          %get3A_616 = tpu.vector_load %arg14[%get3A_614, %get3A_615] {strides = array<i32>} : memref<200x64xf32, #tpu.memory_space<vmem>>, vector<1x16xf32>,
          %get3A_617 = vector.shape_cast %get3A_616 : vector<1x16xf32> to vector<16xf32>
          %mul3A_618 = arith.constant 64 : i32
          %mul3A_619 = arith.muli %add3A_596, %mul3A_618 : i32
          %add3A_620 = arith.constant 16 : i32
          %add3A_621 = arith.addi %mul3A_619, %add3A_620 : i32
          %get3A_622 = arith.index_cast %add3A_621 : i32 to index
          %get3A_623 = tpu.vector_load %arg12[%get3A_622] {strides = array<i32>} : memref<12800xf32, #tpu.memory_space<vmem>>, vector<16xf32>,
          %get3A_624 = vector.shape_cast %get3A_623 : vector<16xf32> to vector<16xf32>
          %add3A_625 = arith.addf %get3A_617, %get3A_624 : vector<16xf32>
          %swap3A_626 = arith.index_cast %add3A_596 : i32 to index
          %swap3A_627 = arith.constant 16 : index
          %swap3A_628 = tpu.vector_load %arg14[%swap3A_626, %swap3A_627] {strides = array<i32>} : memref<200x64xf32, #tpu.memory_space<vmem>>, vector<1x16xf32>,
          %swap3A_629 = vector.shape_cast %swap3A_628 : vector<1x16xf32> to vector<16xf32>
          %swap3A_630 = vector.shape_cast %add3A_625 : vector<16xf32> to vector<1x16xf32>
          tpu.vector_store %arg14[%swap3A_626, %swap3A_627], %swap3A_630 {strides = array<i32>} : memref<200x64xf32, #tpu.memory_space<vmem>>, vector<1x16xf32>,
          %get3A_631 = arith.index_cast %add3A_596 : i32 to index
          %get3A_632 = arith.constant 32 : index
          %get3A_633 = tpu.vector_load %arg14[%get3A_631, %get3A_632] {strides = array<i32>} : memref<200x64xf32, #tpu.memory_space<vmem>>, vector<1x16xf32>,
          %get3A_634 = vector.shape_cast %get3A_633 : vector<1x16xf32> to vector<16xf32>
          %mul3A_635 = arith.constant 64 : i32
          %mul3A_636 = arith.muli %add3A_596, %mul3A_635 : i32
          %add3A_637 = arith.constant 32 : i32
          %add3A_638 = arith.addi %mul3A_636, %add3A_637 : i32
          %get3A_639 = arith.index_cast %add3A_638 : i32 to index
          %get3A_640 = tpu.vector_load %arg12[%get3A_639] {strides = array<i32>} : memref<12800xf32, #tpu.memory_space<vmem>>, vector<16xf32>,
          %get3A_641 = vector.shape_cast %get3A_640 : vector<16xf32> to vector<16xf32>
          %add3A_642 = arith.addf %get3A_634, %get3A_641 : vector<16xf32>
          %swap3A_643 = arith.index_cast %add3A_596 : i32 to index
          %swap3A_644 = arith.constant 32 : index
          %swap3A_645 = tpu.vector_load %arg14[%swap3A_643, %swap3A_644] {strides = array<i32>} : memref<200x64xf32, #tpu.memory_space<vmem>>, vector<1x16xf32>,
          %swap3A_646 = vector.shape_cast %swap3A_645 : vector<1x16xf32> to vector<16xf32>
          %swap3A_647 = vector.shape_cast %add3A_642 : vector<16xf32> to vector<1x16xf32>
          tpu.vector_store %arg14[%swap3A_643, %swap3A_644], %swap3A_647 {strides = array<i32>} : memref<200x64xf32, #tpu.memory_space<vmem>>, vector<1x16xf32>,
          %get3A_648 = arith.index_cast %add3A_596 : i32 to index
          %get3A_649 = arith.constant 48 : index
          %get3A_650 = tpu.vector_load %arg14[%get3A_648, %get3A_649] {strides = array<i32>} : memref<200x64xf32, #tpu.memory_space<vmem>>, vector<1x16xf32>,
          %get3A_651 = vector.shape_cast %get3A_650 : vector<1x16xf32> to vector<16xf32>
          %mul3A_652 = arith.constant 64 : i32
          %mul3A_653 = arith.muli %add3A_596, %mul3A_652 : i32
          %add3A_654 = arith.constant 48 : i32
          %add3A_655 = arith.addi %mul3A_653, %add3A_654 : i32
          %get3A_656 = arith.index_cast %add3A_655 : i32 to index
          %get3A_657 = tpu.vector_load %arg12[%get3A_656] {strides = array<i32>} : memref<12800xf32, #tpu.memory_space<vmem>>, vector<16xf32>,
          %get3A_658 = vector.shape_cast %get3A_657 : vector<16xf32> to vector<16xf32>
          %add3A_659 = arith.addf %get3A_651, %get3A_658 : vector<16xf32>
          %swap3A_660 = arith.index_cast %add3A_596 : i32 to index
          %swap3A_661 = arith.constant 48 : index
          %swap3A_662 = tpu.vector_load %arg14[%swap3A_660, %swap3A_661] {strides = array<i32>} : memref<200x64xf32, #tpu.memory_space<vmem>>, vector<1x16xf32>,
          %swap3A_663 = vector.shape_cast %swap3A_662 : vector<1x16xf32> to vector<16xf32>
          %swap3A_664 = vector.shape_cast %add3A_659 : vector<16xf32> to vector<1x16xf32>
          tpu.vector_store %arg14[%swap3A_660, %swap3A_661], %swap3A_664 {strides = array<i32>} : memref<200x64xf32, #tpu.memory_space<vmem>>, vector<1x16xf32>,
          %mul3A_665 = arith.constant 8 : i32
          %mul3A_666 = arith.muli %scan3A_230, %mul3A_665 : i32
          %add3A_667 = arith.constant 6 : i32
          %add3A_668 = arith.addi %mul3A_666, %add3A_667 : i32
          %get3A_669 = arith.index_cast %add3A_668 : i32 to index
          %get3A_670 = arith.constant 0 : index
          %get3A_671 = tpu.vector_load %arg14[%get3A_669, %get3A_670] {strides = array<i32>} : memref<200x64xf32, #tpu.memory_space<vmem>>, vector<1x16xf32>,
          %get3A_672 = vector.shape_cast %get3A_671 : vector<1x16xf32> to vector<16xf32>
          %mul3A_673 = arith.constant 64 : i32
          %mul3A_674 = arith.muli %add3A_668, %mul3A_673 : i32
          %add3A_675 = arith.constant 0 : i32
          %add3A_676 = arith.addi %mul3A_674, %add3A_675 : i32
          %get3A_677 = arith.index_cast %add3A_676 : i32 to index
          %get3A_678 = tpu.vector_load %arg12[%get3A_677] {strides = array<i32>} : memref<12800xf32, #tpu.memory_space<vmem>>, vector<16xf32>,
          %get3A_679 = vector.shape_cast %get3A_678 : vector<16xf32> to vector<16xf32>
          %add3A_680 = arith.addf %get3A_672, %get3A_679 : vector<16xf32>
          %swap3A_681 = arith.index_cast %add3A_668 : i32 to index
          %swap3A_682 = arith.constant 0 : index
          %swap3A_683 = tpu.vector_load %arg14[%swap3A_681, %swap3A_682] {strides = array<i32>} : memref<200x64xf32, #tpu.memory_space<vmem>>, vector<1x16xf32>,
          %swap3A_684 = vector.shape_cast %swap3A_683 : vector<1x16xf32> to vector<16xf32>
          %swap3A_685 = vector.shape_cast %add3A_680 : vector<16xf32> to vector<1x16xf32>
          tpu.vector_store %arg14[%swap3A_681, %swap3A_682], %swap3A_685 {strides = array<i32>} : memref<200x64xf32, #tpu.memory_space<vmem>>, vector<1x16xf32>,
          %get3A_686 = arith.index_cast %add3A_668 : i32 to index
          %get3A_687 = arith.constant 16 : index
          %get3A_688 = tpu.vector_load %arg14[%get3A_686, %get3A_687] {strides = array<i32>} : memref<200x64xf32, #tpu.memory_space<vmem>>, vector<1x16xf32>,
          %get3A_689 = vector.shape_cast %get3A_688 : vector<1x16xf32> to vector<16xf32>
          %mul3A_690 = arith.constant 64 : i32
          %mul3A_691 = arith.muli %add3A_668, %mul3A_690 : i32
          %add3A_692 = arith.constant 16 : i32
          %add3A_693 = arith.addi %mul3A_691, %add3A_692 : i32
          %get3A_694 = arith.index_cast %add3A_693 : i32 to index
          %get3A_695 = tpu.vector_load %arg12[%get3A_694] {strides = array<i32>} : memref<12800xf32, #tpu.memory_space<vmem>>, vector<16xf32>,
          %get3A_696 = vector.shape_cast %get3A_695 : vector<16xf32> to vector<16xf32>
          %add3A_697 = arith.addf %get3A_689, %get3A_696 : vector<16xf32>
          %swap3A_698 = arith.index_cast %add3A_668 : i32 to index
          %swap3A_699 = arith.constant 16 : index
          %swap3A_700 = tpu.vector_load %arg14[%swap3A_698, %swap3A_699] {strides = array<i32>} : memref<200x64xf32, #tpu.memory_space<vmem>>, vector<1x16xf32>,
          %swap3A_701 = vector.shape_cast %swap3A_700 : vector<1x16xf32> to vector<16xf32>
          %swap3A_702 = vector.shape_cast %add3A_697 : vector<16xf32> to vector<1x16xf32>
          tpu.vector_store %arg14[%swap3A_698, %swap3A_699], %swap3A_702 {strides = array<i32>} : memref<200x64xf32, #tpu.memory_space<vmem>>, vector<1x16xf32>,
          %get3A_703 = arith.index_cast %add3A_668 : i32 to index
          %get3A_704 = arith.constant 32 : index
          %get3A_705 = tpu.vector_load %arg14[%get3A_703, %get3A_704] {strides = array<i32>} : memref<200x64xf32, #tpu.memory_space<vmem>>, vector<1x16xf32>,
          %get3A_706 = vector.shape_cast %get3A_705 : vector<1x16xf32> to vector<16xf32>
          %mul3A_707 = arith.constant 64 : i32
          %mul3A_708 = arith.muli %add3A_668, %mul3A_707 : i32
          %add3A_709 = arith.constant 32 : i32
          %add3A_710 = arith.addi %mul3A_708, %add3A_709 : i32
          %get3A_711 = arith.index_cast %add3A_710 : i32 to index
          %get3A_712 = tpu.vector_load %arg12[%get3A_711] {strides = array<i32>} : memref<12800xf32, #tpu.memory_space<vmem>>, vector<16xf32>,
          %get3A_713 = vector.shape_cast %get3A_712 : vector<16xf32> to vector<16xf32>
          %add3A_714 = arith.addf %get3A_706, %get3A_713 : vector<16xf32>
          %swap3A_715 = arith.index_cast %add3A_668 : i32 to index
          %swap3A_716 = arith.constant 32 : index
          %swap3A_717 = tpu.vector_load %arg14[%swap3A_715, %swap3A_716] {strides = array<i32>} : memref<200x64xf32, #tpu.memory_space<vmem>>, vector<1x16xf32>,
          %swap3A_718 = vector.shape_cast %swap3A_717 : vector<1x16xf32> to vector<16xf32>
          %swap3A_719 = vector.shape_cast %add3A_714 : vector<16xf32> to vector<1x16xf32>
          tpu.vector_store %arg14[%swap3A_715, %swap3A_716], %swap3A_719 {strides = array<i32>} : memref<200x64xf32, #tpu.memory_space<vmem>>, vector<1x16xf32>,
          %get3A_720 = arith.index_cast %add3A_668 : i32 to index
          %get3A_721 = arith.constant 48 : index
          %get3A_722 = tpu.vector_load %arg14[%get3A_720, %get3A_721] {strides = array<i32>} : memref<200x64xf32, #tpu.memory_space<vmem>>, vector<1x16xf32>,
          %get3A_723 = vector.shape_cast %get3A_722 : vector<1x16xf32> to vector<16xf32>
          %mul3A_724 = arith.constant 64 : i32
          %mul3A_725 = arith.muli %add3A_668, %mul3A_724 : i32
          %add3A_726 = arith.constant 48 : i32
          %add3A_727 = arith.addi %mul3A_725, %add3A_726 : i32
          %get3A_728 = arith.index_cast %add3A_727 : i32 to index
          %get3A_729 = tpu.vector_load %arg12[%get3A_728] {strides = array<i32>} : memref<12800xf32, #tpu.memory_space<vmem>>, vector<16xf32>,
          %get3A_730 = vector.shape_cast %get3A_729 : vector<16xf32> to vector<16xf32>
          %add3A_731 = arith.addf %get3A_723, %get3A_730 : vector<16xf32>
          %swap3A_732 = arith.index_cast %add3A_668 : i32 to index
          %swap3A_733 = arith.constant 48 : index
          %swap3A_734 = tpu.vector_load %arg14[%swap3A_732, %swap3A_733] {strides = array<i32>} : memref<200x64xf32, #tpu.memory_space<vmem>>, vector<1x16xf32>,
          %swap3A_735 = vector.shape_cast %swap3A_734 : vector<1x16xf32> to vector<16xf32>
          %swap3A_736 = vector.shape_cast %add3A_731 : vector<16xf32> to vector<1x16xf32>
          tpu.vector_store %arg14[%swap3A_732, %swap3A_733], %swap3A_736 {strides = array<i32>} : memref<200x64xf32, #tpu.memory_space<vmem>>, vector<1x16xf32>,
          %mul3A_737 = arith.constant 8 : i32
          %mul3A_738 = arith.muli %scan3A_230, %mul3A_737 : i32
          %add3A_739 = arith.constant 7 : i32
          %add3A_740 = arith.addi %mul3A_738, %add3A_739 : i32
          %get3A_741 = arith.index_cast %add3A_740 : i32 to index
          %get3A_742 = arith.constant 0 : index
          %get3A_743 = tpu.vector_load %arg14[%get3A_741, %get3A_742] {strides = array<i32>} : memref<200x64xf32, #tpu.memory_space<vmem>>, vector<1x16xf32>,
          %get3A_744 = vector.shape_cast %get3A_743 : vector<1x16xf32> to vector<16xf32>
          %mul3A_745 = arith.constant 64 : i32
          %mul3A_746 = arith.muli %add3A_740, %mul3A_745 : i32
          %add3A_747 = arith.constant 0 : i32
          %add3A_748 = arith.addi %mul3A_746, %add3A_747 : i32
          %get3A_749 = arith.index_cast %add3A_748 : i32 to index
          %get3A_750 = tpu.vector_load %arg12[%get3A_749] {strides = array<i32>} : memref<12800xf32, #tpu.memory_space<vmem>>, vector<16xf32>,
          %get3A_751 = vector.shape_cast %get3A_750 : vector<16xf32> to vector<16xf32>
          %add3A_752 = arith.addf %get3A_744, %get3A_751 : vector<16xf32>
          %swap3A_753 = arith.index_cast %add3A_740 : i32 to index
          %swap3A_754 = arith.constant 0 : index
          %swap3A_755 = tpu.vector_load %arg14[%swap3A_753, %swap3A_754] {strides = array<i32>} : memref<200x64xf32, #tpu.memory_space<vmem>>, vector<1x16xf32>,
          %swap3A_756 = vector.shape_cast %swap3A_755 : vector<1x16xf32> to vector<16xf32>
          %swap3A_757 = vector.shape_cast %add3A_752 : vector<16xf32> to vector<1x16xf32>
          tpu.vector_store %arg14[%swap3A_753, %swap3A_754], %swap3A_757 {strides = array<i32>} : memref<200x64xf32, #tpu.memory_space<vmem>>, vector<1x16xf32>,
          %get3A_758 = arith.index_cast %add3A_740 : i32 to index
          %get3A_759 = arith.constant 16 : index
          %get3A_760 = tpu.vector_load %arg14[%get3A_758, %get3A_759] {strides = array<i32>} : memref<200x64xf32, #tpu.memory_space<vmem>>, vector<1x16xf32>,
          %get3A_761 = vector.shape_cast %get3A_760 : vector<1x16xf32> to vector<16xf32>
          %mul3A_762 = arith.constant 64 : i32
          %mul3A_763 = arith.muli %add3A_740, %mul3A_762 : i32
          %add3A_764 = arith.constant 16 : i32
          %add3A_765 = arith.addi %mul3A_763, %add3A_764 : i32
          %get3A_766 = arith.index_cast %add3A_765 : i32 to index
          %get3A_767 = tpu.vector_load %arg12[%get3A_766] {strides = array<i32>} : memref<12800xf32, #tpu.memory_space<vmem>>, vector<16xf32>,
          %get3A_768 = vector.shape_cast %get3A_767 : vector<16xf32> to vector<16xf32>
          %add3A_769 = arith.addf %get3A_761, %get3A_768 : vector<16xf32>
          %swap3A_770 = arith.index_cast %add3A_740 : i32 to index
          %swap3A_771 = arith.constant 16 : index
          %swap3A_772 = tpu.vector_load %arg14[%swap3A_770, %swap3A_771] {strides = array<i32>} : memref<200x64xf32, #tpu.memory_space<vmem>>, vector<1x16xf32>,
          %swap3A_773 = vector.shape_cast %swap3A_772 : vector<1x16xf32> to vector<16xf32>
          %swap3A_774 = vector.shape_cast %add3A_769 : vector<16xf32> to vector<1x16xf32>
          tpu.vector_store %arg14[%swap3A_770, %swap3A_771], %swap3A_774 {strides = array<i32>} : memref<200x64xf32, #tpu.memory_space<vmem>>, vector<1x16xf32>,
          %get3A_775 = arith.index_cast %add3A_740 : i32 to index
          %get3A_776 = arith.constant 32 : index
          %get3A_777 = tpu.vector_load %arg14[%get3A_775, %get3A_776] {strides = array<i32>} : memref<200x64xf32, #tpu.memory_space<vmem>>, vector<1x16xf32>,
          %get3A_778 = vector.shape_cast %get3A_777 : vector<1x16xf32> to vector<16xf32>
          %mul3A_779 = arith.constant 64 : i32
          %mul3A_780 = arith.muli %add3A_740, %mul3A_779 : i32
          %add3A_781 = arith.constant 32 : i32
          %add3A_782 = arith.addi %mul3A_780, %add3A_781 : i32
          %get3A_783 = arith.index_cast %add3A_782 : i32 to index
          %get3A_784 = tpu.vector_load %arg12[%get3A_783] {strides = array<i32>} : memref<12800xf32, #tpu.memory_space<vmem>>, vector<16xf32>,
          %get3A_785 = vector.shape_cast %get3A_784 : vector<16xf32> to vector<16xf32>
          %add3A_786 = arith.addf %get3A_778, %get3A_785 : vector<16xf32>
          %swap3A_787 = arith.index_cast %add3A_740 : i32 to index
          %swap3A_788 = arith.constant 32 : index
          %swap3A_789 = tpu.vector_load %arg14[%swap3A_787, %swap3A_788] {strides = array<i32>} : memref<200x64xf32, #tpu.memory_space<vmem>>, vector<1x16xf32>,
          %swap3A_790 = vector.shape_cast %swap3A_789 : vector<1x16xf32> to vector<16xf32>
          %swap3A_791 = vector.shape_cast %add3A_786 : vector<16xf32> to vector<1x16xf32>
          tpu.vector_store %arg14[%swap3A_787, %swap3A_788], %swap3A_791 {strides = array<i32>} : memref<200x64xf32, #tpu.memory_space<vmem>>, vector<1x16xf32>,
          %get3A_792 = arith.index_cast %add3A_740 : i32 to index
          %get3A_793 = arith.constant 48 : index
          %get3A_794 = tpu.vector_load %arg14[%get3A_792, %get3A_793] {strides = array<i32>} : memref<200x64xf32, #tpu.memory_space<vmem>>, vector<1x16xf32>,
          %get3A_795 = vector.shape_cast %get3A_794 : vector<1x16xf32> to vector<16xf32>
          %mul3A_796 = arith.constant 64 : i32
          %mul3A_797 = arith.muli %add3A_740, %mul3A_796 : i32
          %add3A_798 = arith.constant 48 : i32
          %add3A_799 = arith.addi %mul3A_797, %add3A_798 : i32
          %get3A_800 = arith.index_cast %add3A_799 : i32 to index
          %get3A_801 = tpu.vector_load %arg12[%get3A_800] {strides = array<i32>} : memref<12800xf32, #tpu.memory_space<vmem>>, vector<16xf32>,
          %get3A_802 = vector.shape_cast %get3A_801 : vector<16xf32> to vector<16xf32>
          %add3A_803 = arith.addf %get3A_795, %get3A_802 : vector<16xf32>
          %swap3A_804 = arith.index_cast %add3A_740 : i32 to index
          %swap3A_805 = arith.constant 48 : index
          %swap3A_806 = tpu.vector_load %arg14[%swap3A_804, %swap3A_805] {strides = array<i32>} : memref<200x64xf32, #tpu.memory_space<vmem>>, vector<1x16xf32>,
          %swap3A_807 = vector.shape_cast %swap3A_806 : vector<1x16xf32> to vector<16xf32>
          %swap3A_808 = vector.shape_cast %add3A_803 : vector<16xf32> to vector<1x16xf32>
          tpu.vector_store %arg14[%swap3A_804, %swap3A_805], %swap3A_808 {strides = array<i32>} : memref<200x64xf32, #tpu.memory_space<vmem>>, vector<1x16xf32>,
        }
        %scan3A_220 = arith.constant 25 : i32
        %add3A_221 = arith.addi %mul3A_2, %add3A_180 : i32
        %dma_start3A_222 = arith.constant 0 : i32
        %dma_start3A_223 = arith.constant 0 : i32
        %dma_start3A_224 = tpu.memref_slice %arg5[%add3A_221, %dma_start3A_222, %dma_start3A_223] : memref<1024x200x64xf32, #tpu.memory_space<hbm>> -> memref<1x200x64xf32, #tpu.memory_space<hbm>>
        %dma_start3A_225 = tpu.memref_squeeze %dma_start3A_224 : memref<1x200x64xf32, #tpu.memory_space<hbm>> -> memref<200x64xf32, #tpu.memory_space<hbm>>
        %dma_start3A_226 = arith.constant 0 : i32
        %dma_start3A_227 = arith.constant 0 : i32
        %dma_start3A_228 = tpu.memref_slice %arg5[%add3A_221, %dma_start3A_226, %dma_start3A_227] : memref<1024x200x64xf32, #tpu.memory_space<hbm>> -> memref<1x200x64xf32, #tpu.memory_space<hbm>>
        %dma_start3A_229 = tpu.memref_squeeze %dma_start3A_228 : memref<1x200x64xf32, #tpu.memory_space<hbm>> -> memref<200x64xf32, #tpu.memory_space<hbm>>
        tpu.enqueue_dma source(%arg14 : memref<200x64xf32, #tpu.memory_space<vmem>>) target(%dma_start3A_229 : memref<200x64xf32, #tpu.memory_space<hbm>>) target_semaphore(%arg17 : memref<!tpu.dma_semaphore, #tpu.memory_space<semaphore_mem>>)
      } else {
      }
      %mul3A_193 = arith.constant 3 : i32
      %mul3A_194 = arith.muli %scan3A_163, %mul3A_193 : i32
      %add3A_195 = arith.constant 2 : i32
      %add3A_196 = arith.addi %mul3A_194, %add3A_195 : i32
      %add3A_197 = arith.constant 1 : i32
      %add3A_198 = arith.addi %add3A_196, %add3A_197 : i32
      %le3A_199 = arith.constant 31 : i32
      %le3A_200 = arith.cmpi sle, %add3A_198, %le3A_199 : i32
      %convert_element_type3A_201 = arith.extui %le3A_200 : i1 to i32
      %cond3A_202 = arith.constant 0 : i32
      %cond3A_203 = arith.cmpi ne, %convert_element_type3A_201, %cond3A_202 : i32
      scf.if %cond3A_203 {
        %add3A_209 = arith.constant 1 : i32
        %add3A_210 = arith.addi %add3A_196, %add3A_209 : i32
        %add3A_211 = arith.addi %mul3A_2, %add3A_210 : i32
        %mul3A_212 = arith.constant 200 : i32
        %mul3A_213 = arith.muli %add3A_211, %mul3A_212 : i32
        "tpu.region"() ({
          %run_scoped3A = tpu.sem_alloc : memref<!tpu.dma_semaphore, #tpu.memory_space<semaphore_mem>>
          %dma_start3A_220 = arith.constant 0 : i32
          %dma_start3A_221 = tpu.memref_slice %arg9[%dma_start3A_220] : memref<208xi32, #tpu.memory_space<vmem>> -> memref<200xi32, #tpu.memory_space<vmem>>
          %dma_start3A_222 = tpu.memref_slice %arg2[%mul3A_213] : memref<204800xi32, #tpu.memory_space<hbm>> -> memref<200xi32, #tpu.memory_space<hbm>>
          %dma_start3A_223 = arith.constant 0 : i32
          %dma_start3A_224 = tpu.memref_slice %arg9[%dma_start3A_223] : memref<208xi32, #tpu.memory_space<vmem>> -> memref<200xi32, #tpu.memory_space<vmem>>
          %dma_start3A_225 = tpu.memref_slice %arg2[%mul3A_213] : memref<204800xi32, #tpu.memory_space<hbm>> -> memref<200xi32, #tpu.memory_space<hbm>>
          tpu.enqueue_dma source(%dma_start3A_225 : memref<200xi32, #tpu.memory_space<hbm>>) target(%dma_start3A_224 : memref<200xi32, #tpu.memory_space<vmem>>) target_semaphore(%run_scoped3A : memref<!tpu.dma_semaphore, #tpu.memory_space<semaphore_mem>>)
          %dma_wait3A_226 = arith.constant 0 : i32
          %dma_wait3A_227 = tpu.memref_slice %arg9[%dma_wait3A_226] : memref<208xi32, #tpu.memory_space<vmem>> -> memref<200xi32, #tpu.memory_space<vmem>>
          %dma_wait3A_228 = tpu.memref_slice %arg2[%mul3A_213] : memref<204800xi32, #tpu.memory_space<hbm>> -> memref<200xi32, #tpu.memory_space<hbm>>
          %dma_wait3A_229 = arith.constant 0 : i32
          %dma_wait3A_230 = tpu.memref_slice %arg9[%dma_wait3A_229] : memref<208xi32, #tpu.memory_space<vmem>> -> memref<200xi32, #tpu.memory_space<vmem>>
          %dma_wait3A_231 = tpu.memref_slice %arg2[%mul3A_213] : memref<204800xi32, #tpu.memory_space<hbm>> -> memref<200xi32, #tpu.memory_space<hbm>>
          tpu.wait_dma2 semaphore(%run_scoped3A : memref<!tpu.dma_semaphore, #tpu.memory_space<semaphore_mem>>) src(%dma_wait3A_231 : memref<200xi32, #tpu.memory_space<hbm>>) dst(%dma_wait3A_230 : memref<200xi32, #tpu.memory_space<vmem>>)
          tpu.yield
        }) : () -> ()
        %add3A_214 = arith.constant 1 : i32
        %add3A_215 = arith.addi %add3A_196, %add3A_214 : i32
        %ge3A = arith.constant 3 : i32
        %ge3A_216 = arith.cmpi sge, %add3A_215, %ge3A : i32
        %convert_element_type3A_217 = arith.extui %ge3A_216 : i1 to i32
        %cond3A_218 = arith.constant 0 : i32
        %cond3A_219 = arith.cmpi ne, %convert_element_type3A_217, %cond3A_218 : i32
        scf.if %cond3A_219 {
          %dma_wait3A_220 = arith.constant 0 : i32
          %dma_wait3A_221 = arith.constant 0 : i32
          %dma_wait3A_222 = arith.constant 0 : i32
          %dma_wait3A_223 = tpu.memref_slice %arg5[%dma_wait3A_220, %dma_wait3A_221, %dma_wait3A_222] : memref<1024x200x64xf32, #tpu.memory_space<hbm>> -> memref<1x200x64xf32, #tpu.memory_space<hbm>>
          %dma_wait3A_224 = tpu.memref_squeeze %dma_wait3A_223 : memref<1x200x64xf32, #tpu.memory_space<hbm>> -> memref<200x64xf32, #tpu.memory_space<hbm>>
          %dma_wait3A_225 = arith.constant 0 : i32
          %dma_wait3A_226 = arith.constant 0 : i32
          %dma_wait3A_227 = tpu.memref_slice %arg5[%dma_wait3A_220, %dma_wait3A_225, %dma_wait3A_226] : memref<1024x200x64xf32, #tpu.memory_space<hbm>> -> memref<1x200x64xf32, #tpu.memory_space<hbm>>
          %dma_wait3A_228 = tpu.memref_squeeze %dma_wait3A_227 : memref<1x200x64xf32, #tpu.memory_space<hbm>> -> memref<200x64xf32, #tpu.memory_space<hbm>>
          tpu.wait_dma2 semaphore(%arg16 : memref<!tpu.dma_semaphore, #tpu.memory_space<semaphore_mem>>) src(%arg13 : memref<200x64xf32, #tpu.memory_space<vmem>>) dst(%dma_wait3A_228 : memref<200x64xf32, #tpu.memory_space<hbm>>)
        } else {
        }
      } else {
      }
      %le3A_204 = arith.constant 31 : i32
      %le3A_205 = arith.cmpi sle, %add3A_196, %le3A_204 : i32
      %convert_element_type3A_206 = arith.extui %le3A_205 : i1 to i32
      %cond3A_207 = arith.constant 0 : i32
      %cond3A_208 = arith.cmpi ne, %convert_element_type3A_206, %cond3A_207 : i32
      scf.if %cond3A_208 {
        %dma_wait3A_209 = arith.constant 0 : i32
        %dma_wait3A_210 = arith.constant 0 : i32
        %dma_wait3A_211 = tpu.memref_slice %arg3[%dma_wait3A_209, %dma_wait3A_210] : memref<1000000x64xf32, #tpu.memory_space<hbm>> -> memref<200x64xf32, #tpu.memory_space<hbm>>
        %dma_wait3A_212 = arith.constant 0 : i32
        %dma_wait3A_213 = arith.constant 0 : i32
        %dma_wait3A_214 = tpu.memref_slice %arg3[%dma_wait3A_212, %dma_wait3A_213] : memref<1000000x64xf32, #tpu.memory_space<hbm>> -> memref<200x64xf32, #tpu.memory_space<hbm>>
        tpu.wait_dma2 semaphore(%arg8 : memref<!tpu.dma_semaphore, #tpu.memory_space<semaphore_mem>>) src(%dma_wait3A_214 : memref<200x64xf32, #tpu.memory_space<hbm>>) dst(%arg15 : memref<200x64xf32, #tpu.memory_space<vmem>>)
        %scan3A_215 = arith.constant 0 : i32
        %scan3A_216 = arith.constant 0 : i32
        %scan3A_217 = arith.constant 25 : i32
        %scan3A_218 = arith.addi %scan3A_216, %scan3A_217 : i32
        %scan3A_219 = arith.constant 1 : i32
        scf.for %scan3A_230 = %scan3A_216 to %scan3A_218 step %scan3A_219  : i32 {
          %convert_element_type3A_231 = arith.extui %le3A_200 : i1 to i32
          %cond3A_232 = arith.constant 0 : i32
          %cond3A_233 = arith.cmpi ne, %convert_element_type3A_231, %cond3A_232 : i32
          scf.if %cond3A_233 {
            %mul3A_809 = arith.constant 8 : i32
            %mul3A_810 = arith.muli %scan3A_230, %mul3A_809 : i32
            %get3A_811 = arith.index_cast %mul3A_810 : i32 to index
            %get3A_812 = tpu.vector_load %arg9[%get3A_811] {strides = array<i32>} : memref<208xi32, #tpu.memory_space<vmem>>, vector<16xi32>,
            %get3A_813 = vector.shape_cast %get3A_812 : vector<16xi32> to vector<16xi32>
            %slice3A_814 = vector.extract_strided_slice %get3A_813 {offsets = [0], sizes = [1], strides = [1]} : vector<16xi32> to vector<1xi32>
            %squeeze3A_815 = vector.extract %slice3A_814[0] : i32 from vector<1xi32>
            %mul3A_816 = arith.constant 8 : i32
            %mul3A_817 = arith.muli %scan3A_230, %mul3A_816 : i32
            %add3A_818 = arith.constant 0 : i32
            %add3A_819 = arith.addi %mul3A_817, %add3A_818 : i32
            %dma_start3A_820 = arith.constant 0 : i32
            %dma_start3A_821 = tpu.memref_slice %arg13[%add3A_819, %dma_start3A_820] : memref<200x64xf32, #tpu.memory_space<vmem>> -> memref<1x64xf32, #tpu.memory_space<vmem>>
            %dma_start3A_822 = tpu.memref_squeeze %dma_start3A_821 : memref<1x64xf32, #tpu.memory_space<vmem>> -> memref<64xf32, #tpu.memory_space<vmem>>
            %dma_start3A_823 = arith.constant 0 : i32
            %dma_start3A_824 = tpu.memref_slice %arg3[%squeeze3A_815, %dma_start3A_823] : memref<1000000x64xf32, #tpu.memory_space<hbm>> -> memref<1x64xf32, #tpu.memory_space<hbm>>
            %dma_start3A_825 = tpu.memref_squeeze %dma_start3A_824 : memref<1x64xf32, #tpu.memory_space<hbm>> -> memref<64xf32, #tpu.memory_space<hbm>>
            %dma_start3A_826 = arith.constant 0 : i32
            %dma_start3A_827 = tpu.memref_slice %arg13[%add3A_819, %dma_start3A_826] : memref<200x64xf32, #tpu.memory_space<vmem>> -> memref<1x64xf32, #tpu.memory_space<vmem>>
            %dma_start3A_828 = tpu.memref_squeeze %dma_start3A_827 : memref<1x64xf32, #tpu.memory_space<vmem>> -> memref<64xf32, #tpu.memory_space<vmem>>
            %dma_start3A_829 = arith.constant 0 : i32
            %dma_start3A_830 = tpu.memref_slice %arg3[%squeeze3A_815, %dma_start3A_829] : memref<1000000x64xf32, #tpu.memory_space<hbm>> -> memref<1x64xf32, #tpu.memory_space<hbm>>
            %dma_start3A_831 = tpu.memref_squeeze %dma_start3A_830 : memref<1x64xf32, #tpu.memory_space<hbm>> -> memref<64xf32, #tpu.memory_space<hbm>>
            tpu.enqueue_dma source(%dma_start3A_831 : memref<64xf32, #tpu.memory_space<hbm>>) target(%dma_start3A_828 : memref<64xf32, #tpu.memory_space<vmem>>) target_semaphore(%arg6 : memref<!tpu.dma_semaphore, #tpu.memory_space<semaphore_mem>>)
            %slice3A_832 = vector.extract_strided_slice %get3A_813 {offsets = [1], sizes = [1], strides = [1]} : vector<16xi32> to vector<1xi32>
            %squeeze3A_833 = vector.extract %slice3A_832[0] : i32 from vector<1xi32>
            %mul3A_834 = arith.constant 8 : i32
            %mul3A_835 = arith.muli %scan3A_230, %mul3A_834 : i32
            %add3A_836 = arith.constant 1 : i32
            %add3A_837 = arith.addi %mul3A_835, %add3A_836 : i32
            %dma_start3A_838 = arith.constant 0 : i32
            %dma_start3A_839 = tpu.memref_slice %arg13[%add3A_837, %dma_start3A_838] : memref<200x64xf32, #tpu.memory_space<vmem>> -> memref<1x64xf32, #tpu.memory_space<vmem>>
            %dma_start3A_840 = tpu.memref_squeeze %dma_start3A_839 : memref<1x64xf32, #tpu.memory_space<vmem>> -> memref<64xf32, #tpu.memory_space<vmem>>
            %dma_start3A_841 = arith.constant 0 : i32
            %dma_start3A_842 = tpu.memref_slice %arg3[%squeeze3A_833, %dma_start3A_841] : memref<1000000x64xf32, #tpu.memory_space<hbm>> -> memref<1x64xf32, #tpu.memory_space<hbm>>
            %dma_start3A_843 = tpu.memref_squeeze %dma_start3A_842 : memref<1x64xf32, #tpu.memory_space<hbm>> -> memref<64xf32, #tpu.memory_space<hbm>>
            %dma_start3A_844 = arith.constant 0 : i32
            %dma_start3A_845 = tpu.memref_slice %arg13[%add3A_837, %dma_start3A_844] : memref<200x64xf32, #tpu.memory_space<vmem>> -> memref<1x64xf32, #tpu.memory_space<vmem>>
            %dma_start3A_846 = tpu.memref_squeeze %dma_start3A_845 : memref<1x64xf32, #tpu.memory_space<vmem>> -> memref<64xf32, #tpu.memory_space<vmem>>
            %dma_start3A_847 = arith.constant 0 : i32
            %dma_start3A_848 = tpu.memref_slice %arg3[%squeeze3A_833, %dma_start3A_847] : memref<1000000x64xf32, #tpu.memory_space<hbm>> -> memref<1x64xf32, #tpu.memory_space<hbm>>
            %dma_start3A_849 = tpu.memref_squeeze %dma_start3A_848 : memref<1x64xf32, #tpu.memory_space<hbm>> -> memref<64xf32, #tpu.memory_space<hbm>>
            tpu.enqueue_dma source(%dma_start3A_849 : memref<64xf32, #tpu.memory_space<hbm>>) target(%dma_start3A_846 : memref<64xf32, #tpu.memory_space<vmem>>) target_semaphore(%arg6 : memref<!tpu.dma_semaphore, #tpu.memory_space<semaphore_mem>>)
            %slice3A_850 = vector.extract_strided_slice %get3A_813 {offsets = [2], sizes = [1], strides = [1]} : vector<16xi32> to vector<1xi32>
            %squeeze3A_851 = vector.extract %slice3A_850[0] : i32 from vector<1xi32>
            %mul3A_852 = arith.constant 8 : i32
            %mul3A_853 = arith.muli %scan3A_230, %mul3A_852 : i32
            %add3A_854 = arith.constant 2 : i32
            %add3A_855 = arith.addi %mul3A_853, %add3A_854 : i32
            %dma_start3A_856 = arith.constant 0 : i32
            %dma_start3A_857 = tpu.memref_slice %arg13[%add3A_855, %dma_start3A_856] : memref<200x64xf32, #tpu.memory_space<vmem>> -> memref<1x64xf32, #tpu.memory_space<vmem>>
            %dma_start3A_858 = tpu.memref_squeeze %dma_start3A_857 : memref<1x64xf32, #tpu.memory_space<vmem>> -> memref<64xf32, #tpu.memory_space<vmem>>
            %dma_start3A_859 = arith.constant 0 : i32
            %dma_start3A_860 = tpu.memref_slice %arg3[%squeeze3A_851, %dma_start3A_859] : memref<1000000x64xf32, #tpu.memory_space<hbm>> -> memref<1x64xf32, #tpu.memory_space<hbm>>
            %dma_start3A_861 = tpu.memref_squeeze %dma_start3A_860 : memref<1x64xf32, #tpu.memory_space<hbm>> -> memref<64xf32, #tpu.memory_space<hbm>>
            %dma_start3A_862 = arith.constant 0 : i32
            %dma_start3A_863 = tpu.memref_slice %arg13[%add3A_855, %dma_start3A_862] : memref<200x64xf32, #tpu.memory_space<vmem>> -> memref<1x64xf32, #tpu.memory_space<vmem>>
            %dma_start3A_864 = tpu.memref_squeeze %dma_start3A_863 : memref<1x64xf32, #tpu.memory_space<vmem>> -> memref<64xf32, #tpu.memory_space<vmem>>
            %dma_start3A_865 = arith.constant 0 : i32
            %dma_start3A_866 = tpu.memref_slice %arg3[%squeeze3A_851, %dma_start3A_865] : memref<1000000x64xf32, #tpu.memory_space<hbm>> -> memref<1x64xf32, #tpu.memory_space<hbm>>
            %dma_start3A_867 = tpu.memref_squeeze %dma_start3A_866 : memref<1x64xf32, #tpu.memory_space<hbm>> -> memref<64xf32, #tpu.memory_space<hbm>>
            tpu.enqueue_dma source(%dma_start3A_867 : memref<64xf32, #tpu.memory_space<hbm>>) target(%dma_start3A_864 : memref<64xf32, #tpu.memory_space<vmem>>) target_semaphore(%arg6 : memref<!tpu.dma_semaphore, #tpu.memory_space<semaphore_mem>>)
            %slice3A_868 = vector.extract_strided_slice %get3A_813 {offsets = [3], sizes = [1], strides = [1]} : vector<16xi32> to vector<1xi32>
            %squeeze3A_869 = vector.extract %slice3A_868[0] : i32 from vector<1xi32>
            %mul3A_870 = arith.constant 8 : i32
            %mul3A_871 = arith.muli %scan3A_230, %mul3A_870 : i32
            %add3A_872 = arith.constant 3 : i32
            %add3A_873 = arith.addi %mul3A_871, %add3A_872 : i32
            %dma_start3A_874 = arith.constant 0 : i32
            %dma_start3A_875 = tpu.memref_slice %arg13[%add3A_873, %dma_start3A_874] : memref<200x64xf32, #tpu.memory_space<vmem>> -> memref<1x64xf32, #tpu.memory_space<vmem>>
            %dma_start3A_876 = tpu.memref_squeeze %dma_start3A_875 : memref<1x64xf32, #tpu.memory_space<vmem>> -> memref<64xf32, #tpu.memory_space<vmem>>
            %dma_start3A_877 = arith.constant 0 : i32
            %dma_start3A_878 = tpu.memref_slice %arg3[%squeeze3A_869, %dma_start3A_877] : memref<1000000x64xf32, #tpu.memory_space<hbm>> -> memref<1x64xf32, #tpu.memory_space<hbm>>
            %dma_start3A_879 = tpu.memref_squeeze %dma_start3A_878 : memref<1x64xf32, #tpu.memory_space<hbm>> -> memref<64xf32, #tpu.memory_space<hbm>>
            %dma_start3A_880 = arith.constant 0 : i32
            %dma_start3A_881 = tpu.memref_slice %arg13[%add3A_873, %dma_start3A_880] : memref<200x64xf32, #tpu.memory_space<vmem>> -> memref<1x64xf32, #tpu.memory_space<vmem>>
            %dma_start3A_882 = tpu.memref_squeeze %dma_start3A_881 : memref<1x64xf32, #tpu.memory_space<vmem>> -> memref<64xf32, #tpu.memory_space<vmem>>
            %dma_start3A_883 = arith.constant 0 : i32
            %dma_start3A_884 = tpu.memref_slice %arg3[%squeeze3A_869, %dma_start3A_883] : memref<1000000x64xf32, #tpu.memory_space<hbm>> -> memref<1x64xf32, #tpu.memory_space<hbm>>
            %dma_start3A_885 = tpu.memref_squeeze %dma_start3A_884 : memref<1x64xf32, #tpu.memory_space<hbm>> -> memref<64xf32, #tpu.memory_space<hbm>>
            tpu.enqueue_dma source(%dma_start3A_885 : memref<64xf32, #tpu.memory_space<hbm>>) target(%dma_start3A_882 : memref<64xf32, #tpu.memory_space<vmem>>) target_semaphore(%arg6 : memref<!tpu.dma_semaphore, #tpu.memory_space<semaphore_mem>>)
            %slice3A_886 = vector.extract_strided_slice %get3A_813 {offsets = [4], sizes = [1], strides = [1]} : vector<16xi32> to vector<1xi32>
            %squeeze3A_887 = vector.extract %slice3A_886[0] : i32 from vector<1xi32>
            %mul3A_888 = arith.constant 8 : i32
            %mul3A_889 = arith.muli %scan3A_230, %mul3A_888 : i32
            %add3A_890 = arith.constant 4 : i32
            %add3A_891 = arith.addi %mul3A_889, %add3A_890 : i32
            %dma_start3A_892 = arith.constant 0 : i32
            %dma_start3A_893 = tpu.memref_slice %arg13[%add3A_891, %dma_start3A_892] : memref<200x64xf32, #tpu.memory_space<vmem>> -> memref<1x64xf32, #tpu.memory_space<vmem>>
            %dma_start3A_894 = tpu.memref_squeeze %dma_start3A_893 : memref<1x64xf32, #tpu.memory_space<vmem>> -> memref<64xf32, #tpu.memory_space<vmem>>
            %dma_start3A_895 = arith.constant 0 : i32
            %dma_start3A_896 = tpu.memref_slice %arg3[%squeeze3A_887, %dma_start3A_895] : memref<1000000x64xf32, #tpu.memory_space<hbm>> -> memref<1x64xf32, #tpu.memory_space<hbm>>
            %dma_start3A_897 = tpu.memref_squeeze %dma_start3A_896 : memref<1x64xf32, #tpu.memory_space<hbm>> -> memref<64xf32, #tpu.memory_space<hbm>>
            %dma_start3A_898 = arith.constant 0 : i32
            %dma_start3A_899 = tpu.memref_slice %arg13[%add3A_891, %dma_start3A_898] : memref<200x64xf32, #tpu.memory_space<vmem>> -> memref<1x64xf32, #tpu.memory_space<vmem>>
            %dma_start3A_900 = tpu.memref_squeeze %dma_start3A_899 : memref<1x64xf32, #tpu.memory_space<vmem>> -> memref<64xf32, #tpu.memory_space<vmem>>
            %dma_start3A_901 = arith.constant 0 : i32
            %dma_start3A_902 = tpu.memref_slice %arg3[%squeeze3A_887, %dma_start3A_901] : memref<1000000x64xf32, #tpu.memory_space<hbm>> -> memref<1x64xf32, #tpu.memory_space<hbm>>
            %dma_start3A_903 = tpu.memref_squeeze %dma_start3A_902 : memref<1x64xf32, #tpu.memory_space<hbm>> -> memref<64xf32, #tpu.memory_space<hbm>>
            tpu.enqueue_dma source(%dma_start3A_903 : memref<64xf32, #tpu.memory_space<hbm>>) target(%dma_start3A_900 : memref<64xf32, #tpu.memory_space<vmem>>) target_semaphore(%arg6 : memref<!tpu.dma_semaphore, #tpu.memory_space<semaphore_mem>>)
            %slice3A_904 = vector.extract_strided_slice %get3A_813 {offsets = [5], sizes = [1], strides = [1]} : vector<16xi32> to vector<1xi32>
            %squeeze3A_905 = vector.extract %slice3A_904[0] : i32 from vector<1xi32>
            %mul3A_906 = arith.constant 8 : i32
            %mul3A_907 = arith.muli %scan3A_230, %mul3A_906 : i32
            %add3A_908 = arith.constant 5 : i32
            %add3A_909 = arith.addi %mul3A_907, %add3A_908 : i32
            %dma_start3A_910 = arith.constant 0 : i32
            %dma_start3A_911 = tpu.memref_slice %arg13[%add3A_909, %dma_start3A_910] : memref<200x64xf32, #tpu.memory_space<vmem>> -> memref<1x64xf32, #tpu.memory_space<vmem>>
            %dma_start3A_912 = tpu.memref_squeeze %dma_start3A_911 : memref<1x64xf32, #tpu.memory_space<vmem>> -> memref<64xf32, #tpu.memory_space<vmem>>
            %dma_start3A_913 = arith.constant 0 : i32
            %dma_start3A_914 = tpu.memref_slice %arg3[%squeeze3A_905, %dma_start3A_913] : memref<1000000x64xf32, #tpu.memory_space<hbm>> -> memref<1x64xf32, #tpu.memory_space<hbm>>
            %dma_start3A_915 = tpu.memref_squeeze %dma_start3A_914 : memref<1x64xf32, #tpu.memory_space<hbm>> -> memref<64xf32, #tpu.memory_space<hbm>>
            %dma_start3A_916 = arith.constant 0 : i32
            %dma_start3A_917 = tpu.memref_slice %arg13[%add3A_909, %dma_start3A_916] : memref<200x64xf32, #tpu.memory_space<vmem>> -> memref<1x64xf32, #tpu.memory_space<vmem>>
            %dma_start3A_918 = tpu.memref_squeeze %dma_start3A_917 : memref<1x64xf32, #tpu.memory_space<vmem>> -> memref<64xf32, #tpu.memory_space<vmem>>
            %dma_start3A_919 = arith.constant 0 : i32
            %dma_start3A_920 = tpu.memref_slice %arg3[%squeeze3A_905, %dma_start3A_919] : memref<1000000x64xf32, #tpu.memory_space<hbm>> -> memref<1x64xf32, #tpu.memory_space<hbm>>
            %dma_start3A_921 = tpu.memref_squeeze %dma_start3A_920 : memref<1x64xf32, #tpu.memory_space<hbm>> -> memref<64xf32, #tpu.memory_space<hbm>>
            tpu.enqueue_dma source(%dma_start3A_921 : memref<64xf32, #tpu.memory_space<hbm>>) target(%dma_start3A_918 : memref<64xf32, #tpu.memory_space<vmem>>) target_semaphore(%arg6 : memref<!tpu.dma_semaphore, #tpu.memory_space<semaphore_mem>>)
            %slice3A_922 = vector.extract_strided_slice %get3A_813 {offsets = [6], sizes = [1], strides = [1]} : vector<16xi32> to vector<1xi32>
            %squeeze3A_923 = vector.extract %slice3A_922[0] : i32 from vector<1xi32>
            %mul3A_924 = arith.constant 8 : i32
            %mul3A_925 = arith.muli %scan3A_230, %mul3A_924 : i32
            %add3A_926 = arith.constant 6 : i32
            %add3A_927 = arith.addi %mul3A_925, %add3A_926 : i32
            %dma_start3A_928 = arith.constant 0 : i32
            %dma_start3A_929 = tpu.memref_slice %arg13[%add3A_927, %dma_start3A_928] : memref<200x64xf32, #tpu.memory_space<vmem>> -> memref<1x64xf32, #tpu.memory_space<vmem>>
            %dma_start3A_930 = tpu.memref_squeeze %dma_start3A_929 : memref<1x64xf32, #tpu.memory_space<vmem>> -> memref<64xf32, #tpu.memory_space<vmem>>
            %dma_start3A_931 = arith.constant 0 : i32
            %dma_start3A_932 = tpu.memref_slice %arg3[%squeeze3A_923, %dma_start3A_931] : memref<1000000x64xf32, #tpu.memory_space<hbm>> -> memref<1x64xf32, #tpu.memory_space<hbm>>
            %dma_start3A_933 = tpu.memref_squeeze %dma_start3A_932 : memref<1x64xf32, #tpu.memory_space<hbm>> -> memref<64xf32, #tpu.memory_space<hbm>>
            %dma_start3A_934 = arith.constant 0 : i32
            %dma_start3A_935 = tpu.memref_slice %arg13[%add3A_927, %dma_start3A_934] : memref<200x64xf32, #tpu.memory_space<vmem>> -> memref<1x64xf32, #tpu.memory_space<vmem>>
            %dma_start3A_936 = tpu.memref_squeeze %dma_start3A_935 : memref<1x64xf32, #tpu.memory_space<vmem>> -> memref<64xf32, #tpu.memory_space<vmem>>
            %dma_start3A_937 = arith.constant 0 : i32
            %dma_start3A_938 = tpu.memref_slice %arg3[%squeeze3A_923, %dma_start3A_937] : memref<1000000x64xf32, #tpu.memory_space<hbm>> -> memref<1x64xf32, #tpu.memory_space<hbm>>
            %dma_start3A_939 = tpu.memref_squeeze %dma_start3A_938 : memref<1x64xf32, #tpu.memory_space<hbm>> -> memref<64xf32, #tpu.memory_space<hbm>>
            tpu.enqueue_dma source(%dma_start3A_939 : memref<64xf32, #tpu.memory_space<hbm>>) target(%dma_start3A_936 : memref<64xf32, #tpu.memory_space<vmem>>) target_semaphore(%arg6 : memref<!tpu.dma_semaphore, #tpu.memory_space<semaphore_mem>>)
            %slice3A_940 = vector.extract_strided_slice %get3A_813 {offsets = [7], sizes = [1], strides = [1]} : vector<16xi32> to vector<1xi32>
            %squeeze3A_941 = vector.extract %slice3A_940[0] : i32 from vector<1xi32>
            %mul3A_942 = arith.constant 8 : i32
            %mul3A_943 = arith.muli %scan3A_230, %mul3A_942 : i32
            %add3A_944 = arith.constant 7 : i32
            %add3A_945 = arith.addi %mul3A_943, %add3A_944 : i32
            %dma_start3A_946 = arith.constant 0 : i32
            %dma_start3A_947 = tpu.memref_slice %arg13[%add3A_945, %dma_start3A_946] : memref<200x64xf32, #tpu.memory_space<vmem>> -> memref<1x64xf32, #tpu.memory_space<vmem>>
            %dma_start3A_948 = tpu.memref_squeeze %dma_start3A_947 : memref<1x64xf32, #tpu.memory_space<vmem>> -> memref<64xf32, #tpu.memory_space<vmem>>
            %dma_start3A_949 = arith.constant 0 : i32
            %dma_start3A_950 = tpu.memref_slice %arg3[%squeeze3A_941, %dma_start3A_949] : memref<1000000x64xf32, #tpu.memory_space<hbm>> -> memref<1x64xf32, #tpu.memory_space<hbm>>
            %dma_start3A_951 = tpu.memref_squeeze %dma_start3A_950 : memref<1x64xf32, #tpu.memory_space<hbm>> -> memref<64xf32, #tpu.memory_space<hbm>>
            %dma_start3A_952 = arith.constant 0 : i32
            %dma_start3A_953 = tpu.memref_slice %arg13[%add3A_945, %dma_start3A_952] : memref<200x64xf32, #tpu.memory_space<vmem>> -> memref<1x64xf32, #tpu.memory_space<vmem>>
            %dma_start3A_954 = tpu.memref_squeeze %dma_start3A_953 : memref<1x64xf32, #tpu.memory_space<vmem>> -> memref<64xf32, #tpu.memory_space<vmem>>
            %dma_start3A_955 = arith.constant 0 : i32
            %dma_start3A_956 = tpu.memref_slice %arg3[%squeeze3A_941, %dma_start3A_955] : memref<1000000x64xf32, #tpu.memory_space<hbm>> -> memref<1x64xf32, #tpu.memory_space<hbm>>
            %dma_start3A_957 = tpu.memref_squeeze %dma_start3A_956 : memref<1x64xf32, #tpu.memory_space<hbm>> -> memref<64xf32, #tpu.memory_space<hbm>>
            tpu.enqueue_dma source(%dma_start3A_957 : memref<64xf32, #tpu.memory_space<hbm>>) target(%dma_start3A_954 : memref<64xf32, #tpu.memory_space<vmem>>) target_semaphore(%arg6 : memref<!tpu.dma_semaphore, #tpu.memory_space<semaphore_mem>>)
          } else {
          }
          %mul3A_234 = arith.constant 8 : i32
          %mul3A_235 = arith.muli %scan3A_230, %mul3A_234 : i32
          %add3A_236 = arith.constant 0 : i32
          %add3A_237 = arith.addi %mul3A_235, %add3A_236 : i32
          %get3A_238 = arith.index_cast %add3A_237 : i32 to index
          %get3A_239 = arith.constant 0 : index
          %get3A_240 = tpu.vector_load %arg15[%get3A_238, %get3A_239] {strides = array<i32>} : memref<200x64xf32, #tpu.memory_space<vmem>>, vector<1x16xf32>,
          %get3A_241 = vector.shape_cast %get3A_240 : vector<1x16xf32> to vector<16xf32>
          %mul3A_242 = arith.constant 64 : i32
          %mul3A_243 = arith.muli %add3A_237, %mul3A_242 : i32
          %add3A_244 = arith.constant 0 : i32
          %add3A_245 = arith.addi %mul3A_243, %add3A_244 : i32
          %get3A_246 = arith.index_cast %add3A_245 : i32 to index
          %get3A_247 = tpu.vector_load %arg12[%get3A_246] {strides = array<i32>} : memref<12800xf32, #tpu.memory_space<vmem>>, vector<16xf32>,
          %get3A_248 = vector.shape_cast %get3A_247 : vector<16xf32> to vector<16xf32>
          %add3A_249 = arith.addf %get3A_241, %get3A_248 : vector<16xf32>
          %swap3A = arith.index_cast %add3A_237 : i32 to index
          %swap3A_250 = arith.constant 0 : index
          %swap3A_251 = tpu.vector_load %arg15[%swap3A, %swap3A_250] {strides = array<i32>} : memref<200x64xf32, #tpu.memory_space<vmem>>, vector<1x16xf32>,
          %swap3A_252 = vector.shape_cast %swap3A_251 : vector<1x16xf32> to vector<16xf32>
          %swap3A_253 = vector.shape_cast %add3A_249 : vector<16xf32> to vector<1x16xf32>
          tpu.vector_store %arg15[%swap3A, %swap3A_250], %swap3A_253 {strides = array<i32>} : memref<200x64xf32, #tpu.memory_space<vmem>>, vector<1x16xf32>,
          %get3A_254 = arith.index_cast %add3A_237 : i32 to index
          %get3A_255 = arith.constant 16 : index
          %get3A_256 = tpu.vector_load %arg15[%get3A_254, %get3A_255] {strides = array<i32>} : memref<200x64xf32, #tpu.memory_space<vmem>>, vector<1x16xf32>,
          %get3A_257 = vector.shape_cast %get3A_256 : vector<1x16xf32> to vector<16xf32>
          %mul3A_258 = arith.constant 64 : i32
          %mul3A_259 = arith.muli %add3A_237, %mul3A_258 : i32
          %add3A_260 = arith.constant 16 : i32
          %add3A_261 = arith.addi %mul3A_259, %add3A_260 : i32
          %get3A_262 = arith.index_cast %add3A_261 : i32 to index
          %get3A_263 = tpu.vector_load %arg12[%get3A_262] {strides = array<i32>} : memref<12800xf32, #tpu.memory_space<vmem>>, vector<16xf32>,
          %get3A_264 = vector.shape_cast %get3A_263 : vector<16xf32> to vector<16xf32>
          %add3A_265 = arith.addf %get3A_257, %get3A_264 : vector<16xf32>
          %swap3A_266 = arith.index_cast %add3A_237 : i32 to index
          %swap3A_267 = arith.constant 16 : index
          %swap3A_268 = tpu.vector_load %arg15[%swap3A_266, %swap3A_267] {strides = array<i32>} : memref<200x64xf32, #tpu.memory_space<vmem>>, vector<1x16xf32>,
          %swap3A_269 = vector.shape_cast %swap3A_268 : vector<1x16xf32> to vector<16xf32>
          %swap3A_270 = vector.shape_cast %add3A_265 : vector<16xf32> to vector<1x16xf32>
          tpu.vector_store %arg15[%swap3A_266, %swap3A_267], %swap3A_270 {strides = array<i32>} : memref<200x64xf32, #tpu.memory_space<vmem>>, vector<1x16xf32>,
          %get3A_271 = arith.index_cast %add3A_237 : i32 to index
          %get3A_272 = arith.constant 32 : index
          %get3A_273 = tpu.vector_load %arg15[%get3A_271, %get3A_272] {strides = array<i32>} : memref<200x64xf32, #tpu.memory_space<vmem>>, vector<1x16xf32>,
          %get3A_274 = vector.shape_cast %get3A_273 : vector<1x16xf32> to vector<16xf32>
          %mul3A_275 = arith.constant 64 : i32
          %mul3A_276 = arith.muli %add3A_237, %mul3A_275 : i32
          %add3A_277 = arith.constant 32 : i32
          %add3A_278 = arith.addi %mul3A_276, %add3A_277 : i32
          %get3A_279 = arith.index_cast %add3A_278 : i32 to index
          %get3A_280 = tpu.vector_load %arg12[%get3A_279] {strides = array<i32>} : memref<12800xf32, #tpu.memory_space<vmem>>, vector<16xf32>,
          %get3A_281 = vector.shape_cast %get3A_280 : vector<16xf32> to vector<16xf32>
          %add3A_282 = arith.addf %get3A_274, %get3A_281 : vector<16xf32>
          %swap3A_283 = arith.index_cast %add3A_237 : i32 to index
          %swap3A_284 = arith.constant 32 : index
          %swap3A_285 = tpu.vector_load %arg15[%swap3A_283, %swap3A_284] {strides = array<i32>} : memref<200x64xf32, #tpu.memory_space<vmem>>, vector<1x16xf32>,
          %swap3A_286 = vector.shape_cast %swap3A_285 : vector<1x16xf32> to vector<16xf32>
          %swap3A_287 = vector.shape_cast %add3A_282 : vector<16xf32> to vector<1x16xf32>
          tpu.vector_store %arg15[%swap3A_283, %swap3A_284], %swap3A_287 {strides = array<i32>} : memref<200x64xf32, #tpu.memory_space<vmem>>, vector<1x16xf32>,
          %get3A_288 = arith.index_cast %add3A_237 : i32 to index
          %get3A_289 = arith.constant 48 : index
          %get3A_290 = tpu.vector_load %arg15[%get3A_288, %get3A_289] {strides = array<i32>} : memref<200x64xf32, #tpu.memory_space<vmem>>, vector<1x16xf32>,
          %get3A_291 = vector.shape_cast %get3A_290 : vector<1x16xf32> to vector<16xf32>
          %mul3A_292 = arith.constant 64 : i32
          %mul3A_293 = arith.muli %add3A_237, %mul3A_292 : i32
          %add3A_294 = arith.constant 48 : i32
          %add3A_295 = arith.addi %mul3A_293, %add3A_294 : i32
          %get3A_296 = arith.index_cast %add3A_295 : i32 to index
          %get3A_297 = tpu.vector_load %arg12[%get3A_296] {strides = array<i32>} : memref<12800xf32, #tpu.memory_space<vmem>>, vector<16xf32>,
          %get3A_298 = vector.shape_cast %get3A_297 : vector<16xf32> to vector<16xf32>
          %add3A_299 = arith.addf %get3A_291, %get3A_298 : vector<16xf32>
          %swap3A_300 = arith.index_cast %add3A_237 : i32 to index
          %swap3A_301 = arith.constant 48 : index
          %swap3A_302 = tpu.vector_load %arg15[%swap3A_300, %swap3A_301] {strides = array<i32>} : memref<200x64xf32, #tpu.memory_space<vmem>>, vector<1x16xf32>,
          %swap3A_303 = vector.shape_cast %swap3A_302 : vector<1x16xf32> to vector<16xf32>
          %swap3A_304 = vector.shape_cast %add3A_299 : vector<16xf32> to vector<1x16xf32>
          tpu.vector_store %arg15[%swap3A_300, %swap3A_301], %swap3A_304 {strides = array<i32>} : memref<200x64xf32, #tpu.memory_space<vmem>>, vector<1x16xf32>,
          %mul3A_305 = arith.constant 8 : i32
          %mul3A_306 = arith.muli %scan3A_230, %mul3A_305 : i32
          %add3A_307 = arith.constant 1 : i32
          %add3A_308 = arith.addi %mul3A_306, %add3A_307 : i32
          %get3A_309 = arith.index_cast %add3A_308 : i32 to index
          %get3A_310 = arith.constant 0 : index
          %get3A_311 = tpu.vector_load %arg15[%get3A_309, %get3A_310] {strides = array<i32>} : memref<200x64xf32, #tpu.memory_space<vmem>>, vector<1x16xf32>,
          %get3A_312 = vector.shape_cast %get3A_311 : vector<1x16xf32> to vector<16xf32>
          %mul3A_313 = arith.constant 64 : i32
          %mul3A_314 = arith.muli %add3A_308, %mul3A_313 : i32
          %add3A_315 = arith.constant 0 : i32
          %add3A_316 = arith.addi %mul3A_314, %add3A_315 : i32
          %get3A_317 = arith.index_cast %add3A_316 : i32 to index
          %get3A_318 = tpu.vector_load %arg12[%get3A_317] {strides = array<i32>} : memref<12800xf32, #tpu.memory_space<vmem>>, vector<16xf32>,
          %get3A_319 = vector.shape_cast %get3A_318 : vector<16xf32> to vector<16xf32>
          %add3A_320 = arith.addf %get3A_312, %get3A_319 : vector<16xf32>
          %swap3A_321 = arith.index_cast %add3A_308 : i32 to index
          %swap3A_322 = arith.constant 0 : index
          %swap3A_323 = tpu.vector_load %arg15[%swap3A_321, %swap3A_322] {strides = array<i32>} : memref<200x64xf32, #tpu.memory_space<vmem>>, vector<1x16xf32>,
          %swap3A_324 = vector.shape_cast %swap3A_323 : vector<1x16xf32> to vector<16xf32>
          %swap3A_325 = vector.shape_cast %add3A_320 : vector<16xf32> to vector<1x16xf32>
          tpu.vector_store %arg15[%swap3A_321, %swap3A_322], %swap3A_325 {strides = array<i32>} : memref<200x64xf32, #tpu.memory_space<vmem>>, vector<1x16xf32>,
          %get3A_326 = arith.index_cast %add3A_308 : i32 to index
          %get3A_327 = arith.constant 16 : index
          %get3A_328 = tpu.vector_load %arg15[%get3A_326, %get3A_327] {strides = array<i32>} : memref<200x64xf32, #tpu.memory_space<vmem>>, vector<1x16xf32>,
          %get3A_329 = vector.shape_cast %get3A_328 : vector<1x16xf32> to vector<16xf32>
          %mul3A_330 = arith.constant 64 : i32
          %mul3A_331 = arith.muli %add3A_308, %mul3A_330 : i32
          %add3A_332 = arith.constant 16 : i32
          %add3A_333 = arith.addi %mul3A_331, %add3A_332 : i32
          %get3A_334 = arith.index_cast %add3A_333 : i32 to index
          %get3A_335 = tpu.vector_load %arg12[%get3A_334] {strides = array<i32>} : memref<12800xf32, #tpu.memory_space<vmem>>, vector<16xf32>,
          %get3A_336 = vector.shape_cast %get3A_335 : vector<16xf32> to vector<16xf32>
          %add3A_337 = arith.addf %get3A_329, %get3A_336 : vector<16xf32>
          %swap3A_338 = arith.index_cast %add3A_308 : i32 to index
          %swap3A_339 = arith.constant 16 : index
          %swap3A_340 = tpu.vector_load %arg15[%swap3A_338, %swap3A_339] {strides = array<i32>} : memref<200x64xf32, #tpu.memory_space<vmem>>, vector<1x16xf32>,
          %swap3A_341 = vector.shape_cast %swap3A_340 : vector<1x16xf32> to vector<16xf32>
          %swap3A_342 = vector.shape_cast %add3A_337 : vector<16xf32> to vector<1x16xf32>
          tpu.vector_store %arg15[%swap3A_338, %swap3A_339], %swap3A_342 {strides = array<i32>} : memref<200x64xf32, #tpu.memory_space<vmem>>, vector<1x16xf32>,
          %get3A_343 = arith.index_cast %add3A_308 : i32 to index
          %get3A_344 = arith.constant 32 : index
          %get3A_345 = tpu.vector_load %arg15[%get3A_343, %get3A_344] {strides = array<i32>} : memref<200x64xf32, #tpu.memory_space<vmem>>, vector<1x16xf32>,
          %get3A_346 = vector.shape_cast %get3A_345 : vector<1x16xf32> to vector<16xf32>
          %mul3A_347 = arith.constant 64 : i32
          %mul3A_348 = arith.muli %add3A_308, %mul3A_347 : i32
          %add3A_349 = arith.constant 32 : i32
          %add3A_350 = arith.addi %mul3A_348, %add3A_349 : i32
          %get3A_351 = arith.index_cast %add3A_350 : i32 to index
          %get3A_352 = tpu.vector_load %arg12[%get3A_351] {strides = array<i32>} : memref<12800xf32, #tpu.memory_space<vmem>>, vector<16xf32>,
          %get3A_353 = vector.shape_cast %get3A_352 : vector<16xf32> to vector<16xf32>
          %add3A_354 = arith.addf %get3A_346, %get3A_353 : vector<16xf32>
          %swap3A_355 = arith.index_cast %add3A_308 : i32 to index
          %swap3A_356 = arith.constant 32 : index
          %swap3A_357 = tpu.vector_load %arg15[%swap3A_355, %swap3A_356] {strides = array<i32>} : memref<200x64xf32, #tpu.memory_space<vmem>>, vector<1x16xf32>,
          %swap3A_358 = vector.shape_cast %swap3A_357 : vector<1x16xf32> to vector<16xf32>
          %swap3A_359 = vector.shape_cast %add3A_354 : vector<16xf32> to vector<1x16xf32>
          tpu.vector_store %arg15[%swap3A_355, %swap3A_356], %swap3A_359 {strides = array<i32>} : memref<200x64xf32, #tpu.memory_space<vmem>>, vector<1x16xf32>,
          %get3A_360 = arith.index_cast %add3A_308 : i32 to index
          %get3A_361 = arith.constant 48 : index
          %get3A_362 = tpu.vector_load %arg15[%get3A_360, %get3A_361] {strides = array<i32>} : memref<200x64xf32, #tpu.memory_space<vmem>>, vector<1x16xf32>,
          %get3A_363 = vector.shape_cast %get3A_362 : vector<1x16xf32> to vector<16xf32>
          %mul3A_364 = arith.constant 64 : i32
          %mul3A_365 = arith.muli %add3A_308, %mul3A_364 : i32
          %add3A_366 = arith.constant 48 : i32
          %add3A_367 = arith.addi %mul3A_365, %add3A_366 : i32
          %get3A_368 = arith.index_cast %add3A_367 : i32 to index
          %get3A_369 = tpu.vector_load %arg12[%get3A_368] {strides = array<i32>} : memref<12800xf32, #tpu.memory_space<vmem>>, vector<16xf32>,
          %get3A_370 = vector.shape_cast %get3A_369 : vector<16xf32> to vector<16xf32>
          %add3A_371 = arith.addf %get3A_363, %get3A_370 : vector<16xf32>
          %swap3A_372 = arith.index_cast %add3A_308 : i32 to index
          %swap3A_373 = arith.constant 48 : index
          %swap3A_374 = tpu.vector_load %arg15[%swap3A_372, %swap3A_373] {strides = array<i32>} : memref<200x64xf32, #tpu.memory_space<vmem>>, vector<1x16xf32>,
          %swap3A_375 = vector.shape_cast %swap3A_374 : vector<1x16xf32> to vector<16xf32>
          %swap3A_376 = vector.shape_cast %add3A_371 : vector<16xf32> to vector<1x16xf32>
          tpu.vector_store %arg15[%swap3A_372, %swap3A_373], %swap3A_376 {strides = array<i32>} : memref<200x64xf32, #tpu.memory_space<vmem>>, vector<1x16xf32>,
          %mul3A_377 = arith.constant 8 : i32
          %mul3A_378 = arith.muli %scan3A_230, %mul3A_377 : i32
          %add3A_379 = arith.constant 2 : i32
          %add3A_380 = arith.addi %mul3A_378, %add3A_379 : i32
          %get3A_381 = arith.index_cast %add3A_380 : i32 to index
          %get3A_382 = arith.constant 0 : index
          %get3A_383 = tpu.vector_load %arg15[%get3A_381, %get3A_382] {strides = array<i32>} : memref<200x64xf32, #tpu.memory_space<vmem>>, vector<1x16xf32>,
          %get3A_384 = vector.shape_cast %get3A_383 : vector<1x16xf32> to vector<16xf32>
          %mul3A_385 = arith.constant 64 : i32
          %mul3A_386 = arith.muli %add3A_380, %mul3A_385 : i32
          %add3A_387 = arith.constant 0 : i32
          %add3A_388 = arith.addi %mul3A_386, %add3A_387 : i32
          %get3A_389 = arith.index_cast %add3A_388 : i32 to index
          %get3A_390 = tpu.vector_load %arg12[%get3A_389] {strides = array<i32>} : memref<12800xf32, #tpu.memory_space<vmem>>, vector<16xf32>,
          %get3A_391 = vector.shape_cast %get3A_390 : vector<16xf32> to vector<16xf32>
          %add3A_392 = arith.addf %get3A_384, %get3A_391 : vector<16xf32>
          %swap3A_393 = arith.index_cast %add3A_380 : i32 to index
          %swap3A_394 = arith.constant 0 : index
          %swap3A_395 = tpu.vector_load %arg15[%swap3A_393, %swap3A_394] {strides = array<i32>} : memref<200x64xf32, #tpu.memory_space<vmem>>, vector<1x16xf32>,
          %swap3A_396 = vector.shape_cast %swap3A_395 : vector<1x16xf32> to vector<16xf32>
          %swap3A_397 = vector.shape_cast %add3A_392 : vector<16xf32> to vector<1x16xf32>
          tpu.vector_store %arg15[%swap3A_393, %swap3A_394], %swap3A_397 {strides = array<i32>} : memref<200x64xf32, #tpu.memory_space<vmem>>, vector<1x16xf32>,
          %get3A_398 = arith.index_cast %add3A_380 : i32 to index
          %get3A_399 = arith.constant 16 : index
          %get3A_400 = tpu.vector_load %arg15[%get3A_398, %get3A_399] {strides = array<i32>} : memref<200x64xf32, #tpu.memory_space<vmem>>, vector<1x16xf32>,
          %get3A_401 = vector.shape_cast %get3A_400 : vector<1x16xf32> to vector<16xf32>
          %mul3A_402 = arith.constant 64 : i32
          %mul3A_403 = arith.muli %add3A_380, %mul3A_402 : i32
          %add3A_404 = arith.constant 16 : i32
          %add3A_405 = arith.addi %mul3A_403, %add3A_404 : i32
          %get3A_406 = arith.index_cast %add3A_405 : i32 to index
          %get3A_407 = tpu.vector_load %arg12[%get3A_406] {strides = array<i32>} : memref<12800xf32, #tpu.memory_space<vmem>>, vector<16xf32>,
          %get3A_408 = vector.shape_cast %get3A_407 : vector<16xf32> to vector<16xf32>
          %add3A_409 = arith.addf %get3A_401, %get3A_408 : vector<16xf32>
          %swap3A_410 = arith.index_cast %add3A_380 : i32 to index
          %swap3A_411 = arith.constant 16 : index
          %swap3A_412 = tpu.vector_load %arg15[%swap3A_410, %swap3A_411] {strides = array<i32>} : memref<200x64xf32, #tpu.memory_space<vmem>>, vector<1x16xf32>,
          %swap3A_413 = vector.shape_cast %swap3A_412 : vector<1x16xf32> to vector<16xf32>
          %swap3A_414 = vector.shape_cast %add3A_409 : vector<16xf32> to vector<1x16xf32>
          tpu.vector_store %arg15[%swap3A_410, %swap3A_411], %swap3A_414 {strides = array<i32>} : memref<200x64xf32, #tpu.memory_space<vmem>>, vector<1x16xf32>,
          %get3A_415 = arith.index_cast %add3A_380 : i32 to index
          %get3A_416 = arith.constant 32 : index
          %get3A_417 = tpu.vector_load %arg15[%get3A_415, %get3A_416] {strides = array<i32>} : memref<200x64xf32, #tpu.memory_space<vmem>>, vector<1x16xf32>,
          %get3A_418 = vector.shape_cast %get3A_417 : vector<1x16xf32> to vector<16xf32>
          %mul3A_419 = arith.constant 64 : i32
          %mul3A_420 = arith.muli %add3A_380, %mul3A_419 : i32
          %add3A_421 = arith.constant 32 : i32
          %add3A_422 = arith.addi %mul3A_420, %add3A_421 : i32
          %get3A_423 = arith.index_cast %add3A_422 : i32 to index
          %get3A_424 = tpu.vector_load %arg12[%get3A_423] {strides = array<i32>} : memref<12800xf32, #tpu.memory_space<vmem>>, vector<16xf32>,
          %get3A_425 = vector.shape_cast %get3A_424 : vector<16xf32> to vector<16xf32>
          %add3A_426 = arith.addf %get3A_418, %get3A_425 : vector<16xf32>
          %swap3A_427 = arith.index_cast %add3A_380 : i32 to index
          %swap3A_428 = arith.constant 32 : index
          %swap3A_429 = tpu.vector_load %arg15[%swap3A_427, %swap3A_428] {strides = array<i32>} : memref<200x64xf32, #tpu.memory_space<vmem>>, vector<1x16xf32>,
          %swap3A_430 = vector.shape_cast %swap3A_429 : vector<1x16xf32> to vector<16xf32>
          %swap3A_431 = vector.shape_cast %add3A_426 : vector<16xf32> to vector<1x16xf32>
          tpu.vector_store %arg15[%swap3A_427, %swap3A_428], %swap3A_431 {strides = array<i32>} : memref<200x64xf32, #tpu.memory_space<vmem>>, vector<1x16xf32>,
          %get3A_432 = arith.index_cast %add3A_380 : i32 to index
          %get3A_433 = arith.constant 48 : index
          %get3A_434 = tpu.vector_load %arg15[%get3A_432, %get3A_433] {strides = array<i32>} : memref<200x64xf32, #tpu.memory_space<vmem>>, vector<1x16xf32>,
          %get3A_435 = vector.shape_cast %get3A_434 : vector<1x16xf32> to vector<16xf32>
          %mul3A_436 = arith.constant 64 : i32
          %mul3A_437 = arith.muli %add3A_380, %mul3A_436 : i32
          %add3A_438 = arith.constant 48 : i32
          %add3A_439 = arith.addi %mul3A_437, %add3A_438 : i32
          %get3A_440 = arith.index_cast %add3A_439 : i32 to index
          %get3A_441 = tpu.vector_load %arg12[%get3A_440] {strides = array<i32>} : memref<12800xf32, #tpu.memory_space<vmem>>, vector<16xf32>,
          %get3A_442 = vector.shape_cast %get3A_441 : vector<16xf32> to vector<16xf32>
          %add3A_443 = arith.addf %get3A_435, %get3A_442 : vector<16xf32>
          %swap3A_444 = arith.index_cast %add3A_380 : i32 to index
          %swap3A_445 = arith.constant 48 : index
          %swap3A_446 = tpu.vector_load %arg15[%swap3A_444, %swap3A_445] {strides = array<i32>} : memref<200x64xf32, #tpu.memory_space<vmem>>, vector<1x16xf32>,
          %swap3A_447 = vector.shape_cast %swap3A_446 : vector<1x16xf32> to vector<16xf32>
          %swap3A_448 = vector.shape_cast %add3A_443 : vector<16xf32> to vector<1x16xf32>
          tpu.vector_store %arg15[%swap3A_444, %swap3A_445], %swap3A_448 {strides = array<i32>} : memref<200x64xf32, #tpu.memory_space<vmem>>, vector<1x16xf32>,
          %mul3A_449 = arith.constant 8 : i32
          %mul3A_450 = arith.muli %scan3A_230, %mul3A_449 : i32
          %add3A_451 = arith.constant 3 : i32
          %add3A_452 = arith.addi %mul3A_450, %add3A_451 : i32
          %get3A_453 = arith.index_cast %add3A_452 : i32 to index
          %get3A_454 = arith.constant 0 : index
          %get3A_455 = tpu.vector_load %arg15[%get3A_453, %get3A_454] {strides = array<i32>} : memref<200x64xf32, #tpu.memory_space<vmem>>, vector<1x16xf32>,
          %get3A_456 = vector.shape_cast %get3A_455 : vector<1x16xf32> to vector<16xf32>
          %mul3A_457 = arith.constant 64 : i32
          %mul3A_458 = arith.muli %add3A_452, %mul3A_457 : i32
          %add3A_459 = arith.constant 0 : i32
          %add3A_460 = arith.addi %mul3A_458, %add3A_459 : i32
          %get3A_461 = arith.index_cast %add3A_460 : i32 to index
          %get3A_462 = tpu.vector_load %arg12[%get3A_461] {strides = array<i32>} : memref<12800xf32, #tpu.memory_space<vmem>>, vector<16xf32>,
          %get3A_463 = vector.shape_cast %get3A_462 : vector<16xf32> to vector<16xf32>
          %add3A_464 = arith.addf %get3A_456, %get3A_463 : vector<16xf32>
          %swap3A_465 = arith.index_cast %add3A_452 : i32 to index
          %swap3A_466 = arith.constant 0 : index
          %swap3A_467 = tpu.vector_load %arg15[%swap3A_465, %swap3A_466] {strides = array<i32>} : memref<200x64xf32, #tpu.memory_space<vmem>>, vector<1x16xf32>,
          %swap3A_468 = vector.shape_cast %swap3A_467 : vector<1x16xf32> to vector<16xf32>
          %swap3A_469 = vector.shape_cast %add3A_464 : vector<16xf32> to vector<1x16xf32>
          tpu.vector_store %arg15[%swap3A_465, %swap3A_466], %swap3A_469 {strides = array<i32>} : memref<200x64xf32, #tpu.memory_space<vmem>>, vector<1x16xf32>,
          %get3A_470 = arith.index_cast %add3A_452 : i32 to index
          %get3A_471 = arith.constant 16 : index
          %get3A_472 = tpu.vector_load %arg15[%get3A_470, %get3A_471] {strides = array<i32>} : memref<200x64xf32, #tpu.memory_space<vmem>>, vector<1x16xf32>,
          %get3A_473 = vector.shape_cast %get3A_472 : vector<1x16xf32> to vector<16xf32>
          %mul3A_474 = arith.constant 64 : i32
          %mul3A_475 = arith.muli %add3A_452, %mul3A_474 : i32
          %add3A_476 = arith.constant 16 : i32
          %add3A_477 = arith.addi %mul3A_475, %add3A_476 : i32
          %get3A_478 = arith.index_cast %add3A_477 : i32 to index
          %get3A_479 = tpu.vector_load %arg12[%get3A_478] {strides = array<i32>} : memref<12800xf32, #tpu.memory_space<vmem>>, vector<16xf32>,
          %get3A_480 = vector.shape_cast %get3A_479 : vector<16xf32> to vector<16xf32>
          %add3A_481 = arith.addf %get3A_473, %get3A_480 : vector<16xf32>
          %swap3A_482 = arith.index_cast %add3A_452 : i32 to index
          %swap3A_483 = arith.constant 16 : index
          %swap3A_484 = tpu.vector_load %arg15[%swap3A_482, %swap3A_483] {strides = array<i32>} : memref<200x64xf32, #tpu.memory_space<vmem>>, vector<1x16xf32>,
          %swap3A_485 = vector.shape_cast %swap3A_484 : vector<1x16xf32> to vector<16xf32>
          %swap3A_486 = vector.shape_cast %add3A_481 : vector<16xf32> to vector<1x16xf32>
          tpu.vector_store %arg15[%swap3A_482, %swap3A_483], %swap3A_486 {strides = array<i32>} : memref<200x64xf32, #tpu.memory_space<vmem>>, vector<1x16xf32>,
          %get3A_487 = arith.index_cast %add3A_452 : i32 to index
          %get3A_488 = arith.constant 32 : index
          %get3A_489 = tpu.vector_load %arg15[%get3A_487, %get3A_488] {strides = array<i32>} : memref<200x64xf32, #tpu.memory_space<vmem>>, vector<1x16xf32>,
          %get3A_490 = vector.shape_cast %get3A_489 : vector<1x16xf32> to vector<16xf32>
          %mul3A_491 = arith.constant 64 : i32
          %mul3A_492 = arith.muli %add3A_452, %mul3A_491 : i32
          %add3A_493 = arith.constant 32 : i32
          %add3A_494 = arith.addi %mul3A_492, %add3A_493 : i32
          %get3A_495 = arith.index_cast %add3A_494 : i32 to index
          %get3A_496 = tpu.vector_load %arg12[%get3A_495] {strides = array<i32>} : memref<12800xf32, #tpu.memory_space<vmem>>, vector<16xf32>,
          %get3A_497 = vector.shape_cast %get3A_496 : vector<16xf32> to vector<16xf32>
          %add3A_498 = arith.addf %get3A_490, %get3A_497 : vector<16xf32>
          %swap3A_499 = arith.index_cast %add3A_452 : i32 to index
          %swap3A_500 = arith.constant 32 : index
          %swap3A_501 = tpu.vector_load %arg15[%swap3A_499, %swap3A_500] {strides = array<i32>} : memref<200x64xf32, #tpu.memory_space<vmem>>, vector<1x16xf32>,
          %swap3A_502 = vector.shape_cast %swap3A_501 : vector<1x16xf32> to vector<16xf32>
          %swap3A_503 = vector.shape_cast %add3A_498 : vector<16xf32> to vector<1x16xf32>
          tpu.vector_store %arg15[%swap3A_499, %swap3A_500], %swap3A_503 {strides = array<i32>} : memref<200x64xf32, #tpu.memory_space<vmem>>, vector<1x16xf32>,
          %get3A_504 = arith.index_cast %add3A_452 : i32 to index
          %get3A_505 = arith.constant 48 : index
          %get3A_506 = tpu.vector_load %arg15[%get3A_504, %get3A_505] {strides = array<i32>} : memref<200x64xf32, #tpu.memory_space<vmem>>, vector<1x16xf32>,
          %get3A_507 = vector.shape_cast %get3A_506 : vector<1x16xf32> to vector<16xf32>
          %mul3A_508 = arith.constant 64 : i32
          %mul3A_509 = arith.muli %add3A_452, %mul3A_508 : i32
          %add3A_510 = arith.constant 48 : i32
          %add3A_511 = arith.addi %mul3A_509, %add3A_510 : i32
          %get3A_512 = arith.index_cast %add3A_511 : i32 to index
          %get3A_513 = tpu.vector_load %arg12[%get3A_512] {strides = array<i32>} : memref<12800xf32, #tpu.memory_space<vmem>>, vector<16xf32>,
          %get3A_514 = vector.shape_cast %get3A_513 : vector<16xf32> to vector<16xf32>
          %add3A_515 = arith.addf %get3A_507, %get3A_514 : vector<16xf32>
          %swap3A_516 = arith.index_cast %add3A_452 : i32 to index
          %swap3A_517 = arith.constant 48 : index
          %swap3A_518 = tpu.vector_load %arg15[%swap3A_516, %swap3A_517] {strides = array<i32>} : memref<200x64xf32, #tpu.memory_space<vmem>>, vector<1x16xf32>,
          %swap3A_519 = vector.shape_cast %swap3A_518 : vector<1x16xf32> to vector<16xf32>
          %swap3A_520 = vector.shape_cast %add3A_515 : vector<16xf32> to vector<1x16xf32>
          tpu.vector_store %arg15[%swap3A_516, %swap3A_517], %swap3A_520 {strides = array<i32>} : memref<200x64xf32, #tpu.memory_space<vmem>>, vector<1x16xf32>,
          %mul3A_521 = arith.constant 8 : i32
          %mul3A_522 = arith.muli %scan3A_230, %mul3A_521 : i32
          %add3A_523 = arith.constant 4 : i32
          %add3A_524 = arith.addi %mul3A_522, %add3A_523 : i32
          %get3A_525 = arith.index_cast %add3A_524 : i32 to index
          %get3A_526 = arith.constant 0 : index
          %get3A_527 = tpu.vector_load %arg15[%get3A_525, %get3A_526] {strides = array<i32>} : memref<200x64xf32, #tpu.memory_space<vmem>>, vector<1x16xf32>,
          %get3A_528 = vector.shape_cast %get3A_527 : vector<1x16xf32> to vector<16xf32>
          %mul3A_529 = arith.constant 64 : i32
          %mul3A_530 = arith.muli %add3A_524, %mul3A_529 : i32
          %add3A_531 = arith.constant 0 : i32
          %add3A_532 = arith.addi %mul3A_530, %add3A_531 : i32
          %get3A_533 = arith.index_cast %add3A_532 : i32 to index
          %get3A_534 = tpu.vector_load %arg12[%get3A_533] {strides = array<i32>} : memref<12800xf32, #tpu.memory_space<vmem>>, vector<16xf32>,
          %get3A_535 = vector.shape_cast %get3A_534 : vector<16xf32> to vector<16xf32>
          %add3A_536 = arith.addf %get3A_528, %get3A_535 : vector<16xf32>
          %swap3A_537 = arith.index_cast %add3A_524 : i32 to index
          %swap3A_538 = arith.constant 0 : index
          %swap3A_539 = tpu.vector_load %arg15[%swap3A_537, %swap3A_538] {strides = array<i32>} : memref<200x64xf32, #tpu.memory_space<vmem>>, vector<1x16xf32>,
          %swap3A_540 = vector.shape_cast %swap3A_539 : vector<1x16xf32> to vector<16xf32>
          %swap3A_541 = vector.shape_cast %add3A_536 : vector<16xf32> to vector<1x16xf32>
          tpu.vector_store %arg15[%swap3A_537, %swap3A_538], %swap3A_541 {strides = array<i32>} : memref<200x64xf32, #tpu.memory_space<vmem>>, vector<1x16xf32>,
          %get3A_542 = arith.index_cast %add3A_524 : i32 to index
          %get3A_543 = arith.constant 16 : index
          %get3A_544 = tpu.vector_load %arg15[%get3A_542, %get3A_543] {strides = array<i32>} : memref<200x64xf32, #tpu.memory_space<vmem>>, vector<1x16xf32>,
          %get3A_545 = vector.shape_cast %get3A_544 : vector<1x16xf32> to vector<16xf32>
          %mul3A_546 = arith.constant 64 : i32
          %mul3A_547 = arith.muli %add3A_524, %mul3A_546 : i32
          %add3A_548 = arith.constant 16 : i32
          %add3A_549 = arith.addi %mul3A_547, %add3A_548 : i32
          %get3A_550 = arith.index_cast %add3A_549 : i32 to index
          %get3A_551 = tpu.vector_load %arg12[%get3A_550] {strides = array<i32>} : memref<12800xf32, #tpu.memory_space<vmem>>, vector<16xf32>,
          %get3A_552 = vector.shape_cast %get3A_551 : vector<16xf32> to vector<16xf32>
          %add3A_553 = arith.addf %get3A_545, %get3A_552 : vector<16xf32>
          %swap3A_554 = arith.index_cast %add3A_524 : i32 to index
          %swap3A_555 = arith.constant 16 : index
          %swap3A_556 = tpu.vector_load %arg15[%swap3A_554, %swap3A_555] {strides = array<i32>} : memref<200x64xf32, #tpu.memory_space<vmem>>, vector<1x16xf32>,
          %swap3A_557 = vector.shape_cast %swap3A_556 : vector<1x16xf32> to vector<16xf32>
          %swap3A_558 = vector.shape_cast %add3A_553 : vector<16xf32> to vector<1x16xf32>
          tpu.vector_store %arg15[%swap3A_554, %swap3A_555], %swap3A_558 {strides = array<i32>} : memref<200x64xf32, #tpu.memory_space<vmem>>, vector<1x16xf32>,
          %get3A_559 = arith.index_cast %add3A_524 : i32 to index
          %get3A_560 = arith.constant 32 : index
          %get3A_561 = tpu.vector_load %arg15[%get3A_559, %get3A_560] {strides = array<i32>} : memref<200x64xf32, #tpu.memory_space<vmem>>, vector<1x16xf32>,
          %get3A_562 = vector.shape_cast %get3A_561 : vector<1x16xf32> to vector<16xf32>
          %mul3A_563 = arith.constant 64 : i32
          %mul3A_564 = arith.muli %add3A_524, %mul3A_563 : i32
          %add3A_565 = arith.constant 32 : i32
          %add3A_566 = arith.addi %mul3A_564, %add3A_565 : i32
          %get3A_567 = arith.index_cast %add3A_566 : i32 to index
          %get3A_568 = tpu.vector_load %arg12[%get3A_567] {strides = array<i32>} : memref<12800xf32, #tpu.memory_space<vmem>>, vector<16xf32>,
          %get3A_569 = vector.shape_cast %get3A_568 : vector<16xf32> to vector<16xf32>
          %add3A_570 = arith.addf %get3A_562, %get3A_569 : vector<16xf32>
          %swap3A_571 = arith.index_cast %add3A_524 : i32 to index
          %swap3A_572 = arith.constant 32 : index
          %swap3A_573 = tpu.vector_load %arg15[%swap3A_571, %swap3A_572] {strides = array<i32>} : memref<200x64xf32, #tpu.memory_space<vmem>>, vector<1x16xf32>,
          %swap3A_574 = vector.shape_cast %swap3A_573 : vector<1x16xf32> to vector<16xf32>
          %swap3A_575 = vector.shape_cast %add3A_570 : vector<16xf32> to vector<1x16xf32>
          tpu.vector_store %arg15[%swap3A_571, %swap3A_572], %swap3A_575 {strides = array<i32>} : memref<200x64xf32, #tpu.memory_space<vmem>>, vector<1x16xf32>,
          %get3A_576 = arith.index_cast %add3A_524 : i32 to index
          %get3A_577 = arith.constant 48 : index
          %get3A_578 = tpu.vector_load %arg15[%get3A_576, %get3A_577] {strides = array<i32>} : memref<200x64xf32, #tpu.memory_space<vmem>>, vector<1x16xf32>,
          %get3A_579 = vector.shape_cast %get3A_578 : vector<1x16xf32> to vector<16xf32>
          %mul3A_580 = arith.constant 64 : i32
          %mul3A_581 = arith.muli %add3A_524, %mul3A_580 : i32
          %add3A_582 = arith.constant 48 : i32
          %add3A_583 = arith.addi %mul3A_581, %add3A_582 : i32
          %get3A_584 = arith.index_cast %add3A_583 : i32 to index
          %get3A_585 = tpu.vector_load %arg12[%get3A_584] {strides = array<i32>} : memref<12800xf32, #tpu.memory_space<vmem>>, vector<16xf32>,
          %get3A_586 = vector.shape_cast %get3A_585 : vector<16xf32> to vector<16xf32>
          %add3A_587 = arith.addf %get3A_579, %get3A_586 : vector<16xf32>
          %swap3A_588 = arith.index_cast %add3A_524 : i32 to index
          %swap3A_589 = arith.constant 48 : index
          %swap3A_590 = tpu.vector_load %arg15[%swap3A_588, %swap3A_589] {strides = array<i32>} : memref<200x64xf32, #tpu.memory_space<vmem>>, vector<1x16xf32>,
          %swap3A_591 = vector.shape_cast %swap3A_590 : vector<1x16xf32> to vector<16xf32>
          %swap3A_592 = vector.shape_cast %add3A_587 : vector<16xf32> to vector<1x16xf32>
          tpu.vector_store %arg15[%swap3A_588, %swap3A_589], %swap3A_592 {strides = array<i32>} : memref<200x64xf32, #tpu.memory_space<vmem>>, vector<1x16xf32>,
          %mul3A_593 = arith.constant 8 : i32
          %mul3A_594 = arith.muli %scan3A_230, %mul3A_593 : i32
          %add3A_595 = arith.constant 5 : i32
          %add3A_596 = arith.addi %mul3A_594, %add3A_595 : i32
          %get3A_597 = arith.index_cast %add3A_596 : i32 to index
          %get3A_598 = arith.constant 0 : index
          %get3A_599 = tpu.vector_load %arg15[%get3A_597, %get3A_598] {strides = array<i32>} : memref<200x64xf32, #tpu.memory_space<vmem>>, vector<1x16xf32>,
          %get3A_600 = vector.shape_cast %get3A_599 : vector<1x16xf32> to vector<16xf32>
          %mul3A_601 = arith.constant 64 : i32
          %mul3A_602 = arith.muli %add3A_596, %mul3A_601 : i32
          %add3A_603 = arith.constant 0 : i32
          %add3A_604 = arith.addi %mul3A_602, %add3A_603 : i32
          %get3A_605 = arith.index_cast %add3A_604 : i32 to index
          %get3A_606 = tpu.vector_load %arg12[%get3A_605] {strides = array<i32>} : memref<12800xf32, #tpu.memory_space<vmem>>, vector<16xf32>,
          %get3A_607 = vector.shape_cast %get3A_606 : vector<16xf32> to vector<16xf32>
          %add3A_608 = arith.addf %get3A_600, %get3A_607 : vector<16xf32>
          %swap3A_609 = arith.index_cast %add3A_596 : i32 to index
          %swap3A_610 = arith.constant 0 : index
          %swap3A_611 = tpu.vector_load %arg15[%swap3A_609, %swap3A_610] {strides = array<i32>} : memref<200x64xf32, #tpu.memory_space<vmem>>, vector<1x16xf32>,
          %swap3A_612 = vector.shape_cast %swap3A_611 : vector<1x16xf32> to vector<16xf32>
          %swap3A_613 = vector.shape_cast %add3A_608 : vector<16xf32> to vector<1x16xf32>
          tpu.vector_store %arg15[%swap3A_609, %swap3A_610], %swap3A_613 {strides = array<i32>} : memref<200x64xf32, #tpu.memory_space<vmem>>, vector<1x16xf32>,
          %get3A_614 = arith.index_cast %add3A_596 : i32 to index
          %get3A_615 = arith.constant 16 : index
          %get3A_616 = tpu.vector_load %arg15[%get3A_614, %get3A_615] {strides = array<i32>} : memref<200x64xf32, #tpu.memory_space<vmem>>, vector<1x16xf32>,
          %get3A_617 = vector.shape_cast %get3A_616 : vector<1x16xf32> to vector<16xf32>
          %mul3A_618 = arith.constant 64 : i32
          %mul3A_619 = arith.muli %add3A_596, %mul3A_618 : i32
          %add3A_620 = arith.constant 16 : i32
          %add3A_621 = arith.addi %mul3A_619, %add3A_620 : i32
          %get3A_622 = arith.index_cast %add3A_621 : i32 to index
          %get3A_623 = tpu.vector_load %arg12[%get3A_622] {strides = array<i32>} : memref<12800xf32, #tpu.memory_space<vmem>>, vector<16xf32>,
          %get3A_624 = vector.shape_cast %get3A_623 : vector<16xf32> to vector<16xf32>
          %add3A_625 = arith.addf %get3A_617, %get3A_624 : vector<16xf32>
          %swap3A_626 = arith.index_cast %add3A_596 : i32 to index
          %swap3A_627 = arith.constant 16 : index
          %swap3A_628 = tpu.vector_load %arg15[%swap3A_626, %swap3A_627] {strides = array<i32>} : memref<200x64xf32, #tpu.memory_space<vmem>>, vector<1x16xf32>,
          %swap3A_629 = vector.shape_cast %swap3A_628 : vector<1x16xf32> to vector<16xf32>
          %swap3A_630 = vector.shape_cast %add3A_625 : vector<16xf32> to vector<1x16xf32>
          tpu.vector_store %arg15[%swap3A_626, %swap3A_627], %swap3A_630 {strides = array<i32>} : memref<200x64xf32, #tpu.memory_space<vmem>>, vector<1x16xf32>,
          %get3A_631 = arith.index_cast %add3A_596 : i32 to index
          %get3A_632 = arith.constant 32 : index
          %get3A_633 = tpu.vector_load %arg15[%get3A_631, %get3A_632] {strides = array<i32>} : memref<200x64xf32, #tpu.memory_space<vmem>>, vector<1x16xf32>,
          %get3A_634 = vector.shape_cast %get3A_633 : vector<1x16xf32> to vector<16xf32>
          %mul3A_635 = arith.constant 64 : i32
          %mul3A_636 = arith.muli %add3A_596, %mul3A_635 : i32
          %add3A_637 = arith.constant 32 : i32
          %add3A_638 = arith.addi %mul3A_636, %add3A_637 : i32
          %get3A_639 = arith.index_cast %add3A_638 : i32 to index
          %get3A_640 = tpu.vector_load %arg12[%get3A_639] {strides = array<i32>} : memref<12800xf32, #tpu.memory_space<vmem>>, vector<16xf32>,
          %get3A_641 = vector.shape_cast %get3A_640 : vector<16xf32> to vector<16xf32>
          %add3A_642 = arith.addf %get3A_634, %get3A_641 : vector<16xf32>
          %swap3A_643 = arith.index_cast %add3A_596 : i32 to index
          %swap3A_644 = arith.constant 32 : index
          %swap3A_645 = tpu.vector_load %arg15[%swap3A_643, %swap3A_644] {strides = array<i32>} : memref<200x64xf32, #tpu.memory_space<vmem>>, vector<1x16xf32>,
          %swap3A_646 = vector.shape_cast %swap3A_645 : vector<1x16xf32> to vector<16xf32>
          %swap3A_647 = vector.shape_cast %add3A_642 : vector<16xf32> to vector<1x16xf32>
          tpu.vector_store %arg15[%swap3A_643, %swap3A_644], %swap3A_647 {strides = array<i32>} : memref<200x64xf32, #tpu.memory_space<vmem>>, vector<1x16xf32>,
          %get3A_648 = arith.index_cast %add3A_596 : i32 to index
          %get3A_649 = arith.constant 48 : index
          %get3A_650 = tpu.vector_load %arg15[%get3A_648, %get3A_649] {strides = array<i32>} : memref<200x64xf32, #tpu.memory_space<vmem>>, vector<1x16xf32>,
          %get3A_651 = vector.shape_cast %get3A_650 : vector<1x16xf32> to vector<16xf32>
          %mul3A_652 = arith.constant 64 : i32
          %mul3A_653 = arith.muli %add3A_596, %mul3A_652 : i32
          %add3A_654 = arith.constant 48 : i32
          %add3A_655 = arith.addi %mul3A_653, %add3A_654 : i32
          %get3A_656 = arith.index_cast %add3A_655 : i32 to index
          %get3A_657 = tpu.vector_load %arg12[%get3A_656] {strides = array<i32>} : memref<12800xf32, #tpu.memory_space<vmem>>, vector<16xf32>,
          %get3A_658 = vector.shape_cast %get3A_657 : vector<16xf32> to vector<16xf32>
          %add3A_659 = arith.addf %get3A_651, %get3A_658 : vector<16xf32>
          %swap3A_660 = arith.index_cast %add3A_596 : i32 to index
          %swap3A_661 = arith.constant 48 : index
          %swap3A_662 = tpu.vector_load %arg15[%swap3A_660, %swap3A_661] {strides = array<i32>} : memref<200x64xf32, #tpu.memory_space<vmem>>, vector<1x16xf32>,
          %swap3A_663 = vector.shape_cast %swap3A_662 : vector<1x16xf32> to vector<16xf32>
          %swap3A_664 = vector.shape_cast %add3A_659 : vector<16xf32> to vector<1x16xf32>
          tpu.vector_store %arg15[%swap3A_660, %swap3A_661], %swap3A_664 {strides = array<i32>} : memref<200x64xf32, #tpu.memory_space<vmem>>, vector<1x16xf32>,
          %mul3A_665 = arith.constant 8 : i32
          %mul3A_666 = arith.muli %scan3A_230, %mul3A_665 : i32
          %add3A_667 = arith.constant 6 : i32
          %add3A_668 = arith.addi %mul3A_666, %add3A_667 : i32
          %get3A_669 = arith.index_cast %add3A_668 : i32 to index
          %get3A_670 = arith.constant 0 : index
          %get3A_671 = tpu.vector_load %arg15[%get3A_669, %get3A_670] {strides = array<i32>} : memref<200x64xf32, #tpu.memory_space<vmem>>, vector<1x16xf32>,
          %get3A_672 = vector.shape_cast %get3A_671 : vector<1x16xf32> to vector<16xf32>
          %mul3A_673 = arith.constant 64 : i32
          %mul3A_674 = arith.muli %add3A_668, %mul3A_673 : i32
          %add3A_675 = arith.constant 0 : i32
          %add3A_676 = arith.addi %mul3A_674, %add3A_675 : i32
          %get3A_677 = arith.index_cast %add3A_676 : i32 to index
          %get3A_678 = tpu.vector_load %arg12[%get3A_677] {strides = array<i32>} : memref<12800xf32, #tpu.memory_space<vmem>>, vector<16xf32>,
          %get3A_679 = vector.shape_cast %get3A_678 : vector<16xf32> to vector<16xf32>
          %add3A_680 = arith.addf %get3A_672, %get3A_679 : vector<16xf32>
          %swap3A_681 = arith.index_cast %add3A_668 : i32 to index
          %swap3A_682 = arith.constant 0 : index
          %swap3A_683 = tpu.vector_load %arg15[%swap3A_681, %swap3A_682] {strides = array<i32>} : memref<200x64xf32, #tpu.memory_space<vmem>>, vector<1x16xf32>,
          %swap3A_684 = vector.shape_cast %swap3A_683 : vector<1x16xf32> to vector<16xf32>
          %swap3A_685 = vector.shape_cast %add3A_680 : vector<16xf32> to vector<1x16xf32>
          tpu.vector_store %arg15[%swap3A_681, %swap3A_682], %swap3A_685 {strides = array<i32>} : memref<200x64xf32, #tpu.memory_space<vmem>>, vector<1x16xf32>,
          %get3A_686 = arith.index_cast %add3A_668 : i32 to index
          %get3A_687 = arith.constant 16 : index
          %get3A_688 = tpu.vector_load %arg15[%get3A_686, %get3A_687] {strides = array<i32>} : memref<200x64xf32, #tpu.memory_space<vmem>>, vector<1x16xf32>,
          %get3A_689 = vector.shape_cast %get3A_688 : vector<1x16xf32> to vector<16xf32>
          %mul3A_690 = arith.constant 64 : i32
          %mul3A_691 = arith.muli %add3A_668, %mul3A_690 : i32
          %add3A_692 = arith.constant 16 : i32
          %add3A_693 = arith.addi %mul3A_691, %add3A_692 : i32
          %get3A_694 = arith.index_cast %add3A_693 : i32 to index
          %get3A_695 = tpu.vector_load %arg12[%get3A_694] {strides = array<i32>} : memref<12800xf32, #tpu.memory_space<vmem>>, vector<16xf32>,
          %get3A_696 = vector.shape_cast %get3A_695 : vector<16xf32> to vector<16xf32>
          %add3A_697 = arith.addf %get3A_689, %get3A_696 : vector<16xf32>
          %swap3A_698 = arith.index_cast %add3A_668 : i32 to index
          %swap3A_699 = arith.constant 16 : index
          %swap3A_700 = tpu.vector_load %arg15[%swap3A_698, %swap3A_699] {strides = array<i32>} : memref<200x64xf32, #tpu.memory_space<vmem>>, vector<1x16xf32>,
          %swap3A_701 = vector.shape_cast %swap3A_700 : vector<1x16xf32> to vector<16xf32>
          %swap3A_702 = vector.shape_cast %add3A_697 : vector<16xf32> to vector<1x16xf32>
          tpu.vector_store %arg15[%swap3A_698, %swap3A_699], %swap3A_702 {strides = array<i32>} : memref<200x64xf32, #tpu.memory_space<vmem>>, vector<1x16xf32>,
          %get3A_703 = arith.index_cast %add3A_668 : i32 to index
          %get3A_704 = arith.constant 32 : index
          %get3A_705 = tpu.vector_load %arg15[%get3A_703, %get3A_704] {strides = array<i32>} : memref<200x64xf32, #tpu.memory_space<vmem>>, vector<1x16xf32>,
          %get3A_706 = vector.shape_cast %get3A_705 : vector<1x16xf32> to vector<16xf32>
          %mul3A_707 = arith.constant 64 : i32
          %mul3A_708 = arith.muli %add3A_668, %mul3A_707 : i32
          %add3A_709 = arith.constant 32 : i32
          %add3A_710 = arith.addi %mul3A_708, %add3A_709 : i32
          %get3A_711 = arith.index_cast %add3A_710 : i32 to index
          %get3A_712 = tpu.vector_load %arg12[%get3A_711] {strides = array<i32>} : memref<12800xf32, #tpu.memory_space<vmem>>, vector<16xf32>,
          %get3A_713 = vector.shape_cast %get3A_712 : vector<16xf32> to vector<16xf32>
          %add3A_714 = arith.addf %get3A_706, %get3A_713 : vector<16xf32>
          %swap3A_715 = arith.index_cast %add3A_668 : i32 to index
          %swap3A_716 = arith.constant 32 : index
          %swap3A_717 = tpu.vector_load %arg15[%swap3A_715, %swap3A_716] {strides = array<i32>} : memref<200x64xf32, #tpu.memory_space<vmem>>, vector<1x16xf32>,
          %swap3A_718 = vector.shape_cast %swap3A_717 : vector<1x16xf32> to vector<16xf32>
          %swap3A_719 = vector.shape_cast %add3A_714 : vector<16xf32> to vector<1x16xf32>
          tpu.vector_store %arg15[%swap3A_715, %swap3A_716], %swap3A_719 {strides = array<i32>} : memref<200x64xf32, #tpu.memory_space<vmem>>, vector<1x16xf32>,
          %get3A_720 = arith.index_cast %add3A_668 : i32 to index
          %get3A_721 = arith.constant 48 : index
          %get3A_722 = tpu.vector_load %arg15[%get3A_720, %get3A_721] {strides = array<i32>} : memref<200x64xf32, #tpu.memory_space<vmem>>, vector<1x16xf32>,
          %get3A_723 = vector.shape_cast %get3A_722 : vector<1x16xf32> to vector<16xf32>
          %mul3A_724 = arith.constant 64 : i32
          %mul3A_725 = arith.muli %add3A_668, %mul3A_724 : i32
          %add3A_726 = arith.constant 48 : i32
          %add3A_727 = arith.addi %mul3A_725, %add3A_726 : i32
          %get3A_728 = arith.index_cast %add3A_727 : i32 to index
          %get3A_729 = tpu.vector_load %arg12[%get3A_728] {strides = array<i32>} : memref<12800xf32, #tpu.memory_space<vmem>>, vector<16xf32>,
          %get3A_730 = vector.shape_cast %get3A_729 : vector<16xf32> to vector<16xf32>
          %add3A_731 = arith.addf %get3A_723, %get3A_730 : vector<16xf32>
          %swap3A_732 = arith.index_cast %add3A_668 : i32 to index
          %swap3A_733 = arith.constant 48 : index
          %swap3A_734 = tpu.vector_load %arg15[%swap3A_732, %swap3A_733] {strides = array<i32>} : memref<200x64xf32, #tpu.memory_space<vmem>>, vector<1x16xf32>,
          %swap3A_735 = vector.shape_cast %swap3A_734 : vector<1x16xf32> to vector<16xf32>
          %swap3A_736 = vector.shape_cast %add3A_731 : vector<16xf32> to vector<1x16xf32>
          tpu.vector_store %arg15[%swap3A_732, %swap3A_733], %swap3A_736 {strides = array<i32>} : memref<200x64xf32, #tpu.memory_space<vmem>>, vector<1x16xf32>,
          %mul3A_737 = arith.constant 8 : i32
          %mul3A_738 = arith.muli %scan3A_230, %mul3A_737 : i32
          %add3A_739 = arith.constant 7 : i32
          %add3A_740 = arith.addi %mul3A_738, %add3A_739 : i32
          %get3A_741 = arith.index_cast %add3A_740 : i32 to index
          %get3A_742 = arith.constant 0 : index
          %get3A_743 = tpu.vector_load %arg15[%get3A_741, %get3A_742] {strides = array<i32>} : memref<200x64xf32, #tpu.memory_space<vmem>>, vector<1x16xf32>,
          %get3A_744 = vector.shape_cast %get3A_743 : vector<1x16xf32> to vector<16xf32>
          %mul3A_745 = arith.constant 64 : i32
          %mul3A_746 = arith.muli %add3A_740, %mul3A_745 : i32
          %add3A_747 = arith.constant 0 : i32
          %add3A_748 = arith.addi %mul3A_746, %add3A_747 : i32
          %get3A_749 = arith.index_cast %add3A_748 : i32 to index
          %get3A_750 = tpu.vector_load %arg12[%get3A_749] {strides = array<i32>} : memref<12800xf32, #tpu.memory_space<vmem>>, vector<16xf32>,
          %get3A_751 = vector.shape_cast %get3A_750 : vector<16xf32> to vector<16xf32>
          %add3A_752 = arith.addf %get3A_744, %get3A_751 : vector<16xf32>
          %swap3A_753 = arith.index_cast %add3A_740 : i32 to index
          %swap3A_754 = arith.constant 0 : index
          %swap3A_755 = tpu.vector_load %arg15[%swap3A_753, %swap3A_754] {strides = array<i32>} : memref<200x64xf32, #tpu.memory_space<vmem>>, vector<1x16xf32>,
          %swap3A_756 = vector.shape_cast %swap3A_755 : vector<1x16xf32> to vector<16xf32>
          %swap3A_757 = vector.shape_cast %add3A_752 : vector<16xf32> to vector<1x16xf32>
          tpu.vector_store %arg15[%swap3A_753, %swap3A_754], %swap3A_757 {strides = array<i32>} : memref<200x64xf32, #tpu.memory_space<vmem>>, vector<1x16xf32>,
          %get3A_758 = arith.index_cast %add3A_740 : i32 to index
          %get3A_759 = arith.constant 16 : index
          %get3A_760 = tpu.vector_load %arg15[%get3A_758, %get3A_759] {strides = array<i32>} : memref<200x64xf32, #tpu.memory_space<vmem>>, vector<1x16xf32>,
          %get3A_761 = vector.shape_cast %get3A_760 : vector<1x16xf32> to vector<16xf32>
          %mul3A_762 = arith.constant 64 : i32
          %mul3A_763 = arith.muli %add3A_740, %mul3A_762 : i32
          %add3A_764 = arith.constant 16 : i32
          %add3A_765 = arith.addi %mul3A_763, %add3A_764 : i32
          %get3A_766 = arith.index_cast %add3A_765 : i32 to index
          %get3A_767 = tpu.vector_load %arg12[%get3A_766] {strides = array<i32>} : memref<12800xf32, #tpu.memory_space<vmem>>, vector<16xf32>,
          %get3A_768 = vector.shape_cast %get3A_767 : vector<16xf32> to vector<16xf32>
          %add3A_769 = arith.addf %get3A_761, %get3A_768 : vector<16xf32>
          %swap3A_770 = arith.index_cast %add3A_740 : i32 to index
          %swap3A_771 = arith.constant 16 : index
          %swap3A_772 = tpu.vector_load %arg15[%swap3A_770, %swap3A_771] {strides = array<i32>} : memref<200x64xf32, #tpu.memory_space<vmem>>, vector<1x16xf32>,
          %swap3A_773 = vector.shape_cast %swap3A_772 : vector<1x16xf32> to vector<16xf32>
          %swap3A_774 = vector.shape_cast %add3A_769 : vector<16xf32> to vector<1x16xf32>
          tpu.vector_store %arg15[%swap3A_770, %swap3A_771], %swap3A_774 {strides = array<i32>} : memref<200x64xf32, #tpu.memory_space<vmem>>, vector<1x16xf32>,
          %get3A_775 = arith.index_cast %add3A_740 : i32 to index
          %get3A_776 = arith.constant 32 : index
          %get3A_777 = tpu.vector_load %arg15[%get3A_775, %get3A_776] {strides = array<i32>} : memref<200x64xf32, #tpu.memory_space<vmem>>, vector<1x16xf32>,
          %get3A_778 = vector.shape_cast %get3A_777 : vector<1x16xf32> to vector<16xf32>
          %mul3A_779 = arith.constant 64 : i32
          %mul3A_780 = arith.muli %add3A_740, %mul3A_779 : i32
          %add3A_781 = arith.constant 32 : i32
          %add3A_782 = arith.addi %mul3A_780, %add3A_781 : i32
          %get3A_783 = arith.index_cast %add3A_782 : i32 to index
          %get3A_784 = tpu.vector_load %arg12[%get3A_783] {strides = array<i32>} : memref<12800xf32, #tpu.memory_space<vmem>>, vector<16xf32>,
          %get3A_785 = vector.shape_cast %get3A_784 : vector<16xf32> to vector<16xf32>
          %add3A_786 = arith.addf %get3A_778, %get3A_785 : vector<16xf32>
          %swap3A_787 = arith.index_cast %add3A_740 : i32 to index
          %swap3A_788 = arith.constant 32 : index
          %swap3A_789 = tpu.vector_load %arg15[%swap3A_787, %swap3A_788] {strides = array<i32>} : memref<200x64xf32, #tpu.memory_space<vmem>>, vector<1x16xf32>,
          %swap3A_790 = vector.shape_cast %swap3A_789 : vector<1x16xf32> to vector<16xf32>
          %swap3A_791 = vector.shape_cast %add3A_786 : vector<16xf32> to vector<1x16xf32>
          tpu.vector_store %arg15[%swap3A_787, %swap3A_788], %swap3A_791 {strides = array<i32>} : memref<200x64xf32, #tpu.memory_space<vmem>>, vector<1x16xf32>,
          %get3A_792 = arith.index_cast %add3A_740 : i32 to index
          %get3A_793 = arith.constant 48 : index
          %get3A_794 = tpu.vector_load %arg15[%get3A_792, %get3A_793] {strides = array<i32>} : memref<200x64xf32, #tpu.memory_space<vmem>>, vector<1x16xf32>,
          %get3A_795 = vector.shape_cast %get3A_794 : vector<1x16xf32> to vector<16xf32>
          %mul3A_796 = arith.constant 64 : i32
          %mul3A_797 = arith.muli %add3A_740, %mul3A_796 : i32
          %add3A_798 = arith.constant 48 : i32
          %add3A_799 = arith.addi %mul3A_797, %add3A_798 : i32
          %get3A_800 = arith.index_cast %add3A_799 : i32 to index
          %get3A_801 = tpu.vector_load %arg12[%get3A_800] {strides = array<i32>} : memref<12800xf32, #tpu.memory_space<vmem>>, vector<16xf32>,
          %get3A_802 = vector.shape_cast %get3A_801 : vector<16xf32> to vector<16xf32>
          %add3A_803 = arith.addf %get3A_795, %get3A_802 : vector<16xf32>
          %swap3A_804 = arith.index_cast %add3A_740 : i32 to index
          %swap3A_805 = arith.constant 48 : index
          %swap3A_806 = tpu.vector_load %arg15[%swap3A_804, %swap3A_805] {strides = array<i32>} : memref<200x64xf32, #tpu.memory_space<vmem>>, vector<1x16xf32>,
          %swap3A_807 = vector.shape_cast %swap3A_806 : vector<1x16xf32> to vector<16xf32>
          %swap3A_808 = vector.shape_cast %add3A_803 : vector<16xf32> to vector<1x16xf32>
          tpu.vector_store %arg15[%swap3A_804, %swap3A_805], %swap3A_808 {strides = array<i32>} : memref<200x64xf32, #tpu.memory_space<vmem>>, vector<1x16xf32>,
        }
        %scan3A_220 = arith.constant 25 : i32
        %add3A_221 = arith.addi %mul3A_2, %add3A_196 : i32
        %dma_start3A_222 = arith.constant 0 : i32
        %dma_start3A_223 = arith.constant 0 : i32
        %dma_start3A_224 = tpu.memref_slice %arg5[%add3A_221, %dma_start3A_222, %dma_start3A_223] : memref<1024x200x64xf32, #tpu.memory_space<hbm>> -> memref<1x200x64xf32, #tpu.memory_space<hbm>>
        %dma_start3A_225 = tpu.memref_squeeze %dma_start3A_224 : memref<1x200x64xf32, #tpu.memory_space<hbm>> -> memref<200x64xf32, #tpu.memory_space<hbm>>
        %dma_start3A_226 = arith.constant 0 : i32
        %dma_start3A_227 = arith.constant 0 : i32
        %dma_start3A_228 = tpu.memref_slice %arg5[%add3A_221, %dma_start3A_226, %dma_start3A_227] : memref<1024x200x64xf32, #tpu.memory_space<hbm>> -> memref<1x200x64xf32, #tpu.memory_space<hbm>>
        %dma_start3A_229 = tpu.memref_squeeze %dma_start3A_228 : memref<1x200x64xf32, #tpu.memory_space<hbm>> -> memref<200x64xf32, #tpu.memory_space<hbm>>
        tpu.enqueue_dma source(%arg15 : memref<200x64xf32, #tpu.memory_space<vmem>>) target(%dma_start3A_229 : memref<200x64xf32, #tpu.memory_space<hbm>>) target_semaphore(%arg18 : memref<!tpu.dma_semaphore, #tpu.memory_space<semaphore_mem>>)
      } else {
      }
    }
    %scan3A_136 = arith.constant 11 : i32
    %dma_wait3A = arith.constant 0 : i32
    %dma_wait3A_137 = arith.constant 0 : i32
    %dma_wait3A_138 = arith.constant 0 : i32
    %dma_wait3A_139 = tpu.memref_slice %arg5[%dma_wait3A, %dma_wait3A_137, %dma_wait3A_138] : memref<1024x200x64xf32, #tpu.memory_space<hbm>> -> memref<1x200x64xf32, #tpu.memory_space<hbm>>
    %dma_wait3A_140 = tpu.memref_squeeze %dma_wait3A_139 : memref<1x200x64xf32, #tpu.memory_space<hbm>> -> memref<200x64xf32, #tpu.memory_space<hbm>>
    %dma_wait3A_141 = arith.constant 0 : i32
    %dma_wait3A_142 = arith.constant 0 : i32
    %dma_wait3A_143 = tpu.memref_slice %arg5[%dma_wait3A, %dma_wait3A_141, %dma_wait3A_142] : memref<1024x200x64xf32, #tpu.memory_space<hbm>> -> memref<1x200x64xf32, #tpu.memory_space<hbm>>
    %dma_wait3A_144 = tpu.memref_squeeze %dma_wait3A_143 : memref<1x200x64xf32, #tpu.memory_space<hbm>> -> memref<200x64xf32, #tpu.memory_space<hbm>>
    tpu.wait_dma2 semaphore(%arg16 : memref<!tpu.dma_semaphore, #tpu.memory_space<semaphore_mem>>) src(%arg13 : memref<200x64xf32, #tpu.memory_space<vmem>>) dst(%dma_wait3A_144 : memref<200x64xf32, #tpu.memory_space<hbm>>)
    %dma_wait3A_145 = arith.constant 0 : i32
    %dma_wait3A_146 = arith.constant 0 : i32
    %dma_wait3A_147 = arith.constant 0 : i32
    %dma_wait3A_148 = tpu.memref_slice %arg5[%dma_wait3A_145, %dma_wait3A_146, %dma_wait3A_147] : memref<1024x200x64xf32, #tpu.memory_space<hbm>> -> memref<1x200x64xf32, #tpu.memory_space<hbm>>
    %dma_wait3A_149 = tpu.memref_squeeze %dma_wait3A_148 : memref<1x200x64xf32, #tpu.memory_space<hbm>> -> memref<200x64xf32, #tpu.memory_space<hbm>>
    %dma_wait3A_150 = arith.constant 0 : i32
    %dma_wait3A_151 = arith.constant 0 : i32
    %dma_wait3A_152 = tpu.memref_slice %arg5[%dma_wait3A_145, %dma_wait3A_150, %dma_wait3A_151] : memref<1024x200x64xf32, #tpu.memory_space<hbm>> -> memref<1x200x64xf32, #tpu.memory_space<hbm>>
    %dma_wait3A_153 = tpu.memref_squeeze %dma_wait3A_152 : memref<1x200x64xf32, #tpu.memory_space<hbm>> -> memref<200x64xf32, #tpu.memory_space<hbm>>
    tpu.wait_dma2 semaphore(%arg17 : memref<!tpu.dma_semaphore, #tpu.memory_space<semaphore_mem>>) src(%arg14 : memref<200x64xf32, #tpu.memory_space<vmem>>) dst(%dma_wait3A_153 : memref<200x64xf32, #tpu.memory_space<hbm>>)
    %dma_wait3A_154 = arith.constant 0 : i32
    %dma_wait3A_155 = arith.constant 0 : i32
    %dma_wait3A_156 = arith.constant 0 : i32
    %dma_wait3A_157 = tpu.memref_slice %arg5[%dma_wait3A_154, %dma_wait3A_155, %dma_wait3A_156] : memref<1024x200x64xf32, #tpu.memory_space<hbm>> -> memref<1x200x64xf32, #tpu.memory_space<hbm>>
    %dma_wait3A_158 = tpu.memref_squeeze %dma_wait3A_157 : memref<1x200x64xf32, #tpu.memory_space<hbm>> -> memref<200x64xf32, #tpu.memory_space<hbm>>
    %dma_wait3A_159 = arith.constant 0 : i32
    %dma_wait3A_160 = arith.constant 0 : i32
    %dma_wait3A_161 = tpu.memref_slice %arg5[%dma_wait3A_154, %dma_wait3A_159, %dma_wait3A_160] : memref<1024x200x64xf32, #tpu.memory_space<hbm>> -> memref<1x200x64xf32, #tpu.memory_space<hbm>>
    %dma_wait3A_162 = tpu.memref_squeeze %dma_wait3A_161 : memref<1x200x64xf32, #tpu.memory_space<hbm>> -> memref<200x64xf32, #tpu.memory_space<hbm>>
    tpu.wait_dma2 semaphore(%arg18 : memref<!tpu.dma_semaphore, #tpu.memory_space<semaphore_mem>>) src(%arg15 : memref<200x64xf32, #tpu.memory_space<vmem>>) dst(%dma_wait3A_162 : memref<200x64xf32, #tpu.memory_space<hbm>>)
    return
  }
}

</mosaic_0001>

<sc_bundles>
// kernel: _embed.3.cloned.1.call-start
scs
__scs_entry_jumppad:
0x0: {  	(pc) =	sbr.rel $0x88, $3  }
0x1: {  	(tag) =	ssettag $0x0;
	lr =	simm.s32 $0x1  }
0x2: {  	[smem:$0x3F9E] =	sst lr;
	_ =	strace $0xD0000000  }
0x3: {  	_ = 	snop  }
0x4: {  	_ = 	snop  }
0x5: {  	_ = 	snop  }
0x6: {  	_ = 	snop  }
0x7: {  	_ = 	snop  }
__scs_overlays_trampoline_lowered:
0x8: {  	[smem:$0x3FAD] =	sst s0  }
0x9: {  	[smem:$0x3FAE] =	sst s1  }
0xa: {  	[smem:$0x3FAF] =	sst s2  }
0xb: {  	[smem:$0x3FB0] =	sst s3  }
0xc: {  	[smem:$0x3FB1] =	sst s4  }
0xd: {  	[smem:$0x3FB2] =	sst s5  }
0xe: {  	[smem:$0x3FB3] =	sst s6  }
0xf: {  	[smem:$0x3FB4] =	sst s7  }
0x10: {  	[smem:$0x3FB5] =	sst s8  }
0x11: {  	[smem:$0x3FB6] =	sst s9;
	s0 =	simm.s32 @!p0 $0x0  }
0x12: {  	s1 =	sld [smem:$0x3F9C];
	s0 =	simm.s32 @p0 $0x1  }
0x13: {  	[smem:$0x3FB7] =	sst s0;
	s0 =	simm.s32 @!p1 $0x0  }
0x14: {  	s2 =	sld [smem:$0x3F9B];
	s0 =	simm.s32 @p1 $0x1  }
0x15: {  	[smem:$0x3FB8] =	sst s0;
	s0 =	simm.s32 @!p2 $0x0  }
0x16: {  	s3 =	sld [smem:$0x3FDB];
	s0 =	simm.s32 @p2 $0x1  }
0x17: {  	s4 =	simm.s32 $0x1BF5;
	[smem:$0x3FBA] =	sst s0  }
0x18: {  	s0 =	sld [smem:$0x3F9D];
	_ =	swait.ge [sflag:s4], $0x0  }
0x19: {  	s7 =	sld [smem:$0x3F9E]  }
0x1a: {  	s8 =	sadd.s32 $0xFFFFE003, lr  }
0x1b: {  	s9 =	sadd.s32 $0xFFFFFEF7, lr;
	s5 =	simm.s32 $0xFFFFFFFF;
	p2 =	slt.u32 s8, $0xFFFFF086  }
0x1c: {  	p1 =	slt.u32 s9, $0xF7A;
	s5 =	simm.s32 @!p2 $0x0  }
0x1d: {  	s5 =	simm.s32 @p1 $0x1;
	p0 =	seq.s32 s7, s2  }
0x1e: {  	s7 =	smul.u32 @!p0 $0xF7A, s2;
	p2 =	seq.s32 @!p0 s5, $0x0  }
0x1f: {  	s9 =	smul.u32 $0xF7A, s1;
	s8 =	simm.s32 @!p0 $0x1BF5;
	p2 =	por !p2, p0  }
0x20: {  	[sflag:s8] =	ssyncset.s32 @!p0 $0xFFFFF086;
	s6 =	sadd.s32 @!p0 s3, s7;
	s7 =	simm.s32 @!p0 $0x108  }
0x21: {  	s3 =	sadd.s32 s3, s9;
	s6 =	sadd.s32 @!p0 $0x88, s6;
	s7 =	simm.s32 @p2 $0x1082  }
0x22: {  	[simem:s7], [sflag:s8] =	dma.local @!p0 [hbm:s6], $0xF7A  }
0x23: {  	s9 =	sor.u32 $0xD0000000, s2;
	s6 =	simm.s32 $0x108;
	_ =	swait.ge @!p0 [sflag:s8], $0x0  }
0x24: {  	s3 =	sadd.s32 $0x88, s3;
	s6 =	simm.s32 @!p1 $0x1082;
	[sflag:s4] =	ssyncset.s32 $0xFFFFF086  }
0x25: {  	[simem:s6], [sflag:s4] =	dma.local [hbm:s3], $0xF7A  }
0x26: {  	[smem:$0x3F9E] =	sst s1;
	(tag) =	ssettag s2;
	_ =	strace s9  }
0x27: {  	s1 =	sld [smem:$0x3FAE]  }
0x28: {  	s2 =	sld [smem:$0x3FAF]  }
0x29: {  	s4 =	sld [smem:$0x3FB1]  }
0x2a: {  	p0 =	seq.s32 s5, $0x0;
	s5 =	sld [smem:$0x3FB2]  }
0x2b: {  	s6 =	sld [smem:$0x3FB3]  }
0x2c: {  	s7 =	sld [smem:$0x3FB4]  }
0x2d: {  	s3 =	simm.s32 $0x108;
	s8 =	sld [smem:$0x3FB5]  }
0x2e: {  	s3 =	simm.s32 @!p0 $0x1082;
	s9 =	sld [smem:$0x3FB6]  }
0x2f: {  	lr =	sadd.s32 s0, s3;
	s0 =	sld [smem:$0x3FAD]  }
0x30: {  	s3 =	sld [smem:$0x3FB0]  }
0x31: {  	[smem:$0x3FB9] =	sst s10  }
0x32: {  	s10 =	sld [smem:$0x3FB7];
	_ =	sdelay $0x3  }
0x33: {  	p0 =	seq.s32 s10, $0x1;
	s10 =	sld [smem:$0x3FB9];
	_ =	sdelay $0x3  }
0x34: {  	[smem:$0x3FB9] =	sst s10  }
0x35: {  	s10 =	sld [smem:$0x3FB8];
	_ =	sdelay $0x3  }
0x36: {  	p1 =	seq.s32 s10, $0x1;
	s10 =	sld [smem:$0x3FB9];
	_ =	sdelay $0x3  }
0x37: {  	[smem:$0x3FB9] =	sst s10  }
0x38: {  	s10 =	sld [smem:$0x3FBA]  }
0x39: {  	_ = 	snop;
	(pc) =	sbr.ind lr, $3  }
0x3a: {  	_ = 	snop  }
0x3b: {  	_ = 	snop  }
0x3c: {  	p2 =	seq.s32 s10, $0x1;
	s10 =	sld [smem:$0x3FB9]  }
0x3d: {  	_ =	shalt  }
0x3e: {  	_ =	shalt  }
0x3f: {  	_ =	shalt  }
0x40: {  	_ =	shalt  }
0x41: {  	_ =	shalt  }
0x42: {  	_ =	shalt  }
0x43: {  	_ =	shalt  }
0x44: {  	_ =	shalt  }
0x45: {  	_ =	shalt  }
0x46: {  	_ =	shalt  }
0x47: {  	_ =	shalt  }
0x48: {  	_ =	shalt  }
0x49: {  	_ =	shalt  }
0x4a: {  	_ =	shalt  }
0x4b: {  	_ =	shalt  }
0x4c: {  	_ =	shalt  }
0x4d: {  	_ =	shalt  }
0x4e: {  	_ =	shalt  }
0x4f: {  	_ =	shalt  }
0x50: {  	_ =	shalt  }
0x51: {  	_ =	shalt  }
0x52: {  	_ =	shalt  }
0x53: {  	_ =	shalt  }
0x54: {  	_ =	shalt  }
0x55: {  	_ =	shalt  }
0x56: {  	_ =	shalt  }
0x57: {  	_ =	shalt  }
0x58: {  	_ =	shalt  }
0x59: {  	_ =	shalt  }
0x5a: {  	_ =	shalt  }
0x5b: {  	_ =	shalt  }
0x5c: {  	_ =	shalt  }
0x5d: {  	_ =	shalt  }
0x5e: {  	_ =	shalt  }
0x5f: {  	_ =	shalt  }
0x60: {  	_ =	shalt  }
0x61: {  	_ =	shalt  }
0x62: {  	_ =	shalt  }
0x63: {  	_ =	shalt  }
0x64: {  	_ =	shalt  }
0x65: {  	_ =	shalt  }
0x66: {  	_ =	shalt  }
0x67: {  	_ =	shalt  }
0x68: {  	_ =	shalt  }
0x69: {  	_ =	shalt  }
0x6a: {  	_ =	shalt  }
0x6b: {  	_ =	shalt  }
0x6c: {  	_ =	shalt  }
0x6d: {  	_ =	shalt  }
0x6e: {  	_ =	shalt  }
0x6f: {  	_ =	shalt  }
0x70: {  	_ =	shalt  }
0x71: {  	_ =	shalt  }
0x72: {  	_ =	shalt  }
0x73: {  	_ =	shalt  }
0x74: {  	_ =	shalt  }
0x75: {  	_ =	shalt  }
0x76: {  	_ =	shalt  }
0x77: {  	_ =	shalt  }
0x78: {  	_ =	shalt  }
0x79: {  	_ =	shalt  }
0x7a: {  	_ =	shalt  }
0x7b: {  	_ =	shalt  }
0x7c: {  	_ =	shalt  }
0x7d: {  	_ =	shalt  }
0x7e: {  	_ =	shalt  }
0x7f: {  	_ =	shalt  }
0x80: {  	_ =	shalt  }
0x81: {  	_ =	shalt  }
0x82: {  	_ =	shalt  }
0x83: {  	_ =	shalt  }
0x84: {  	_ =	shalt  }
0x85: {  	_ =	shalt  }
0x86: {  	_ =	shalt  }
0x87: {  	_ =	shalt  }
.Lfunc_end0:
.L_simem_size_0:
called_computation_lowered:
.L_overlay_start_0:
0x88: {  	s2 =	sld [smem:$0x3FD9]  }
0x89: {  	s3 =	sld [smem:$0x3FFE];
	_ =	sdelay $0x1  }
0x8a: {  	s1 =	srdreg.scid  }
0x8b: {  	s0 =	sand.u32 $0x1, s1  }
0x8c: {  	s17 =	sshll.u32 s0, $0xA;
	s2 =	sadd.s32 s3, s2  }
0x8d: {  	s2 =	sadd.s32 s2, s17  }
0x8e: {  	[smem:$0x3FC5] =	sst s2  }
0x8f: {  	_ = 	snop  }
0x90: {  	s2 =	sld [smem:$0x3FC9]  }
0x91: {  	s18 =	sld [smem:$0x3FC7];
	(tm) =	ssettm $0x1  }
0x92: {  	s4 =	sld [smem:$0x3FFB];
	_ =	sdelay $0x3  }
0x93: {  	_ =	strace s4  }
0x94: {  	s4 =	sld [smem:$0x3FFC];
	_ =	sdelay $0x3  }
0x95: {  	_ =	strace s4  }
0x96: {  	s4 =	sld [smem:$0x3FFD];
	_ =	sdelay $0x3  }
0x97: {  	_ =	strace s4  }
0x98: {  	_ =	strace $0x8FFFFFFF  }
0x99: {  	s19 =	sld [smem:$0x3FDB];
	_ =	sdelay $0x1  }
0x9a: {  	s5 =	simm.s32 $_scs_section_size  }
0x9b: {  	s6 =	simm.s32 $_size__tile_overlayer_lowered;
	s7 =	simm.s32 $_tile_overlayer_lowered  }
0x9c: {  	s22 =	simm.s32 $0x1BFF;
	s21 =	sshll.u32 s7, $0x1;
	s4 =	sadd.s32 s5, s19  }
0x9d: {  	s8 =	simm.s32 $0x0;
	s20 =	sshll.u32 s6, $0x1;
	s6 =	sadd.s32 s21, s4  }
0x9e: {  	[timem:s8], [sflag:s22] =	dma.local [hbm:s6], s20  }
0x9f: {  	_ =	swait.ge [sflag:s22], s20  }
0xa0: {  	s5 =	ssub.s32 $0x0, s20;
	[sflag:s22] =	ssyncset.done $0x0  }
0xa1: {  	[sflag:s22] =	ssyncadd.s32 s5;
	_ =	sdelay $0x1  }
0xa2: {  	s23 =	simm.s32 $0x1B8B  }
0xa3: {  	_ =	swait.ge [sflag:s23], $0x1  }
0xa4: {  	[sflag:s23] =	ssyncset.done $0x0  }
0xa5: {  	s25 =	simm.s32 $0x1B8E;
	s24 =	sld [smem:$0x3FFE];
	[sflag:s23] =	ssyncadd.s32 $0xFFFFFFFF  }
0xa6: {  	s26 =	simm.s32 $execute0_lowered;
	[smem:$0x3FD2] =	sst s25  }
0xa7: {  	s6 =	sshll.u32 s26, $0x1;
	_ =	strace $0x80000046;
	[dreg:$0x1] =	wrdreg $0xFFFFFFFF  }
0xa8: {  	s28 =	simm.s32 $_size_execute0_lowered;
	s4 =	sadd.s32 s4, s6;
	[dreg:$0x0] =	wrdreg $0x0  }
0xa9: {  	s6 =	sshll.u32 s28, $0x1;
	[dreg:$0x2] =	wrdreg s4  }
0xaa: {  	[dreg:$0x3] =	wrdreg s6  }
0xab: {  	[dreg:$0x4] =	wrdreg $0xC0  }
0xac: {  	_ =	task [dreg:s8], $0x5FFFF  }
0xad: {  	[dreg:$0x1] =	wrdreg $0xFFFFFFFF  }
0xae: {  	[dreg:$0x0] =	wrdreg $0x60  }
0xaf: {  	[dreg:$0x2] =	wrdreg s2  }
0xb0: {  	[dreg:$0x3] =	wrdreg s24  }
0xb1: {  	[dreg:$0x4] =	wrdreg s18  }
0xb2: {  	[dreg:$0x5] =	wrdreg $0x9  }
0xb3: {  	_ =	task.clear_ibuf [dreg:s8], $0x6FFFF;
	_ =	strace $0x90000046  }
0xb4: {  	s29 =	simm.s32 $0x9;
	_ =	strace $0x80000048  }
0xb5: {  	_ =	swait.ge [sflag:s29], $0x1  }
0xb6: {  	[sflag:s29] =	ssyncadd.s32 $0xFFFFFFFF  }
0xb7: {  	_ =	strace $0x90000048  }
0xb8: {  	_ =	sfence  }
0xb9: {  	s30 =	sld [smem:$0x0];
	_ =	sdelay $0x2  }
0xba: {  	s31 =	sshll.u32 s1, $0xD;
	s1 =	sshrl.u32 s1, $0x2  }
0xbb: {  	s3 =	sand.u32 $0x4000, s31;
	s1 =	sadd.s32 s1, s30  }
0xbc: {  	s0 =	sor.u32 s3, s0;
	s1 =	sshll.u32 s1, $0x11  }
0xbd: {  	s0 =	sor.u32 s1, s0  }
0xbe: {  	s0 =	sadd.s32 $0x8F2B, s0  }
0xbf: {  	[sflag:s0] =	ssyncadd.remote.s32 $0x1  }
0xc0: {  	_ =	sfence.sel $0xFFFF  }
0xc1: {  	[dreg:$0x0] =	wrdreg $0xFFFFFFFF;
	(pc) =	sbr.abs _section_cstart, $3  }
0xc2: {  	[dreg:$0x1] =	wrdreg $0xFFFFFFFF  }
0xc3: {  	_ =	task.clear_ibuf [dreg:s8], $0x2FFFF;
	_ =	strace $0x9FFFFFFF  }
0xc4: {  	(tm) =	ssettm $0x7FFFFFFF  }
0xc5: {  	_ =	shalt  }
tec
execute0_lowered:
.L_overlay_start_1:
0x0: {  	(tag) =	ssettag $0x1  }
0x1: {  	s1 =	rddreg [dreg:$0x0]  }
0x2: {  	s0 =	rddreg [dreg:$0x1]  }
0x3: {  	s2 =	srdreg.scid;
	s3 =	stileid.u32  }
0x4: {  	s4 =	simm.s32 $0x0;
	s13 =	simm.s32 $0x7;
	s23 =	simm.s32 $0x1  }
0x5: {  	s25 =	simm.s32 $0x2;
	s2 =	sand.u32 $0x1, s2;
	s3 =	sshll.u32 s3, $0x1  }
0x6: {  	s28 =	simm.s32 $0x4;
	[smem:$0x7FF] =	sst s4;
	s3 =	sor.u32 s2, s3  }
0x7: {  	s5 =	sadd.s32 $0x400, s0;
	s6 =	sadd.s32 $0xF42800, s0;
	s8 =	smul.u32 $0x320, s3  }
.Ltmp0:
0x8: {  	s2 =	ssub.s32 $0x2, s2;
	s7 =	sshll.u32 s3, $0x5;
	(pc) =	sbr.rel .LBB2_1-.Ltmp0, $4  }
0x9: {  	_ =	strace $0x80000047;
	s26 =	sshrl.u32 s2, $0x1;
	s30 =	sor.u32 $0x3, s7  }
0xa: {  	s0 =	ssub.s32 s2, s26;
	s29 =	sadd.s32 s1, s8;
	[dreg:$0x5] =	wrdreg s30  }
0xb: {  	s31 =	simm.s32 $0x3;
	s0 =	smax.u32 s0, $0x1;
	[dreg:$0x4] =	wrdreg s29  }
0xc: {  	s3 =	simm.s32 $0x0;
	s9 =	sor.u32 $0x1, s7;
	[dreg:$0x6] =	wrdreg s0  }
.LBB2_12:
0xd: {  	_ =	swait.ge [sflag:s28], $0x6400  }
0xe: {  	[sflag:s28] =	ssyncset.done $0x0  }
0xf: {  	s0 =	simm.s32 $0x5;
	[sflag:s28] =	ssyncadd.s32 $0xFFFF9C00  }
0x10: {  	_ =	swait.ge [sflag:s0], $0x6400  }
0x11: {  	[sflag:s0] =	ssyncset.done $0x0  }
0x12: {  	s2 =	simm.s32 $0x6;
	[sflag:s0] =	ssyncadd.s32 $0xFFFF9C00  }
0x13: {  	_ =	swait.ge [sflag:s2], $0x6400  }
0x14: {  	s3 =	rddreg [dreg:$0x7]  }
0x15: {  	s30 =	rddreg [dreg:$0x6];
	s3 =	sadd.s32 $0x1, s3  }
0x16: {  	p0 =	sne.s32 s3, s30  }
.Ltmp1:
0x17: {  	_ = 	snop;
	(pc) =	sbr.rel @!p0 .LBB2_13-.Ltmp1, $3  }
0x18: {  	_ =	sdelay $0x1  }
0x19: {  	[sflag:s2] =	ssyncset.done $0x0  }
0x1a: {  	[sflag:s2] =	ssyncadd.s32 $0xFFFF9C00  }
.LBB2_1:
0x1b: {  	[dreg:$0x7] =	wrdreg s3  }
0x1c: {  	s0 =	rddreg [dreg:$0x2];
	s2 =	simm.s32 $0x300  }
0x1d: {  	[tilespmem:s2], [sflag:$0x7] =	stream.linear.gather [hbm4b:s0+s4], $0x3200, $0x38;
	[tilespmem:$0x16100] =	vst v63  }
0x1e: {  	_ =	swait.ge [sflag:s13], $0x3200  }
0x1f: {  	[sflag:s13] =	ssyncset.done $0x0  }
0x20: {  	s30 =	rddreg [dreg:$0x4];
	[sflag:s13] =	ssyncadd.s32 $0xFFFFCE00  }
0x21: {  	[tilespmem:s4], [sflag:$0x7] =	stream.linear.gather [hbm4b:s30+s4], $0xC8, $0x38;
	[tilespmem:$0x16100] =	vst v63  }
0x22: {  	_ =	swait.ge [sflag:s13], $0xC8  }
0x23: {  	[sflag:s13] =	ssyncset.done $0x0  }
0x24: {  	[sflag:s13] =	ssyncadd.s32 $0xFFFFFF38  }
0x25: {  	v0 =	vld [tilespmem:s4+$0x0];
	_ =	sdelay $0x4  }
0x26: {  	v0 =	vshll.u32 v0, $0x4  }
0x27: {  	(v2sf) =	vpush v0, $0x0  }
0x28: {  	(v2sf) =	vpush v0, $0x1  }
0x29: {  	(v2sf) =	vpush v0, $0x2;
	_ =	sdelay $0x1  }
0x2a: {  	(v2sf) =	vpush v0, $0x4;
	_ =	sdelay $0x1  }
0x2b: {  	(v2sf) =	vpush v0, $0x3  }
0x2c: {  	(v2sf) =	vpush v0, $0x5  }
0x2d: {  	s12 =	simm.s32 $0x2000;
	s3 =	simm.s32 $0x0;
	s14 =	simm.s32 $0x0;
	(v2sf) =	vpush v0, $0x6  }
.LBB2_2:
0x2e: {  	p0 =	sne.s32 s12, $0x16000  }
0x2f: {  	s29 =	sadd.s32 $0x3580, s3;
	s18 =	sadd.s32 $0x3A80, s3;
	s15 =	smov.u32 s12  }
0x30: {  	s12 =	sadd.s32 $0x2000, s12;
	s20 =	sadd.s32 $0x3880, s3;
	s16 =	sadd.s32 $0x3B00, s3;
	(v2sf) =	vpush v0, $0x7  }
0x31: {  	s11 =	sadd.s32 $0x3780, s3;
	s19 =	sadd.s32 $0x3900, s3;
	s17 =	sadd.s32 $0x3B80, s3  }
0x32: {  	s30 =	sadd.s32 $0x3500, s3;
	s2 =	sadd.s32 $0x3700, s3;
	(v2sf) =	vpush v0, $0x8  }
0x33: {  	s0 =	sadd.s32 $0x3800, s3;
	s14 =	sadd.s32 $0x10, s14  }
0x34: {  	s22 =	sadd.s32 $0x3600, s3;
	s8 =	sadd.s32 $0x3A00, s3;
	s21 =	spop (v2sf);
	(v2sf) =	vpush v0, $0x9  }
0x35: {  	s24 =	sand.u32 $0x1FFFFFF0, s21;
	s21 =	sadd.s32 $0x3980, s3;
	s26 =	spop (v2sf)  }
0x36: {  	s24 =	sadd.s32 s5, s24;
	s26 =	sand.u32 $0x1FFFFFF0, s26;
	s10 =	spop (v2sf);
	(v2sf) =	vpush v0, $0xA  }
0x37: {  	[tilespmem:s30], [sflag:$0x1] =	stream.linear.gather [hbm4b:s24+s4], $0x80, $0x38;
	[tilespmem:$0x16100] =	vst v63  }
0x38: {  	s24 =	sadd.s32 s5, s26;
	s26 =	sadd.s32 $0x3680, s3;
	s30 =	spop (v2sf);
	(v2sf) =	vpush v0, $0xB  }
0x39: {  	[tilespmem:s29], [sflag:$0x1] =	stream.linear.gather [hbm4b:s24+s4], $0x80, $0x38;
	[tilespmem:$0x16100] =	vst v63  }
0x3a: {  	s10 =	sand.u32 $0x1FFFFFF0, s10;
	s24 =	sand.u32 $0x1FFFFFF0, s30;
	s29 =	spop (v2sf);
	(v2sf) =	vpush v0, $0xC  }
0x3b: {  	s10 =	sadd.s32 s5, s10;
	s29 =	sand.u32 $0x1FFFFFF0, s29;
	s30 =	spop (v2sf)  }
0x3c: {  	[tilespmem:s22], [sflag:$0x1] =	stream.linear.gather [hbm4b:s10+s4], $0x80, $0x38;
	(v2sf) =	vpush v0, $0xD;
	[tilespmem:$0x16100] =	vst v63  }
0x3d: {  	s10 =	sadd.s32 s5, s29;
	s22 =	sand.u32 $0x1FFFFFF0, s30;
	s29 =	spop (v2sf)  }
0x3e: {  	[tilespmem:s26], [sflag:$0x1] =	stream.linear.gather [hbm4b:s10+s4], $0x80, $0x38;
	(v2sf) =	vpush v0, $0xE;
	[tilespmem:$0x16100] =	vst v63  }
0x3f: {  	s10 =	sadd.s32 s5, s24;
	s24 =	sand.u32 $0x1FFFFFF0, s29;
	s26 =	spop (v2sf)  }
0x40: {  	[tilespmem:s2], [sflag:$0x1] =	stream.linear.gather [hbm4b:s10+s4], $0x80, $0x38;
	(v2sf) =	vpush v0, $0xF;
	[tilespmem:$0x16100] =	vst v63  }
0x41: {  	s2 =	sadd.s32 s5, s22;
	s10 =	sand.u32 $0x1FFFFFF0, s26;
	s22 =	spop (v2sf)  }
0x42: {  	[tilespmem:s11], [sflag:$0x1] =	stream.linear.gather [hbm4b:s2+s4], $0x80, $0x38;
	[tilespmem:$0x16100] =	vst v63  }
0x43: {  	s2 =	sadd.s32 s5, s24;
	s11 =	sand.u32 $0x1FFFFFF0, s22;
	s22 =	spop (v2sf)  }
0x44: {  	[tilespmem:s0], [sflag:$0x1] =	stream.linear.gather [hbm4b:s2+s4], $0x80, $0x38;
	[tilespmem:$0x16100] =	vst v63  }
0x45: {  	s0 =	sadd.s32 s5, s10;
	s2 =	sand.u32 $0x1FFFFFF0, s22;
	s10 =	spop (v2sf)  }
0x46: {  	[tilespmem:s20], [sflag:$0x1] =	stream.linear.gather [hbm4b:s0+s4], $0x80, $0x38;
	[tilespmem:$0x16100] =	vst v63  }
0x47: {  	s0 =	sadd.s32 s5, s11;
	s10 =	sand.u32 $0x1FFFFFF0, s10;
	s11 =	spop (v2sf)  }
0x48: {  	[tilespmem:s19], [sflag:$0x1] =	stream.linear.gather [hbm4b:s0+s4], $0x80, $0x38;
	[tilespmem:$0x16100] =	vst v63  }
0x49: {  	s0 =	sadd.s32 s5, s2;
	s2 =	sand.u32 $0x1FFFFFF0, s11;
	s11 =	spop (v2sf)  }
0x4a: {  	[tilespmem:s21], [sflag:$0x1] =	stream.linear.gather [hbm4b:s0+s4], $0x80, $0x38;
	[tilespmem:$0x16100] =	vst v63  }
0x4b: {  	s0 =	sadd.s32 s5, s10;
	s10 =	sand.u32 $0x1FFFFFF0, s11;
	s11 =	spop (v2sf)  }
0x4c: {  	[tilespmem:s8], [sflag:$0x1] =	stream.linear.gather [hbm4b:s0+s4], $0x80, $0x38;
	[tilespmem:$0x16100] =	vst v63  }
0x4d: {  	s0 =	sadd.s32 s5, s2;
	s2 =	sand.u32 $0x1FFFFFF0, s11;
	s8 =	spop (v2sf)  }
0x4e: {  	[tilespmem:s18], [sflag:$0x1] =	stream.linear.gather [hbm4b:s0+s4], $0x80, $0x38;
	[tilespmem:$0x16100] =	vst v63  }
0x4f: {  	s0 =	sadd.s32 s5, s10;
	s8 =	sand.u32 $0x1FFFFFF0, s8;
	s10 =	spop (v2sf)  }
0x50: {  	[tilespmem:s16], [sflag:$0x1] =	stream.linear.gather [hbm4b:s0+s4], $0x80, $0x38;
	[tilespmem:$0x16100] =	vst v63  }
0x51: {  	s0 =	sadd.s32 s5, s2;
	s2 =	sand.u32 $0x1FFFFFF0, s10  }
0x52: {  	[tilespmem:s17], [sflag:$0x1] =	stream.linear.gather [hbm4b:s0+s4], $0x80, $0x38;
	[tilespmem:$0x16100] =	vst v63  }
0x53: {  	s8 =	sadd.s32 s5, s8;
	s0 =	sadd.s32 $0x3C00, s3  }
0x54: {  	[tilespmem:s0], [sflag:$0x1] =	stream.linear.gather [hbm4b:s8+s4], $0x80, $0x38;
	[tilespmem:$0x16100] =	vst v63  }
0x55: {  	s2 =	sadd.s32 s5, s2;
	s0 =	sadd.s32 $0x3C80, s3  }
0x56: {  	[tilespmem:s0], [sflag:$0x1] =	stream.linear.gather [hbm4b:s2+s4], $0x80, $0x38;
	[tilespmem:$0x16100] =	vst v63  }
0x57: {  	v0 =	vld [tilespmem:s14+$0x0];
	_ =	sdelay $0x4  }
0x58: {  	v0 =	vshll.u32 v0, $0x4  }
0x59: {  	(v2sf) =	vpush v0, $0x0  }
0x5a: {  	(v2sf) =	vpush v0, $0x1  }
0x5b: {  	(v2sf) =	vpush v0, $0x2;
	_ =	sdelay $0x1  }
0x5c: {  	(v2sf) =	vpush v0, $0x4  }
.Ltmp2:
0x5d: {  	(pc) =	sbr.rel @p0 .LBB2_2-.Ltmp2, $3  }
0x5e: {  	(v2sf) =	vpush v0, $0x3  }
0x5f: {  	(v2sf) =	vpush v0, $0x5;
	_ =	sdelay $0x1  }
0x60: {  	s3 =	sshra.s32 s15, $0x2;
	(v2sf) =	vpush v0, $0x6  }
0x61: {  	_ =	sdelay $0x5  }
0x62: {  	s0 =	spop (v2sf)  }
0x63: {  	s2 =	spop (v2sf)  }
0x64: {  	s17 =	spop (v2sf)  }
0x65: {  	s20 =	spop (v2sf);
	(v2sf) =	vpush v0, $0x7  }
0x66: {  	s0 =	sand.u32 $0x1FFFFFF0, s0  }
0x67: {  	s8 =	sadd.s32 $0x3500, s3;
	s0 =	sadd.s32 s5, s0  }
0x68: {  	[tilespmem:s8], [sflag:$0x1] =	stream.linear.gather [hbm4b:s0+s4], $0x80, $0x38;
	[tilespmem:$0x16100] =	vst v63  }
0x69: {  	s2 =	sand.u32 $0x1FFFFFF0, s2;
	s21 =	spop (v2sf);
	(v2sf) =	vpush v0, $0x8  }
0x6a: {  	s16 =	sadd.s32 $0x3580, s3;
	s2 =	sadd.s32 s5, s2  }
0x6b: {  	[tilespmem:s16], [sflag:$0x1] =	stream.linear.gather [hbm4b:s2+s4], $0x80, $0x38;
	[tilespmem:$0x16100] =	vst v63  }
0x6c: {  	s18 =	sand.u32 $0x1FFFFFF0, s17;
	s29 =	spop (v2sf);
	(v2sf) =	vpush v0, $0x9  }
0x6d: {  	s19 =	sadd.s32 $0x3600, s3;
	s0 =	sadd.s32 s5, s18  }
0x6e: {  	[tilespmem:s19], [sflag:$0x1] =	stream.linear.gather [hbm4b:s0+s4], $0x80, $0x38;
	[tilespmem:$0x16100] =	vst v63  }
0x6f: {  	s0 =	sand.u32 $0x1FFFFFF0, s21;
	s2 =	spop (v2sf);
	(v2sf) =	vpush v0, $0xA  }
0x70: {  	s22 =	sadd.s32 $0x3680, s3;
	s24 =	sand.u32 $0x1FFFFFF0, s20;
	s0 =	sadd.s32 s5, s0  }
0x71: {  	[tilespmem:s22], [sflag:$0x1] =	stream.linear.gather [hbm4b:s0+s4], $0x80, $0x38;
	[tilespmem:$0x16100] =	vst v63  }
0x72: {  	s26 =	sadd.s32 $0x3700, s3;
	s0 =	sadd.s32 s5, s24  }
0x73: {  	[tilespmem:s26], [sflag:$0x1] =	stream.linear.gather [hbm4b:s0+s4], $0x80, $0x38;
	[tilespmem:$0x16100] =	vst v63  }
0x74: {  	s0 =	sand.u32 $0x1FFFFFF0, s29;
	s10 =	spop (v2sf);
	(v2sf) =	vpush v0, $0xB  }
0x75: {  	s30 =	sadd.s32 $0x3780, s3;
	s0 =	sadd.s32 s5, s0  }
0x76: {  	[tilespmem:s30], [sflag:$0x1] =	stream.linear.gather [hbm4b:s0+s4], $0x80, $0x38;
	[tilespmem:$0x16100] =	vst v63  }
0x77: {  	s0 =	sand.u32 $0x1FFFFFF0, s2  }
0x78: {  	s8 =	sadd.s32 $0x3800, s3;
	s0 =	sadd.s32 s5, s0;
	s12 =	spop (v2sf);
	(v2sf) =	vpush v0, $0xC  }
0x79: {  	[tilespmem:s8], [sflag:$0x1] =	stream.linear.gather [hbm4b:s0+s4], $0x80, $0x38;
	[tilespmem:$0x16100] =	vst v63  }
0x7a: {  	s0 =	sand.u32 $0x1FFFFFF0, s10  }
0x7b: {  	s11 =	sadd.s32 $0x3880, s3;
	s0 =	sadd.s32 s5, s0;
	s15 =	spop (v2sf);
	(v2sf) =	vpush v0, $0xD  }
0x7c: {  	[tilespmem:s11], [sflag:$0x1] =	stream.linear.gather [hbm4b:s0+s4], $0x80, $0x38;
	[tilespmem:$0x16100] =	vst v63  }
0x7d: {  	s0 =	sand.u32 $0x1FFFFFF0, s12  }
0x7e: {  	s14 =	sadd.s32 $0x3900, s3;
	s0 =	sadd.s32 s5, s0;
	s17 =	spop (v2sf);
	(v2sf) =	vpush v0, $0xE  }
0x7f: {  	[tilespmem:s14], [sflag:$0x1] =	stream.linear.gather [hbm4b:s0+s4], $0x80, $0x38;
	[tilespmem:$0x16100] =	vst v63  }
0x80: {  	s0 =	sand.u32 $0x1FFFFFF0, s15  }
0x81: {  	s16 =	sadd.s32 $0x3980, s3;
	s0 =	sadd.s32 s5, s0  }
0x82: {  	[tilespmem:s16], [sflag:$0x1] =	stream.linear.gather [hbm4b:s0+s4], $0x80, $0x38;
	[tilespmem:$0x16100] =	vst v63  }
0x83: {  	s0 =	sand.u32 $0x1FFFFFF0, s17;
	s19 =	spop (v2sf);
	(v2sf) =	vpush v0, $0xF  }
0x84: {  	s18 =	sadd.s32 $0x3A00, s3;
	s0 =	sadd.s32 s5, s0  }
0x85: {  	[tilespmem:s18], [sflag:$0x1] =	stream.linear.gather [hbm4b:s0+s4], $0x80, $0x38;
	[tilespmem:$0x16100] =	vst v63  }
0x86: {  	s0 =	sand.u32 $0x1FFFFFF0, s19  }
0x87: {  	s20 =	sadd.s32 $0x3A80, s3;
	s0 =	sadd.s32 s5, s0;
	s21 =	spop (v2sf)  }
0x88: {  	[tilespmem:s20], [sflag:$0x1] =	stream.linear.gather [hbm4b:s0+s4], $0x80, $0x38;
	[tilespmem:$0x16100] =	vst v63  }
0x89: {  	s0 =	sand.u32 $0x1FFFFFF0, s21  }
0x8a: {  	s22 =	sadd.s32 $0x3B00, s3;
	s24 =	spop (v2sf);
	s0 =	sadd.s32 s5, s0  }
0x8b: {  	[tilespmem:s22], [sflag:$0x1] =	stream.linear.gather [hbm4b:s0+s4], $0x80, $0x38;
	[tilespmem:$0x16100] =	vst v63  }
0x8c: {  	s0 =	sand.u32 $0x1FFFFFF0, s24  }
0x8d: {  	s26 =	sadd.s32 $0x3B80, s3;
	s29 =	spop (v2sf);
	s0 =	sadd.s32 s5, s0  }
0x8e: {  	[tilespmem:s26], [sflag:$0x1] =	stream.linear.gather [hbm4b:s0+s4], $0x80, $0x38;
	[tilespmem:$0x16100] =	vst v63  }
0x8f: {  	s0 =	sand.u32 $0x1FFFFFF0, s29  }
0x90: {  	s30 =	sadd.s32 $0x3C00, s3;
	s0 =	sadd.s32 s5, s0  }
0x91: {  	[tilespmem:s30], [sflag:$0x1] =	stream.linear.gather [hbm4b:s0+s4], $0x80, $0x38;
	[tilespmem:$0x16100] =	vst v63  }
0x92: {  	s2 =	spop (v2sf)  }
0x93: {  	s0 =	sand.u32 $0x1FFFFFF0, s2  }
0x94: {  	s8 =	sadd.s32 $0x3C80, s3;
	s0 =	sadd.s32 s5, s0  }
0x95: {  	[tilespmem:s8], [sflag:$0x1] =	stream.linear.gather [hbm4b:s0+s4], $0x80, $0x38;
	[tilespmem:$0x16100] =	vst v63  }
0x96: {  	v63 =	vld [tilespmem:$0xC0];
	_ =	sdelay $0x4  }
0x97: {  	v0 =	vshll.u32 v63, $0x4  }
0x98: {  	(v2sf) =	vpush v0, $0x0;
	_ =	sdelay $0x1  }
0x99: {  	(v2sf) =	vpush v0, $0x1;
	_ =	sdelay $0x1  }
0x9a: {  	(v2sf) =	vpush v0, $0x2;
	_ =	sdelay $0x2  }
0x9b: {  	(v2sf) =	vpush v0, $0x3;
	_ =	sdelay $0x7  }
0x9c: {  	s10 =	spop (v2sf);
	(v2sf) =	vpush v0, $0x4;
	_ =	sdelay $0x1  }
0x9d: {  	s12 =	spop (v2sf);
	(v2sf) =	vpush v0, $0x5  }
0x9e: {  	s3 =	simm.s32 $0x0;
	s0 =	sand.u32 $0x1FFFFFF0, s10  }
0x9f: {  	s11 =	simm.s32 $0x9500;
	s0 =	sadd.s32 s5, s0;
	s15 =	spop (v2sf)  }
0xa0: {  	(v2sf) =	vpush v0, $0x6;
	[tilespmem:s11], [sflag:$0x1] =	stream.linear.gather [hbm4b:s0+s3], $0x80, $0x38;
	[tilespmem:$0x16100] =	vst v63  }
0xa1: {  	s0 =	sand.u32 $0x1FFFFFF0, s12  }
0xa2: {  	s14 =	simm.s32 $0x9580;
	s17 =	spop (v2sf);
	s0 =	sadd.s32 s5, s0  }
0xa3: {  	(v2sf) =	vpush v0, $0x7;
	[tilespmem:s14], [sflag:$0x1] =	stream.linear.gather [hbm4b:s0+s3], $0x80, $0x38;
	[tilespmem:$0x16100] =	vst v63  }
0xa4: {  	s0 =	sand.u32 $0x1FFFFFF0, s15  }
0xa5: {  	s16 =	simm.s32 $0x9600;
	s0 =	sadd.s32 s5, s0  }
0xa6: {  	[tilespmem:s16], [sflag:$0x1] =	stream.linear.gather [hbm4b:s0+s3], $0x80, $0x38;
	[tilespmem:$0x16100] =	vst v63  }
0xa7: {  	s0 =	sand.u32 $0x1FFFFFF0, s17  }
0xa8: {  	s18 =	simm.s32 $0x9680;
	s0 =	sadd.s32 s5, s0  }
0xa9: {  	[tilespmem:s18], [sflag:$0x1] =	stream.linear.gather [hbm4b:s0+s3], $0x80, $0x38;
	[tilespmem:$0x16100] =	vst v63  }
0xaa: {  	s19 =	spop (v2sf)  }
0xab: {  	s0 =	sand.u32 $0x1FFFFFF0, s19  }
0xac: {  	s20 =	simm.s32 $0x9700;
	s21 =	spop (v2sf);
	s0 =	sadd.s32 s5, s0  }
0xad: {  	[tilespmem:s20], [sflag:$0x1] =	stream.linear.gather [hbm4b:s0+s3], $0x80, $0x38;
	[tilespmem:$0x16100] =	vst v63  }
0xae: {  	s0 =	sand.u32 $0x1FFFFFF0, s21  }
0xaf: {  	s22 =	simm.s32 $0x9780;
	s24 =	spop (v2sf);
	s0 =	sadd.s32 s5, s0  }
0xb0: {  	[tilespmem:s22], [sflag:$0x1] =	stream.linear.gather [hbm4b:s0+s3], $0x80, $0x38;
	[tilespmem:$0x16100] =	vst v63  }
0xb1: {  	s0 =	sand.u32 $0x1FFFFFF0, s24  }
0xb2: {  	s26 =	simm.s32 $0x9800;
	s29 =	spop (v2sf);
	s0 =	sadd.s32 s5, s0  }
0xb3: {  	[tilespmem:s26], [sflag:$0x1] =	stream.linear.gather [hbm4b:s0+s3], $0x80, $0x38;
	[tilespmem:$0x16100] =	vst v63  }
0xb4: {  	s0 =	sand.u32 $0x1FFFFFF0, s29  }
0xb5: {  	s30 =	simm.s32 $0x9880;
	s0 =	sadd.s32 s5, s0  }
0xb6: {  	[tilespmem:s30], [sflag:$0x1] =	stream.linear.gather [hbm4b:s0+s3], $0x80, $0x38;
	[tilespmem:$0x16100] =	vst v63  }
.LBB2_4:
0xb7: {  	s12 =	smul.u32 $0x3, s3;
	_ =	sdelay $0x1  }
0xb8: {  	s15 =	sadd.s32 s12, s9  }
0xb9: {  	s0 =	smul.u32 $0x19, s15;
	_ =	sdelay $0x1  }
0xba: {  	s2 =	simm.s32 $0x100;
	s0 =	sadd.s32 s1, s0  }
0xbb: {  	[tilespmem:s2], [sflag:$0x7] =	stream.linear.gather [hbm4b:s0+s4], $0xC8, $0x38;
	[tilespmem:$0x16100] =	vst v63  }
0xbc: {  	_ =	swait.ge [sflag:s13], $0xC8  }
0xbd: {  	p0 =	seq.s32 s3, $0x0;
	[sflag:s13] =	ssyncset.done $0x0  }
0xbe: {  	s0 =	simm.s32 @!p0 $0x5;
	[sflag:s13] =	ssyncadd.s32 $0xFFFFFF38  }
0xbf: {  	_ =	swait.ge @!p0 [sflag:s0], $0x6400  }
0xc0: {  	[sflag:s0] =	ssyncset.done @!p0 $0x0  }
0xc1: {  	[sflag:s0] =	ssyncadd.s32 @!p0 $0xFFFF9C00  }
0xc2: {  	_ =	swait.ge [sflag:s23], $0x6400  }
0xc3: {  	[sflag:s23] =	ssyncset.done $0x0  }
0xc4: {  	s14 =	simm.s32 $0x100;
	[sflag:s23] =	ssyncadd.s32 $0xFFFF9C00  }
0xc5: {  	v0 =	vld [tilespmem:s14+$0x0];
	_ =	sdelay $0x4  }
0xc6: {  	v0 =	vshll.u32 v0, $0x4  }
0xc7: {  	(v2sf) =	vpush v0, $0x0  }
0xc8: {  	(v2sf) =	vpush v0, $0x1  }
0xc9: {  	(v2sf) =	vpush v0, $0x2;
	_ =	sdelay $0x1  }
0xca: {  	(v2sf) =	vpush v0, $0x3;
	_ =	sdelay $0x1  }
0xcb: {  	(v2sf) =	vpush v0, $0x4;
	_ =	sdelay $0x1  }
0xcc: {  	(v2sf) =	vpush v0, $0x5;
	_ =	sdelay $0x1  }
0xcd: {  	(v2sf) =	vpush v0, $0x6;
	_ =	sdelay $0x1  }
0xce: {  	(v2sf) =	vpush v0, $0x7;
	_ =	sdelay $0x1  }
0xcf: {  	s30 =	simm.s32 $0x9900;
	s8 =	simm.s32 $0x9B80;
	s10 =	simm.s32 $0x9A00  }
0xd0: {  	s11 =	simm.s32 $0x9A80;
	s17 =	simm.s32 $0x9980;
	s16 =	spop (v2sf)  }
0xd1: {  	s2 =	simm.s32 $0x9B00;
	s16 =	sand.u32 $0x1FFFFFF0, s16;
	s18 =	spop (v2sf)  }
0xd2: {  	s16 =	sadd.s32 s5, s16;
	s18 =	sand.u32 $0x1FFFFFF0, s18;
	s19 =	spop (v2sf)  }
0xd3: {  	[tilespmem:s30], [sflag:$0x2] =	stream.linear.gather [hbm4b:s16+s4], $0x80, $0x38;
	[tilespmem:$0x16100] =	vst v63  }
0xd4: {  	s18 =	sadd.s32 s5, s18;
	s19 =	sand.u32 $0x1FFFFFF0, s19;
	s20 =	spop (v2sf)  }
0xd5: {  	[tilespmem:s17], [sflag:$0x2] =	stream.linear.gather [hbm4b:s18+s4], $0x80, $0x38;
	[tilespmem:$0x16100] =	vst v63  }
0xd6: {  	s21 =	sadd.s32 s5, s19;
	s22 =	sand.u32 $0x1FFFFFF0, s20;
	s24 =	spop (v2sf)  }
0xd7: {  	[tilespmem:s10], [sflag:$0x2] =	stream.linear.gather [hbm4b:s21+s4], $0x80, $0x38;
	[tilespmem:$0x16100] =	vst v63  }
0xd8: {  	s26 =	sadd.s32 s5, s22;
	s29 =	sand.u32 $0x1FFFFFF0, s24;
	s30 =	spop (v2sf)  }
0xd9: {  	[tilespmem:s11], [sflag:$0x2] =	stream.linear.gather [hbm4b:s26+s4], $0x80, $0x38;
	[tilespmem:$0x16100] =	vst v63  }
0xda: {  	s17 =	sadd.s32 s5, s29;
	s18 =	sand.u32 $0x1FFFFFF0, s30;
	s19 =	spop (v2sf)  }
0xdb: {  	[tilespmem:s2], [sflag:$0x2] =	stream.linear.gather [hbm4b:s17+s4], $0x80, $0x38;
	[tilespmem:$0x16100] =	vst v63  }
0xdc: {  	s20 =	sadd.s32 s5, s18;
	s21 =	sand.u32 $0x1FFFFFF0, s19;
	s22 =	spop (v2sf)  }
0xdd: {  	[tilespmem:s8], [sflag:$0x2] =	stream.linear.gather [hbm4b:s20+s4], $0x80, $0x38;
	[tilespmem:$0x16100] =	vst v63  }
0xde: {  	s24 =	simm.s32 $0x9C00;
	s26 =	sand.u32 $0x1FFFFFF0, s22;
	s2 =	sadd.s32 s5, s21  }
0xdf: {  	[tilespmem:s24], [sflag:$0x2] =	stream.linear.gather [hbm4b:s2+s4], $0x80, $0x38;
	[tilespmem:$0x16100] =	vst v63  }
0xe0: {  	s29 =	simm.s32 $0x9C80;
	s30 =	sadd.s32 s5, s26;
	s17 =	simm.s32 $0x0  }
0xe1: {  	[tilespmem:s29], [sflag:$0x2] =	stream.linear.gather [hbm4b:s30+s4], $0x80, $0x38;
	[tilespmem:$0x16100] =	vst v63  }
0xe2: {  	s16 =	simm.s32 $0x400;
	v0 =	vld [tilespmem:s17+$0x3500]  }
0xe3: {  	v1 =	vld [tilespmem:s16+$0xFFFFFF00];
	_ =	sdelay $0x4  }
0xe4: {  	v0 =	vadd.f32 v1, v0;
	_ =	sdelay $0x1  }
0xe5: {  	v2 =	vld [tilespmem:s17+$0x3510];
	[tilespmem:s17+$0x3500] =	vst v0  }
0xe6: {  	v0 =	vld [tilespmem:s16+$0xFFFFFF10];
	_ =	sdelay $0x4  }
0xe7: {  	v0 =	vadd.f32 v0, v2;
	_ =	sdelay $0x1  }
0xe8: {  	v3 =	vld [tilespmem:s17+$0x3520];
	[tilespmem:s17+$0x3510] =	vst v0  }
0xe9: {  	v0 =	vld [tilespmem:s16+$0xFFFFFF20];
	_ =	sdelay $0x4  }
0xea: {  	v0 =	vadd.f32 v0, v3;
	_ =	sdelay $0x1  }
0xeb: {  	v4 =	vld [tilespmem:s17+$0x3530];
	[tilespmem:s17+$0x3520] =	vst v0  }
0xec: {  	v0 =	vld [tilespmem:s16+$0xFFFFFF30];
	_ =	sdelay $0x4  }
0xed: {  	v0 =	vadd.f32 v0, v4;
	_ =	sdelay $0x1  }
0xee: {  	v5 =	vld [tilespmem:s17+$0x3580];
	[tilespmem:s17+$0x3530] =	vst v0  }
0xef: {  	v0 =	vld [tilespmem:s16+$0xFFFFFF40];
	_ =	sdelay $0x4  }
0xf0: {  	v5 =	vadd.f32 v0, v5  }
0xf1: {  	s8 =	simm.s32 $0x40  }
0xf2: {  	s10 =	sor.u32 $0x50, s8;
	v1 =	vld [tilespmem:s17+$0x3590];
	[tilespmem:s17+$0x3580] =	vst v5  }
0xf3: {  	v5 =	vld [tilespmem:s10+$0x300];
	_ =	sdelay $0x4  }
0xf4: {  	v1 =	vadd.f32 v5, v1;
	_ =	sdelay $0x1  }
0xf5: {  	s11 =	sor.u32 $0x60, s8;
	v6 =	vld [tilespmem:s17+$0x35A0];
	[tilespmem:s17+$0x3590] =	vst v1  }
0xf6: {  	v1 =	vld [tilespmem:s11+$0x300];
	_ =	sdelay $0x4  }
0xf7: {  	v1 =	vadd.f32 v1, v6;
	_ =	sdelay $0x1  }
0xf8: {  	s0 =	sor.u32 $0x70, s8;
	v7 =	vld [tilespmem:s17+$0x35B0];
	[tilespmem:s17+$0x35A0] =	vst v1  }
0xf9: {  	v1 =	vld [tilespmem:s0+$0x300];
	_ =	sdelay $0x4  }
0xfa: {  	v1 =	vadd.f32 v1, v7;
	_ =	sdelay $0x1  }
0xfb: {  	v8 =	vld [tilespmem:s17+$0x3600];
	[tilespmem:s17+$0x35B0] =	vst v1  }
0xfc: {  	v1 =	vld [tilespmem:s16+$0xFFFFFF80];
	_ =	sdelay $0x4  }
0xfd: {  	v1 =	vadd.f32 v1, v8;
	_ =	sdelay $0x1  }
0xfe: {  	v9 =	vld [tilespmem:s17+$0x3610];
	[tilespmem:s17+$0x3600] =	vst v1  }
0xff: {  	v1 =	vld [tilespmem:s16+$0xFFFFFF90];
	_ =	sdelay $0x4  }
0x100: {  	v1 =	vadd.f32 v1, v9;
	_ =	sdelay $0x1  }
0x101: {  	v10 =	vld [tilespmem:s17+$0x3620];
	[tilespmem:s17+$0x3610] =	vst v1  }
0x102: {  	v1 =	vld [tilespmem:s16+$0xFFFFFFA0];
	_ =	sdelay $0x4  }
0x103: {  	v1 =	vadd.f32 v1, v10;
	_ =	sdelay $0x1  }
0x104: {  	v11 =	vld [tilespmem:s17+$0x3630];
	[tilespmem:s17+$0x3620] =	vst v1  }
0x105: {  	v1 =	vld [tilespmem:s16+$0xFFFFFFB0];
	_ =	sdelay $0x4  }
0x106: {  	v1 =	vadd.f32 v1, v11;
	_ =	sdelay $0x1  }
0x107: {  	v2 =	vld [tilespmem:s17+$0x3680];
	[tilespmem:s17+$0x3630] =	vst v1  }
0x108: {  	v1 =	vld [tilespmem:s16+$0xFFFFFFC0];
	_ =	sdelay $0x4  }
0x109: {  	v1 =	vadd.f32 v1, v2  }
0x10a: {  	s18 =	simm.s32 $0xC0  }
0x10b: {  	s19 =	sor.u32 $0x50, s18;
	v12 =	vld [tilespmem:s17+$0x3690];
	[tilespmem:s17+$0x3680] =	vst v1  }
0x10c: {  	v1 =	vld [tilespmem:s19+$0x300];
	_ =	sdelay $0x4  }
0x10d: {  	v1 =	vadd.f32 v1, v12;
	_ =	sdelay $0x1  }
0x10e: {  	s20 =	sor.u32 $0x60, s18;
	v13 =	vld [tilespmem:s17+$0x36A0];
	[tilespmem:s17+$0x3690] =	vst v1  }
0x10f: {  	v1 =	vld [tilespmem:s20+$0x300];
	_ =	sdelay $0x4  }
0x110: {  	v1 =	vadd.f32 v1, v13;
	_ =	sdelay $0x1  }
0x111: {  	v14 =	vld [tilespmem:s17+$0x36B0];
	s0 =	sor.u32 $0x70, s18;
	[tilespmem:s17+$0x36A0] =	vst v1  }
0x112: {  	v1 =	vld [tilespmem:s0+$0x300];
	_ =	sdelay $0x4  }
0x113: {  	v1 =	vadd.f32 v1, v14;
	_ =	sdelay $0x1  }
0x114: {  	v15 =	vld [tilespmem:s17+$0x3700];
	[tilespmem:s17+$0x36B0] =	vst v1  }
0x115: {  	v1 =	vld [tilespmem:s16+$0x0];
	_ =	sdelay $0x4  }
0x116: {  	v1 =	vadd.f32 v1, v15;
	_ =	sdelay $0x1  }
0x117: {  	v16 =	vld [tilespmem:s17+$0x3710];
	[tilespmem:s17+$0x3700] =	vst v1  }
0x118: {  	v1 =	vld [tilespmem:s16+$0x10];
	_ =	sdelay $0x4  }
0x119: {  	v1 =	vadd.f32 v1, v16;
	_ =	sdelay $0x1  }
0x11a: {  	v17 =	vld [tilespmem:s17+$0x3720];
	[tilespmem:s17+$0x3710] =	vst v1  }
0x11b: {  	v1 =	vld [tilespmem:s16+$0x20];
	_ =	sdelay $0x4  }
0x11c: {  	v1 =	vadd.f32 v1, v17;
	_ =	sdelay $0x1  }
0x11d: {  	v3 =	vld [tilespmem:s17+$0x3730];
	[tilespmem:s17+$0x3720] =	vst v1  }
0x11e: {  	v1 =	vld [tilespmem:s16+$0x30];
	_ =	sdelay $0x4  }
0x11f: {  	v1 =	vadd.f32 v1, v3;
	_ =	sdelay $0x1  }
0x120: {  	v18 =	vld [tilespmem:s17+$0x3780];
	[tilespmem:s17+$0x3730] =	vst v1  }
0x121: {  	v1 =	vld [tilespmem:s16+$0x40];
	_ =	sdelay $0x4  }
0x122: {  	v1 =	vadd.f32 v1, v18  }
0x123: {  	s21 =	simm.s32 $0x140  }
0x124: {  	s22 =	sor.u32 $0x50, s21;
	v19 =	vld [tilespmem:s17+$0x3790];
	[tilespmem:s17+$0x3780] =	vst v1  }
0x125: {  	v1 =	vld [tilespmem:s22+$0x300];
	_ =	sdelay $0x4  }
0x126: {  	v1 =	vadd.f32 v1, v19;
	_ =	sdelay $0x1  }
0x127: {  	s24 =	sor.u32 $0x60, s21;
	v20 =	vld [tilespmem:s17+$0x37A0];
	[tilespmem:s17+$0x3790] =	vst v1  }
0x128: {  	v1 =	vld [tilespmem:s24+$0x300];
	_ =	sdelay $0x4  }
0x129: {  	v1 =	vadd.f32 v1, v20;
	_ =	sdelay $0x1  }
0x12a: {  	v21 =	vld [tilespmem:s17+$0x37B0];
	s0 =	sor.u32 $0x70, s21;
	[tilespmem:s17+$0x37A0] =	vst v1  }
0x12b: {  	v1 =	vld [tilespmem:s0+$0x300];
	_ =	sdelay $0x4  }
0x12c: {  	v1 =	vadd.f32 v1, v21;
	_ =	sdelay $0x1  }
0x12d: {  	v22 =	vld [tilespmem:s17+$0x3800];
	[tilespmem:s17+$0x37B0] =	vst v1  }
0x12e: {  	v1 =	vld [tilespmem:s16+$0x80];
	_ =	sdelay $0x4  }
0x12f: {  	v1 =	vadd.f32 v1, v22;
	_ =	sdelay $0x1  }
0x130: {  	v23 =	vld [tilespmem:s17+$0x3810];
	[tilespmem:s17+$0x3800] =	vst v1  }
0x131: {  	v1 =	vld [tilespmem:s16+$0x90];
	_ =	sdelay $0x4  }
0x132: {  	v1 =	vadd.f32 v1, v23;
	_ =	sdelay $0x1  }
0x133: {  	v63 =	vld [tilespmem:s17+$0x3820];
	[tilespmem:s17+$0x3810] =	vst v1  }
0x134: {  	v1 =	vld [tilespmem:s16+$0xA0];
	_ =	sdelay $0x4  }
0x135: {  	v1 =	vadd.f32 v1, v63;
	_ =	sdelay $0x1  }
0x136: {  	v24 =	vld [tilespmem:s17+$0x3830];
	[tilespmem:s17+$0x3820] =	vst v1  }
0x137: {  	v1 =	vld [tilespmem:s16+$0xB0];
	_ =	sdelay $0x4  }
0x138: {  	v1 =	vadd.f32 v1, v24;
	_ =	sdelay $0x1  }
0x139: {  	v25 =	vld [tilespmem:s17+$0x3880];
	[tilespmem:s17+$0x3830] =	vst v1  }
0x13a: {  	v1 =	vld [tilespmem:s16+$0xC0];
	_ =	sdelay $0x4  }
0x13b: {  	v1 =	vadd.f32 v1, v25  }
0x13c: {  	s18 =	simm.s32 $0x1C0  }
0x13d: {  	v26 =	vld [tilespmem:s17+$0x3890];
	s26 =	sor.u32 $0x50, s18;
	[tilespmem:s17+$0x3880] =	vst v1  }
0x13e: {  	v1 =	vld [tilespmem:s26+$0x300];
	_ =	sdelay $0x4  }
0x13f: {  	v1 =	vadd.f32 v1, v26;
	_ =	sdelay $0x1  }
0x140: {  	v27 =	vld [tilespmem:s17+$0x38A0];
	s29 =	sor.u32 $0x60, s18;
	[tilespmem:s17+$0x3890] =	vst v1  }
0x141: {  	v1 =	vld [tilespmem:s29+$0x300];
	_ =	sdelay $0x4  }
0x142: {  	v1 =	vadd.f32 v1, v27;
	_ =	sdelay $0x1  }
0x143: {  	v0 =	vld [tilespmem:s17+$0x38B0];
	s30 =	sor.u32 $0x70, s18;
	[tilespmem:s17+$0x38A0] =	vst v1  }
0x144: {  	s19 =	simm.s32 $0x1000;
	v1 =	vld [tilespmem:s30+$0x300]  }
.LBB2_5:
0x145: {  	s14 =	sadd.s32 $0x8, s14;
	s18 =	sadd.s32 $0x200, s18;
	s16 =	sadd.s32 $0x200, s16  }
0x146: {  	p0 =	sne.s32 s19, $0x18000;
	s0 =	smov.u32 s19;
	s19 =	sadd.s32 $0x1000, s19  }
0x147: {  	_ =	sdelay $0x1  }
0x148: {  	v0 =	vadd.f32 v1, v0;
	_ =	sdelay $0x1  }
0x149: {  	[tilespmem:s17+$0x38B0] =	vst v0  }
0x14a: {  	v0 =	vld [tilespmem:s14+$0x0];
	_ =	sdelay $0x4  }
0x14b: {  	v0 =	vshll.u32 v0, $0x4  }
0x14c: {  	(v2sf) =	vpush v0, $0x0  }
0x14d: {  	(v2sf) =	vpush v0, $0x1  }
0x14e: {  	(v2sf) =	vpush v0, $0x2;
	_ =	sdelay $0x1  }
0x14f: {  	(v2sf) =	vpush v0, $0x3;
	_ =	sdelay $0x1  }
0x150: {  	(v2sf) =	vpush v0, $0x4;
	_ =	sdelay $0x1  }
0x151: {  	(v2sf) =	vpush v0, $0x5;
	_ =	sdelay $0x1  }
0x152: {  	(v2sf) =	vpush v0, $0x6  }
0x153: {  	s17 =	sshra.s32 s0, $0x2  }
0x154: {  	(v2sf) =	vpush v0, $0x7  }
0x155: {  	s0 =	sadd.s32 $0x9900, s17  }
0x156: {  	s2 =	sadd.s32 $0x9B00, s17;
	s8 =	sadd.s32 $0x9B80, s17  }
0x157: {  	s10 =	sadd.s32 $0x9A00, s17;
	s11 =	sadd.s32 $0x9A80, s17;
	s20 =	spop (v2sf)  }
0x158: {  	s21 =	sadd.s32 $0x9980, s17;
	s20 =	sand.u32 $0x1FFFFFF0, s20;
	s22 =	spop (v2sf)  }
0x159: {  	s20 =	sadd.s32 s5, s20;
	s22 =	sand.u32 $0x1FFFFFF0, s22;
	s24 =	spop (v2sf)  }
0x15a: {  	[tilespmem:s0], [sflag:$0x2] =	stream.linear.gather [hbm4b:s20+s4], $0x80, $0x38;
	[tilespmem:$0x16100] =	vst v63  }
0x15b: {  	s0 =	sadd.s32 s5, s22;
	s20 =	sand.u32 $0x1FFFFFF0, s24;
	s22 =	spop (v2sf)  }
0x15c: {  	[tilespmem:s21], [sflag:$0x2] =	stream.linear.gather [hbm4b:s0+s4], $0x80, $0x38;
	[tilespmem:$0x16100] =	vst v63  }
0x15d: {  	s0 =	sadd.s32 s5, s20;
	s20 =	sand.u32 $0x1FFFFFF0, s22;
	s21 =	spop (v2sf)  }
0x15e: {  	[tilespmem:s10], [sflag:$0x2] =	stream.linear.gather [hbm4b:s0+s4], $0x80, $0x38;
	[tilespmem:$0x16100] =	vst v63  }
0x15f: {  	s0 =	sadd.s32 s5, s20;
	s10 =	sand.u32 $0x1FFFFFF0, s21;
	s20 =	spop (v2sf)  }
0x160: {  	[tilespmem:s11], [sflag:$0x2] =	stream.linear.gather [hbm4b:s0+s4], $0x80, $0x38;
	[tilespmem:$0x16100] =	vst v63  }
0x161: {  	s0 =	sadd.s32 s5, s10;
	s10 =	sand.u32 $0x1FFFFFF0, s20;
	s11 =	spop (v2sf)  }
0x162: {  	[tilespmem:s2], [sflag:$0x2] =	stream.linear.gather [hbm4b:s0+s4], $0x80, $0x38;
	[tilespmem:$0x16100] =	vst v63  }
0x163: {  	s0 =	sadd.s32 s5, s10;
	s2 =	sand.u32 $0x1FFFFFF0, s11;
	s10 =	spop (v2sf)  }
0x164: {  	[tilespmem:s8], [sflag:$0x2] =	stream.linear.gather [hbm4b:s0+s4], $0x80, $0x38;
	[tilespmem:$0x16100] =	vst v63  }
0x165: {  	s2 =	sadd.s32 s5, s2;
	s0 =	sadd.s32 $0x9C00, s17;
	s8 =	sand.u32 $0x1FFFFFF0, s10  }
0x166: {  	[tilespmem:s0], [sflag:$0x2] =	stream.linear.gather [hbm4b:s2+s4], $0x80, $0x38;
	[tilespmem:$0x16100] =	vst v63  }
0x167: {  	s0 =	sadd.s32 $0x9C80, s17;
	s2 =	sadd.s32 s5, s8  }
0x168: {  	[tilespmem:s0], [sflag:$0x2] =	stream.linear.gather [hbm4b:s2+s4], $0x80, $0x38;
	[tilespmem:$0x16100] =	vst v63  }
0x169: {  	v0 =	vld [tilespmem:s17+$0x3500]  }
0x16a: {  	v1 =	vld [tilespmem:s16+$0xFFFFFF00]  }
0x16b: {  	v2 =	vld [tilespmem:s17+$0x3510]  }
0x16c: {  	v3 =	vld [tilespmem:s17+$0x3520]  }
0x16d: {  	v4 =	vld [tilespmem:s17+$0x3530]  }
0x16e: {  	v21 =	vld [tilespmem:s17+$0x3580]  }
0x16f: {  	v0 =	vadd.f32 v1, v0;
	v22 =	vld [tilespmem:s17+$0x3590]  }
0x170: {  	v23 =	vld [tilespmem:s17+$0x35A0]  }
0x171: {  	[tilespmem:s17+$0x3500] =	vst v0;
	v24 =	vld [tilespmem:s17+$0x35B0]  }
0x172: {  	v0 =	vld [tilespmem:s16+$0xFFFFFF10]  }
0x173: {  	v25 =	vld [tilespmem:s17+$0x3600]  }
0x174: {  	v26 =	vld [tilespmem:s17+$0x3610]  }
0x175: {  	v27 =	vld [tilespmem:s17+$0x3620]  }
0x176: {  	v20 =	vld [tilespmem:s17+$0x3630]  }
0x177: {  	v0 =	vadd.f32 v0, v2;
	v19 =	vld [tilespmem:s17+$0x3680]  }
0x178: {  	v18 =	vld [tilespmem:s17+$0x3690]  }
0x179: {  	[tilespmem:s17+$0x3510] =	vst v0;
	v17 =	vld [tilespmem:s17+$0x36A0]  }
0x17a: {  	v0 =	vld [tilespmem:s16+$0xFFFFFF20]  }
0x17b: {  	v16 =	vld [tilespmem:s17+$0x36B0]  }
0x17c: {  	v15 =	vld [tilespmem:s17+$0x3700]  }
0x17d: {  	v14 =	vld [tilespmem:s17+$0x3710]  }
0x17e: {  	v13 =	vld [tilespmem:s17+$0x3720]  }
0x17f: {  	v0 =	vadd.f32 v0, v3;
	v12 =	vld [tilespmem:s17+$0x3730]  }
0x180: {  	v11 =	vld [tilespmem:s17+$0x3780]  }
0x181: {  	[tilespmem:s17+$0x3520] =	vst v0;
	v10 =	vld [tilespmem:s17+$0x3790]  }
0x182: {  	v0 =	vld [tilespmem:s16+$0xFFFFFF30]  }
0x183: {  	v9 =	vld [tilespmem:s17+$0x37A0]  }
0x184: {  	v8 =	vld [tilespmem:s17+$0x37B0]  }
0x185: {  	v7 =	vld [tilespmem:s17+$0x3800]  }
0x186: {  	v6 =	vld [tilespmem:s17+$0x3810]  }
0x187: {  	v0 =	vadd.f32 v0, v4;
	v5 =	vld [tilespmem:s17+$0x3820]  }
0x188: {  	v4 =	vld [tilespmem:s17+$0x3830]  }
0x189: {  	[tilespmem:s17+$0x3530] =	vst v0;
	v3 =	vld [tilespmem:s17+$0x3880]  }
0x18a: {  	v28 =	vld [tilespmem:s16+$0xFFFFFF40]  }
0x18b: {  	v2 =	vld [tilespmem:s17+$0x3890]  }
0x18c: {  	v1 =	vld [tilespmem:s17+$0x38A0]  }
0x18d: {  	v0 =	vld [tilespmem:s17+$0x38B0];
	_ =	sdelay $0x1  }
0x18e: {  	s0 =	sadd.s32 $0xFFFFFE80, s18;
	v21 =	vadd.f32 v28, v21  }
0x18f: {  	s2 =	sor.u32 $0x50, s0  }
0x190: {  	[tilespmem:s17+$0x3580] =	vst v21  }
0x191: {  	v21 =	vld [tilespmem:s2+$0x300];
	_ =	sdelay $0x4  }
0x192: {  	v21 =	vadd.f32 v21, v22  }
0x193: {  	s2 =	sor.u32 $0x60, s0  }
0x194: {  	[tilespmem:s17+$0x3590] =	vst v21  }
0x195: {  	v21 =	vld [tilespmem:s2+$0x300];
	_ =	sdelay $0x4  }
0x196: {  	v21 =	vadd.f32 v21, v23  }
0x197: {  	s0 =	sor.u32 $0x70, s0  }
0x198: {  	[tilespmem:s17+$0x35A0] =	vst v21  }
0x199: {  	v21 =	vld [tilespmem:s0+$0x300];
	_ =	sdelay $0x4  }
0x19a: {  	v21 =	vadd.f32 v21, v24;
	_ =	sdelay $0x1  }
0x19b: {  	[tilespmem:s17+$0x35B0] =	vst v21  }
0x19c: {  	v21 =	vld [tilespmem:s16+$0xFFFFFF80];
	_ =	sdelay $0x4  }
0x19d: {  	v21 =	vadd.f32 v21, v25;
	_ =	sdelay $0x1  }
0x19e: {  	[tilespmem:s17+$0x3600] =	vst v21  }
0x19f: {  	v21 =	vld [tilespmem:s16+$0xFFFFFF90];
	_ =	sdelay $0x4  }
0x1a0: {  	v21 =	vadd.f32 v21, v26;
	_ =	sdelay $0x1  }
0x1a1: {  	[tilespmem:s17+$0x3610] =	vst v21  }
0x1a2: {  	v21 =	vld [tilespmem:s16+$0xFFFFFFA0];
	_ =	sdelay $0x4  }
0x1a3: {  	v21 =	vadd.f32 v21, v27;
	_ =	sdelay $0x1  }
0x1a4: {  	[tilespmem:s17+$0x3620] =	vst v21  }
0x1a5: {  	v21 =	vld [tilespmem:s16+$0xFFFFFFB0];
	_ =	sdelay $0x4  }
0x1a6: {  	v20 =	vadd.f32 v21, v20;
	_ =	sdelay $0x1  }
0x1a7: {  	[tilespmem:s17+$0x3630] =	vst v20  }
0x1a8: {  	v20 =	vld [tilespmem:s16+$0xFFFFFFC0];
	_ =	sdelay $0x4  }
0x1a9: {  	s0 =	sadd.s32 $0xFFFFFF00, s18;
	v19 =	vadd.f32 v20, v19  }
0x1aa: {  	s2 =	sor.u32 $0x50, s0  }
0x1ab: {  	[tilespmem:s17+$0x3680] =	vst v19  }
0x1ac: {  	v19 =	vld [tilespmem:s2+$0x300];
	_ =	sdelay $0x4  }
0x1ad: {  	v18 =	vadd.f32 v19, v18  }
0x1ae: {  	s2 =	sor.u32 $0x60, s0  }
0x1af: {  	[tilespmem:s17+$0x3690] =	vst v18  }
0x1b0: {  	v18 =	vld [tilespmem:s2+$0x300];
	_ =	sdelay $0x4  }
0x1b1: {  	v17 =	vadd.f32 v18, v17  }
0x1b2: {  	s0 =	sor.u32 $0x70, s0  }
0x1b3: {  	[tilespmem:s17+$0x36A0] =	vst v17  }
0x1b4: {  	v17 =	vld [tilespmem:s0+$0x300];
	_ =	sdelay $0x4  }
0x1b5: {  	v16 =	vadd.f32 v17, v16;
	_ =	sdelay $0x1  }
0x1b6: {  	[tilespmem:s17+$0x36B0] =	vst v16  }
0x1b7: {  	v16 =	vld [tilespmem:s16+$0x0];
	_ =	sdelay $0x4  }
0x1b8: {  	v15 =	vadd.f32 v16, v15;
	_ =	sdelay $0x1  }
0x1b9: {  	[tilespmem:s17+$0x3700] =	vst v15  }
0x1ba: {  	v15 =	vld [tilespmem:s16+$0x10];
	_ =	sdelay $0x4  }
0x1bb: {  	v14 =	vadd.f32 v15, v14;
	_ =	sdelay $0x1  }
0x1bc: {  	[tilespmem:s17+$0x3710] =	vst v14  }
0x1bd: {  	v14 =	vld [tilespmem:s16+$0x20];
	_ =	sdelay $0x4  }
0x1be: {  	v13 =	vadd.f32 v14, v13;
	_ =	sdelay $0x1  }
0x1bf: {  	[tilespmem:s17+$0x3720] =	vst v13  }
0x1c0: {  	v13 =	vld [tilespmem:s16+$0x30];
	_ =	sdelay $0x4  }
0x1c1: {  	v12 =	vadd.f32 v13, v12;
	_ =	sdelay $0x1  }
0x1c2: {  	[tilespmem:s17+$0x3730] =	vst v12  }
0x1c3: {  	v12 =	vld [tilespmem:s16+$0x40];
	_ =	sdelay $0x4  }
0x1c4: {  	s0 =	sadd.s32 $0xFFFFFF80, s18;
	v11 =	vadd.f32 v12, v11  }
0x1c5: {  	s2 =	sor.u32 $0x50, s0  }
0x1c6: {  	[tilespmem:s17+$0x3780] =	vst v11  }
0x1c7: {  	v11 =	vld [tilespmem:s2+$0x300];
	_ =	sdelay $0x4  }
0x1c8: {  	v10 =	vadd.f32 v11, v10  }
0x1c9: {  	s2 =	sor.u32 $0x60, s0  }
0x1ca: {  	[tilespmem:s17+$0x3790] =	vst v10  }
0x1cb: {  	v10 =	vld [tilespmem:s2+$0x300];
	_ =	sdelay $0x4  }
0x1cc: {  	v9 =	vadd.f32 v10, v9  }
0x1cd: {  	s0 =	sor.u32 $0x70, s0  }
0x1ce: {  	[tilespmem:s17+$0x37A0] =	vst v9  }
0x1cf: {  	v9 =	vld [tilespmem:s0+$0x300];
	_ =	sdelay $0x4  }
0x1d0: {  	v8 =	vadd.f32 v9, v8;
	_ =	sdelay $0x1  }
0x1d1: {  	[tilespmem:s17+$0x37B0] =	vst v8  }
0x1d2: {  	v8 =	vld [tilespmem:s16+$0x80];
	_ =	sdelay $0x4  }
0x1d3: {  	v7 =	vadd.f32 v8, v7;
	_ =	sdelay $0x1  }
0x1d4: {  	[tilespmem:s17+$0x3800] =	vst v7  }
0x1d5: {  	v7 =	vld [tilespmem:s16+$0x90];
	_ =	sdelay $0x4  }
0x1d6: {  	v6 =	vadd.f32 v7, v6;
	_ =	sdelay $0x1  }
0x1d7: {  	[tilespmem:s17+$0x3810] =	vst v6  }
0x1d8: {  	v6 =	vld [tilespmem:s16+$0xA0];
	_ =	sdelay $0x4  }
0x1d9: {  	v5 =	vadd.f32 v6, v5;
	_ =	sdelay $0x1  }
0x1da: {  	[tilespmem:s17+$0x3820] =	vst v5  }
0x1db: {  	v5 =	vld [tilespmem:s16+$0xB0];
	_ =	sdelay $0x4  }
0x1dc: {  	v4 =	vadd.f32 v5, v4;
	_ =	sdelay $0x1  }
0x1dd: {  	[tilespmem:s17+$0x3830] =	vst v4  }
0x1de: {  	v4 =	vld [tilespmem:s16+$0xC0];
	_ =	sdelay $0x4  }
0x1df: {  	v3 =	vadd.f32 v4, v3  }
0x1e0: {  	s0 =	sor.u32 $0x50, s18  }
0x1e1: {  	[tilespmem:s17+$0x3880] =	vst v3  }
0x1e2: {  	v3 =	vld [tilespmem:s0+$0x300];
	_ =	sdelay $0x4  }
0x1e3: {  	v2 =	vadd.f32 v3, v2  }
0x1e4: {  	s0 =	sor.u32 $0x60, s18  }
0x1e5: {  	[tilespmem:s17+$0x3890] =	vst v2  }
0x1e6: {  	v2 =	vld [tilespmem:s0+$0x300];
	_ =	sdelay $0x3  }
.Ltmp3:
0x1e7: {  	(pc) =	sbr.rel @p0 .LBB2_5-.Ltmp3, $4  }
0x1e8: {  	v1 =	vadd.f32 v2, v1  }
0x1e9: {  	s0 =	sor.u32 $0x70, s18  }
0x1ea: {  	[tilespmem:s17+$0x38A0] =	vst v1  }
0x1eb: {  	v1 =	vld [tilespmem:s0+$0x300]  }
0x1ec: {  	_ =	sdelay $0x2  }
0x1ed: {  	s0 =	sadd.s32 s7, s12  }
0x1ee: {  	s14 =	sadd.s32 $0x2, s12;
	p0 =	seq.s32 s3, $0xA;
	s0 =	smul.u32 $0xC80, s0;
	v0 =	vadd.f32 v1, v0  }
0x1ef: {  	s2 =	sadd.s32 @!p0 s7, s14  }
0x1f0: {  	s8 =	simm.s32 $0x3500;
	s2 =	smul.u32 @!p0 $0x19, s2;
	s0 =	sadd.s32 s6, s0;
	[tilespmem:s17+$0x38B0] =	vst v0  }
0x1f1: {  	[hbm4b:s0+s4] =	stream.linear.scatter [tilespmem:s8], [sflag:$0x4], $0x6400, $0x38;
	[tilespmem:$0x16100] =	vst v63  }
0x1f2: {  	s16 =	simm.s32 @!p0 $0x0;
	s0 =	sadd.s32 @!p0 s1, s2;
	s2 =	simm.s32 @!p0 $0x200  }
0x1f3: {  	[tilespmem:s2], [sflag:$0x7] =	stream.linear.gather @!p0 [hbm4b:s0+s16], $0xC8, $0x38;
	[tilespmem:$0x16100] =	vst v63  }
0x1f4: {  	s0 =	simm.s32 @!p0 $0x7  }
0x1f5: {  	p1 =	seq.s32 @!p0 s3, $0x0;
	_ =	swait.ge @!p0 [sflag:s0], $0xC8  }
0x1f6: {  	p1 =	por p1, p0;
	[sflag:s0] =	ssyncset.done @!p0 $0x0  }
0x1f7: {  	[sflag:s0] =	ssyncadd.s32 @!p0 $0xFFFFFF38;
	s0 =	simm.s32 @!p1 $0x6  }
0x1f8: {  	_ =	swait.ge @!p1 [sflag:s0], $0x6400  }
0x1f9: {  	[sflag:s0] =	ssyncset.done @!p1 $0x0  }
0x1fa: {  	[sflag:s0] =	ssyncadd.s32 @!p1 $0xFFFF9C00  }
0x1fb: {  	_ =	swait.ge [sflag:s25], $0x6400  }
0x1fc: {  	[sflag:s25] =	ssyncset.done $0x0  }
0x1fd: {  	s17 =	simm.s32 $0x200;
	[sflag:s25] =	ssyncadd.s32 $0xFFFF9C00  }
0x1fe: {  	v0 =	vld @!p0 [tilespmem:s17+$0x0];
	_ =	sdelay $0x4  }
0x1ff: {  	v0 =	vshll.u32 @!p0 v0, $0x4  }
0x200: {  	(v2sf) =	vpush @!p0 v0, $0x0  }
0x201: {  	(v2sf) =	vpush @!p0 v0, $0x1  }
0x202: {  	(v2sf) =	vpush @!p0 v0, $0x2;
	_ =	sdelay $0x1  }
0x203: {  	(v2sf) =	vpush @!p0 v0, $0x3;
	_ =	sdelay $0x1  }
0x204: {  	(v2sf) =	vpush @!p0 v0, $0x4;
	_ =	sdelay $0x1  }
0x205: {  	(v2sf) =	vpush @!p0 v0, $0x5;
	_ =	sdelay $0x1  }
0x206: {  	(v2sf) =	vpush @!p0 v0, $0x6;
	_ =	sdelay $0x1  }
0x207: {  	(v2sf) =	vpush @!p0 v0, $0x7;
	_ =	sdelay $0x1  }
0x208: {  	s10 =	simm.s32 @!p0 $0xFE00;
	s11 =	simm.s32 @!p0 $0xFE80;
	s19 =	simm.s32 @!p0 $0xFD80  }
0x209: {  	s8 =	simm.s32 @!p0 $0xFF80;
	s2 =	simm.s32 @!p0 $0xFF00;
	s18 =	spop @!p0 (v2sf)  }
0x20a: {  	s0 =	simm.s32 @!p0 $0xFD00;
	s18 =	sand.u32 @!p0 $0x1FFFFFF0, s18;
	s20 =	spop @!p0 (v2sf)  }
0x20b: {  	s18 =	sadd.s32 @!p0 s5, s18;
	s20 =	sand.u32 @!p0 $0x1FFFFFF0, s20;
	s21 =	spop @!p0 (v2sf)  }
0x20c: {  	[tilespmem:s0], [sflag:$0x3] =	stream.linear.gather @!p0 [hbm4b:s18+s16], $0x80, $0x38;
	[tilespmem:$0x16100] =	vst v63  }
0x20d: {  	s0 =	sadd.s32 @!p0 s5, s20;
	s18 =	sand.u32 @!p0 $0x1FFFFFF0, s21;
	s20 =	spop @!p0 (v2sf)  }
0x20e: {  	[tilespmem:s19], [sflag:$0x3] =	stream.linear.gather @!p0 [hbm4b:s0+s16], $0x80, $0x38;
	[tilespmem:$0x16100] =	vst v63  }
0x20f: {  	s0 =	sadd.s32 @!p0 s5, s18;
	s18 =	sand.u32 @!p0 $0x1FFFFFF0, s20;
	s19 =	spop @!p0 (v2sf)  }
0x210: {  	[tilespmem:s10], [sflag:$0x3] =	stream.linear.gather @!p0 [hbm4b:s0+s16], $0x80, $0x38;
	[tilespmem:$0x16100] =	vst v63  }
0x211: {  	s0 =	sadd.s32 @!p0 s5, s18;
	s10 =	sand.u32 @!p0 $0x1FFFFFF0, s19;
	s18 =	spop @!p0 (v2sf)  }
0x212: {  	[tilespmem:s11], [sflag:$0x3] =	stream.linear.gather @!p0 [hbm4b:s0+s16], $0x80, $0x38;
	[tilespmem:$0x16100] =	vst v63  }
0x213: {  	s0 =	sadd.s32 @!p0 s5, s10;
	s10 =	sand.u32 @!p0 $0x1FFFFFF0, s18;
	s11 =	spop @!p0 (v2sf)  }
0x214: {  	[tilespmem:s2], [sflag:$0x3] =	stream.linear.gather @!p0 [hbm4b:s0+s16], $0x80, $0x38;
	[tilespmem:$0x16100] =	vst v63  }
0x215: {  	s0 =	sadd.s32 @!p0 s5, s10;
	s2 =	sand.u32 @!p0 $0x1FFFFFF0, s11;
	s10 =	spop @!p0 (v2sf)  }
0x216: {  	[tilespmem:s8], [sflag:$0x3] =	stream.linear.gather @!p0 [hbm4b:s0+s16], $0x80, $0x38;
	[tilespmem:$0x16100] =	vst v63  }
0x217: {  	s2 =	sadd.s32 @!p0 s5, s2;
	s0 =	simm.s32 @!p0 $0x10000;
	s8 =	sand.u32 @!p0 $0x1FFFFFF0, s10  }
0x218: {  	[tilespmem:s0], [sflag:$0x3] =	stream.linear.gather @!p0 [hbm4b:s2+s16], $0x80, $0x38;
	[tilespmem:$0x16100] =	vst v63  }
0x219: {  	s18 =	simm.s32 $0x0;
	s0 =	simm.s32 @!p0 $0x10080;
	s2 =	sadd.s32 @!p0 s5, s8  }
0x21a: {  	[tilespmem:s0], [sflag:$0x3] =	stream.linear.gather @!p0 [hbm4b:s2+s16], $0x80, $0x38;
	[tilespmem:$0x16100] =	vst v63  }
0x21b: {  	s26 =	simm.s32 $0x400;
	v0 =	vld [tilespmem:s18+$0x9900]  }
0x21c: {  	v1 =	vld [tilespmem:s26+$0xFFFFFF00];
	_ =	sdelay $0x4  }
0x21d: {  	v0 =	vadd.f32 v1, v0;
	_ =	sdelay $0x1  }
0x21e: {  	v2 =	vld [tilespmem:s18+$0x9910];
	[tilespmem:s18+$0x9900] =	vst v0  }
0x21f: {  	v0 =	vld [tilespmem:s26+$0xFFFFFF10];
	_ =	sdelay $0x4  }
0x220: {  	v0 =	vadd.f32 v0, v2;
	_ =	sdelay $0x1  }
0x221: {  	v3 =	vld [tilespmem:s18+$0x9920];
	[tilespmem:s18+$0x9910] =	vst v0  }
0x222: {  	v0 =	vld [tilespmem:s26+$0xFFFFFF20];
	_ =	sdelay $0x4  }
0x223: {  	v0 =	vadd.f32 v0, v3;
	_ =	sdelay $0x1  }
0x224: {  	v4 =	vld [tilespmem:s18+$0x9930];
	[tilespmem:s18+$0x9920] =	vst v0  }
0x225: {  	v0 =	vld [tilespmem:s26+$0xFFFFFF30];
	_ =	sdelay $0x4  }
0x226: {  	v0 =	vadd.f32 v0, v4;
	_ =	sdelay $0x1  }
0x227: {  	v5 =	vld [tilespmem:s18+$0x9980];
	[tilespmem:s18+$0x9930] =	vst v0  }
0x228: {  	v0 =	vld [tilespmem:s26+$0xFFFFFF40];
	_ =	sdelay $0x4  }
0x229: {  	v5 =	vadd.f32 v0, v5  }
0x22a: {  	s29 =	simm.s32 $0x40  }
0x22b: {  	s30 =	sor.u32 $0x50, s29;
	v1 =	vld [tilespmem:s18+$0x9990];
	[tilespmem:s18+$0x9980] =	vst v5  }
0x22c: {  	v5 =	vld [tilespmem:s30+$0x300];
	_ =	sdelay $0x4  }
0x22d: {  	v1 =	vadd.f32 v5, v1;
	_ =	sdelay $0x1  }
0x22e: {  	s8 =	sor.u32 $0x60, s29;
	v6 =	vld [tilespmem:s18+$0x99A0];
	[tilespmem:s18+$0x9990] =	vst v1  }
0x22f: {  	v1 =	vld [tilespmem:s8+$0x300];
	_ =	sdelay $0x4  }
0x230: {  	v1 =	vadd.f32 v1, v6;
	_ =	sdelay $0x1  }
0x231: {  	s0 =	sor.u32 $0x70, s29;
	v7 =	vld [tilespmem:s18+$0x99B0];
	[tilespmem:s18+$0x99A0] =	vst v1  }
0x232: {  	v1 =	vld [tilespmem:s0+$0x300];
	_ =	sdelay $0x4  }
0x233: {  	v1 =	vadd.f32 v1, v7;
	_ =	sdelay $0x1  }
0x234: {  	v8 =	vld [tilespmem:s18+$0x9A00];
	[tilespmem:s18+$0x99B0] =	vst v1  }
0x235: {  	v1 =	vld [tilespmem:s26+$0xFFFFFF80];
	_ =	sdelay $0x4  }
0x236: {  	v1 =	vadd.f32 v1, v8;
	_ =	sdelay $0x1  }
0x237: {  	v9 =	vld [tilespmem:s18+$0x9A10];
	[tilespmem:s18+$0x9A00] =	vst v1  }
0x238: {  	v1 =	vld [tilespmem:s26+$0xFFFFFF90];
	_ =	sdelay $0x4  }
0x239: {  	v1 =	vadd.f32 v1, v9;
	_ =	sdelay $0x1  }
0x23a: {  	v10 =	vld [tilespmem:s18+$0x9A20];
	[tilespmem:s18+$0x9A10] =	vst v1  }
0x23b: {  	v1 =	vld [tilespmem:s26+$0xFFFFFFA0];
	_ =	sdelay $0x4  }
0x23c: {  	v1 =	vadd.f32 v1, v10;
	_ =	sdelay $0x1  }
0x23d: {  	v11 =	vld [tilespmem:s18+$0x9A30];
	[tilespmem:s18+$0x9A20] =	vst v1  }
0x23e: {  	v1 =	vld [tilespmem:s26+$0xFFFFFFB0];
	_ =	sdelay $0x4  }
0x23f: {  	v1 =	vadd.f32 v1, v11;
	_ =	sdelay $0x1  }
0x240: {  	v2 =	vld [tilespmem:s18+$0x9A80];
	[tilespmem:s18+$0x9A30] =	vst v1  }
0x241: {  	v1 =	vld [tilespmem:s26+$0xFFFFFFC0];
	_ =	sdelay $0x4  }
0x242: {  	v1 =	vadd.f32 v1, v2  }
0x243: {  	s10 =	simm.s32 $0xC0  }
0x244: {  	s11 =	sor.u32 $0x50, s10;
	v12 =	vld [tilespmem:s18+$0x9A90];
	[tilespmem:s18+$0x9A80] =	vst v1  }
0x245: {  	v1 =	vld [tilespmem:s11+$0x300];
	_ =	sdelay $0x4  }
0x246: {  	v1 =	vadd.f32 v1, v12;
	_ =	sdelay $0x1  }
0x247: {  	s20 =	sor.u32 $0x60, s10;
	v13 =	vld [tilespmem:s18+$0x9AA0];
	[tilespmem:s18+$0x9A90] =	vst v1  }
0x248: {  	v1 =	vld [tilespmem:s20+$0x300];
	_ =	sdelay $0x4  }
0x249: {  	v1 =	vadd.f32 v1, v13;
	_ =	sdelay $0x1  }
0x24a: {  	v14 =	vld [tilespmem:s18+$0x9AB0];
	s0 =	sor.u32 $0x70, s10;
	[tilespmem:s18+$0x9AA0] =	vst v1  }
0x24b: {  	v1 =	vld [tilespmem:s0+$0x300];
	_ =	sdelay $0x4  }
0x24c: {  	v1 =	vadd.f32 v1, v14;
	_ =	sdelay $0x1  }
0x24d: {  	v15 =	vld [tilespmem:s18+$0x9B00];
	[tilespmem:s18+$0x9AB0] =	vst v1  }
0x24e: {  	v1 =	vld [tilespmem:s26+$0x0];
	_ =	sdelay $0x4  }
0x24f: {  	v1 =	vadd.f32 v1, v15;
	_ =	sdelay $0x1  }
0x250: {  	v16 =	vld [tilespmem:s18+$0x9B10];
	[tilespmem:s18+$0x9B00] =	vst v1  }
0x251: {  	v1 =	vld [tilespmem:s26+$0x10];
	_ =	sdelay $0x4  }
0x252: {  	v1 =	vadd.f32 v1, v16;
	_ =	sdelay $0x1  }
0x253: {  	v17 =	vld [tilespmem:s18+$0x9B20];
	[tilespmem:s18+$0x9B10] =	vst v1  }
0x254: {  	v1 =	vld [tilespmem:s26+$0x20];
	_ =	sdelay $0x4  }
0x255: {  	v1 =	vadd.f32 v1, v17;
	_ =	sdelay $0x1  }
0x256: {  	v3 =	vld [tilespmem:s18+$0x9B30];
	[tilespmem:s18+$0x9B20] =	vst v1  }
0x257: {  	v1 =	vld [tilespmem:s26+$0x30];
	_ =	sdelay $0x4  }
0x258: {  	v1 =	vadd.f32 v1, v3;
	_ =	sdelay $0x1  }
0x259: {  	v18 =	vld [tilespmem:s18+$0x9B80];
	[tilespmem:s18+$0x9B30] =	vst v1  }
0x25a: {  	v1 =	vld [tilespmem:s26+$0x40];
	_ =	sdelay $0x4  }
0x25b: {  	v1 =	vadd.f32 v1, v18  }
0x25c: {  	s21 =	simm.s32 $0x140  }
0x25d: {  	s22 =	sor.u32 $0x50, s21;
	v19 =	vld [tilespmem:s18+$0x9B90];
	[tilespmem:s18+$0x9B80] =	vst v1  }
0x25e: {  	v1 =	vld [tilespmem:s22+$0x300];
	_ =	sdelay $0x4  }
0x25f: {  	v1 =	vadd.f32 v1, v19;
	_ =	sdelay $0x1  }
0x260: {  	s24 =	sor.u32 $0x60, s21;
	v20 =	vld [tilespmem:s18+$0x9BA0];
	[tilespmem:s18+$0x9B90] =	vst v1  }
0x261: {  	v1 =	vld [tilespmem:s24+$0x300];
	_ =	sdelay $0x4  }
0x262: {  	v1 =	vadd.f32 v1, v20;
	_ =	sdelay $0x1  }
0x263: {  	v21 =	vld [tilespmem:s18+$0x9BB0];
	s0 =	sor.u32 $0x70, s21;
	[tilespmem:s18+$0x9BA0] =	vst v1  }
0x264: {  	v1 =	vld [tilespmem:s0+$0x300];
	_ =	sdelay $0x4  }
0x265: {  	v1 =	vadd.f32 v1, v21;
	_ =	sdelay $0x1  }
0x266: {  	v22 =	vld [tilespmem:s18+$0x9C00];
	[tilespmem:s18+$0x9BB0] =	vst v1  }
0x267: {  	v1 =	vld [tilespmem:s26+$0x80];
	_ =	sdelay $0x4  }
0x268: {  	v1 =	vadd.f32 v1, v22;
	_ =	sdelay $0x1  }
0x269: {  	v23 =	vld [tilespmem:s18+$0x9C10];
	[tilespmem:s18+$0x9C00] =	vst v1  }
0x26a: {  	v1 =	vld [tilespmem:s26+$0x90];
	_ =	sdelay $0x4  }
0x26b: {  	v1 =	vadd.f32 v1, v23;
	_ =	sdelay $0x1  }
0x26c: {  	v63 =	vld [tilespmem:s18+$0x9C20];
	[tilespmem:s18+$0x9C10] =	vst v1  }
0x26d: {  	v1 =	vld [tilespmem:s26+$0xA0];
	_ =	sdelay $0x4  }
0x26e: {  	v1 =	vadd.f32 v1, v63;
	_ =	sdelay $0x1  }
0x26f: {  	v24 =	vld [tilespmem:s18+$0x9C30];
	[tilespmem:s18+$0x9C20] =	vst v1  }
0x270: {  	v1 =	vld [tilespmem:s26+$0xB0];
	_ =	sdelay $0x4  }
0x271: {  	v1 =	vadd.f32 v1, v24;
	_ =	sdelay $0x1  }
0x272: {  	v25 =	vld [tilespmem:s18+$0x9C80];
	[tilespmem:s18+$0x9C30] =	vst v1  }
0x273: {  	v1 =	vld [tilespmem:s26+$0xC0];
	_ =	sdelay $0x4  }
0x274: {  	v1 =	vadd.f32 v1, v25  }
0x275: {  	s19 =	simm.s32 $0x1C0  }
0x276: {  	v26 =	vld [tilespmem:s18+$0x9C90];
	s26 =	sor.u32 $0x50, s19;
	[tilespmem:s18+$0x9C80] =	vst v1  }
0x277: {  	v1 =	vld [tilespmem:s26+$0x300];
	_ =	sdelay $0x4  }
0x278: {  	v1 =	vadd.f32 v1, v26;
	_ =	sdelay $0x1  }
0x279: {  	s29 =	sor.u32 $0x60, s19;
	v27 =	vld [tilespmem:s18+$0x9CA0];
	[tilespmem:s18+$0x9C90] =	vst v1  }
0x27a: {  	v1 =	vld [tilespmem:s29+$0x300];
	_ =	sdelay $0x4  }
0x27b: {  	v1 =	vadd.f32 v1, v27;
	_ =	sdelay $0x1  }
0x27c: {  	v0 =	vld [tilespmem:s18+$0x9CB0];
	s30 =	sor.u32 $0x70, s19;
	[tilespmem:s18+$0x9CA0] =	vst v1  }
0x27d: {  	s20 =	simm.s32 $0x1000;
	s21 =	simm.s32 $0x600;
	v1 =	vld [tilespmem:s30+$0x300]  }
.LBB2_7:
0x27e: {  	s17 =	sadd.s32 $0x8, s17  }
0x27f: {  	s19 =	sadd.s32 $0x200, s19;
	s8 =	smov.u32 s20;
	s20 =	sadd.s32 $0x1000, s20  }
0x280: {  	p1 =	sne.s32 s20, $0x19000;
	_ =	sdelay $0x2  }
0x281: {  	v0 =	vadd.f32 v1, v0;
	_ =	sdelay $0x1  }
0x282: {  	[tilespmem:s18+$0x9CB0] =	vst v0  }
0x283: {  	v0 =	vld @!p0 [tilespmem:s17+$0x0];
	_ =	sdelay $0x4  }
0x284: {  	v0 =	vshll.u32 @!p0 v0, $0x4  }
0x285: {  	(v2sf) =	vpush @!p0 v0, $0x0  }
0x286: {  	(v2sf) =	vpush @!p0 v0, $0x1  }
0x287: {  	(v2sf) =	vpush @!p0 v0, $0x2;
	_ =	sdelay $0x1  }
0x288: {  	(v2sf) =	vpush @!p0 v0, $0x3;
	_ =	sdelay $0x1  }
0x289: {  	(v2sf) =	vpush @!p0 v0, $0x4;
	_ =	sdelay $0x1  }
0x28a: {  	(v2sf) =	vpush @!p0 v0, $0x5;
	_ =	sdelay $0x1  }
0x28b: {  	(v2sf) =	vpush @!p0 v0, $0x6  }
0x28c: {  	s0 =	sshra.s32 @!p0 s8, $0x2  }
0x28d: {  	(v2sf) =	vpush @!p0 v0, $0x7  }
0x28e: {  	s2 =	sadd.s32 @!p0 $0xFD00, s0  }
0x28f: {  	s10 =	sadd.s32 @!p0 $0xFF00, s0;
	s11 =	sadd.s32 @!p0 $0xFF80, s0  }
0x290: {  	s22 =	sadd.s32 @!p0 $0xFE80, s0;
	s18 =	sadd.s32 @!p0 $0xFE00, s0;
	s24 =	spop @!p0 (v2sf)  }
0x291: {  	s26 =	sadd.s32 @!p0 $0xFD80, s0;
	s24 =	sand.u32 @!p0 $0x1FFFFFF0, s24;
	s29 =	spop @!p0 (v2sf)  }
0x292: {  	s24 =	sadd.s32 @!p0 s5, s24;
	s29 =	sand.u32 @!p0 $0x1FFFFFF0, s29;
	s30 =	spop @!p0 (v2sf)  }
0x293: {  	[tilespmem:s2], [sflag:$0x3] =	stream.linear.gather @!p0 [hbm4b:s24+s16], $0x80, $0x38;
	[tilespmem:$0x16100] =	vst v63  }
0x294: {  	s2 =	sadd.s32 @!p0 s5, s29;
	s24 =	sand.u32 @!p0 $0x1FFFFFF0, s30;
	s29 =	spop @!p0 (v2sf)  }
0x295: {  	[tilespmem:s26], [sflag:$0x3] =	stream.linear.gather @!p0 [hbm4b:s2+s16], $0x80, $0x38;
	[tilespmem:$0x16100] =	vst v63  }
0x296: {  	s2 =	sadd.s32 @!p0 s5, s24;
	s24 =	sand.u32 @!p0 $0x1FFFFFF0, s29;
	s26 =	spop @!p0 (v2sf)  }
0x297: {  	[tilespmem:s18], [sflag:$0x3] =	stream.linear.gather @!p0 [hbm4b:s2+s16], $0x80, $0x38;
	[tilespmem:$0x16100] =	vst v63  }
0x298: {  	s2 =	sadd.s32 @!p0 s5, s24;
	s18 =	sand.u32 @!p0 $0x1FFFFFF0, s26;
	s24 =	spop @!p0 (v2sf)  }
0x299: {  	[tilespmem:s22], [sflag:$0x3] =	stream.linear.gather @!p0 [hbm4b:s2+s16], $0x80, $0x38;
	[tilespmem:$0x16100] =	vst v63  }
0x29a: {  	s2 =	sadd.s32 @!p0 s5, s18;
	s18 =	sand.u32 @!p0 $0x1FFFFFF0, s24;
	s22 =	spop @!p0 (v2sf)  }
0x29b: {  	[tilespmem:s10], [sflag:$0x3] =	stream.linear.gather @!p0 [hbm4b:s2+s16], $0x80, $0x38;
	[tilespmem:$0x16100] =	vst v63  }
0x29c: {  	s2 =	sadd.s32 @!p0 s5, s18;
	s10 =	sand.u32 @!p0 $0x1FFFFFF0, s22;
	s18 =	spop @!p0 (v2sf)  }
0x29d: {  	[tilespmem:s11], [sflag:$0x3] =	stream.linear.gather @!p0 [hbm4b:s2+s16], $0x80, $0x38;
	[tilespmem:$0x16100] =	vst v63  }
0x29e: {  	s10 =	sadd.s32 @!p0 s5, s10;
	s2 =	sadd.s32 @!p0 $0x10000, s0;
	s11 =	sand.u32 @!p0 $0x1FFFFFF0, s18  }
0x29f: {  	[tilespmem:s2], [sflag:$0x3] =	stream.linear.gather @!p0 [hbm4b:s10+s16], $0x80, $0x38;
	[tilespmem:$0x16100] =	vst v63  }
0x2a0: {  	s0 =	sadd.s32 @!p0 $0x10080, s0;
	s18 =	sshra.s32 s8, $0x2;
	s2 =	sadd.s32 @!p0 s5, s11  }
0x2a1: {  	[tilespmem:s0], [sflag:$0x3] =	stream.linear.gather @!p0 [hbm4b:s2+s16], $0x80, $0x38;
	[tilespmem:$0x16100] =	vst v63  }
0x2a2: {  	v0 =	vld [tilespmem:s18+$0x9900]  }
0x2a3: {  	v1 =	vld [tilespmem:s21+$0xFFFFFF00]  }
0x2a4: {  	v2 =	vld [tilespmem:s18+$0x9910]  }
0x2a5: {  	v3 =	vld [tilespmem:s18+$0x9920]  }
0x2a6: {  	v4 =	vld [tilespmem:s18+$0x9930]  }
0x2a7: {  	v21 =	vld [tilespmem:s18+$0x9980]  }
0x2a8: {  	v0 =	vadd.f32 v1, v0;
	v22 =	vld [tilespmem:s18+$0x9990]  }
0x2a9: {  	v23 =	vld [tilespmem:s18+$0x99A0]  }
0x2aa: {  	[tilespmem:s18+$0x9900] =	vst v0;
	v24 =	vld [tilespmem:s18+$0x99B0]  }
0x2ab: {  	v0 =	vld [tilespmem:s21+$0xFFFFFF10]  }
0x2ac: {  	v25 =	vld [tilespmem:s18+$0x9A00]  }
0x2ad: {  	v26 =	vld [tilespmem:s18+$0x9A10]  }
0x2ae: {  	v27 =	vld [tilespmem:s18+$0x9A20]  }
0x2af: {  	v20 =	vld [tilespmem:s18+$0x9A30]  }
0x2b0: {  	v0 =	vadd.f32 v0, v2;
	v19 =	vld [tilespmem:s18+$0x9A80]  }
0x2b1: {  	v18 =	vld [tilespmem:s18+$0x9A90]  }
0x2b2: {  	[tilespmem:s18+$0x9910] =	vst v0;
	v17 =	vld [tilespmem:s18+$0x9AA0]  }
0x2b3: {  	v0 =	vld [tilespmem:s21+$0xFFFFFF20]  }
0x2b4: {  	v16 =	vld [tilespmem:s18+$0x9AB0]  }
0x2b5: {  	v15 =	vld [tilespmem:s18+$0x9B00]  }
0x2b6: {  	v14 =	vld [tilespmem:s18+$0x9B10]  }
0x2b7: {  	v13 =	vld [tilespmem:s18+$0x9B20]  }
0x2b8: {  	v0 =	vadd.f32 v0, v3;
	v12 =	vld [tilespmem:s18+$0x9B30]  }
0x2b9: {  	v11 =	vld [tilespmem:s18+$0x9B80]  }
0x2ba: {  	[tilespmem:s18+$0x9920] =	vst v0;
	v10 =	vld [tilespmem:s18+$0x9B90]  }
0x2bb: {  	v0 =	vld [tilespmem:s21+$0xFFFFFF30]  }
0x2bc: {  	v9 =	vld [tilespmem:s18+$0x9BA0]  }
0x2bd: {  	v8 =	vld [tilespmem:s18+$0x9BB0]  }
0x2be: {  	v7 =	vld [tilespmem:s18+$0x9C00]  }
0x2bf: {  	v6 =	vld [tilespmem:s18+$0x9C10]  }
0x2c0: {  	v0 =	vadd.f32 v0, v4;
	v5 =	vld [tilespmem:s18+$0x9C20]  }
0x2c1: {  	v4 =	vld [tilespmem:s18+$0x9C30]  }
0x2c2: {  	[tilespmem:s18+$0x9930] =	vst v0;
	v3 =	vld [tilespmem:s18+$0x9C80]  }
0x2c3: {  	v28 =	vld [tilespmem:s21+$0xFFFFFF40]  }
0x2c4: {  	v2 =	vld [tilespmem:s18+$0x9C90]  }
0x2c5: {  	v1 =	vld [tilespmem:s18+$0x9CA0]  }
0x2c6: {  	v0 =	vld [tilespmem:s18+$0x9CB0];
	_ =	sdelay $0x1  }
0x2c7: {  	s0 =	sadd.s32 $0xFFFFFE80, s19;
	v21 =	vadd.f32 v28, v21  }
0x2c8: {  	s2 =	sor.u32 $0x50, s0  }
0x2c9: {  	[tilespmem:s18+$0x9980] =	vst v21  }
0x2ca: {  	v21 =	vld [tilespmem:s2+$0x300];
	_ =	sdelay $0x4  }
0x2cb: {  	v21 =	vadd.f32 v21, v22  }
0x2cc: {  	s2 =	sor.u32 $0x60, s0  }
0x2cd: {  	[tilespmem:s18+$0x9990] =	vst v21  }
0x2ce: {  	v21 =	vld [tilespmem:s2+$0x300];
	_ =	sdelay $0x4  }
0x2cf: {  	v21 =	vadd.f32 v21, v23  }
0x2d0: {  	s0 =	sor.u32 $0x70, s0  }
0x2d1: {  	[tilespmem:s18+$0x99A0] =	vst v21  }
0x2d2: {  	v21 =	vld [tilespmem:s0+$0x300];
	_ =	sdelay $0x4  }
0x2d3: {  	v21 =	vadd.f32 v21, v24;
	_ =	sdelay $0x1  }
0x2d4: {  	[tilespmem:s18+$0x99B0] =	vst v21  }
0x2d5: {  	v21 =	vld [tilespmem:s21+$0xFFFFFF80];
	_ =	sdelay $0x4  }
0x2d6: {  	v21 =	vadd.f32 v21, v25;
	_ =	sdelay $0x1  }
0x2d7: {  	[tilespmem:s18+$0x9A00] =	vst v21  }
0x2d8: {  	v21 =	vld [tilespmem:s21+$0xFFFFFF90];
	_ =	sdelay $0x4  }
0x2d9: {  	v21 =	vadd.f32 v21, v26;
	_ =	sdelay $0x1  }
0x2da: {  	[tilespmem:s18+$0x9A10] =	vst v21  }
0x2db: {  	v21 =	vld [tilespmem:s21+$0xFFFFFFA0];
	_ =	sdelay $0x4  }
0x2dc: {  	v21 =	vadd.f32 v21, v27;
	_ =	sdelay $0x1  }
0x2dd: {  	[tilespmem:s18+$0x9A20] =	vst v21  }
0x2de: {  	v21 =	vld [tilespmem:s21+$0xFFFFFFB0];
	_ =	sdelay $0x4  }
0x2df: {  	v20 =	vadd.f32 v21, v20;
	_ =	sdelay $0x1  }
0x2e0: {  	[tilespmem:s18+$0x9A30] =	vst v20  }
0x2e1: {  	v20 =	vld [tilespmem:s21+$0xFFFFFFC0];
	_ =	sdelay $0x4  }
0x2e2: {  	s0 =	sadd.s32 $0xFFFFFF00, s19;
	v19 =	vadd.f32 v20, v19  }
0x2e3: {  	s2 =	sor.u32 $0x50, s0  }
0x2e4: {  	[tilespmem:s18+$0x9A80] =	vst v19  }
0x2e5: {  	v19 =	vld [tilespmem:s2+$0x300];
	_ =	sdelay $0x4  }
0x2e6: {  	v18 =	vadd.f32 v19, v18  }
0x2e7: {  	s2 =	sor.u32 $0x60, s0  }
0x2e8: {  	[tilespmem:s18+$0x9A90] =	vst v18  }
0x2e9: {  	v18 =	vld [tilespmem:s2+$0x300];
	_ =	sdelay $0x4  }
0x2ea: {  	v17 =	vadd.f32 v18, v17  }
0x2eb: {  	s0 =	sor.u32 $0x70, s0  }
0x2ec: {  	[tilespmem:s18+$0x9AA0] =	vst v17  }
0x2ed: {  	v17 =	vld [tilespmem:s0+$0x300];
	_ =	sdelay $0x4  }
0x2ee: {  	v16 =	vadd.f32 v17, v16;
	_ =	sdelay $0x1  }
0x2ef: {  	[tilespmem:s18+$0x9AB0] =	vst v16  }
0x2f0: {  	v16 =	vld [tilespmem:s21+$0x0];
	_ =	sdelay $0x4  }
0x2f1: {  	v15 =	vadd.f32 v16, v15;
	_ =	sdelay $0x1  }
0x2f2: {  	[tilespmem:s18+$0x9B00] =	vst v15  }
0x2f3: {  	v15 =	vld [tilespmem:s21+$0x10];
	_ =	sdelay $0x4  }
0x2f4: {  	v14 =	vadd.f32 v15, v14;
	_ =	sdelay $0x1  }
0x2f5: {  	[tilespmem:s18+$0x9B10] =	vst v14  }
0x2f6: {  	v14 =	vld [tilespmem:s21+$0x20];
	_ =	sdelay $0x4  }
0x2f7: {  	v13 =	vadd.f32 v14, v13;
	_ =	sdelay $0x1  }
0x2f8: {  	[tilespmem:s18+$0x9B20] =	vst v13  }
0x2f9: {  	v13 =	vld [tilespmem:s21+$0x30];
	_ =	sdelay $0x4  }
0x2fa: {  	v12 =	vadd.f32 v13, v12;
	_ =	sdelay $0x1  }
0x2fb: {  	[tilespmem:s18+$0x9B30] =	vst v12  }
0x2fc: {  	v12 =	vld [tilespmem:s21+$0x40];
	_ =	sdelay $0x4  }
0x2fd: {  	s0 =	sadd.s32 $0xFFFFFF80, s19;
	v11 =	vadd.f32 v12, v11  }
0x2fe: {  	s2 =	sor.u32 $0x50, s0  }
0x2ff: {  	[tilespmem:s18+$0x9B80] =	vst v11  }
0x300: {  	v11 =	vld [tilespmem:s2+$0x300];
	_ =	sdelay $0x4  }
0x301: {  	v10 =	vadd.f32 v11, v10  }
0x302: {  	s2 =	sor.u32 $0x60, s0  }
0x303: {  	[tilespmem:s18+$0x9B90] =	vst v10  }
0x304: {  	v10 =	vld [tilespmem:s2+$0x300];
	_ =	sdelay $0x4  }
0x305: {  	v9 =	vadd.f32 v10, v9  }
0x306: {  	s0 =	sor.u32 $0x70, s0  }
0x307: {  	[tilespmem:s18+$0x9BA0] =	vst v9  }
0x308: {  	v9 =	vld [tilespmem:s0+$0x300];
	_ =	sdelay $0x4  }
0x309: {  	v8 =	vadd.f32 v9, v8;
	_ =	sdelay $0x1  }
0x30a: {  	[tilespmem:s18+$0x9BB0] =	vst v8  }
0x30b: {  	v8 =	vld [tilespmem:s21+$0x80];
	_ =	sdelay $0x4  }
0x30c: {  	v7 =	vadd.f32 v8, v7;
	_ =	sdelay $0x1  }
0x30d: {  	[tilespmem:s18+$0x9C00] =	vst v7  }
0x30e: {  	v7 =	vld [tilespmem:s21+$0x90];
	_ =	sdelay $0x4  }
0x30f: {  	v6 =	vadd.f32 v7, v6;
	_ =	sdelay $0x1  }
0x310: {  	[tilespmem:s18+$0x9C10] =	vst v6  }
0x311: {  	v6 =	vld [tilespmem:s21+$0xA0];
	_ =	sdelay $0x4  }
0x312: {  	v5 =	vadd.f32 v6, v5;
	_ =	sdelay $0x1  }
0x313: {  	[tilespmem:s18+$0x9C20] =	vst v5  }
0x314: {  	v5 =	vld [tilespmem:s21+$0xB0];
	_ =	sdelay $0x4  }
0x315: {  	v4 =	vadd.f32 v5, v4;
	_ =	sdelay $0x1  }
0x316: {  	[tilespmem:s18+$0x9C30] =	vst v4  }
0x317: {  	v4 =	vld [tilespmem:s21+$0xC0];
	_ =	sdelay $0x4  }
0x318: {  	v3 =	vadd.f32 v4, v3  }
0x319: {  	s0 =	sor.u32 $0x50, s19  }
0x31a: {  	[tilespmem:s18+$0x9C80] =	vst v3  }
0x31b: {  	v3 =	vld [tilespmem:s0+$0x300];
	_ =	sdelay $0x4  }
0x31c: {  	v2 =	vadd.f32 v3, v2  }
0x31d: {  	s0 =	sor.u32 $0x60, s19  }
0x31e: {  	[tilespmem:s18+$0x9C90] =	vst v2  }
0x31f: {  	v2 =	vld [tilespmem:s0+$0x300];
	_ =	sdelay $0x3  }
.Ltmp4:
0x320: {  	(pc) =	sbr.rel @p1 .LBB2_7-.Ltmp4, $4  }
0x321: {  	v1 =	vadd.f32 v2, v1  }
0x322: {  	s0 =	sor.u32 $0x70, s19  }
0x323: {  	[tilespmem:s18+$0x9CA0] =	vst v1  }
0x324: {  	s21 =	sadd.s32 $0x200, s21;
	v1 =	vld [tilespmem:s0+$0x300]  }
0x325: {  	_ =	sdelay $0x2  }
.Ltmp5:
0x326: {  	_ = 	snop;
	(pc) =	sbr.rel @p0 .LBB2_12-.Ltmp5, $3  }
0x327: {  	s0 =	smul.u32 $0xC80, s15;
	v0 =	vadd.f32 v1, v0;
	_ =	sdelay $0x1  }
0x328: {  	s2 =	simm.s32 $0x9900;
	s0 =	sadd.s32 s6, s0;
	[tilespmem:s18+$0x9CB0] =	vst v0  }
0x329: {  	[hbm4b:s0+s4] =	stream.linear.scatter [tilespmem:s2], [sflag:$0x5], $0x6400, $0x38;
	[tilespmem:$0x16100] =	vst v63  }
0x32a: {  	s0 =	rddreg [dreg:$0x5]  }
0x32b: {  	s0 =	sadd.s32 s12, s0  }
0x32c: {  	s0 =	smul.u32 $0x19, s0;
	_ =	sdelay $0x1  }
0x32d: {  	s12 =	simm.s32 $0x0;
	s0 =	sadd.s32 s1, s0  }
0x32e: {  	[tilespmem:s12], [sflag:$0x7] =	stream.linear.gather [hbm4b:s0+s12], $0xC8, $0x38;
	[tilespmem:$0x16100] =	vst v63  }
0x32f: {  	_ =	swait.ge [sflag:s13], $0xC8  }
0x330: {  	[sflag:s13] =	ssyncset.done $0x0  }
0x331: {  	[sflag:s13] =	ssyncadd.s32 $0xFFFFFF38  }
0x332: {  	_ =	swait.ge [sflag:s28], $0x6400  }
0x333: {  	[sflag:s28] =	ssyncset.done $0x0  }
0x334: {  	[sflag:s28] =	ssyncadd.s32 $0xFFFF9C00  }
0x335: {  	_ =	swait.ge [sflag:s31], $0x6400  }
0x336: {  	[sflag:s31] =	ssyncset.done $0x0  }
0x337: {  	[sflag:s31] =	ssyncadd.s32 $0xFFFF9C00  }
0x338: {  	v0 =	vld [tilespmem:s12+$0x0];
	_ =	sdelay $0x4  }
0x339: {  	v0 =	vshll.u32 v0, $0x4  }
0x33a: {  	(v2sf) =	vpush v0, $0x0  }
0x33b: {  	(v2sf) =	vpush v0, $0x1  }
0x33c: {  	(v2sf) =	vpush v0, $0x2;
	_ =	sdelay $0x1  }
0x33d: {  	(v2sf) =	vpush v0, $0x3;
	_ =	sdelay $0x1  }
0x33e: {  	(v2sf) =	vpush v0, $0x4;
	_ =	sdelay $0x1  }
0x33f: {  	(v2sf) =	vpush v0, $0x5;
	_ =	sdelay $0x1  }
0x340: {  	(v2sf) =	vpush v0, $0x6;
	_ =	sdelay $0x1  }
0x341: {  	(v2sf) =	vpush v0, $0x7;
	_ =	sdelay $0x1  }
0x342: {  	s20 =	simm.s32 $0x3500;
	s2 =	simm.s32 $0x3700;
	s8 =	simm.s32 $0x3780  }
0x343: {  	s10 =	simm.s32 $0x3600;
	s11 =	simm.s32 $0x3680;
	s15 =	spop (v2sf)  }
0x344: {  	s16 =	simm.s32 $0x3580;
	s15 =	sand.u32 $0x1FFFFFF0, s15;
	s17 =	spop (v2sf)  }
0x345: {  	s15 =	sadd.s32 s5, s15;
	s17 =	sand.u32 $0x1FFFFFF0, s17;
	s18 =	spop (v2sf)  }
0x346: {  	[tilespmem:s20], [sflag:$0x1] =	stream.linear.gather [hbm4b:s15+s4], $0x80, $0x38;
	[tilespmem:$0x16100] =	vst v63  }
0x347: {  	s21 =	sadd.s32 s5, s17;
	s22 =	sand.u32 $0x1FFFFFF0, s18;
	s24 =	spop (v2sf)  }
0x348: {  	[tilespmem:s16], [sflag:$0x1] =	stream.linear.gather [hbm4b:s21+s4], $0x80, $0x38;
	[tilespmem:$0x16100] =	vst v63  }
0x349: {  	s26 =	sadd.s32 s5, s22;
	s29 =	sand.u32 $0x1FFFFFF0, s24;
	s30 =	spop (v2sf)  }
0x34a: {  	[tilespmem:s10], [sflag:$0x1] =	stream.linear.gather [hbm4b:s26+s4], $0x80, $0x38;
	[tilespmem:$0x16100] =	vst v63  }
0x34b: {  	s15 =	sadd.s32 s5, s29;
	s17 =	sand.u32 $0x1FFFFFF0, s30;
	s18 =	spop (v2sf)  }
0x34c: {  	[tilespmem:s11], [sflag:$0x1] =	stream.linear.gather [hbm4b:s15+s4], $0x80, $0x38;
	[tilespmem:$0x16100] =	vst v63  }
0x34d: {  	s19 =	sadd.s32 s5, s17;
	s20 =	sand.u32 $0x1FFFFFF0, s18;
	s21 =	spop (v2sf)  }
0x34e: {  	[tilespmem:s2], [sflag:$0x1] =	stream.linear.gather [hbm4b:s19+s4], $0x80, $0x38;
	[tilespmem:$0x16100] =	vst v63  }
0x34f: {  	s22 =	sadd.s32 s5, s20;
	s24 =	sand.u32 $0x1FFFFFF0, s21;
	s26 =	spop (v2sf)  }
0x350: {  	[tilespmem:s8], [sflag:$0x1] =	stream.linear.gather [hbm4b:s22+s4], $0x80, $0x38;
	[tilespmem:$0x16100] =	vst v63  }
0x351: {  	s29 =	simm.s32 $0x3800;
	s30 =	sand.u32 $0x1FFFFFF0, s26;
	s2 =	sadd.s32 s5, s24  }
0x352: {  	[tilespmem:s29], [sflag:$0x1] =	stream.linear.gather [hbm4b:s2+s4], $0x80, $0x38;
	[tilespmem:$0x16100] =	vst v63  }
0x353: {  	s16 =	simm.s32 $0x0;
	s8 =	sadd.s32 s5, s30;
	s2 =	simm.s32 $0x3880  }
0x354: {  	[tilespmem:s2], [sflag:$0x1] =	stream.linear.gather [hbm4b:s8+s4], $0x80, $0x38;
	[tilespmem:$0x16100] =	vst v63  }
0x355: {  	s15 =	simm.s32 $0x400;
	v0 =	vld [tilespmem:s16+$0xFD00]  }
0x356: {  	v1 =	vld [tilespmem:s15+$0xFFFFFF00];
	_ =	sdelay $0x4  }
0x357: {  	v0 =	vadd.f32 v1, v0;
	_ =	sdelay $0x1  }
0x358: {  	v2 =	vld [tilespmem:s16+$0xFD10];
	[tilespmem:s16+$0xFD00] =	vst v0  }
0x359: {  	v0 =	vld [tilespmem:s15+$0xFFFFFF10];
	_ =	sdelay $0x4  }
0x35a: {  	v0 =	vadd.f32 v0, v2;
	_ =	sdelay $0x1  }
0x35b: {  	v3 =	vld [tilespmem:s16+$0xFD20];
	[tilespmem:s16+$0xFD10] =	vst v0  }
0x35c: {  	v0 =	vld [tilespmem:s15+$0xFFFFFF20];
	_ =	sdelay $0x4  }
0x35d: {  	v0 =	vadd.f32 v0, v3;
	_ =	sdelay $0x1  }
0x35e: {  	v4 =	vld [tilespmem:s16+$0xFD30];
	[tilespmem:s16+$0xFD20] =	vst v0  }
0x35f: {  	v0 =	vld [tilespmem:s15+$0xFFFFFF30];
	_ =	sdelay $0x4  }
0x360: {  	v0 =	vadd.f32 v0, v4;
	_ =	sdelay $0x1  }
0x361: {  	v5 =	vld [tilespmem:s16+$0xFD80];
	[tilespmem:s16+$0xFD30] =	vst v0  }
0x362: {  	v0 =	vld [tilespmem:s15+$0xFFFFFF40];
	_ =	sdelay $0x4  }
0x363: {  	v5 =	vadd.f32 v0, v5  }
0x364: {  	s10 =	simm.s32 $0x40  }
0x365: {  	s11 =	sor.u32 $0x50, s10;
	v1 =	vld [tilespmem:s16+$0xFD90];
	[tilespmem:s16+$0xFD80] =	vst v5  }
0x366: {  	v5 =	vld [tilespmem:s11+$0x300];
	_ =	sdelay $0x4  }
0x367: {  	v1 =	vadd.f32 v5, v1;
	_ =	sdelay $0x1  }
0x368: {  	s17 =	sor.u32 $0x60, s10;
	v6 =	vld [tilespmem:s16+$0xFDA0];
	[tilespmem:s16+$0xFD90] =	vst v1  }
0x369: {  	v1 =	vld [tilespmem:s17+$0x300];
	_ =	sdelay $0x4  }
0x36a: {  	v1 =	vadd.f32 v1, v6;
	_ =	sdelay $0x1  }
0x36b: {  	s0 =	sor.u32 $0x70, s10;
	v7 =	vld [tilespmem:s16+$0xFDB0];
	[tilespmem:s16+$0xFDA0] =	vst v1  }
0x36c: {  	v1 =	vld [tilespmem:s0+$0x300];
	_ =	sdelay $0x4  }
0x36d: {  	v1 =	vadd.f32 v1, v7;
	_ =	sdelay $0x1  }
0x36e: {  	v8 =	vld [tilespmem:s16+$0xFE00];
	[tilespmem:s16+$0xFDB0] =	vst v1  }
0x36f: {  	v1 =	vld [tilespmem:s15+$0xFFFFFF80];
	_ =	sdelay $0x4  }
0x370: {  	v1 =	vadd.f32 v1, v8;
	_ =	sdelay $0x1  }
0x371: {  	v9 =	vld [tilespmem:s16+$0xFE10];
	[tilespmem:s16+$0xFE00] =	vst v1  }
0x372: {  	v1 =	vld [tilespmem:s15+$0xFFFFFF90];
	_ =	sdelay $0x4  }
0x373: {  	v1 =	vadd.f32 v1, v9;
	_ =	sdelay $0x1  }
0x374: {  	v10 =	vld [tilespmem:s16+$0xFE20];
	[tilespmem:s16+$0xFE10] =	vst v1  }
0x375: {  	v1 =	vld [tilespmem:s15+$0xFFFFFFA0];
	_ =	sdelay $0x4  }
0x376: {  	v1 =	vadd.f32 v1, v10;
	_ =	sdelay $0x1  }
0x377: {  	v11 =	vld [tilespmem:s16+$0xFE30];
	[tilespmem:s16+$0xFE20] =	vst v1  }
0x378: {  	v1 =	vld [tilespmem:s15+$0xFFFFFFB0];
	_ =	sdelay $0x4  }
0x379: {  	v1 =	vadd.f32 v1, v11;
	_ =	sdelay $0x1  }
0x37a: {  	v2 =	vld [tilespmem:s16+$0xFE80];
	[tilespmem:s16+$0xFE30] =	vst v1  }
0x37b: {  	v1 =	vld [tilespmem:s15+$0xFFFFFFC0];
	_ =	sdelay $0x4  }
0x37c: {  	v1 =	vadd.f32 v1, v2  }
0x37d: {  	s18 =	simm.s32 $0xC0  }
0x37e: {  	s19 =	sor.u32 $0x50, s18;
	v12 =	vld [tilespmem:s16+$0xFE90];
	[tilespmem:s16+$0xFE80] =	vst v1  }
0x37f: {  	v1 =	vld [tilespmem:s19+$0x300];
	_ =	sdelay $0x4  }
0x380: {  	v1 =	vadd.f32 v1, v12;
	_ =	sdelay $0x1  }
0x381: {  	s20 =	sor.u32 $0x60, s18;
	v13 =	vld [tilespmem:s16+$0xFEA0];
	[tilespmem:s16+$0xFE90] =	vst v1  }
0x382: {  	v1 =	vld [tilespmem:s20+$0x300];
	_ =	sdelay $0x4  }
0x383: {  	v1 =	vadd.f32 v1, v13;
	_ =	sdelay $0x1  }
0x384: {  	v14 =	vld [tilespmem:s16+$0xFEB0];
	s0 =	sor.u32 $0x70, s18;
	[tilespmem:s16+$0xFEA0] =	vst v1  }
0x385: {  	v1 =	vld [tilespmem:s0+$0x300];
	_ =	sdelay $0x4  }
0x386: {  	v1 =	vadd.f32 v1, v14;
	_ =	sdelay $0x1  }
0x387: {  	v15 =	vld [tilespmem:s16+$0xFF00];
	[tilespmem:s16+$0xFEB0] =	vst v1  }
0x388: {  	v1 =	vld [tilespmem:s15+$0x0];
	_ =	sdelay $0x4  }
0x389: {  	v1 =	vadd.f32 v1, v15;
	_ =	sdelay $0x1  }
0x38a: {  	v16 =	vld [tilespmem:s16+$0xFF10];
	[tilespmem:s16+$0xFF00] =	vst v1  }
0x38b: {  	v1 =	vld [tilespmem:s15+$0x10];
	_ =	sdelay $0x4  }
0x38c: {  	v1 =	vadd.f32 v1, v16;
	_ =	sdelay $0x1  }
0x38d: {  	v17 =	vld [tilespmem:s16+$0xFF20];
	[tilespmem:s16+$0xFF10] =	vst v1  }
0x38e: {  	v1 =	vld [tilespmem:s15+$0x20];
	_ =	sdelay $0x4  }
0x38f: {  	v1 =	vadd.f32 v1, v17;
	_ =	sdelay $0x1  }
0x390: {  	v3 =	vld [tilespmem:s16+$0xFF30];
	[tilespmem:s16+$0xFF20] =	vst v1  }
0x391: {  	v1 =	vld [tilespmem:s15+$0x30];
	_ =	sdelay $0x4  }
0x392: {  	v1 =	vadd.f32 v1, v3;
	_ =	sdelay $0x1  }
0x393: {  	v18 =	vld [tilespmem:s16+$0xFF80];
	[tilespmem:s16+$0xFF30] =	vst v1  }
0x394: {  	v1 =	vld [tilespmem:s15+$0x40];
	_ =	sdelay $0x4  }
0x395: {  	v1 =	vadd.f32 v1, v18  }
0x396: {  	s21 =	simm.s32 $0x140  }
0x397: {  	s22 =	sor.u32 $0x50, s21;
	v19 =	vld [tilespmem:s16+$0xFF90];
	[tilespmem:s16+$0xFF80] =	vst v1  }
0x398: {  	v1 =	vld [tilespmem:s22+$0x300];
	_ =	sdelay $0x4  }
0x399: {  	v1 =	vadd.f32 v1, v19;
	_ =	sdelay $0x1  }
0x39a: {  	s24 =	sor.u32 $0x60, s21;
	v20 =	vld [tilespmem:s16+$0xFFA0];
	[tilespmem:s16+$0xFF90] =	vst v1  }
0x39b: {  	v1 =	vld [tilespmem:s24+$0x300];
	_ =	sdelay $0x4  }
0x39c: {  	v1 =	vadd.f32 v1, v20;
	_ =	sdelay $0x1  }
0x39d: {  	v21 =	vld [tilespmem:s16+$0xFFB0];
	s0 =	sor.u32 $0x70, s21;
	[tilespmem:s16+$0xFFA0] =	vst v1  }
0x39e: {  	v1 =	vld [tilespmem:s0+$0x300];
	_ =	sdelay $0x4  }
0x39f: {  	v1 =	vadd.f32 v1, v21;
	_ =	sdelay $0x1  }
0x3a0: {  	v22 =	vld [tilespmem:s16+$0x10000];
	[tilespmem:s16+$0xFFB0] =	vst v1  }
0x3a1: {  	v1 =	vld [tilespmem:s15+$0x80];
	_ =	sdelay $0x4  }
0x3a2: {  	v1 =	vadd.f32 v1, v22;
	_ =	sdelay $0x1  }
0x3a3: {  	v23 =	vld [tilespmem:s16+$0x10010];
	[tilespmem:s16+$0x10000] =	vst v1  }
0x3a4: {  	v1 =	vld [tilespmem:s15+$0x90];
	_ =	sdelay $0x4  }
0x3a5: {  	v1 =	vadd.f32 v1, v23;
	_ =	sdelay $0x1  }
0x3a6: {  	v63 =	vld [tilespmem:s16+$0x10020];
	[tilespmem:s16+$0x10010] =	vst v1  }
0x3a7: {  	v1 =	vld [tilespmem:s15+$0xA0];
	_ =	sdelay $0x4  }
0x3a8: {  	v1 =	vadd.f32 v1, v63;
	_ =	sdelay $0x1  }
0x3a9: {  	v24 =	vld [tilespmem:s16+$0x10030];
	[tilespmem:s16+$0x10020] =	vst v1  }
0x3aa: {  	v1 =	vld [tilespmem:s15+$0xB0];
	_ =	sdelay $0x4  }
0x3ab: {  	v1 =	vadd.f32 v1, v24;
	_ =	sdelay $0x1  }
0x3ac: {  	v25 =	vld [tilespmem:s16+$0x10080];
	[tilespmem:s16+$0x10030] =	vst v1  }
0x3ad: {  	v1 =	vld [tilespmem:s15+$0xC0];
	_ =	sdelay $0x4  }
0x3ae: {  	v1 =	vadd.f32 v1, v25  }
0x3af: {  	s17 =	simm.s32 $0x1C0  }
0x3b0: {  	v26 =	vld [tilespmem:s16+$0x10090];
	s26 =	sor.u32 $0x50, s17;
	[tilespmem:s16+$0x10080] =	vst v1  }
0x3b1: {  	v1 =	vld [tilespmem:s26+$0x300];
	_ =	sdelay $0x4  }
0x3b2: {  	v1 =	vadd.f32 v1, v26;
	_ =	sdelay $0x1  }
0x3b3: {  	v27 =	vld [tilespmem:s16+$0x100A0];
	s29 =	sor.u32 $0x60, s17;
	[tilespmem:s16+$0x10090] =	vst v1  }
0x3b4: {  	v1 =	vld [tilespmem:s29+$0x300];
	_ =	sdelay $0x4  }
0x3b5: {  	v1 =	vadd.f32 v1, v27;
	_ =	sdelay $0x1  }
0x3b6: {  	v0 =	vld [tilespmem:s16+$0x100B0];
	s30 =	sor.u32 $0x70, s17;
	[tilespmem:s16+$0x100A0] =	vst v1  }
0x3b7: {  	s18 =	simm.s32 $0x1000;
	v1 =	vld [tilespmem:s30+$0x300]  }
.LBB2_10:
0x3b8: {  	s12 =	sadd.s32 $0x8, s12;
	s17 =	sadd.s32 $0x200, s17;
	s15 =	sadd.s32 $0x200, s15  }
0x3b9: {  	p0 =	sne.s32 s18, $0x18000;
	s0 =	smov.u32 s18;
	s18 =	sadd.s32 $0x1000, s18  }
0x3ba: {  	_ =	sdelay $0x1  }
0x3bb: {  	v0 =	vadd.f32 v1, v0;
	_ =	sdelay $0x1  }
0x3bc: {  	[tilespmem:s16+$0x100B0] =	vst v0  }
0x3bd: {  	v0 =	vld [tilespmem:s12+$0x0];
	_ =	sdelay $0x4  }
0x3be: {  	v0 =	vshll.u32 v0, $0x4  }
0x3bf: {  	(v2sf) =	vpush v0, $0x0  }
0x3c0: {  	(v2sf) =	vpush v0, $0x1  }
0x3c1: {  	(v2sf) =	vpush v0, $0x2;
	_ =	sdelay $0x1  }
0x3c2: {  	(v2sf) =	vpush v0, $0x3;
	_ =	sdelay $0x1  }
0x3c3: {  	(v2sf) =	vpush v0, $0x4;
	_ =	sdelay $0x1  }
0x3c4: {  	(v2sf) =	vpush v0, $0x5;
	_ =	sdelay $0x1  }
0x3c5: {  	(v2sf) =	vpush v0, $0x6  }
0x3c6: {  	s16 =	sshra.s32 s0, $0x2  }
0x3c7: {  	(v2sf) =	vpush v0, $0x7  }
0x3c8: {  	s0 =	sadd.s32 $0x3500, s16  }
0x3c9: {  	s2 =	sadd.s32 $0x3700, s16;
	s8 =	sadd.s32 $0x3780, s16  }
0x3ca: {  	s10 =	sadd.s32 $0x3600, s16;
	s11 =	sadd.s32 $0x3680, s16;
	s19 =	spop (v2sf)  }
0x3cb: {  	s20 =	sadd.s32 $0x3580, s16;
	s19 =	sand.u32 $0x1FFFFFF0, s19;
	s21 =	spop (v2sf)  }
0x3cc: {  	s19 =	sadd.s32 s5, s19;
	s21 =	sand.u32 $0x1FFFFFF0, s21;
	s22 =	spop (v2sf)  }
0x3cd: {  	[tilespmem:s0], [sflag:$0x1] =	stream.linear.gather [hbm4b:s19+s4], $0x80, $0x38;
	[tilespmem:$0x16100] =	vst v63  }
0x3ce: {  	s0 =	sadd.s32 s5, s21;
	s19 =	sand.u32 $0x1FFFFFF0, s22;
	s21 =	spop (v2sf)  }
0x3cf: {  	[tilespmem:s20], [sflag:$0x1] =	stream.linear.gather [hbm4b:s0+s4], $0x80, $0x38;
	[tilespmem:$0x16100] =	vst v63  }
0x3d0: {  	s0 =	sadd.s32 s5, s19;
	s19 =	sand.u32 $0x1FFFFFF0, s21;
	s20 =	spop (v2sf)  }
0x3d1: {  	[tilespmem:s10], [sflag:$0x1] =	stream.linear.gather [hbm4b:s0+s4], $0x80, $0x38;
	[tilespmem:$0x16100] =	vst v63  }
0x3d2: {  	s0 =	sadd.s32 s5, s19;
	s10 =	sand.u32 $0x1FFFFFF0, s20;
	s19 =	spop (v2sf)  }
0x3d3: {  	[tilespmem:s11], [sflag:$0x1] =	stream.linear.gather [hbm4b:s0+s4], $0x80, $0x38;
	[tilespmem:$0x16100] =	vst v63  }
0x3d4: {  	s0 =	sadd.s32 s5, s10;
	s10 =	sand.u32 $0x1FFFFFF0, s19;
	s11 =	spop (v2sf)  }
0x3d5: {  	[tilespmem:s2], [sflag:$0x1] =	stream.linear.gather [hbm4b:s0+s4], $0x80, $0x38;
	[tilespmem:$0x16100] =	vst v63  }
0x3d6: {  	s0 =	sadd.s32 s5, s10;
	s2 =	sand.u32 $0x1FFFFFF0, s11;
	s10 =	spop (v2sf)  }
0x3d7: {  	[tilespmem:s8], [sflag:$0x1] =	stream.linear.gather [hbm4b:s0+s4], $0x80, $0x38;
	[tilespmem:$0x16100] =	vst v63  }
0x3d8: {  	s2 =	sadd.s32 s5, s2;
	s0 =	sadd.s32 $0x3800, s16;
	s8 =	sand.u32 $0x1FFFFFF0, s10  }
0x3d9: {  	[tilespmem:s0], [sflag:$0x1] =	stream.linear.gather [hbm4b:s2+s4], $0x80, $0x38;
	[tilespmem:$0x16100] =	vst v63  }
0x3da: {  	s0 =	sadd.s32 $0x3880, s16;
	s2 =	sadd.s32 s5, s8  }
0x3db: {  	[tilespmem:s0], [sflag:$0x1] =	stream.linear.gather [hbm4b:s2+s4], $0x80, $0x38;
	[tilespmem:$0x16100] =	vst v63  }
0x3dc: {  	v0 =	vld [tilespmem:s16+$0xFD00]  }
0x3dd: {  	v1 =	vld [tilespmem:s15+$0xFFFFFF00]  }
0x3de: {  	v2 =	vld [tilespmem:s16+$0xFD10]  }
0x3df: {  	v3 =	vld [tilespmem:s16+$0xFD20]  }
0x3e0: {  	v4 =	vld [tilespmem:s16+$0xFD30]  }
0x3e1: {  	v21 =	vld [tilespmem:s16+$0xFD80]  }
0x3e2: {  	v0 =	vadd.f32 v1, v0;
	v22 =	vld [tilespmem:s16+$0xFD90]  }
0x3e3: {  	v23 =	vld [tilespmem:s16+$0xFDA0]  }
0x3e4: {  	[tilespmem:s16+$0xFD00] =	vst v0;
	v24 =	vld [tilespmem:s16+$0xFDB0]  }
0x3e5: {  	v0 =	vld [tilespmem:s15+$0xFFFFFF10]  }
0x3e6: {  	v25 =	vld [tilespmem:s16+$0xFE00]  }
0x3e7: {  	v26 =	vld [tilespmem:s16+$0xFE10]  }
0x3e8: {  	v27 =	vld [tilespmem:s16+$0xFE20]  }
0x3e9: {  	v20 =	vld [tilespmem:s16+$0xFE30]  }
0x3ea: {  	v0 =	vadd.f32 v0, v2;
	v19 =	vld [tilespmem:s16+$0xFE80]  }
0x3eb: {  	v18 =	vld [tilespmem:s16+$0xFE90]  }
0x3ec: {  	[tilespmem:s16+$0xFD10] =	vst v0;
	v17 =	vld [tilespmem:s16+$0xFEA0]  }
0x3ed: {  	v0 =	vld [tilespmem:s15+$0xFFFFFF20]  }
0x3ee: {  	v16 =	vld [tilespmem:s16+$0xFEB0]  }
0x3ef: {  	v15 =	vld [tilespmem:s16+$0xFF00]  }
0x3f0: {  	v14 =	vld [tilespmem:s16+$0xFF10]  }
0x3f1: {  	v13 =	vld [tilespmem:s16+$0xFF20]  }
0x3f2: {  	v0 =	vadd.f32 v0, v3;
	v12 =	vld [tilespmem:s16+$0xFF30]  }
0x3f3: {  	v11 =	vld [tilespmem:s16+$0xFF80]  }
0x3f4: {  	[tilespmem:s16+$0xFD20] =	vst v0;
	v10 =	vld [tilespmem:s16+$0xFF90]  }
0x3f5: {  	v0 =	vld [tilespmem:s15+$0xFFFFFF30]  }
0x3f6: {  	v9 =	vld [tilespmem:s16+$0xFFA0]  }
0x3f7: {  	v8 =	vld [tilespmem:s16+$0xFFB0]  }
0x3f8: {  	v7 =	vld [tilespmem:s16+$0x10000]  }
0x3f9: {  	v6 =	vld [tilespmem:s16+$0x10010]  }
0x3fa: {  	v0 =	vadd.f32 v0, v4;
	v5 =	vld [tilespmem:s16+$0x10020]  }
0x3fb: {  	v4 =	vld [tilespmem:s16+$0x10030]  }
0x3fc: {  	[tilespmem:s16+$0xFD30] =	vst v0;
	v3 =	vld [tilespmem:s16+$0x10080]  }
0x3fd: {  	v28 =	vld [tilespmem:s15+$0xFFFFFF40]  }
0x3fe: {  	v2 =	vld [tilespmem:s16+$0x10090]  }
0x3ff: {  	v1 =	vld [tilespmem:s16+$0x100A0]  }
0x400: {  	v0 =	vld [tilespmem:s16+$0x100B0];
	_ =	sdelay $0x1  }
0x401: {  	s0 =	sadd.s32 $0xFFFFFE80, s17;
	v21 =	vadd.f32 v28, v21  }
0x402: {  	s2 =	sor.u32 $0x50, s0  }
0x403: {  	[tilespmem:s16+$0xFD80] =	vst v21  }
0x404: {  	v21 =	vld [tilespmem:s2+$0x300];
	_ =	sdelay $0x4  }
0x405: {  	v21 =	vadd.f32 v21, v22  }
0x406: {  	s2 =	sor.u32 $0x60, s0  }
0x407: {  	[tilespmem:s16+$0xFD90] =	vst v21  }
0x408: {  	v21 =	vld [tilespmem:s2+$0x300];
	_ =	sdelay $0x4  }
0x409: {  	v21 =	vadd.f32 v21, v23  }
0x40a: {  	s0 =	sor.u32 $0x70, s0  }
0x40b: {  	[tilespmem:s16+$0xFDA0] =	vst v21  }
0x40c: {  	v21 =	vld [tilespmem:s0+$0x300];
	_ =	sdelay $0x4  }
0x40d: {  	v21 =	vadd.f32 v21, v24;
	_ =	sdelay $0x1  }
0x40e: {  	[tilespmem:s16+$0xFDB0] =	vst v21  }
0x40f: {  	v21 =	vld [tilespmem:s15+$0xFFFFFF80];
	_ =	sdelay $0x4  }
0x410: {  	v21 =	vadd.f32 v21, v25;
	_ =	sdelay $0x1  }
0x411: {  	[tilespmem:s16+$0xFE00] =	vst v21  }
0x412: {  	v21 =	vld [tilespmem:s15+$0xFFFFFF90];
	_ =	sdelay $0x4  }
0x413: {  	v21 =	vadd.f32 v21, v26;
	_ =	sdelay $0x1  }
0x414: {  	[tilespmem:s16+$0xFE10] =	vst v21  }
0x415: {  	v21 =	vld [tilespmem:s15+$0xFFFFFFA0];
	_ =	sdelay $0x4  }
0x416: {  	v21 =	vadd.f32 v21, v27;
	_ =	sdelay $0x1  }
0x417: {  	[tilespmem:s16+$0xFE20] =	vst v21  }
0x418: {  	v21 =	vld [tilespmem:s15+$0xFFFFFFB0];
	_ =	sdelay $0x4  }
0x419: {  	v20 =	vadd.f32 v21, v20;
	_ =	sdelay $0x1  }
0x41a: {  	[tilespmem:s16+$0xFE30] =	vst v20  }
0x41b: {  	v20 =	vld [tilespmem:s15+$0xFFFFFFC0];
	_ =	sdelay $0x4  }
0x41c: {  	s0 =	sadd.s32 $0xFFFFFF00, s17;
	v19 =	vadd.f32 v20, v19  }
0x41d: {  	s2 =	sor.u32 $0x50, s0  }
0x41e: {  	[tilespmem:s16+$0xFE80] =	vst v19  }
0x41f: {  	v19 =	vld [tilespmem:s2+$0x300];
	_ =	sdelay $0x4  }
0x420: {  	v18 =	vadd.f32 v19, v18  }
0x421: {  	s2 =	sor.u32 $0x60, s0  }
0x422: {  	[tilespmem:s16+$0xFE90] =	vst v18  }
0x423: {  	v18 =	vld [tilespmem:s2+$0x300];
	_ =	sdelay $0x4  }
0x424: {  	v17 =	vadd.f32 v18, v17  }
0x425: {  	s0 =	sor.u32 $0x70, s0  }
0x426: {  	[tilespmem:s16+$0xFEA0] =	vst v17  }
0x427: {  	v17 =	vld [tilespmem:s0+$0x300];
	_ =	sdelay $0x4  }
0x428: {  	v16 =	vadd.f32 v17, v16;
	_ =	sdelay $0x1  }
0x429: {  	[tilespmem:s16+$0xFEB0] =	vst v16  }
0x42a: {  	v16 =	vld [tilespmem:s15+$0x0];
	_ =	sdelay $0x4  }
0x42b: {  	v15 =	vadd.f32 v16, v15;
	_ =	sdelay $0x1  }
0x42c: {  	[tilespmem:s16+$0xFF00] =	vst v15  }
0x42d: {  	v15 =	vld [tilespmem:s15+$0x10];
	_ =	sdelay $0x4  }
0x42e: {  	v14 =	vadd.f32 v15, v14;
	_ =	sdelay $0x1  }
0x42f: {  	[tilespmem:s16+$0xFF10] =	vst v14  }
0x430: {  	v14 =	vld [tilespmem:s15+$0x20];
	_ =	sdelay $0x4  }
0x431: {  	v13 =	vadd.f32 v14, v13;
	_ =	sdelay $0x1  }
0x432: {  	[tilespmem:s16+$0xFF20] =	vst v13  }
0x433: {  	v13 =	vld [tilespmem:s15+$0x30];
	_ =	sdelay $0x4  }
0x434: {  	v12 =	vadd.f32 v13, v12;
	_ =	sdelay $0x1  }
0x435: {  	[tilespmem:s16+$0xFF30] =	vst v12  }
0x436: {  	v12 =	vld [tilespmem:s15+$0x40];
	_ =	sdelay $0x4  }
0x437: {  	s0 =	sadd.s32 $0xFFFFFF80, s17;
	v11 =	vadd.f32 v12, v11  }
0x438: {  	s2 =	sor.u32 $0x50, s0  }
0x439: {  	[tilespmem:s16+$0xFF80] =	vst v11  }
0x43a: {  	v11 =	vld [tilespmem:s2+$0x300];
	_ =	sdelay $0x4  }
0x43b: {  	v10 =	vadd.f32 v11, v10  }
0x43c: {  	s2 =	sor.u32 $0x60, s0  }
0x43d: {  	[tilespmem:s16+$0xFF90] =	vst v10  }
0x43e: {  	v10 =	vld [tilespmem:s2+$0x300];
	_ =	sdelay $0x4  }
0x43f: {  	v9 =	vadd.f32 v10, v9  }
0x440: {  	s0 =	sor.u32 $0x70, s0  }
0x441: {  	[tilespmem:s16+$0xFFA0] =	vst v9  }
0x442: {  	v9 =	vld [tilespmem:s0+$0x300];
	_ =	sdelay $0x4  }
0x443: {  	v8 =	vadd.f32 v9, v8;
	_ =	sdelay $0x1  }
0x444: {  	[tilespmem:s16+$0xFFB0] =	vst v8  }
0x445: {  	v8 =	vld [tilespmem:s15+$0x80];
	_ =	sdelay $0x4  }
0x446: {  	v7 =	vadd.f32 v8, v7;
	_ =	sdelay $0x1  }
0x447: {  	[tilespmem:s16+$0x10000] =	vst v7  }
0x448: {  	v7 =	vld [tilespmem:s15+$0x90];
	_ =	sdelay $0x4  }
0x449: {  	v6 =	vadd.f32 v7, v6;
	_ =	sdelay $0x1  }
0x44a: {  	[tilespmem:s16+$0x10010] =	vst v6  }
0x44b: {  	v6 =	vld [tilespmem:s15+$0xA0];
	_ =	sdelay $0x4  }
0x44c: {  	v5 =	vadd.f32 v6, v5;
	_ =	sdelay $0x1  }
0x44d: {  	[tilespmem:s16+$0x10020] =	vst v5  }
0x44e: {  	v5 =	vld [tilespmem:s15+$0xB0];
	_ =	sdelay $0x4  }
0x44f: {  	v4 =	vadd.f32 v5, v4;
	_ =	sdelay $0x1  }
0x450: {  	[tilespmem:s16+$0x10030] =	vst v4  }
0x451: {  	v4 =	vld [tilespmem:s15+$0xC0];
	_ =	sdelay $0x4  }
0x452: {  	v3 =	vadd.f32 v4, v3  }
0x453: {  	s0 =	sor.u32 $0x50, s17  }
0x454: {  	[tilespmem:s16+$0x10080] =	vst v3  }
0x455: {  	v3 =	vld [tilespmem:s0+$0x300];
	_ =	sdelay $0x4  }
0x456: {  	v2 =	vadd.f32 v3, v2  }
0x457: {  	s0 =	sor.u32 $0x60, s17  }
0x458: {  	[tilespmem:s16+$0x10090] =	vst v2  }
0x459: {  	v2 =	vld [tilespmem:s0+$0x300];
	_ =	sdelay $0x3  }
.Ltmp6:
0x45a: {  	(pc) =	sbr.rel @p0 .LBB2_10-.Ltmp6, $4  }
0x45b: {  	v1 =	vadd.f32 v2, v1  }
0x45c: {  	s0 =	sor.u32 $0x70, s17  }
0x45d: {  	[tilespmem:s16+$0x100A0] =	vst v1  }
0x45e: {  	v1 =	vld [tilespmem:s0+$0x300]  }
0x45f: {  	_ =	sdelay $0x2  }
.Ltmp7:
0x460: {  	s0 =	sadd.s32 s7, s14;
	(pc) =	sbr.rel .LBB2_4-.Ltmp7, $3  }
0x461: {  	s0 =	smul.u32 $0xC80, s0;
	v0 =	vadd.f32 v1, v0;
	_ =	sdelay $0x1  }
0x462: {  	s2 =	simm.s32 $0xFD00;
	s3 =	sadd.s32 $0x1, s3;
	s0 =	sadd.s32 s6, s0;
	[tilespmem:s16+$0x100B0] =	vst v0  }
0x463: {  	[hbm4b:s0+s4] =	stream.linear.scatter [tilespmem:s2], [sflag:$0x6], $0x6400, $0x38;
	[tilespmem:$0x16100] =	vst v63  }
.LBB2_13:
0x464: {  	_ =	sfence.sel $0x180000  }
0x465: {  	[bflag:$0x0] =	sbarrier.arrive $0xFFFF  }
0x466: {  	_ =	strace $0x90000047  }
0x467: {  	s0 =	stileid.u32;
	[bflag:$0x2] =	sbarrier.arrive $0xFFFF  }
0x468: {  	p0 =	sne.s32 s0, $0x0;
	s0 =	rddreg [dreg:$0x3]  }
0x469: {  	s0 =	sadd.s32 @!p0 $0x100000, s0  }
0x46a: {  	[sflag:s0] =	ssyncadd.tile.s32 @!p0 $0x1;
	_ =	shalt  }
.Lfunc_end2:
_tile_overlayer_lowered:
.L_overlay_start_2:
0x46b: {  	(tag) =	ssettag $0x2  }
0x46c: {  	s0 =	rddreg [dreg:$0x0];
	s2 =	stileid.u32  }
0x46d: {  	s1 =	rddreg [dreg:$0x1];
	p0 =	sne.s32 s2, $0x0  }
0x46e: {  	s3 =	rddreg [dreg:$0x2];
	[bflag:$0x3] =	sbarrier.arrive $0xFFFF;
	s2 =	simm.s32 @!p0 $0x1C07  }
0x46f: {  	[timem:s3], [sflag:s2] =	dma.local @!p0 [hbm:s0], s1  }
0x470: {  	s0 =	simm.s32 @!p0 $0x7  }
0x471: {  	_ =	swait.ge @!p0 [sflag:s0], s1  }
0x472: {  	s1 =	ssub.s32 @!p0 $0x0, s1;
	[sflag:s0] =	ssyncset.done @!p0 $0x0  }
0x473: {  	[sflag:s0] =	ssyncadd.s32 @!p0 s1  }
0x474: {  	[bflag:$0x3] =	sbarrier.arrive $0xFFFF  }
0x475: {  	_ =	shalt  }

</sc_bundles>
